<compile_context>
chip_gen: v7x
topology: tpu7x:2x2x1
jax: 0.10.2.dev20260603
libtpu: 0.0.44.dev20260713+nightly
codegen_flags: <defaults>
</compile_context>

<pallas_src>
import functools

import jax
import jax.numpy as jnp
from jax import lax
from jax.experimental import pallas as pl
from jax.experimental.pallas import tpu as pltpu
from jax.experimental.pallas import tpu_sc as plsc

B, L = 25, 2000
N = B * L
E = 800000
V, ED, H, T = 100000, 64, 64, 9
Hh = H // 2
FH = H // 2
BP = 32
TCH = 200
G = L // TCH
BLK = 2000


def _lstm_body(seq_f, seq_b, wcf, wcb, bf, bb, out_f, out_b,
               hf_r, cf_r, hb_r, cb_r):
    i = pl.program_id(0)

    @pl.when(i == 0)
    def _init():
        hf_r[...] = jnp.zeros_like(hf_r)
        cf_r[...] = jnp.zeros_like(cf_r)
        hb_r[...] = jnp.zeros_like(hb_r)
        cb_r[...] = jnp.zeros_like(cb_r)

    dnums = (((1,), (0,)), ((), ()))

    def gates(g, c):
        ig = jax.nn.sigmoid(g[0:Hh])
        fg = jax.nn.sigmoid(g[Hh:2 * Hh])
        gg = jnp.tanh(g[2 * Hh:3 * Hh])
        og = jax.nn.sigmoid(g[3 * Hh:4 * Hh])
        cn = fg * c + ig * gg
        hn = og * jnp.tanh(cn)
        return hn, cn

    def step(t, carry):
        hf, cf, hb, cb = carry
        tb = TCH - 1 - t
        catf = jnp.concatenate([seq_f[t], hf.astype(jnp.bfloat16)], axis=0)
        catb = jnp.concatenate([seq_b[tb], hb.astype(jnp.bfloat16)], axis=0)
        gf = lax.dot_general(wcf[...], catf, dnums,
                             preferred_element_type=jnp.float32) + bf[...]
        gb = lax.dot_general(wcb[...], catb, dnums,
                             preferred_element_type=jnp.float32) + bb[...]
        nhf, ncf = gates(gf, cf)
        nhb, ncb = gates(gb, cb)
        out_f[t] = nhf
        out_b[tb] = nhb
        return (nhf, ncf, nhb, ncb)

    carry = lax.fori_loop(
        0, TCH, step, (hf_r[...], cf_r[...], hb_r[...], cb_r[...]))
    hf_r[...], cf_r[...], hb_r[...], cb_r[...] = carry


def _run_lstm(seq_t, wcf, wcb, bf, bb):
    return pl.pallas_call(
        _lstm_body,
        grid=(G,),
        in_specs=[
            pl.BlockSpec((TCH, ED, BP), lambda i: (i, 0, 0)),
            pl.BlockSpec((TCH, ED, BP), lambda i: (G - 1 - i, 0, 0)),
            pl.BlockSpec((4 * Hh, ED + Hh), lambda i: (0, 0)),
            pl.BlockSpec((4 * Hh, ED + Hh), lambda i: (0, 0)),
            pl.BlockSpec((4 * Hh, 1), lambda i: (0, 0)),
            pl.BlockSpec((4 * Hh, 1), lambda i: (0, 0)),
        ],
        out_specs=[
            pl.BlockSpec((TCH, Hh, BP), lambda i: (i, 0, 0)),
            pl.BlockSpec((TCH, Hh, BP), lambda i: (G - 1 - i, 0, 0)),
        ],
        out_shape=[
            jax.ShapeDtypeStruct((L, Hh, BP), jnp.float32),
            jax.ShapeDtypeStruct((L, Hh, BP), jnp.float32),
        ],
        scratch_shapes=[
            pltpu.VMEM((Hh, BP), jnp.float32),
            pltpu.VMEM((Hh, BP), jnp.float32),
            pltpu.VMEM((Hh, BP), jnp.float32),
            pltpu.VMEM((Hh, BP), jnp.float32),
        ],
    )(seq_t, seq_t, wcf, wcb, bf, bb)


def _hw1_body(x, degT, w, out):
    dinv = lax.rsqrt(degT[:, 0:1] + degT[:, 1:2] + 1.0)
    hw = jnp.dot(x[...], w[...], preferred_element_type=jnp.float32) * dinv
    out[0] = hw[:, 0:FH]
    out[1] = hw[:, FH:H]


def _run_hw1(hflat, degT, w1):
    return pl.pallas_call(
        _hw1_body,
        grid=(N // BLK,),
        in_specs=[
            pl.BlockSpec((BLK, H), lambda i: (i, 0)),
            pl.BlockSpec((BLK, 2), lambda i: (i, 0)),
            pl.BlockSpec((H, H), lambda i: (0, 0)),
        ],
        out_specs=pl.BlockSpec((2, BLK, FH), lambda i: (0, i, 0)),
        out_shape=jax.ShapeDtypeStruct((2, N, FH), jnp.float32),
    )(hflat, degT, w1)


def _mid_body(scat, hw, degT, w2, b1r, out):
    dinv = lax.rsqrt(degT[:, 0:1] + degT[:, 1:2] + 1.0)
    g1lo = jnp.maximum(dinv * (scat[0] + hw[0]) + b1r[:, 0:FH], 0.0)
    g1hi = jnp.maximum(dinv * (scat[1] + hw[1]) + b1r[:, FH:H], 0.0)
    hw2 = (jnp.dot(g1lo, w2[0:FH, :], preferred_element_type=jnp.float32)
           + jnp.dot(g1hi, w2[FH:H, :], preferred_element_type=jnp.float32)) * dinv
    out[0] = hw2[:, 0:FH]
    out[1] = hw2[:, FH:H]


def _run_mid(scat1, hw1, degT, w2, b1r):
    return pl.pallas_call(
        _mid_body,
        grid=(N // BLK,),
        in_specs=[
            pl.BlockSpec((2, BLK, FH), lambda i: (0, i, 0)),
            pl.BlockSpec((2, BLK, FH), lambda i: (0, i, 0)),
            pl.BlockSpec((BLK, 2), lambda i: (i, 0)),
            pl.BlockSpec((H, H), lambda i: (0, 0)),
            pl.BlockSpec((1, H), lambda i: (0, 0)),
        ],
        out_specs=pl.BlockSpec((2, BLK, FH), lambda i: (0, i, 0)),
        out_shape=jax.ShapeDtypeStruct((2, N, FH), jnp.float32),
    )(scat1, hw1, degT, w2, b1r)


def _fin_body(hflat, scat, hw, degT, wcT, b2r, bcr, out):
    dinv = lax.rsqrt(degT[:, 0:1] + degT[:, 1:2] + 1.0)
    g2lo = dinv * (scat[0] + hw[0]) + b2r[:, 0:FH]
    g2hi = dinv * (scat[1] + hw[1]) + b2r[:, FH:H]
    acc = jnp.dot(hflat[...], wcT[0:H, :], preferred_element_type=jnp.float32)
    acc += jnp.dot(g2lo, wcT[H:H + FH, :], preferred_element_type=jnp.float32)
    acc += jnp.dot(g2hi, wcT[H + FH:2 * H, :], preferred_element_type=jnp.float32)
    out[...] = acc + bcr[...]


def _run_fin(hflat, scat2, hw2, degT, wcT, b2r, bcr):
    return pl.pallas_call(
        _fin_body,
        grid=(N // BLK,),
        in_specs=[
            pl.BlockSpec((BLK, H), lambda i: (i, 0)),
            pl.BlockSpec((2, BLK, FH), lambda i: (0, i, 0)),
            pl.BlockSpec((2, BLK, FH), lambda i: (0, i, 0)),
            pl.BlockSpec((BLK, 2), lambda i: (i, 0)),
            pl.BlockSpec((2 * H, T), lambda i: (0, 0)),
            pl.BlockSpec((1, H), lambda i: (0, 0)),
            pl.BlockSpec((1, T), lambda i: (0, 0)),
        ],
        out_specs=pl.BlockSpec((BLK, T), lambda i: (i, 0)),
        out_shape=jax.ShapeDtypeStruct((N, T), jnp.float32),
    )(hflat, scat2, hw2, degT, wcT, b2r, bcr)


NC, NS = 2, 16
K = 125
EC = E // K
RPT = EC // NS
NSTRIPE = N // NS
IEC = (L * BP) // K


@functools.lru_cache(maxsize=None)
def _sc_mesh():
    return plsc.VectorSubcoreMesh(core_axis_name="c", subcore_axis_name="s")


EMB_RPT = IEC // (NC * NS)
EMB_NRB = 8
EMB_LAG = EMB_NRB - 1


def _emb_sc_body(emb_h, idx2, out, ibuf, rows, gsem, wsem):
    wid = lax.axis_index("s") * NC + lax.axis_index("c")
    base = wid * EMB_RPT
    pltpu.sync_copy(idx2.at[pl.ds(base, EMB_RPT)], ibuf)

    def gather(g):
        pltpu.async_copy(emb_h.at[ibuf.at[g]], rows.at[g % EMB_NRB], gsem)

    def gather_wait(g):
        pltpu.make_async_copy(emb_h.at[ibuf.at[g]], rows.at[g % EMB_NRB],
                              gsem).wait()

    def write(g):
        pltpu.async_copy(rows.at[g % EMB_NRB],
                         out.at[pl.ds((base + g) * K, K)], wsem)

    def write_wait(g):
        pltpu.make_async_copy(rows.at[g % EMB_NRB],
                              out.at[pl.ds((base + g) * K, K)], wsem).wait()

    for g in range(EMB_RPT):
        if g >= EMB_NRB:
            write_wait(g - EMB_NRB)
        gather(g)
        if g >= EMB_LAG:
            gather_wait(g - EMB_LAG)
            write(g - EMB_LAG)
    for g in range(EMB_RPT - EMB_LAG, EMB_RPT):
        gather_wait(g)
        write(g)
    for g in range(EMB_RPT - EMB_NRB, EMB_RPT):
        write_wait(g)


@functools.lru_cache(maxsize=None)
def _emb_gather_kernel():
    return pl.kernel(
        _emb_sc_body,
        out_type=jax.ShapeDtypeStruct((L * BP, ED), jnp.float32),
        mesh=_sc_mesh(),
        compiler_params=pltpu.CompilerParams(use_tc_tiling_on_sc=False),
        scratch_types=[
            pltpu.VMEM((EMB_RPT, K), jnp.int32),
            pltpu.VMEM((EMB_NRB, K, ED), jnp.float32),
            pltpu.SemaphoreType.DMA,
            pltpu.SemaphoreType.DMA,
        ],
    )


def _emb_gather_sc(emb_h, idx2):
    return _emb_gather_kernel()(emb_h, idx2)


DW = 16


def _deg_sc_body(dst2, ones_h, zeros1, out, deg, dpanel, ones_v, isem, ssem):
    c = lax.axis_index("c")
    s = lax.axis_index("s")
    pltpu.sync_copy(zeros1.at[pl.ds(s * NSTRIPE, NSTRIPE)],
                    deg.at[pl.ds(s * NSTRIPE, NSTRIPE)])
    pltpu.sync_copy(ones_h, ones_v)
    plsc.subcore_barrier()
    rpt = EC // (NC * NS)
    base = (c * NS + s) * rpt
    npan = rpt // PAN

    def idx_load(p, buf):
        pltpu.async_copy(dst2.at[pl.ds(base + p * PAN, PAN)],
                         dpanel.at[buf], isem)

    def idx_wait(buf):
        pltpu.make_async_copy(dst2.at[pl.ds(base, PAN)],
                              dpanel.at[buf], isem).wait()

    def scatter(pbuf, slot):
        pltpu.async_copy(ones_v, deg.at[dpanel.at[pbuf, slot]], ssem,
                         add=True)

    def scatter_wait(pbuf, slot):
        pltpu.make_async_copy(ones_v, deg.at[dpanel.at[pbuf, slot]],
                              ssem).wait()

    idx_load(0, 0)

    def panel(p, _):
        pbuf = p % 2
        for slot in range(PAN):
            if slot == 0:
                idx_wait(pbuf)
            if slot >= NRB:
                scatter_wait(pbuf, slot - NRB)
            else:
                @pl.when(p >= 1)
                def _sw():
                    scatter_wait(1 - pbuf, PAN - NRB + slot)
            scatter(pbuf, slot)
            if slot == NRB:
                @pl.when(p + 1 < npan)
                def _il():
                    idx_load(p + 1, 1 - pbuf)
        return 0

    lax.fori_loop(0, npan, panel, 0)
    lastb = (npan - 1) % 2
    for slot in range(PAN - NRB, PAN):
        scatter_wait(lastb, slot)
    plsc.subcore_barrier()
    pltpu.sync_copy(deg.at[pl.ds(s * NSTRIPE, NSTRIPE)],
                    out.at[c, pl.ds(s * NSTRIPE, NSTRIPE)])


@functools.lru_cache(maxsize=None)
def _deg_kernel():
    return pl.kernel(
        _deg_sc_body,
        out_type=jax.ShapeDtypeStruct((NC, N, DW), jnp.float32),
        mesh=_sc_mesh(),
        compiler_params=pltpu.CompilerParams(use_tc_tiling_on_sc=False),
        scratch_types=[
            pltpu.VMEM_SHARED((N, DW), jnp.float32),
            pltpu.VMEM((2, PAN, K), jnp.int32),
            pltpu.VMEM((K, DW), jnp.float32),
            pltpu.SemaphoreType.DMA,
            pltpu.SemaphoreType.DMA,
        ],
    )


def _deg_sc(dst2, ones_h, zeros1):
    return _deg_kernel()(dst2, ones_h, zeros1)


PAN = 8
NRB = 4


def _edge_sc_body(hw_st, src_both, dst2, zeros, out, agg, spanel, dpanel,
                  rows, isem, gsem, ssem):
    c = lax.axis_index("c")
    s = lax.axis_index("s")
    pltpu.sync_copy(zeros.at[pl.ds(s * NSTRIPE, NSTRIPE)],
                    agg.at[pl.ds(s * NSTRIPE, NSTRIPE)])
    plsc.subcore_barrier()

    base = s * RPT
    npan = RPT // PAN

    def idx_load(p, buf):
        pltpu.async_copy(src_both.at[c, pl.ds(base + p * PAN, PAN)],
                         spanel.at[buf], isem)
        pltpu.async_copy(dst2.at[pl.ds(base + p * PAN, PAN)],
                         dpanel.at[buf], isem)

    def idx_wait(buf):
        pltpu.make_async_copy(dst2.at[pl.ds(base, PAN)],
                              spanel.at[buf], isem).wait()
        pltpu.make_async_copy(dst2.at[pl.ds(base, PAN)],
                              dpanel.at[buf], isem).wait()

    def gather(pbuf, slot):
        pltpu.async_copy(hw_st.at[spanel.at[pbuf, slot]],
                         rows.at[slot % NRB], gsem)

    def gather_wait(pbuf, slot):
        pltpu.make_async_copy(hw_st.at[spanel.at[pbuf, slot]],
                              rows.at[slot % NRB], gsem).wait()

    def scatter(pbuf, slot):
        pltpu.async_copy(rows.at[slot % NRB],
                         agg.at[dpanel.at[pbuf, slot]], ssem, add=True)

    def scatter_wait(pbuf, slot):
        pltpu.make_async_copy(rows.at[slot % NRB],
                              agg.at[dpanel.at[pbuf, slot]], ssem).wait()

    idx_load(0, 0)

    def panel(p, _):
        pbuf = p % 2
        for slot in range(PAN):
            if slot == 0:
                idx_wait(pbuf)
            if slot >= NRB:
                scatter_wait(pbuf, slot - NRB)
            else:
                @pl.when(p >= 1)
                def _sw():
                    scatter_wait(1 - pbuf, PAN - NRB + slot)
            gather(pbuf, slot)
            if slot >= 1:
                gather_wait(pbuf, slot - 1)
                scatter(pbuf, slot - 1)
            else:
                @pl.when(p >= 1)
                def _gs():
                    gather_wait(1 - pbuf, PAN - 1)
                    scatter(1 - pbuf, PAN - 1)
            if slot == NRB:
                @pl.when(p + 1 < npan)
                def _il():
                    idx_load(p + 1, 1 - pbuf)
        return 0

    lax.fori_loop(0, npan, panel, 0)
    lastb = (npan - 1) % 2
    gather_wait(lastb, PAN - 1)
    scatter(lastb, PAN - 1)
    for slot in range(PAN - NRB, PAN):
        scatter_wait(lastb, slot)

    plsc.subcore_barrier()
    pltpu.sync_copy(agg.at[pl.ds(s * NSTRIPE, NSTRIPE)],
                    out.at[c, pl.ds(s * NSTRIPE, NSTRIPE)])


@functools.lru_cache(maxsize=None)
def _edge_scatter_kernel():
    return pl.kernel(
        _edge_sc_body,
        out_type=jax.ShapeDtypeStruct((NC, N, FH), jnp.float32),
        mesh=_sc_mesh(),
        compiler_params=pltpu.CompilerParams(use_tc_tiling_on_sc=False),
        scratch_types=[
            pltpu.VMEM_SHARED((N, FH), jnp.float32),
            pltpu.VMEM((2, PAN, K), jnp.int32),
            pltpu.VMEM((2, PAN, K), jnp.int32),
            pltpu.VMEM((NRB, K, FH), jnp.float32),
            pltpu.SemaphoreType.DMA,
            pltpu.SemaphoreType.DMA,
            pltpu.SemaphoreType.DMA,
        ],
    )


def _edge_scatter_sc(hw_st, src_both, dst2, zeros):
    return _edge_scatter_kernel()(hw_st, src_both, dst2, zeros)


def kernel(x, edge_index, batch_idx, emb, Wih_f, Whh_f, bih_f, bhh_f,
           Wih_b, Whh_b, bih_b, bhh_b, W1, b1, W2, b2, Wc, bc):
    src, dst = edge_index[0], edge_index[1]
    src2 = src.reshape(EC, K)
    dst2 = dst.reshape(EC, K)
    src_both = jnp.stack([src2, src2 + N])
    zeros_fh = jnp.zeros((N, FH), jnp.float32)
    zeros_dw = jnp.zeros((N, DW), jnp.float32)
    ones_k = jnp.ones((K, DW), jnp.float32)

    xt = jnp.pad(x.T, ((0, 0), (0, BP - B)))
    idx2 = xt.reshape(IEC, K)
    seq = _emb_gather_sc(emb, idx2).reshape(L, BP, ED)

    seq_t = seq.transpose(0, 2, 1).astype(jnp.bfloat16)
    out_f, out_b = _run_lstm(
        seq_t,
        jnp.concatenate([Wih_f, Whh_f], axis=1).astype(jnp.bfloat16),
        jnp.concatenate([Wih_b, Whh_b], axis=1).astype(jnp.bfloat16),
        (bih_f + bhh_f).reshape(4 * Hh, 1),
        (bih_b + bhh_b).reshape(4 * Hh, 1))

    hflat = jnp.concatenate(
        [out_f.transpose(2, 0, 1)[:B], out_b.transpose(2, 0, 1)[:B]],
        axis=-1).reshape(N, H)

    deg_parts = _deg_sc(dst2, ones_k, zeros_dw)
    degT = deg_parts[:, :, 0].T

    hw1 = _run_hw1(hflat, degT, W1)
    scat1 = _edge_scatter_sc(hw1.reshape(2 * N, FH), src_both, dst2, zeros_fh)
    hw2 = _run_mid(scat1, hw1, degT, W2, b1.reshape(1, H))
    scat2 = _edge_scatter_sc(hw2.reshape(2 * N, FH), src_both, dst2, zeros_fh)
    logits = _run_fin(hflat, scat2, hw2, degT, Wc.T, b2.reshape(1, H),
                      bc.reshape(1, T))
    return logits.reshape(B, L, T)

# --- scband reference (transcript-rebuilt; emitter-appended) ---
"""Pipeline reference for scband-graph-neural-ner-70274254897230 (READ-ONLY COPY).

The authoritative reference and input builder live on the scoring server;
editing this copy changes nothing except your own understanding.
"""

import jax, jax.numpy as jnp
import numpy as np

B, L = 25, 2000
N = B * L
E = 800000
V, ED, H, T = 100000, 64, 64, 9
Hh = H // 2


def setup_inputs(seed: int = 0) -> dict:
    key = jax.random.key(seed)
    ks = jax.random.split(key, 20)
    x = jax.random.randint(ks[0], (B, L), 0, V, dtype=jnp.int32)
    edge_index = jax.random.randint(ks[1], (2, E), 0, N, dtype=jnp.int32)
    batch_idx = jnp.sort(jax.random.randint(ks[2], (N,), 0, B, dtype=jnp.int32))
    s = 0.05
    emb = jax.random.normal(ks[3], (V, ED), dtype=jnp.float32) * 0.02
    Wih_f = jax.random.normal(ks[4], (4 * Hh, ED), dtype=jnp.float32) * s
    Whh_f = jax.random.normal(ks[5], (4 * Hh, Hh), dtype=jnp.float32) * s
    bih_f = jnp.zeros((4 * Hh,), dtype=jnp.float32)
    bhh_f = jnp.zeros((4 * Hh,), dtype=jnp.float32)
    Wih_b = jax.random.normal(ks[6], (4 * Hh, ED), dtype=jnp.float32) * s
    Whh_b = jax.random.normal(ks[7], (4 * Hh, Hh), dtype=jnp.float32) * s
    bih_b = jnp.zeros((4 * Hh,), dtype=jnp.float32)
    bhh_b = jnp.zeros((4 * Hh,), dtype=jnp.float32)
    W1 = jax.random.normal(ks[8], (H, H), dtype=jnp.float32) * s
    b1 = jnp.zeros((H,), dtype=jnp.float32)
    W2 = jax.random.normal(ks[9], (H, H), dtype=jnp.float32) * s
    b2 = jnp.zeros((H,), dtype=jnp.float32)
    Wc = jax.random.normal(ks[10], (T, 2 * H), dtype=jnp.float32) * s
    bc = jnp.zeros((T,), dtype=jnp.float32)
    return {"x": x, "edge_index": edge_index, "batch_idx": batch_idx, "emb": emb,
            "Wih_f": Wih_f, "Whh_f": Whh_f, "bih_f": bih_f, "bhh_f": bhh_f,
            "Wih_b": Wih_b, "Whh_b": Whh_b, "bih_b": bih_b, "bhh_b": bhh_b,
            "W1": W1, "b1": b1, "W2": W2, "b2": b2, "Wc": Wc, "bc": bc}


def _lstm_dir(seq, Wih, Whh, bih, bhh):
    # seq: [L, B, ED]
    Hd = Whh.shape[1]
    def step(carry, xt):
        h, c = carry
        g = xt @ Wih.T + h @ Whh.T + bih + bhh
        i, f, gg, o = jnp.split(g, 4, axis=-1)
        i = jax.nn.sigmoid(i)
        f = jax.nn.sigmoid(f)
        gg = jnp.tanh(gg)
        o = jax.nn.sigmoid(o)
        c = f * c + i * gg
        h = o * jnp.tanh(c)
        return (h, c), h
    h0 = jnp.zeros((seq.shape[1], Hd), dtype=seq.dtype)
    c0 = jnp.zeros((seq.shape[1], Hd), dtype=seq.dtype)
    _, ys = jax.lax.scan(step, (h0, c0), seq)
    return ys


def _gcn(h, edge_index, W, b):
    n = h.shape[0]
    src = edge_index[0]
    dst = edge_index[1]
    loop = jnp.arange(n, dtype=src.dtype)
    s_idx = jnp.concatenate([src, loop])
    d_idx = jnp.concatenate([dst, loop])
    hw = h @ W
    deg = jnp.zeros((n,), dtype=h.dtype).at[d_idx].add(1.0)
    dinv = jnp.where(deg > 0, 1.0 / jnp.sqrt(deg), 0.0)
    norm = dinv[s_idx] * dinv[d_idx]
    msg = hw[s_idx] * norm[:, None]
    agg = jnp.zeros_like(hw).at[d_idx].add(msg)
    return agg + b


def reference(x, edge_index, batch_idx, emb, Wih_f, Whh_f, bih_f, bhh_f,
              Wih_b, Whh_b, bih_b, bhh_b, W1, b1, W2, b2, Wc, bc):
    Bx, Lx = x.shape
    n = Bx * Lx
    embeds = emb[x]  # [B, L, ED] gather
    seq = jnp.transpose(embeds, (1, 0, 2))  # [L, B, ED]
    out_f = _lstm_dir(seq, Wih_f, Whh_f, bih_f, bhh_f)
    out_b = _lstm_dir(seq[::-1], Wih_b, Whh_b, bih_b, bhh_b)[::-1]
    lstm_out = jnp.transpose(jnp.concatenate([out_f, out_b], axis=-1), (1, 0, 2))  # [B, L, H]
    hflat = lstm_out.reshape(n, -1)
    g1 = jax.nn.relu(_gcn(hflat, edge_index, W1, b1))
    g2 = _gcn(g1, edge_index, W2, b2)
    gcn_out = g2.reshape(Bx, Lx, -1)
    combined = jnp.concatenate([lstm_out, gcn_out], axis=-1)
    logits = combined @ Wc.T + bc
    return logits

if __name__ == "__main__":
    import jax
    _d = setup_inputs()
    print(jax.jit(kernel)(*tuple(_d.values())))

</pallas_src>

<mosaic_0001>
#map = affine_map<(d0, d1) -> (0, 0)>
#map1 = affine_map<(d0, d1) -> (0, 0, 0)>
module attributes {stable_mosaic.version = 14 : i64} {
  func.func @_edge_sc_body(%arg0: i32, %arg1: i32, %arg2: memref<100000x32xf32, #tpu.memory_space<hbm>>, %arg3: memref<2x6400x125xi32, #tpu.memory_space<hbm>>, %arg4: memref<6400x125xi32, #tpu.memory_space<hbm>>, %arg5: memref<50000x32xf32, #tpu.memory_space<hbm>>, %arg6: memref<2x50000x32xf32, #tpu.memory_space<hbm>>, %arg7: memref<50000x32xf32, #tpu.memory_space<vmem_shared>>, %arg8: memref<2x8x125xi32, #tpu.memory_space<vmem>>, %arg9: memref<2x8x125xi32, #tpu.memory_space<vmem>>, %arg10: memref<4x125x32xf32, #tpu.memory_space<vmem>>, %arg11: memref<!tpu.dma_semaphore, #tpu.memory_space<semaphore_mem>>, %arg12: memref<!tpu.dma_semaphore, #tpu.memory_space<semaphore_mem>>, %arg13: memref<!tpu.dma_semaphore, #tpu.memory_space<semaphore_mem>>) attributes {dimension_semantics = [#tpu.dimension_semantics<core_parallel>, #tpu.dimension_semantics<subcore_parallel>], iteration_bounds = array<i64: 2, 16>, scalar_prefetch = 0 : i64, scratch_operands = 7 : i64, tpu.core_type = #tpu.core_type<sc_vector_subcore>, window_params = [{transform_indices = #map}, {transform_indices = #map1}, {transform_indices = #map}, {transform_indices = #map}, {transform_indices = #map1}]} {
    %mul3A = arith.constant 3125 : i32
    %mul3A_0 = arith.muli %arg1, %mul3A : i32
    %mul3A_1 = arith.constant 3125 : i32
    %mul3A_2 = arith.muli %arg1, %mul3A_1 : i32
    "tpu.region"() ({
      %run_scoped3A = tpu.sem_alloc : memref<!tpu.dma_semaphore, #tpu.memory_space<semaphore_mem>>
      %dma_start3A_123 = arith.constant 0 : i32
      %dma_start3A_124 = tpu.memref_slice %arg7[%mul3A_2, %dma_start3A_123] : memref<50000x32xf32, #tpu.memory_space<vmem_shared>> -> memref<3125x32xf32, #tpu.memory_space<vmem_shared>>
      %dma_start3A_125 = arith.constant 0 : i32
      %dma_start3A_126 = tpu.memref_slice %arg5[%mul3A_0, %dma_start3A_125] : memref<50000x32xf32, #tpu.memory_space<hbm>> -> memref<3125x32xf32, #tpu.memory_space<hbm>>
      tpu.enqueue_dma source(%dma_start3A_126 : memref<3125x32xf32, #tpu.memory_space<hbm>>) target(%dma_start3A_124 : memref<3125x32xf32, #tpu.memory_space<vmem_shared>>) target_semaphore(%run_scoped3A : memref<!tpu.dma_semaphore, #tpu.memory_space<semaphore_mem>>)
      %dma_wait3A_127 = arith.constant 0 : i32
      %dma_wait3A_128 = tpu.memref_slice %arg7[%mul3A_2, %dma_wait3A_127] : memref<50000x32xf32, #tpu.memory_space<vmem_shared>> -> memref<3125x32xf32, #tpu.memory_space<vmem_shared>>
      %dma_wait3A_129 = arith.constant 0 : i32
      %dma_wait3A_130 = tpu.memref_slice %arg5[%mul3A_0, %dma_wait3A_129] : memref<50000x32xf32, #tpu.memory_space<hbm>> -> memref<3125x32xf32, #tpu.memory_space<hbm>>
      tpu.wait_dma2 semaphore(%run_scoped3A : memref<!tpu.dma_semaphore, #tpu.memory_space<semaphore_mem>>) src(%dma_wait3A_130 : memref<3125x32xf32, #tpu.memory_space<hbm>>) dst(%dma_wait3A_128 : memref<3125x32xf32, #tpu.memory_space<vmem_shared>>)
      tpu.yield
    }) : () -> ()
    %barrier3A = arith.constant 0 : index
    tpu.barrier barrier_id(%barrier3A)
    %mul3A_3 = arith.constant 400 : i32
    %mul3A_4 = arith.muli %arg1, %mul3A_3 : i32
    %add3A = arith.constant 0 : i32
    %add3A_5 = arith.addi %mul3A_4, %add3A : i32
    %dma_start3A = arith.constant 0 : i32
    %dma_start3A_6 = arith.constant 0 : i32
    %dma_start3A_7 = arith.constant 0 : i32
    %dma_start3A_8 = tpu.memref_slice %arg8[%dma_start3A, %dma_start3A_6, %dma_start3A_7] : memref<2x8x125xi32, #tpu.memory_space<vmem>> -> memref<1x8x125xi32, #tpu.memory_space<vmem>>
    %dma_start3A_9 = tpu.memref_squeeze %dma_start3A_8 : memref<1x8x125xi32, #tpu.memory_space<vmem>> -> memref<8x125xi32, #tpu.memory_space<vmem>>
    %dma_start3A_10 = arith.constant 0 : i32
    %dma_start3A_11 = tpu.memref_slice %arg3[%arg0, %add3A_5, %dma_start3A_10] : memref<2x6400x125xi32, #tpu.memory_space<hbm>> -> memref<1x8x125xi32, #tpu.memory_space<hbm>>
    %dma_start3A_12 = tpu.memref_squeeze %dma_start3A_11 : memref<1x8x125xi32, #tpu.memory_space<hbm>> -> memref<8x125xi32, #tpu.memory_space<hbm>>
    %dma_start3A_13 = arith.constant 0 : i32
    %dma_start3A_14 = arith.constant 0 : i32
    %dma_start3A_15 = tpu.memref_slice %arg8[%dma_start3A, %dma_start3A_13, %dma_start3A_14] : memref<2x8x125xi32, #tpu.memory_space<vmem>> -> memref<1x8x125xi32, #tpu.memory_space<vmem>>
    %dma_start3A_16 = tpu.memref_squeeze %dma_start3A_15 : memref<1x8x125xi32, #tpu.memory_space<vmem>> -> memref<8x125xi32, #tpu.memory_space<vmem>>
    %dma_start3A_17 = arith.constant 0 : i32
    %dma_start3A_18 = tpu.memref_slice %arg3[%arg0, %add3A_5, %dma_start3A_17] : memref<2x6400x125xi32, #tpu.memory_space<hbm>> -> memref<1x8x125xi32, #tpu.memory_space<hbm>>
    %dma_start3A_19 = tpu.memref_squeeze %dma_start3A_18 : memref<1x8x125xi32, #tpu.memory_space<hbm>> -> memref<8x125xi32, #tpu.memory_space<hbm>>
    tpu.enqueue_dma source(%dma_start3A_19 : memref<8x125xi32, #tpu.memory_space<hbm>>) target(%dma_start3A_16 : memref<8x125xi32, #tpu.memory_space<vmem>>) target_semaphore(%arg11 : memref<!tpu.dma_semaphore, #tpu.memory_space<semaphore_mem>>)
    %add3A_20 = arith.constant 0 : i32
    %add3A_21 = arith.addi %mul3A_4, %add3A_20 : i32
    %dma_start3A_22 = arith.constant 0 : i32
    %dma_start3A_23 = arith.constant 0 : i32
    %dma_start3A_24 = arith.constant 0 : i32
    %dma_start3A_25 = tpu.memref_slice %arg9[%dma_start3A_22, %dma_start3A_23, %dma_start3A_24] : memref<2x8x125xi32, #tpu.memory_space<vmem>> -> memref<1x8x125xi32, #tpu.memory_space<vmem>>
    %dma_start3A_26 = tpu.memref_squeeze %dma_start3A_25 : memref<1x8x125xi32, #tpu.memory_space<vmem>> -> memref<8x125xi32, #tpu.memory_space<vmem>>
    %dma_start3A_27 = arith.constant 0 : i32
    %dma_start3A_28 = tpu.memref_slice %arg4[%add3A_21, %dma_start3A_27] : memref<6400x125xi32, #tpu.memory_space<hbm>> -> memref<8x125xi32, #tpu.memory_space<hbm>>
    %dma_start3A_29 = arith.constant 0 : i32
    %dma_start3A_30 = arith.constant 0 : i32
    %dma_start3A_31 = tpu.memref_slice %arg9[%dma_start3A_22, %dma_start3A_29, %dma_start3A_30] : memref<2x8x125xi32, #tpu.memory_space<vmem>> -> memref<1x8x125xi32, #tpu.memory_space<vmem>>
    %dma_start3A_32 = tpu.memref_squeeze %dma_start3A_31 : memref<1x8x125xi32, #tpu.memory_space<vmem>> -> memref<8x125xi32, #tpu.memory_space<vmem>>
    %dma_start3A_33 = arith.constant 0 : i32
    %dma_start3A_34 = tpu.memref_slice %arg4[%add3A_21, %dma_start3A_33] : memref<6400x125xi32, #tpu.memory_space<hbm>> -> memref<8x125xi32, #tpu.memory_space<hbm>>
    tpu.enqueue_dma source(%dma_start3A_34 : memref<8x125xi32, #tpu.memory_space<hbm>>) target(%dma_start3A_32 : memref<8x125xi32, #tpu.memory_space<vmem>>) target_semaphore(%arg11 : memref<!tpu.dma_semaphore, #tpu.memory_space<semaphore_mem>>)
    %scan3A = arith.constant 0 : i32
    %scan3A_35 = arith.constant 0 : i32
    %scan3A_36 = arith.constant 50 : i32
    %scan3A_37 = arith.addi %scan3A_35, %scan3A_36 : i32
    %scan3A_38 = arith.constant 1 : i32
    %scan3A_39 = scf.for %scan3A_123 = %scan3A_35 to %scan3A_37 step %scan3A_38 iter_args(%scan3A_124 = %scan3A) -> (i32)  : i32 {
      %jit3A = arith.constant 2 : i32
      %eq3A = arith.constant 0 : i32
      %eq3A_125 = arith.cmpi eq, %jit3A, %eq3A : i32
      %jit3A_126 = arith.constant 1 : i32
      %select_n3A = arith.select %eq3A_125, %jit3A_126, %jit3A : i32
      %rem3A = arith.remsi %scan3A_123, %select_n3A : i32
      %ne3A = arith.constant 0 : i32
      %ne3A_127 = arith.cmpi ne, %rem3A, %ne3A : i32
      %lt3A = arith.constant 0 : i32
      %lt3A_128 = arith.cmpi slt, %rem3A, %lt3A : i32
      %lt3A_129 = arith.constant 0 : i32
      %lt3A_130 = arith.cmpi slt, %select_n3A, %lt3A_129 : i32
      %ne3A_131 = arith.xori %lt3A_128, %lt3A_130 : i1
      %and3A = arith.andi %ne3A_131, %ne3A_127 : i1
      %add3A_132 = arith.addi %rem3A, %select_n3A : i32
      %select_n3A_133 = arith.select %and3A, %add3A_132, %rem3A : i32
      %dma_wait3A_134 = arith.constant 0 : i32
      %dma_wait3A_135 = arith.constant 0 : i32
      %dma_wait3A_136 = tpu.memref_slice %arg8[%select_n3A_133, %dma_wait3A_134, %dma_wait3A_135] : memref<2x8x125xi32, #tpu.memory_space<vmem>> -> memref<1x8x125xi32, #tpu.memory_space<vmem>>
      %dma_wait3A_137 = tpu.memref_squeeze %dma_wait3A_136 : memref<1x8x125xi32, #tpu.memory_space<vmem>> -> memref<8x125xi32, #tpu.memory_space<vmem>>
      %dma_wait3A_138 = arith.constant 0 : i32
      %dma_wait3A_139 = tpu.memref_slice %arg4[%mul3A_4, %dma_wait3A_138] : memref<6400x125xi32, #tpu.memory_space<hbm>> -> memref<8x125xi32, #tpu.memory_space<hbm>>
      %dma_wait3A_140 = arith.constant 0 : i32
      %dma_wait3A_141 = arith.constant 0 : i32
      %dma_wait3A_142 = tpu.memref_slice %arg8[%select_n3A_133, %dma_wait3A_140, %dma_wait3A_141] : memref<2x8x125xi32, #tpu.memory_space<vmem>> -> memref<1x8x125xi32, #tpu.memory_space<vmem>>
      %dma_wait3A_143 = tpu.memref_squeeze %dma_wait3A_142 : memref<1x8x125xi32, #tpu.memory_space<vmem>> -> memref<8x125xi32, #tpu.memory_space<vmem>>
      %dma_wait3A_144 = arith.constant 0 : i32
      %dma_wait3A_145 = tpu.memref_slice %arg4[%mul3A_4, %dma_wait3A_144] : memref<6400x125xi32, #tpu.memory_space<hbm>> -> memref<8x125xi32, #tpu.memory_space<hbm>>
      tpu.wait_dma2 semaphore(%arg11 : memref<!tpu.dma_semaphore, #tpu.memory_space<semaphore_mem>>) src(%dma_wait3A_145 : memref<8x125xi32, #tpu.memory_space<hbm>>) dst(%dma_wait3A_143 : memref<8x125xi32, #tpu.memory_space<vmem>>)
      %dma_wait3A_146 = arith.constant 0 : i32
      %dma_wait3A_147 = arith.constant 0 : i32
      %dma_wait3A_148 = tpu.memref_slice %arg9[%select_n3A_133, %dma_wait3A_146, %dma_wait3A_147] : memref<2x8x125xi32, #tpu.memory_space<vmem>> -> memref<1x8x125xi32, #tpu.memory_space<vmem>>
      %dma_wait3A_149 = tpu.memref_squeeze %dma_wait3A_148 : memref<1x8x125xi32, #tpu.memory_space<vmem>> -> memref<8x125xi32, #tpu.memory_space<vmem>>
      %dma_wait3A_150 = arith.constant 0 : i32
      %dma_wait3A_151 = tpu.memref_slice %arg4[%mul3A_4, %dma_wait3A_150] : memref<6400x125xi32, #tpu.memory_space<hbm>> -> memref<8x125xi32, #tpu.memory_space<hbm>>
      %dma_wait3A_152 = arith.constant 0 : i32
      %dma_wait3A_153 = arith.constant 0 : i32
      %dma_wait3A_154 = tpu.memref_slice %arg9[%select_n3A_133, %dma_wait3A_152, %dma_wait3A_153] : memref<2x8x125xi32, #tpu.memory_space<vmem>> -> memref<1x8x125xi32, #tpu.memory_space<vmem>>
      %dma_wait3A_155 = tpu.memref_squeeze %dma_wait3A_154 : memref<1x8x125xi32, #tpu.memory_space<vmem>> -> memref<8x125xi32, #tpu.memory_space<vmem>>
      %dma_wait3A_156 = arith.constant 0 : i32
      %dma_wait3A_157 = tpu.memref_slice %arg4[%mul3A_4, %dma_wait3A_156] : memref<6400x125xi32, #tpu.memory_space<hbm>> -> memref<8x125xi32, #tpu.memory_space<hbm>>
      tpu.wait_dma2 semaphore(%arg11 : memref<!tpu.dma_semaphore, #tpu.memory_space<semaphore_mem>>) src(%dma_wait3A_157 : memref<8x125xi32, #tpu.memory_space<hbm>>) dst(%dma_wait3A_155 : memref<8x125xi32, #tpu.memory_space<vmem>>)
      %ge3A = arith.constant 1 : i32
      %ge3A_158 = arith.cmpi sge, %scan3A_123, %ge3A : i32
      %convert_element_type3A = arith.extui %ge3A_158 : i1 to i32
      %cond3A = arith.constant 0 : i32
      %cond3A_159 = arith.cmpi ne, %convert_element_type3A, %cond3A : i32
      scf.if %cond3A_159 {
        %sub3A = arith.constant 1 : i32
        %sub3A_500 = arith.subi %sub3A, %select_n3A_133 : i32
        %dma_wait3A_501 = arith.constant 0 : i32
        %dma_wait3A_502 = arith.constant 4 : i32
        %dma_wait3A_503 = arith.constant 0 : i32
        %dma_wait3A_504 = arith.constant 0 : i32
        %dma_wait3A_505 = tpu.memref_slice %arg10[%dma_wait3A_501, %dma_wait3A_503, %dma_wait3A_504] : memref<4x125x32xf32, #tpu.memory_space<vmem>> -> memref<1x125x32xf32, #tpu.memory_space<vmem>>
        %dma_wait3A_506 = tpu.memref_squeeze %dma_wait3A_505 : memref<1x125x32xf32, #tpu.memory_space<vmem>> -> memref<125x32xf32, #tpu.memory_space<vmem>>
        %dma_wait3A_507 = arith.constant 0 : i32
        %dma_wait3A_508 = tpu.memref_slice %arg9[%sub3A_500, %dma_wait3A_502, %dma_wait3A_507] : memref<2x8x125xi32, #tpu.memory_space<vmem>> -> memref<1x1x125xi32, #tpu.memory_space<vmem>>
        %dma_wait3A_509 = tpu.memref_squeeze %dma_wait3A_508 : memref<1x1x125xi32, #tpu.memory_space<vmem>> -> memref<125xi32, #tpu.memory_space<vmem>>
        %dma_wait3A_510 = arith.constant 0 : i32
        %dma_wait3A_511 = arith.constant 0 : i32
        %dma_wait3A_512 = tpu.memref_slice %arg7[%dma_wait3A_510, %dma_wait3A_511] : memref<50000x32xf32, #tpu.memory_space<vmem_shared>> -> memref<50000x32xf32, #tpu.memory_space<vmem_shared>>
        tpu.wait_indirect_dma semaphore(%arg13 : memref<!tpu.dma_semaphore, #tpu.memory_space<semaphore_mem>>) src(%dma_wait3A_506 : memref<125x32xf32, #tpu.memory_space<vmem>>) dst(%dma_wait3A_512 : memref<50000x32xf32, #tpu.memory_space<vmem_shared>>)
      } else {
      }
      %dma_start3A_160 = arith.constant 0 : i32
      %dma_start3A_161 = arith.constant 0 : i32
      %dma_start3A_162 = arith.constant 0 : i32
      %dma_start3A_163 = arith.constant 0 : i32
      %dma_start3A_164 = tpu.memref_slice %arg10[%dma_start3A_161, %dma_start3A_162, %dma_start3A_163] : memref<4x125x32xf32, #tpu.memory_space<vmem>> -> memref<1x125x32xf32, #tpu.memory_space<vmem>>
      %dma_start3A_165 = tpu.memref_squeeze %dma_start3A_164 : memref<1x125x32xf32, #tpu.memory_space<vmem>> -> memref<125x32xf32, #tpu.memory_space<vmem>>
      %dma_start3A_166 = arith.constant 0 : i32
      %dma_start3A_167 = tpu.memref_slice %arg8[%select_n3A_133, %dma_start3A_160, %dma_start3A_166] : memref<2x8x125xi32, #tpu.memory_space<vmem>> -> memref<1x1x125xi32, #tpu.memory_space<vmem>>
      %dma_start3A_168 = tpu.memref_squeeze %dma_start3A_167 : memref<1x1x125xi32, #tpu.memory_space<vmem>> -> memref<125xi32, #tpu.memory_space<vmem>>
      %dma_start3A_169 = arith.constant 0 : i32
      %dma_start3A_170 = arith.constant 0 : i32
      %dma_start3A_171 = tpu.memref_slice %arg2[%dma_start3A_169, %dma_start3A_170] : memref<100000x32xf32, #tpu.memory_space<hbm>> -> memref<100000x32xf32, #tpu.memory_space<hbm>>
      tpu.enqueue_indirect_dma source(%dma_start3A_171 : memref<100000x32xf32, #tpu.memory_space<hbm>>) target(%dma_start3A_165 : memref<125x32xf32, #tpu.memory_space<vmem>>) offsets(%dma_start3A_168 : memref<125xi32, #tpu.memory_space<vmem>>) semaphore(%arg12 : memref<!tpu.dma_semaphore, #tpu.memory_space<semaphore_mem>>)
      %ge3A_172 = arith.constant 1 : i32
      %ge3A_173 = arith.cmpi sge, %scan3A_123, %ge3A_172 : i32
      %convert_element_type3A_174 = arith.extui %ge3A_173 : i1 to i32
      %cond3A_175 = arith.constant 0 : i32
      %cond3A_176 = arith.cmpi ne, %convert_element_type3A_174, %cond3A_175 : i32
      scf.if %cond3A_176 {
        %sub3A = arith.constant 1 : i32
        %sub3A_500 = arith.subi %sub3A, %select_n3A_133 : i32
        %dma_wait3A_501 = arith.constant 7 : i32
        %dma_wait3A_502 = arith.constant 3 : i32
        %dma_wait3A_503 = arith.constant 0 : i32
        %dma_wait3A_504 = arith.constant 0 : i32
        %dma_wait3A_505 = tpu.memref_slice %arg10[%dma_wait3A_502, %dma_wait3A_503, %dma_wait3A_504] : memref<4x125x32xf32, #tpu.memory_space<vmem>> -> memref<1x125x32xf32, #tpu.memory_space<vmem>>
        %dma_wait3A_506 = tpu.memref_squeeze %dma_wait3A_505 : memref<1x125x32xf32, #tpu.memory_space<vmem>> -> memref<125x32xf32, #tpu.memory_space<vmem>>
        %dma_wait3A_507 = arith.constant 0 : i32
        %dma_wait3A_508 = tpu.memref_slice %arg8[%sub3A_500, %dma_wait3A_501, %dma_wait3A_507] : memref<2x8x125xi32, #tpu.memory_space<vmem>> -> memref<1x1x125xi32, #tpu.memory_space<vmem>>
        %dma_wait3A_509 = tpu.memref_squeeze %dma_wait3A_508 : memref<1x1x125xi32, #tpu.memory_space<vmem>> -> memref<125xi32, #tpu.memory_space<vmem>>
        %dma_wait3A_510 = arith.constant 0 : i32
        %dma_wait3A_511 = arith.constant 0 : i32
        %dma_wait3A_512 = tpu.memref_slice %arg2[%dma_wait3A_510, %dma_wait3A_511] : memref<100000x32xf32, #tpu.memory_space<hbm>> -> memref<100000x32xf32, #tpu.memory_space<hbm>>
        tpu.wait_indirect_dma semaphore(%arg12 : memref<!tpu.dma_semaphore, #tpu.memory_space<semaphore_mem>>) src(%dma_wait3A_512 : memref<100000x32xf32, #tpu.memory_space<hbm>>) dst(%dma_wait3A_506 : memref<125x32xf32, #tpu.memory_space<vmem>>)
        %sub3A_513 = arith.constant 1 : i32
        %sub3A_514 = arith.subi %sub3A_513, %select_n3A_133 : i32
        %dma_start3A_515 = arith.constant 3 : i32
        %dma_start3A_516 = arith.constant 7 : i32
        %dma_start3A_517 = arith.constant 0 : i32
        %dma_start3A_518 = arith.constant 0 : i32
        %dma_start3A_519 = tpu.memref_slice %arg10[%dma_start3A_515, %dma_start3A_517, %dma_start3A_518] : memref<4x125x32xf32, #tpu.memory_space<vmem>> -> memref<1x125x32xf32, #tpu.memory_space<vmem>>
        %dma_start3A_520 = tpu.memref_squeeze %dma_start3A_519 : memref<1x125x32xf32, #tpu.memory_space<vmem>> -> memref<125x32xf32, #tpu.memory_space<vmem>>
        %dma_start3A_521 = arith.constant 0 : i32
        %dma_start3A_522 = tpu.memref_slice %arg9[%sub3A_514, %dma_start3A_516, %dma_start3A_521] : memref<2x8x125xi32, #tpu.memory_space<vmem>> -> memref<1x1x125xi32, #tpu.memory_space<vmem>>
        %dma_start3A_523 = tpu.memref_squeeze %dma_start3A_522 : memref<1x1x125xi32, #tpu.memory_space<vmem>> -> memref<125xi32, #tpu.memory_space<vmem>>
        %dma_start3A_524 = arith.constant 0 : i32
        %dma_start3A_525 = arith.constant 0 : i32
        %dma_start3A_526 = tpu.memref_slice %arg7[%dma_start3A_524, %dma_start3A_525] : memref<50000x32xf32, #tpu.memory_space<vmem_shared>> -> memref<50000x32xf32, #tpu.memory_space<vmem_shared>>
        tpu.enqueue_indirect_dma source(%dma_start3A_520 : memref<125x32xf32, #tpu.memory_space<vmem>>) target(%dma_start3A_526 : memref<50000x32xf32, #tpu.memory_space<vmem_shared>>) offsets(%dma_start3A_523 : memref<125xi32, #tpu.memory_space<vmem>>) semaphore(%arg13 : memref<!tpu.dma_semaphore, #tpu.memory_space<semaphore_mem>>) {add = true}
      } else {
      }
      %ge3A_177 = arith.constant 1 : i32
      %ge3A_178 = arith.cmpi sge, %scan3A_123, %ge3A_177 : i32
      %convert_element_type3A_179 = arith.extui %ge3A_178 : i1 to i32
      %cond3A_180 = arith.constant 0 : i32
      %cond3A_181 = arith.cmpi ne, %convert_element_type3A_179, %cond3A_180 : i32
      scf.if %cond3A_181 {
        %sub3A = arith.constant 1 : i32
        %sub3A_500 = arith.subi %sub3A, %select_n3A_133 : i32
        %dma_wait3A_501 = arith.constant 1 : i32
        %dma_wait3A_502 = arith.constant 5 : i32
        %dma_wait3A_503 = arith.constant 0 : i32
        %dma_wait3A_504 = arith.constant 0 : i32
        %dma_wait3A_505 = tpu.memref_slice %arg10[%dma_wait3A_501, %dma_wait3A_503, %dma_wait3A_504] : memref<4x125x32xf32, #tpu.memory_space<vmem>> -> memref<1x125x32xf32, #tpu.memory_space<vmem>>
        %dma_wait3A_506 = tpu.memref_squeeze %dma_wait3A_505 : memref<1x125x32xf32, #tpu.memory_space<vmem>> -> memref<125x32xf32, #tpu.memory_space<vmem>>
        %dma_wait3A_507 = arith.constant 0 : i32
        %dma_wait3A_508 = tpu.memref_slice %arg9[%sub3A_500, %dma_wait3A_502, %dma_wait3A_507] : memref<2x8x125xi32, #tpu.memory_space<vmem>> -> memref<1x1x125xi32, #tpu.memory_space<vmem>>
        %dma_wait3A_509 = tpu.memref_squeeze %dma_wait3A_508 : memref<1x1x125xi32, #tpu.memory_space<vmem>> -> memref<125xi32, #tpu.memory_space<vmem>>
        %dma_wait3A_510 = arith.constant 0 : i32
        %dma_wait3A_511 = arith.constant 0 : i32
        %dma_wait3A_512 = tpu.memref_slice %arg7[%dma_wait3A_510, %dma_wait3A_511] : memref<50000x32xf32, #tpu.memory_space<vmem_shared>> -> memref<50000x32xf32, #tpu.memory_space<vmem_shared>>
        tpu.wait_indirect_dma semaphore(%arg13 : memref<!tpu.dma_semaphore, #tpu.memory_space<semaphore_mem>>) src(%dma_wait3A_506 : memref<125x32xf32, #tpu.memory_space<vmem>>) dst(%dma_wait3A_512 : memref<50000x32xf32, #tpu.memory_space<vmem_shared>>)
      } else {
      }
      %dma_start3A_182 = arith.constant 1 : i32
      %dma_start3A_183 = arith.constant 1 : i32
      %dma_start3A_184 = arith.constant 0 : i32
      %dma_start3A_185 = arith.constant 0 : i32
      %dma_start3A_186 = tpu.memref_slice %arg10[%dma_start3A_183, %dma_start3A_184, %dma_start3A_185] : memref<4x125x32xf32, #tpu.memory_space<vmem>> -> memref<1x125x32xf32, #tpu.memory_space<vmem>>
      %dma_start3A_187 = tpu.memref_squeeze %dma_start3A_186 : memref<1x125x32xf32, #tpu.memory_space<vmem>> -> memref<125x32xf32, #tpu.memory_space<vmem>>
      %dma_start3A_188 = arith.constant 0 : i32
      %dma_start3A_189 = tpu.memref_slice %arg8[%select_n3A_133, %dma_start3A_182, %dma_start3A_188] : memref<2x8x125xi32, #tpu.memory_space<vmem>> -> memref<1x1x125xi32, #tpu.memory_space<vmem>>
      %dma_start3A_190 = tpu.memref_squeeze %dma_start3A_189 : memref<1x1x125xi32, #tpu.memory_space<vmem>> -> memref<125xi32, #tpu.memory_space<vmem>>
      %dma_start3A_191 = arith.constant 0 : i32
      %dma_start3A_192 = arith.constant 0 : i32
      %dma_start3A_193 = tpu.memref_slice %arg2[%dma_start3A_191, %dma_start3A_192] : memref<100000x32xf32, #tpu.memory_space<hbm>> -> memref<100000x32xf32, #tpu.memory_space<hbm>>
      tpu.enqueue_indirect_dma source(%dma_start3A_193 : memref<100000x32xf32, #tpu.memory_space<hbm>>) target(%dma_start3A_187 : memref<125x32xf32, #tpu.memory_space<vmem>>) offsets(%dma_start3A_190 : memref<125xi32, #tpu.memory_space<vmem>>) semaphore(%arg12 : memref<!tpu.dma_semaphore, #tpu.memory_space<semaphore_mem>>)
      %dma_wait3A_194 = arith.constant 0 : i32
      %dma_wait3A_195 = arith.constant 0 : i32
      %dma_wait3A_196 = arith.constant 0 : i32
      %dma_wait3A_197 = arith.constant 0 : i32
      %dma_wait3A_198 = tpu.memref_slice %arg10[%dma_wait3A_195, %dma_wait3A_196, %dma_wait3A_197] : memref<4x125x32xf32, #tpu.memory_space<vmem>> -> memref<1x125x32xf32, #tpu.memory_space<vmem>>
      %dma_wait3A_199 = tpu.memref_squeeze %dma_wait3A_198 : memref<1x125x32xf32, #tpu.memory_space<vmem>> -> memref<125x32xf32, #tpu.memory_space<vmem>>
      %dma_wait3A_200 = arith.constant 0 : i32
      %dma_wait3A_201 = tpu.memref_slice %arg8[%select_n3A_133, %dma_wait3A_194, %dma_wait3A_200] : memref<2x8x125xi32, #tpu.memory_space<vmem>> -> memref<1x1x125xi32, #tpu.memory_space<vmem>>
      %dma_wait3A_202 = tpu.memref_squeeze %dma_wait3A_201 : memref<1x1x125xi32, #tpu.memory_space<vmem>> -> memref<125xi32, #tpu.memory_space<vmem>>
      %dma_wait3A_203 = arith.constant 0 : i32
      %dma_wait3A_204 = arith.constant 0 : i32
      %dma_wait3A_205 = tpu.memref_slice %arg2[%dma_wait3A_203, %dma_wait3A_204] : memref<100000x32xf32, #tpu.memory_space<hbm>> -> memref<100000x32xf32, #tpu.memory_space<hbm>>
      tpu.wait_indirect_dma semaphore(%arg12 : memref<!tpu.dma_semaphore, #tpu.memory_space<semaphore_mem>>) src(%dma_wait3A_205 : memref<100000x32xf32, #tpu.memory_space<hbm>>) dst(%dma_wait3A_199 : memref<125x32xf32, #tpu.memory_space<vmem>>)
      %dma_start3A_206 = arith.constant 0 : i32
      %dma_start3A_207 = arith.constant 0 : i32
      %dma_start3A_208 = arith.constant 0 : i32
      %dma_start3A_209 = arith.constant 0 : i32
      %dma_start3A_210 = tpu.memref_slice %arg10[%dma_start3A_206, %dma_start3A_208, %dma_start3A_209] : memref<4x125x32xf32, #tpu.memory_space<vmem>> -> memref<1x125x32xf32, #tpu.memory_space<vmem>>
      %dma_start3A_211 = tpu.memref_squeeze %dma_start3A_210 : memref<1x125x32xf32, #tpu.memory_space<vmem>> -> memref<125x32xf32, #tpu.memory_space<vmem>>
      %dma_start3A_212 = arith.constant 0 : i32
      %dma_start3A_213 = tpu.memref_slice %arg9[%select_n3A_133, %dma_start3A_207, %dma_start3A_212] : memref<2x8x125xi32, #tpu.memory_space<vmem>> -> memref<1x1x125xi32, #tpu.memory_space<vmem>>
      %dma_start3A_214 = tpu.memref_squeeze %dma_start3A_213 : memref<1x1x125xi32, #tpu.memory_space<vmem>> -> memref<125xi32, #tpu.memory_space<vmem>>
      %dma_start3A_215 = arith.constant 0 : i32
      %dma_start3A_216 = arith.constant 0 : i32
      %dma_start3A_217 = tpu.memref_slice %arg7[%dma_start3A_215, %dma_start3A_216] : memref<50000x32xf32, #tpu.memory_space<vmem_shared>> -> memref<50000x32xf32, #tpu.memory_space<vmem_shared>>
      tpu.enqueue_indirect_dma source(%dma_start3A_211 : memref<125x32xf32, #tpu.memory_space<vmem>>) target(%dma_start3A_217 : memref<50000x32xf32, #tpu.memory_space<vmem_shared>>) offsets(%dma_start3A_214 : memref<125xi32, #tpu.memory_space<vmem>>) semaphore(%arg13 : memref<!tpu.dma_semaphore, #tpu.memory_space<semaphore_mem>>) {add = true}
      %ge3A_218 = arith.constant 1 : i32
      %ge3A_219 = arith.cmpi sge, %scan3A_123, %ge3A_218 : i32
      %convert_element_type3A_220 = arith.extui %ge3A_219 : i1 to i32
      %cond3A_221 = arith.constant 0 : i32
      %cond3A_222 = arith.cmpi ne, %convert_element_type3A_220, %cond3A_221 : i32
      scf.if %cond3A_222 {
        %sub3A = arith.constant 1 : i32
        %sub3A_500 = arith.subi %sub3A, %select_n3A_133 : i32
        %dma_wait3A_501 = arith.constant 2 : i32
        %dma_wait3A_502 = arith.constant 6 : i32
        %dma_wait3A_503 = arith.constant 0 : i32
        %dma_wait3A_504 = arith.constant 0 : i32
        %dma_wait3A_505 = tpu.memref_slice %arg10[%dma_wait3A_501, %dma_wait3A_503, %dma_wait3A_504] : memref<4x125x32xf32, #tpu.memory_space<vmem>> -> memref<1x125x32xf32, #tpu.memory_space<vmem>>
        %dma_wait3A_506 = tpu.memref_squeeze %dma_wait3A_505 : memref<1x125x32xf32, #tpu.memory_space<vmem>> -> memref<125x32xf32, #tpu.memory_space<vmem>>
        %dma_wait3A_507 = arith.constant 0 : i32
        %dma_wait3A_508 = tpu.memref_slice %arg9[%sub3A_500, %dma_wait3A_502, %dma_wait3A_507] : memref<2x8x125xi32, #tpu.memory_space<vmem>> -> memref<1x1x125xi32, #tpu.memory_space<vmem>>
        %dma_wait3A_509 = tpu.memref_squeeze %dma_wait3A_508 : memref<1x1x125xi32, #tpu.memory_space<vmem>> -> memref<125xi32, #tpu.memory_space<vmem>>
        %dma_wait3A_510 = arith.constant 0 : i32
        %dma_wait3A_511 = arith.constant 0 : i32
        %dma_wait3A_512 = tpu.memref_slice %arg7[%dma_wait3A_510, %dma_wait3A_511] : memref<50000x32xf32, #tpu.memory_space<vmem_shared>> -> memref<50000x32xf32, #tpu.memory_space<vmem_shared>>
        tpu.wait_indirect_dma semaphore(%arg13 : memref<!tpu.dma_semaphore, #tpu.memory_space<semaphore_mem>>) src(%dma_wait3A_506 : memref<125x32xf32, #tpu.memory_space<vmem>>) dst(%dma_wait3A_512 : memref<50000x32xf32, #tpu.memory_space<vmem_shared>>)
      } else {
      }
      %dma_start3A_223 = arith.constant 2 : i32
      %dma_start3A_224 = arith.constant 2 : i32
      %dma_start3A_225 = arith.constant 0 : i32
      %dma_start3A_226 = arith.constant 0 : i32
      %dma_start3A_227 = tpu.memref_slice %arg10[%dma_start3A_224, %dma_start3A_225, %dma_start3A_226] : memref<4x125x32xf32, #tpu.memory_space<vmem>> -> memref<1x125x32xf32, #tpu.memory_space<vmem>>
      %dma_start3A_228 = tpu.memref_squeeze %dma_start3A_227 : memref<1x125x32xf32, #tpu.memory_space<vmem>> -> memref<125x32xf32, #tpu.memory_space<vmem>>
      %dma_start3A_229 = arith.constant 0 : i32
      %dma_start3A_230 = tpu.memref_slice %arg8[%select_n3A_133, %dma_start3A_223, %dma_start3A_229] : memref<2x8x125xi32, #tpu.memory_space<vmem>> -> memref<1x1x125xi32, #tpu.memory_space<vmem>>
      %dma_start3A_231 = tpu.memref_squeeze %dma_start3A_230 : memref<1x1x125xi32, #tpu.memory_space<vmem>> -> memref<125xi32, #tpu.memory_space<vmem>>
      %dma_start3A_232 = arith.constant 0 : i32
      %dma_start3A_233 = arith.constant 0 : i32
      %dma_start3A_234 = tpu.memref_slice %arg2[%dma_start3A_232, %dma_start3A_233] : memref<100000x32xf32, #tpu.memory_space<hbm>> -> memref<100000x32xf32, #tpu.memory_space<hbm>>
      tpu.enqueue_indirect_dma source(%dma_start3A_234 : memref<100000x32xf32, #tpu.memory_space<hbm>>) target(%dma_start3A_228 : memref<125x32xf32, #tpu.memory_space<vmem>>) offsets(%dma_start3A_231 : memref<125xi32, #tpu.memory_space<vmem>>) semaphore(%arg12 : memref<!tpu.dma_semaphore, #tpu.memory_space<semaphore_mem>>)
      %dma_wait3A_235 = arith.constant 1 : i32
      %dma_wait3A_236 = arith.constant 1 : i32
      %dma_wait3A_237 = arith.constant 0 : i32
      %dma_wait3A_238 = arith.constant 0 : i32
      %dma_wait3A_239 = tpu.memref_slice %arg10[%dma_wait3A_236, %dma_wait3A_237, %dma_wait3A_238] : memref<4x125x32xf32, #tpu.memory_space<vmem>> -> memref<1x125x32xf32, #tpu.memory_space<vmem>>
      %dma_wait3A_240 = tpu.memref_squeeze %dma_wait3A_239 : memref<1x125x32xf32, #tpu.memory_space<vmem>> -> memref<125x32xf32, #tpu.memory_space<vmem>>
      %dma_wait3A_241 = arith.constant 0 : i32
      %dma_wait3A_242 = tpu.memref_slice %arg8[%select_n3A_133, %dma_wait3A_235, %dma_wait3A_241] : memref<2x8x125xi32, #tpu.memory_space<vmem>> -> memref<1x1x125xi32, #tpu.memory_space<vmem>>
      %dma_wait3A_243 = tpu.memref_squeeze %dma_wait3A_242 : memref<1x1x125xi32, #tpu.memory_space<vmem>> -> memref<125xi32, #tpu.memory_space<vmem>>
      %dma_wait3A_244 = arith.constant 0 : i32
      %dma_wait3A_245 = arith.constant 0 : i32
      %dma_wait3A_246 = tpu.memref_slice %arg2[%dma_wait3A_244, %dma_wait3A_245] : memref<100000x32xf32, #tpu.memory_space<hbm>> -> memref<100000x32xf32, #tpu.memory_space<hbm>>
      tpu.wait_indirect_dma semaphore(%arg12 : memref<!tpu.dma_semaphore, #tpu.memory_space<semaphore_mem>>) src(%dma_wait3A_246 : memref<100000x32xf32, #tpu.memory_space<hbm>>) dst(%dma_wait3A_240 : memref<125x32xf32, #tpu.memory_space<vmem>>)
      %dma_start3A_247 = arith.constant 1 : i32
      %dma_start3A_248 = arith.constant 1 : i32
      %dma_start3A_249 = arith.constant 0 : i32
      %dma_start3A_250 = arith.constant 0 : i32
      %dma_start3A_251 = tpu.memref_slice %arg10[%dma_start3A_247, %dma_start3A_249, %dma_start3A_250] : memref<4x125x32xf32, #tpu.memory_space<vmem>> -> memref<1x125x32xf32, #tpu.memory_space<vmem>>
      %dma_start3A_252 = tpu.memref_squeeze %dma_start3A_251 : memref<1x125x32xf32, #tpu.memory_space<vmem>> -> memref<125x32xf32, #tpu.memory_space<vmem>>
      %dma_start3A_253 = arith.constant 0 : i32
      %dma_start3A_254 = tpu.memref_slice %arg9[%select_n3A_133, %dma_start3A_248, %dma_start3A_253] : memref<2x8x125xi32, #tpu.memory_space<vmem>> -> memref<1x1x125xi32, #tpu.memory_space<vmem>>
      %dma_start3A_255 = tpu.memref_squeeze %dma_start3A_254 : memref<1x1x125xi32, #tpu.memory_space<vmem>> -> memref<125xi32, #tpu.memory_space<vmem>>
      %dma_start3A_256 = arith.constant 0 : i32
      %dma_start3A_257 = arith.constant 0 : i32
      %dma_start3A_258 = tpu.memref_slice %arg7[%dma_start3A_256, %dma_start3A_257] : memref<50000x32xf32, #tpu.memory_space<vmem_shared>> -> memref<50000x32xf32, #tpu.memory_space<vmem_shared>>
      tpu.enqueue_indirect_dma source(%dma_start3A_252 : memref<125x32xf32, #tpu.memory_space<vmem>>) target(%dma_start3A_258 : memref<50000x32xf32, #tpu.memory_space<vmem_shared>>) offsets(%dma_start3A_255 : memref<125xi32, #tpu.memory_space<vmem>>) semaphore(%arg13 : memref<!tpu.dma_semaphore, #tpu.memory_space<semaphore_mem>>) {add = true}
      %ge3A_259 = arith.constant 1 : i32
      %ge3A_260 = arith.cmpi sge, %scan3A_123, %ge3A_259 : i32
      %convert_element_type3A_261 = arith.extui %ge3A_260 : i1 to i32
      %cond3A_262 = arith.constant 0 : i32
      %cond3A_263 = arith.cmpi ne, %convert_element_type3A_261, %cond3A_262 : i32
      scf.if %cond3A_263 {
        %sub3A = arith.constant 1 : i32
        %sub3A_500 = arith.subi %sub3A, %select_n3A_133 : i32
        %dma_wait3A_501 = arith.constant 3 : i32
        %dma_wait3A_502 = arith.constant 7 : i32
        %dma_wait3A_503 = arith.constant 0 : i32
        %dma_wait3A_504 = arith.constant 0 : i32
        %dma_wait3A_505 = tpu.memref_slice %arg10[%dma_wait3A_501, %dma_wait3A_503, %dma_wait3A_504] : memref<4x125x32xf32, #tpu.memory_space<vmem>> -> memref<1x125x32xf32, #tpu.memory_space<vmem>>
        %dma_wait3A_506 = tpu.memref_squeeze %dma_wait3A_505 : memref<1x125x32xf32, #tpu.memory_space<vmem>> -> memref<125x32xf32, #tpu.memory_space<vmem>>
        %dma_wait3A_507 = arith.constant 0 : i32
        %dma_wait3A_508 = tpu.memref_slice %arg9[%sub3A_500, %dma_wait3A_502, %dma_wait3A_507] : memref<2x8x125xi32, #tpu.memory_space<vmem>> -> memref<1x1x125xi32, #tpu.memory_space<vmem>>
        %dma_wait3A_509 = tpu.memref_squeeze %dma_wait3A_508 : memref<1x1x125xi32, #tpu.memory_space<vmem>> -> memref<125xi32, #tpu.memory_space<vmem>>
        %dma_wait3A_510 = arith.constant 0 : i32
        %dma_wait3A_511 = arith.constant 0 : i32
        %dma_wait3A_512 = tpu.memref_slice %arg7[%dma_wait3A_510, %dma_wait3A_511] : memref<50000x32xf32, #tpu.memory_space<vmem_shared>> -> memref<50000x32xf32, #tpu.memory_space<vmem_shared>>
        tpu.wait_indirect_dma semaphore(%arg13 : memref<!tpu.dma_semaphore, #tpu.memory_space<semaphore_mem>>) src(%dma_wait3A_506 : memref<125x32xf32, #tpu.memory_space<vmem>>) dst(%dma_wait3A_512 : memref<50000x32xf32, #tpu.memory_space<vmem_shared>>)
      } else {
      }
      %dma_start3A_264 = arith.constant 3 : i32
      %dma_start3A_265 = arith.constant 3 : i32
      %dma_start3A_266 = arith.constant 0 : i32
      %dma_start3A_267 = arith.constant 0 : i32
      %dma_start3A_268 = tpu.memref_slice %arg10[%dma_start3A_265, %dma_start3A_266, %dma_start3A_267] : memref<4x125x32xf32, #tpu.memory_space<vmem>> -> memref<1x125x32xf32, #tpu.memory_space<vmem>>
      %dma_start3A_269 = tpu.memref_squeeze %dma_start3A_268 : memref<1x125x32xf32, #tpu.memory_space<vmem>> -> memref<125x32xf32, #tpu.memory_space<vmem>>
      %dma_start3A_270 = arith.constant 0 : i32
      %dma_start3A_271 = tpu.memref_slice %arg8[%select_n3A_133, %dma_start3A_264, %dma_start3A_270] : memref<2x8x125xi32, #tpu.memory_space<vmem>> -> memref<1x1x125xi32, #tpu.memory_space<vmem>>
      %dma_start3A_272 = tpu.memref_squeeze %dma_start3A_271 : memref<1x1x125xi32, #tpu.memory_space<vmem>> -> memref<125xi32, #tpu.memory_space<vmem>>
      %dma_start3A_273 = arith.constant 0 : i32
      %dma_start3A_274 = arith.constant 0 : i32
      %dma_start3A_275 = tpu.memref_slice %arg2[%dma_start3A_273, %dma_start3A_274] : memref<100000x32xf32, #tpu.memory_space<hbm>> -> memref<100000x32xf32, #tpu.memory_space<hbm>>
      tpu.enqueue_indirect_dma source(%dma_start3A_275 : memref<100000x32xf32, #tpu.memory_space<hbm>>) target(%dma_start3A_269 : memref<125x32xf32, #tpu.memory_space<vmem>>) offsets(%dma_start3A_272 : memref<125xi32, #tpu.memory_space<vmem>>) semaphore(%arg12 : memref<!tpu.dma_semaphore, #tpu.memory_space<semaphore_mem>>)
      %dma_wait3A_276 = arith.constant 2 : i32
      %dma_wait3A_277 = arith.constant 2 : i32
      %dma_wait3A_278 = arith.constant 0 : i32
      %dma_wait3A_279 = arith.constant 0 : i32
      %dma_wait3A_280 = tpu.memref_slice %arg10[%dma_wait3A_277, %dma_wait3A_278, %dma_wait3A_279] : memref<4x125x32xf32, #tpu.memory_space<vmem>> -> memref<1x125x32xf32, #tpu.memory_space<vmem>>
      %dma_wait3A_281 = tpu.memref_squeeze %dma_wait3A_280 : memref<1x125x32xf32, #tpu.memory_space<vmem>> -> memref<125x32xf32, #tpu.memory_space<vmem>>
      %dma_wait3A_282 = arith.constant 0 : i32
      %dma_wait3A_283 = tpu.memref_slice %arg8[%select_n3A_133, %dma_wait3A_276, %dma_wait3A_282] : memref<2x8x125xi32, #tpu.memory_space<vmem>> -> memref<1x1x125xi32, #tpu.memory_space<vmem>>
      %dma_wait3A_284 = tpu.memref_squeeze %dma_wait3A_283 : memref<1x1x125xi32, #tpu.memory_space<vmem>> -> memref<125xi32, #tpu.memory_space<vmem>>
      %dma_wait3A_285 = arith.constant 0 : i32
      %dma_wait3A_286 = arith.constant 0 : i32
      %dma_wait3A_287 = tpu.memref_slice %arg2[%dma_wait3A_285, %dma_wait3A_286] : memref<100000x32xf32, #tpu.memory_space<hbm>> -> memref<100000x32xf32, #tpu.memory_space<hbm>>
      tpu.wait_indirect_dma semaphore(%arg12 : memref<!tpu.dma_semaphore, #tpu.memory_space<semaphore_mem>>) src(%dma_wait3A_287 : memref<100000x32xf32, #tpu.memory_space<hbm>>) dst(%dma_wait3A_281 : memref<125x32xf32, #tpu.memory_space<vmem>>)
      %dma_start3A_288 = arith.constant 2 : i32
      %dma_start3A_289 = arith.constant 2 : i32
      %dma_start3A_290 = arith.constant 0 : i32
      %dma_start3A_291 = arith.constant 0 : i32
      %dma_start3A_292 = tpu.memref_slice %arg10[%dma_start3A_288, %dma_start3A_290, %dma_start3A_291] : memref<4x125x32xf32, #tpu.memory_space<vmem>> -> memref<1x125x32xf32, #tpu.memory_space<vmem>>
      %dma_start3A_293 = tpu.memref_squeeze %dma_start3A_292 : memref<1x125x32xf32, #tpu.memory_space<vmem>> -> memref<125x32xf32, #tpu.memory_space<vmem>>
      %dma_start3A_294 = arith.constant 0 : i32
      %dma_start3A_295 = tpu.memref_slice %arg9[%select_n3A_133, %dma_start3A_289, %dma_start3A_294] : memref<2x8x125xi32, #tpu.memory_space<vmem>> -> memref<1x1x125xi32, #tpu.memory_space<vmem>>
      %dma_start3A_296 = tpu.memref_squeeze %dma_start3A_295 : memref<1x1x125xi32, #tpu.memory_space<vmem>> -> memref<125xi32, #tpu.memory_space<vmem>>
      %dma_start3A_297 = arith.constant 0 : i32
      %dma_start3A_298 = arith.constant 0 : i32
      %dma_start3A_299 = tpu.memref_slice %arg7[%dma_start3A_297, %dma_start3A_298] : memref<50000x32xf32, #tpu.memory_space<vmem_shared>> -> memref<50000x32xf32, #tpu.memory_space<vmem_shared>>
      tpu.enqueue_indirect_dma source(%dma_start3A_293 : memref<125x32xf32, #tpu.memory_space<vmem>>) target(%dma_start3A_299 : memref<50000x32xf32, #tpu.memory_space<vmem_shared>>) offsets(%dma_start3A_296 : memref<125xi32, #tpu.memory_space<vmem>>) semaphore(%arg13 : memref<!tpu.dma_semaphore, #tpu.memory_space<semaphore_mem>>) {add = true}
      %dma_wait3A_300 = arith.constant 0 : i32
      %dma_wait3A_301 = arith.constant 0 : i32
      %dma_wait3A_302 = arith.constant 0 : i32
      %dma_wait3A_303 = arith.constant 0 : i32
      %dma_wait3A_304 = tpu.memref_slice %arg10[%dma_wait3A_300, %dma_wait3A_302, %dma_wait3A_303] : memref<4x125x32xf32, #tpu.memory_space<vmem>> -> memref<1x125x32xf32, #tpu.memory_space<vmem>>
      %dma_wait3A_305 = tpu.memref_squeeze %dma_wait3A_304 : memref<1x125x32xf32, #tpu.memory_space<vmem>> -> memref<125x32xf32, #tpu.memory_space<vmem>>
      %dma_wait3A_306 = arith.constant 0 : i32
      %dma_wait3A_307 = tpu.memref_slice %arg9[%select_n3A_133, %dma_wait3A_301, %dma_wait3A_306] : memref<2x8x125xi32, #tpu.memory_space<vmem>> -> memref<1x1x125xi32, #tpu.memory_space<vmem>>
      %dma_wait3A_308 = tpu.memref_squeeze %dma_wait3A_307 : memref<1x1x125xi32, #tpu.memory_space<vmem>> -> memref<125xi32, #tpu.memory_space<vmem>>
      %dma_wait3A_309 = arith.constant 0 : i32
      %dma_wait3A_310 = arith.constant 0 : i32
      %dma_wait3A_311 = tpu.memref_slice %arg7[%dma_wait3A_309, %dma_wait3A_310] : memref<50000x32xf32, #tpu.memory_space<vmem_shared>> -> memref<50000x32xf32, #tpu.memory_space<vmem_shared>>
      tpu.wait_indirect_dma semaphore(%arg13 : memref<!tpu.dma_semaphore, #tpu.memory_space<semaphore_mem>>) src(%dma_wait3A_305 : memref<125x32xf32, #tpu.memory_space<vmem>>) dst(%dma_wait3A_311 : memref<50000x32xf32, #tpu.memory_space<vmem_shared>>)
      %dma_start3A_312 = arith.constant 4 : i32
      %dma_start3A_313 = arith.constant 0 : i32
      %dma_start3A_314 = arith.constant 0 : i32
      %dma_start3A_315 = arith.constant 0 : i32
      %dma_start3A_316 = tpu.memref_slice %arg10[%dma_start3A_313, %dma_start3A_314, %dma_start3A_315] : memref<4x125x32xf32, #tpu.memory_space<vmem>> -> memref<1x125x32xf32, #tpu.memory_space<vmem>>
      %dma_start3A_317 = tpu.memref_squeeze %dma_start3A_316 : memref<1x125x32xf32, #tpu.memory_space<vmem>> -> memref<125x32xf32, #tpu.memory_space<vmem>>
      %dma_start3A_318 = arith.constant 0 : i32
      %dma_start3A_319 = tpu.memref_slice %arg8[%select_n3A_133, %dma_start3A_312, %dma_start3A_318] : memref<2x8x125xi32, #tpu.memory_space<vmem>> -> memref<1x1x125xi32, #tpu.memory_space<vmem>>
      %dma_start3A_320 = tpu.memref_squeeze %dma_start3A_319 : memref<1x1x125xi32, #tpu.memory_space<vmem>> -> memref<125xi32, #tpu.memory_space<vmem>>
      %dma_start3A_321 = arith.constant 0 : i32
      %dma_start3A_322 = arith.constant 0 : i32
      %dma_start3A_323 = tpu.memref_slice %arg2[%dma_start3A_321, %dma_start3A_322] : memref<100000x32xf32, #tpu.memory_space<hbm>> -> memref<100000x32xf32, #tpu.memory_space<hbm>>
      tpu.enqueue_indirect_dma source(%dma_start3A_323 : memref<100000x32xf32, #tpu.memory_space<hbm>>) target(%dma_start3A_317 : memref<125x32xf32, #tpu.memory_space<vmem>>) offsets(%dma_start3A_320 : memref<125xi32, #tpu.memory_space<vmem>>) semaphore(%arg12 : memref<!tpu.dma_semaphore, #tpu.memory_space<semaphore_mem>>)
      %dma_wait3A_324 = arith.constant 3 : i32
      %dma_wait3A_325 = arith.constant 3 : i32
      %dma_wait3A_326 = arith.constant 0 : i32
      %dma_wait3A_327 = arith.constant 0 : i32
      %dma_wait3A_328 = tpu.memref_slice %arg10[%dma_wait3A_325, %dma_wait3A_326, %dma_wait3A_327] : memref<4x125x32xf32, #tpu.memory_space<vmem>> -> memref<1x125x32xf32, #tpu.memory_space<vmem>>
      %dma_wait3A_329 = tpu.memref_squeeze %dma_wait3A_328 : memref<1x125x32xf32, #tpu.memory_space<vmem>> -> memref<125x32xf32, #tpu.memory_space<vmem>>
      %dma_wait3A_330 = arith.constant 0 : i32
      %dma_wait3A_331 = tpu.memref_slice %arg8[%select_n3A_133, %dma_wait3A_324, %dma_wait3A_330] : memref<2x8x125xi32, #tpu.memory_space<vmem>> -> memref<1x1x125xi32, #tpu.memory_space<vmem>>
      %dma_wait3A_332 = tpu.memref_squeeze %dma_wait3A_331 : memref<1x1x125xi32, #tpu.memory_space<vmem>> -> memref<125xi32, #tpu.memory_space<vmem>>
      %dma_wait3A_333 = arith.constant 0 : i32
      %dma_wait3A_334 = arith.constant 0 : i32
      %dma_wait3A_335 = tpu.memref_slice %arg2[%dma_wait3A_333, %dma_wait3A_334] : memref<100000x32xf32, #tpu.memory_space<hbm>> -> memref<100000x32xf32, #tpu.memory_space<hbm>>
      tpu.wait_indirect_dma semaphore(%arg12 : memref<!tpu.dma_semaphore, #tpu.memory_space<semaphore_mem>>) src(%dma_wait3A_335 : memref<100000x32xf32, #tpu.memory_space<hbm>>) dst(%dma_wait3A_329 : memref<125x32xf32, #tpu.memory_space<vmem>>)
      %dma_start3A_336 = arith.constant 3 : i32
      %dma_start3A_337 = arith.constant 3 : i32
      %dma_start3A_338 = arith.constant 0 : i32
      %dma_start3A_339 = arith.constant 0 : i32
      %dma_start3A_340 = tpu.memref_slice %arg10[%dma_start3A_336, %dma_start3A_338, %dma_start3A_339] : memref<4x125x32xf32, #tpu.memory_space<vmem>> -> memref<1x125x32xf32, #tpu.memory_space<vmem>>
      %dma_start3A_341 = tpu.memref_squeeze %dma_start3A_340 : memref<1x125x32xf32, #tpu.memory_space<vmem>> -> memref<125x32xf32, #tpu.memory_space<vmem>>
      %dma_start3A_342 = arith.constant 0 : i32
      %dma_start3A_343 = tpu.memref_slice %arg9[%select_n3A_133, %dma_start3A_337, %dma_start3A_342] : memref<2x8x125xi32, #tpu.memory_space<vmem>> -> memref<1x1x125xi32, #tpu.memory_space<vmem>>
      %dma_start3A_344 = tpu.memref_squeeze %dma_start3A_343 : memref<1x1x125xi32, #tpu.memory_space<vmem>> -> memref<125xi32, #tpu.memory_space<vmem>>
      %dma_start3A_345 = arith.constant 0 : i32
      %dma_start3A_346 = arith.constant 0 : i32
      %dma_start3A_347 = tpu.memref_slice %arg7[%dma_start3A_345, %dma_start3A_346] : memref<50000x32xf32, #tpu.memory_space<vmem_shared>> -> memref<50000x32xf32, #tpu.memory_space<vmem_shared>>
      tpu.enqueue_indirect_dma source(%dma_start3A_341 : memref<125x32xf32, #tpu.memory_space<vmem>>) target(%dma_start3A_347 : memref<50000x32xf32, #tpu.memory_space<vmem_shared>>) offsets(%dma_start3A_344 : memref<125xi32, #tpu.memory_space<vmem>>) semaphore(%arg13 : memref<!tpu.dma_semaphore, #tpu.memory_space<semaphore_mem>>) {add = true}
      %add3A_348 = arith.constant 1 : i32
      %add3A_349 = arith.addi %scan3A_123, %add3A_348 : i32
      %lt3A_350 = arith.constant 50 : i32
      %lt3A_351 = arith.cmpi slt, %add3A_349, %lt3A_350 : i32
      %convert_element_type3A_352 = arith.extui %lt3A_351 : i1 to i32
      %cond3A_353 = arith.constant 0 : i32
      %cond3A_354 = arith.cmpi ne, %convert_element_type3A_352, %cond3A_353 : i32
      scf.if %cond3A_354 {
        %add3A_500 = arith.constant 1 : i32
        %add3A_501 = arith.addi %scan3A_123, %add3A_500 : i32
        %sub3A = arith.constant 1 : i32
        %sub3A_502 = arith.subi %sub3A, %select_n3A_133 : i32
        %mul3A_503 = arith.constant 8 : i32
        %mul3A_504 = arith.muli %add3A_501, %mul3A_503 : i32
        %add3A_505 = arith.addi %mul3A_4, %mul3A_504 : i32
        %dma_start3A_506 = arith.constant 0 : i32
        %dma_start3A_507 = arith.constant 0 : i32
        %dma_start3A_508 = tpu.memref_slice %arg8[%sub3A_502, %dma_start3A_506, %dma_start3A_507] : memref<2x8x125xi32, #tpu.memory_space<vmem>> -> memref<1x8x125xi32, #tpu.memory_space<vmem>>
        %dma_start3A_509 = tpu.memref_squeeze %dma_start3A_508 : memref<1x8x125xi32, #tpu.memory_space<vmem>> -> memref<8x125xi32, #tpu.memory_space<vmem>>
        %dma_start3A_510 = arith.constant 0 : i32
        %dma_start3A_511 = tpu.memref_slice %arg3[%arg0, %add3A_505, %dma_start3A_510] : memref<2x6400x125xi32, #tpu.memory_space<hbm>> -> memref<1x8x125xi32, #tpu.memory_space<hbm>>
        %dma_start3A_512 = tpu.memref_squeeze %dma_start3A_511 : memref<1x8x125xi32, #tpu.memory_space<hbm>> -> memref<8x125xi32, #tpu.memory_space<hbm>>
        %dma_start3A_513 = arith.constant 0 : i32
        %dma_start3A_514 = arith.constant 0 : i32
        %dma_start3A_515 = tpu.memref_slice %arg8[%sub3A_502, %dma_start3A_513, %dma_start3A_514] : memref<2x8x125xi32, #tpu.memory_space<vmem>> -> memref<1x8x125xi32, #tpu.memory_space<vmem>>
        %dma_start3A_516 = tpu.memref_squeeze %dma_start3A_515 : memref<1x8x125xi32, #tpu.memory_space<vmem>> -> memref<8x125xi32, #tpu.memory_space<vmem>>
        %dma_start3A_517 = arith.constant 0 : i32
        %dma_start3A_518 = tpu.memref_slice %arg3[%arg0, %add3A_505, %dma_start3A_517] : memref<2x6400x125xi32, #tpu.memory_space<hbm>> -> memref<1x8x125xi32, #tpu.memory_space<hbm>>
        %dma_start3A_519 = tpu.memref_squeeze %dma_start3A_518 : memref<1x8x125xi32, #tpu.memory_space<hbm>> -> memref<8x125xi32, #tpu.memory_space<hbm>>
        tpu.enqueue_dma source(%dma_start3A_519 : memref<8x125xi32, #tpu.memory_space<hbm>>) target(%dma_start3A_516 : memref<8x125xi32, #tpu.memory_space<vmem>>) target_semaphore(%arg11 : memref<!tpu.dma_semaphore, #tpu.memory_space<semaphore_mem>>)
        %mul3A_520 = arith.constant 8 : i32
        %mul3A_521 = arith.muli %add3A_501, %mul3A_520 : i32
        %add3A_522 = arith.addi %mul3A_4, %mul3A_521 : i32
        %dma_start3A_523 = arith.constant 0 : i32
        %dma_start3A_524 = arith.constant 0 : i32
        %dma_start3A_525 = tpu.memref_slice %arg9[%sub3A_502, %dma_start3A_523, %dma_start3A_524] : memref<2x8x125xi32, #tpu.memory_space<vmem>> -> memref<1x8x125xi32, #tpu.memory_space<vmem>>
        %dma_start3A_526 = tpu.memref_squeeze %dma_start3A_525 : memref<1x8x125xi32, #tpu.memory_space<vmem>> -> memref<8x125xi32, #tpu.memory_space<vmem>>
        %dma_start3A_527 = arith.constant 0 : i32
        %dma_start3A_528 = tpu.memref_slice %arg4[%add3A_522, %dma_start3A_527] : memref<6400x125xi32, #tpu.memory_space<hbm>> -> memref<8x125xi32, #tpu.memory_space<hbm>>
        %dma_start3A_529 = arith.constant 0 : i32
        %dma_start3A_530 = arith.constant 0 : i32
        %dma_start3A_531 = tpu.memref_slice %arg9[%sub3A_502, %dma_start3A_529, %dma_start3A_530] : memref<2x8x125xi32, #tpu.memory_space<vmem>> -> memref<1x8x125xi32, #tpu.memory_space<vmem>>
        %dma_start3A_532 = tpu.memref_squeeze %dma_start3A_531 : memref<1x8x125xi32, #tpu.memory_space<vmem>> -> memref<8x125xi32, #tpu.memory_space<vmem>>
        %dma_start3A_533 = arith.constant 0 : i32
        %dma_start3A_534 = tpu.memref_slice %arg4[%add3A_522, %dma_start3A_533] : memref<6400x125xi32, #tpu.memory_space<hbm>> -> memref<8x125xi32, #tpu.memory_space<hbm>>
        tpu.enqueue_dma source(%dma_start3A_534 : memref<8x125xi32, #tpu.memory_space<hbm>>) target(%dma_start3A_532 : memref<8x125xi32, #tpu.memory_space<vmem>>) target_semaphore(%arg11 : memref<!tpu.dma_semaphore, #tpu.memory_space<semaphore_mem>>)
      } else {
      }
      %dma_wait3A_355 = arith.constant 1 : i32
      %dma_wait3A_356 = arith.constant 1 : i32
      %dma_wait3A_357 = arith.constant 0 : i32
      %dma_wait3A_358 = arith.constant 0 : i32
      %dma_wait3A_359 = tpu.memref_slice %arg10[%dma_wait3A_355, %dma_wait3A_357, %dma_wait3A_358] : memref<4x125x32xf32, #tpu.memory_space<vmem>> -> memref<1x125x32xf32, #tpu.memory_space<vmem>>
      %dma_wait3A_360 = tpu.memref_squeeze %dma_wait3A_359 : memref<1x125x32xf32, #tpu.memory_space<vmem>> -> memref<125x32xf32, #tpu.memory_space<vmem>>
      %dma_wait3A_361 = arith.constant 0 : i32
      %dma_wait3A_362 = tpu.memref_slice %arg9[%select_n3A_133, %dma_wait3A_356, %dma_wait3A_361] : memref<2x8x125xi32, #tpu.memory_space<vmem>> -> memref<1x1x125xi32, #tpu.memory_space<vmem>>
      %dma_wait3A_363 = tpu.memref_squeeze %dma_wait3A_362 : memref<1x1x125xi32, #tpu.memory_space<vmem>> -> memref<125xi32, #tpu.memory_space<vmem>>
      %dma_wait3A_364 = arith.constant 0 : i32
      %dma_wait3A_365 = arith.constant 0 : i32
      %dma_wait3A_366 = tpu.memref_slice %arg7[%dma_wait3A_364, %dma_wait3A_365] : memref<50000x32xf32, #tpu.memory_space<vmem_shared>> -> memref<50000x32xf32, #tpu.memory_space<vmem_shared>>
      tpu.wait_indirect_dma semaphore(%arg13 : memref<!tpu.dma_semaphore, #tpu.memory_space<semaphore_mem>>) src(%dma_wait3A_360 : memref<125x32xf32, #tpu.memory_space<vmem>>) dst(%dma_wait3A_366 : memref<50000x32xf32, #tpu.memory_space<vmem_shared>>)
      %dma_start3A_367 = arith.constant 5 : i32
      %dma_start3A_368 = arith.constant 1 : i32
      %dma_start3A_369 = arith.constant 0 : i32
      %dma_start3A_370 = arith.constant 0 : i32
      %dma_start3A_371 = tpu.memref_slice %arg10[%dma_start3A_368, %dma_start3A_369, %dma_start3A_370] : memref<4x125x32xf32, #tpu.memory_space<vmem>> -> memref<1x125x32xf32, #tpu.memory_space<vmem>>
      %dma_start3A_372 = tpu.memref_squeeze %dma_start3A_371 : memref<1x125x32xf32, #tpu.memory_space<vmem>> -> memref<125x32xf32, #tpu.memory_space<vmem>>
      %dma_start3A_373 = arith.constant 0 : i32
      %dma_start3A_374 = tpu.memref_slice %arg8[%select_n3A_133, %dma_start3A_367, %dma_start3A_373] : memref<2x8x125xi32, #tpu.memory_space<vmem>> -> memref<1x1x125xi32, #tpu.memory_space<vmem>>
      %dma_start3A_375 = tpu.memref_squeeze %dma_start3A_374 : memref<1x1x125xi32, #tpu.memory_space<vmem>> -> memref<125xi32, #tpu.memory_space<vmem>>
      %dma_start3A_376 = arith.constant 0 : i32
      %dma_start3A_377 = arith.constant 0 : i32
      %dma_start3A_378 = tpu.memref_slice %arg2[%dma_start3A_376, %dma_start3A_377] : memref<100000x32xf32, #tpu.memory_space<hbm>> -> memref<100000x32xf32, #tpu.memory_space<hbm>>
      tpu.enqueue_indirect_dma source(%dma_start3A_378 : memref<100000x32xf32, #tpu.memory_space<hbm>>) target(%dma_start3A_372 : memref<125x32xf32, #tpu.memory_space<vmem>>) offsets(%dma_start3A_375 : memref<125xi32, #tpu.memory_space<vmem>>) semaphore(%arg12 : memref<!tpu.dma_semaphore, #tpu.memory_space<semaphore_mem>>)
      %dma_wait3A_379 = arith.constant 4 : i32
      %dma_wait3A_380 = arith.constant 0 : i32
      %dma_wait3A_381 = arith.constant 0 : i32
      %dma_wait3A_382 = arith.constant 0 : i32
      %dma_wait3A_383 = tpu.memref_slice %arg10[%dma_wait3A_380, %dma_wait3A_381, %dma_wait3A_382] : memref<4x125x32xf32, #tpu.memory_space<vmem>> -> memref<1x125x32xf32, #tpu.memory_space<vmem>>
      %dma_wait3A_384 = tpu.memref_squeeze %dma_wait3A_383 : memref<1x125x32xf32, #tpu.memory_space<vmem>> -> memref<125x32xf32, #tpu.memory_space<vmem>>
      %dma_wait3A_385 = arith.constant 0 : i32
      %dma_wait3A_386 = tpu.memref_slice %arg8[%select_n3A_133, %dma_wait3A_379, %dma_wait3A_385] : memref<2x8x125xi32, #tpu.memory_space<vmem>> -> memref<1x1x125xi32, #tpu.memory_space<vmem>>
      %dma_wait3A_387 = tpu.memref_squeeze %dma_wait3A_386 : memref<1x1x125xi32, #tpu.memory_space<vmem>> -> memref<125xi32, #tpu.memory_space<vmem>>
      %dma_wait3A_388 = arith.constant 0 : i32
      %dma_wait3A_389 = arith.constant 0 : i32
      %dma_wait3A_390 = tpu.memref_slice %arg2[%dma_wait3A_388, %dma_wait3A_389] : memref<100000x32xf32, #tpu.memory_space<hbm>> -> memref<100000x32xf32, #tpu.memory_space<hbm>>
      tpu.wait_indirect_dma semaphore(%arg12 : memref<!tpu.dma_semaphore, #tpu.memory_space<semaphore_mem>>) src(%dma_wait3A_390 : memref<100000x32xf32, #tpu.memory_space<hbm>>) dst(%dma_wait3A_384 : memref<125x32xf32, #tpu.memory_space<vmem>>)
      %dma_start3A_391 = arith.constant 0 : i32
      %dma_start3A_392 = arith.constant 4 : i32
      %dma_start3A_393 = arith.constant 0 : i32
      %dma_start3A_394 = arith.constant 0 : i32
      %dma_start3A_395 = tpu.memref_slice %arg10[%dma_start3A_391, %dma_start3A_393, %dma_start3A_394] : memref<4x125x32xf32, #tpu.memory_space<vmem>> -> memref<1x125x32xf32, #tpu.memory_space<vmem>>
      %dma_start3A_396 = tpu.memref_squeeze %dma_start3A_395 : memref<1x125x32xf32, #tpu.memory_space<vmem>> -> memref<125x32xf32, #tpu.memory_space<vmem>>
      %dma_start3A_397 = arith.constant 0 : i32
      %dma_start3A_398 = tpu.memref_slice %arg9[%select_n3A_133, %dma_start3A_392, %dma_start3A_397] : memref<2x8x125xi32, #tpu.memory_space<vmem>> -> memref<1x1x125xi32, #tpu.memory_space<vmem>>
      %dma_start3A_399 = tpu.memref_squeeze %dma_start3A_398 : memref<1x1x125xi32, #tpu.memory_space<vmem>> -> memref<125xi32, #tpu.memory_space<vmem>>
      %dma_start3A_400 = arith.constant 0 : i32
      %dma_start3A_401 = arith.constant 0 : i32
      %dma_start3A_402 = tpu.memref_slice %arg7[%dma_start3A_400, %dma_start3A_401] : memref<50000x32xf32, #tpu.memory_space<vmem_shared>> -> memref<50000x32xf32, #tpu.memory_space<vmem_shared>>
      tpu.enqueue_indirect_dma source(%dma_start3A_396 : memref<125x32xf32, #tpu.memory_space<vmem>>) target(%dma_start3A_402 : memref<50000x32xf32, #tpu.memory_space<vmem_shared>>) offsets(%dma_start3A_399 : memref<125xi32, #tpu.memory_space<vmem>>) semaphore(%arg13 : memref<!tpu.dma_semaphore, #tpu.memory_space<semaphore_mem>>) {add = true}
      %dma_wait3A_403 = arith.constant 2 : i32
      %dma_wait3A_404 = arith.constant 2 : i32
      %dma_wait3A_405 = arith.constant 0 : i32
      %dma_wait3A_406 = arith.constant 0 : i32
      %dma_wait3A_407 = tpu.memref_slice %arg10[%dma_wait3A_403, %dma_wait3A_405, %dma_wait3A_406] : memref<4x125x32xf32, #tpu.memory_space<vmem>> -> memref<1x125x32xf32, #tpu.memory_space<vmem>>
      %dma_wait3A_408 = tpu.memref_squeeze %dma_wait3A_407 : memref<1x125x32xf32, #tpu.memory_space<vmem>> -> memref<125x32xf32, #tpu.memory_space<vmem>>
      %dma_wait3A_409 = arith.constant 0 : i32
      %dma_wait3A_410 = tpu.memref_slice %arg9[%select_n3A_133, %dma_wait3A_404, %dma_wait3A_409] : memref<2x8x125xi32, #tpu.memory_space<vmem>> -> memref<1x1x125xi32, #tpu.memory_space<vmem>>
      %dma_wait3A_411 = tpu.memref_squeeze %dma_wait3A_410 : memref<1x1x125xi32, #tpu.memory_space<vmem>> -> memref<125xi32, #tpu.memory_space<vmem>>
      %dma_wait3A_412 = arith.constant 0 : i32
      %dma_wait3A_413 = arith.constant 0 : i32
      %dma_wait3A_414 = tpu.memref_slice %arg7[%dma_wait3A_412, %dma_wait3A_413] : memref<50000x32xf32, #tpu.memory_space<vmem_shared>> -> memref<50000x32xf32, #tpu.memory_space<vmem_shared>>
      tpu.wait_indirect_dma semaphore(%arg13 : memref<!tpu.dma_semaphore, #tpu.memory_space<semaphore_mem>>) src(%dma_wait3A_408 : memref<125x32xf32, #tpu.memory_space<vmem>>) dst(%dma_wait3A_414 : memref<50000x32xf32, #tpu.memory_space<vmem_shared>>)
      %dma_start3A_415 = arith.constant 6 : i32
      %dma_start3A_416 = arith.constant 2 : i32
      %dma_start3A_417 = arith.constant 0 : i32
      %dma_start3A_418 = arith.constant 0 : i32
      %dma_start3A_419 = tpu.memref_slice %arg10[%dma_start3A_416, %dma_start3A_417, %dma_start3A_418] : memref<4x125x32xf32, #tpu.memory_space<vmem>> -> memref<1x125x32xf32, #tpu.memory_space<vmem>>
      %dma_start3A_420 = tpu.memref_squeeze %dma_start3A_419 : memref<1x125x32xf32, #tpu.memory_space<vmem>> -> memref<125x32xf32, #tpu.memory_space<vmem>>
      %dma_start3A_421 = arith.constant 0 : i32
      %dma_start3A_422 = tpu.memref_slice %arg8[%select_n3A_133, %dma_start3A_415, %dma_start3A_421] : memref<2x8x125xi32, #tpu.memory_space<vmem>> -> memref<1x1x125xi32, #tpu.memory_space<vmem>>
      %dma_start3A_423 = tpu.memref_squeeze %dma_start3A_422 : memref<1x1x125xi32, #tpu.memory_space<vmem>> -> memref<125xi32, #tpu.memory_space<vmem>>
      %dma_start3A_424 = arith.constant 0 : i32
      %dma_start3A_425 = arith.constant 0 : i32
      %dma_start3A_426 = tpu.memref_slice %arg2[%dma_start3A_424, %dma_start3A_425] : memref<100000x32xf32, #tpu.memory_space<hbm>> -> memref<100000x32xf32, #tpu.memory_space<hbm>>
      tpu.enqueue_indirect_dma source(%dma_start3A_426 : memref<100000x32xf32, #tpu.memory_space<hbm>>) target(%dma_start3A_420 : memref<125x32xf32, #tpu.memory_space<vmem>>) offsets(%dma_start3A_423 : memref<125xi32, #tpu.memory_space<vmem>>) semaphore(%arg12 : memref<!tpu.dma_semaphore, #tpu.memory_space<semaphore_mem>>)
      %dma_wait3A_427 = arith.constant 5 : i32
      %dma_wait3A_428 = arith.constant 1 : i32
      %dma_wait3A_429 = arith.constant 0 : i32
      %dma_wait3A_430 = arith.constant 0 : i32
      %dma_wait3A_431 = tpu.memref_slice %arg10[%dma_wait3A_428, %dma_wait3A_429, %dma_wait3A_430] : memref<4x125x32xf32, #tpu.memory_space<vmem>> -> memref<1x125x32xf32, #tpu.memory_space<vmem>>
      %dma_wait3A_432 = tpu.memref_squeeze %dma_wait3A_431 : memref<1x125x32xf32, #tpu.memory_space<vmem>> -> memref<125x32xf32, #tpu.memory_space<vmem>>
      %dma_wait3A_433 = arith.constant 0 : i32
      %dma_wait3A_434 = tpu.memref_slice %arg8[%select_n3A_133, %dma_wait3A_427, %dma_wait3A_433] : memref<2x8x125xi32, #tpu.memory_space<vmem>> -> memref<1x1x125xi32, #tpu.memory_space<vmem>>
      %dma_wait3A_435 = tpu.memref_squeeze %dma_wait3A_434 : memref<1x1x125xi32, #tpu.memory_space<vmem>> -> memref<125xi32, #tpu.memory_space<vmem>>
      %dma_wait3A_436 = arith.constant 0 : i32
      %dma_wait3A_437 = arith.constant 0 : i32
      %dma_wait3A_438 = tpu.memref_slice %arg2[%dma_wait3A_436, %dma_wait3A_437] : memref<100000x32xf32, #tpu.memory_space<hbm>> -> memref<100000x32xf32, #tpu.memory_space<hbm>>
      tpu.wait_indirect_dma semaphore(%arg12 : memref<!tpu.dma_semaphore, #tpu.memory_space<semaphore_mem>>) src(%dma_wait3A_438 : memref<100000x32xf32, #tpu.memory_space<hbm>>) dst(%dma_wait3A_432 : memref<125x32xf32, #tpu.memory_space<vmem>>)
      %dma_start3A_439 = arith.constant 1 : i32
      %dma_start3A_440 = arith.constant 5 : i32
      %dma_start3A_441 = arith.constant 0 : i32
      %dma_start3A_442 = arith.constant 0 : i32
      %dma_start3A_443 = tpu.memref_slice %arg10[%dma_start3A_439, %dma_start3A_441, %dma_start3A_442] : memref<4x125x32xf32, #tpu.memory_space<vmem>> -> memref<1x125x32xf32, #tpu.memory_space<vmem>>
      %dma_start3A_444 = tpu.memref_squeeze %dma_start3A_443 : memref<1x125x32xf32, #tpu.memory_space<vmem>> -> memref<125x32xf32, #tpu.memory_space<vmem>>
      %dma_start3A_445 = arith.constant 0 : i32
      %dma_start3A_446 = tpu.memref_slice %arg9[%select_n3A_133, %dma_start3A_440, %dma_start3A_445] : memref<2x8x125xi32, #tpu.memory_space<vmem>> -> memref<1x1x125xi32, #tpu.memory_space<vmem>>
      %dma_start3A_447 = tpu.memref_squeeze %dma_start3A_446 : memref<1x1x125xi32, #tpu.memory_space<vmem>> -> memref<125xi32, #tpu.memory_space<vmem>>
      %dma_start3A_448 = arith.constant 0 : i32
      %dma_start3A_449 = arith.constant 0 : i32
      %dma_start3A_450 = tpu.memref_slice %arg7[%dma_start3A_448, %dma_start3A_449] : memref<50000x32xf32, #tpu.memory_space<vmem_shared>> -> memref<50000x32xf32, #tpu.memory_space<vmem_shared>>
      tpu.enqueue_indirect_dma source(%dma_start3A_444 : memref<125x32xf32, #tpu.memory_space<vmem>>) target(%dma_start3A_450 : memref<50000x32xf32, #tpu.memory_space<vmem_shared>>) offsets(%dma_start3A_447 : memref<125xi32, #tpu.memory_space<vmem>>) semaphore(%arg13 : memref<!tpu.dma_semaphore, #tpu.memory_space<semaphore_mem>>) {add = true}
      %dma_wait3A_451 = arith.constant 3 : i32
      %dma_wait3A_452 = arith.constant 3 : i32
      %dma_wait3A_453 = arith.constant 0 : i32
      %dma_wait3A_454 = arith.constant 0 : i32
      %dma_wait3A_455 = tpu.memref_slice %arg10[%dma_wait3A_451, %dma_wait3A_453, %dma_wait3A_454] : memref<4x125x32xf32, #tpu.memory_space<vmem>> -> memref<1x125x32xf32, #tpu.memory_space<vmem>>
      %dma_wait3A_456 = tpu.memref_squeeze %dma_wait3A_455 : memref<1x125x32xf32, #tpu.memory_space<vmem>> -> memref<125x32xf32, #tpu.memory_space<vmem>>
      %dma_wait3A_457 = arith.constant 0 : i32
      %dma_wait3A_458 = tpu.memref_slice %arg9[%select_n3A_133, %dma_wait3A_452, %dma_wait3A_457] : memref<2x8x125xi32, #tpu.memory_space<vmem>> -> memref<1x1x125xi32, #tpu.memory_space<vmem>>
      %dma_wait3A_459 = tpu.memref_squeeze %dma_wait3A_458 : memref<1x1x125xi32, #tpu.memory_space<vmem>> -> memref<125xi32, #tpu.memory_space<vmem>>
      %dma_wait3A_460 = arith.constant 0 : i32
      %dma_wait3A_461 = arith.constant 0 : i32
      %dma_wait3A_462 = tpu.memref_slice %arg7[%dma_wait3A_460, %dma_wait3A_461] : memref<50000x32xf32, #tpu.memory_space<vmem_shared>> -> memref<50000x32xf32, #tpu.memory_space<vmem_shared>>
      tpu.wait_indirect_dma semaphore(%arg13 : memref<!tpu.dma_semaphore, #tpu.memory_space<semaphore_mem>>) src(%dma_wait3A_456 : memref<125x32xf32, #tpu.memory_space<vmem>>) dst(%dma_wait3A_462 : memref<50000x32xf32, #tpu.memory_space<vmem_shared>>)
      %dma_start3A_463 = arith.constant 7 : i32
      %dma_start3A_464 = arith.constant 3 : i32
      %dma_start3A_465 = arith.constant 0 : i32
      %dma_start3A_466 = arith.constant 0 : i32
      %dma_start3A_467 = tpu.memref_slice %arg10[%dma_start3A_464, %dma_start3A_465, %dma_start3A_466] : memref<4x125x32xf32, #tpu.memory_space<vmem>> -> memref<1x125x32xf32, #tpu.memory_space<vmem>>
      %dma_start3A_468 = tpu.memref_squeeze %dma_start3A_467 : memref<1x125x32xf32, #tpu.memory_space<vmem>> -> memref<125x32xf32, #tpu.memory_space<vmem>>
      %dma_start3A_469 = arith.constant 0 : i32
      %dma_start3A_470 = tpu.memref_slice %arg8[%select_n3A_133, %dma_start3A_463, %dma_start3A_469] : memref<2x8x125xi32, #tpu.memory_space<vmem>> -> memref<1x1x125xi32, #tpu.memory_space<vmem>>
      %dma_start3A_471 = tpu.memref_squeeze %dma_start3A_470 : memref<1x1x125xi32, #tpu.memory_space<vmem>> -> memref<125xi32, #tpu.memory_space<vmem>>
      %dma_start3A_472 = arith.constant 0 : i32
      %dma_start3A_473 = arith.constant 0 : i32
      %dma_start3A_474 = tpu.memref_slice %arg2[%dma_start3A_472, %dma_start3A_473] : memref<100000x32xf32, #tpu.memory_space<hbm>> -> memref<100000x32xf32, #tpu.memory_space<hbm>>
      tpu.enqueue_indirect_dma source(%dma_start3A_474 : memref<100000x32xf32, #tpu.memory_space<hbm>>) target(%dma_start3A_468 : memref<125x32xf32, #tpu.memory_space<vmem>>) offsets(%dma_start3A_471 : memref<125xi32, #tpu.memory_space<vmem>>) semaphore(%arg12 : memref<!tpu.dma_semaphore, #tpu.memory_space<semaphore_mem>>)
      %dma_wait3A_475 = arith.constant 6 : i32
      %dma_wait3A_476 = arith.constant 2 : i32
      %dma_wait3A_477 = arith.constant 0 : i32
      %dma_wait3A_478 = arith.constant 0 : i32
      %dma_wait3A_479 = tpu.memref_slice %arg10[%dma_wait3A_476, %dma_wait3A_477, %dma_wait3A_478] : memref<4x125x32xf32, #tpu.memory_space<vmem>> -> memref<1x125x32xf32, #tpu.memory_space<vmem>>
      %dma_wait3A_480 = tpu.memref_squeeze %dma_wait3A_479 : memref<1x125x32xf32, #tpu.memory_space<vmem>> -> memref<125x32xf32, #tpu.memory_space<vmem>>
      %dma_wait3A_481 = arith.constant 0 : i32
      %dma_wait3A_482 = tpu.memref_slice %arg8[%select_n3A_133, %dma_wait3A_475, %dma_wait3A_481] : memref<2x8x125xi32, #tpu.memory_space<vmem>> -> memref<1x1x125xi32, #tpu.memory_space<vmem>>
      %dma_wait3A_483 = tpu.memref_squeeze %dma_wait3A_482 : memref<1x1x125xi32, #tpu.memory_space<vmem>> -> memref<125xi32, #tpu.memory_space<vmem>>
      %dma_wait3A_484 = arith.constant 0 : i32
      %dma_wait3A_485 = arith.constant 0 : i32
      %dma_wait3A_486 = tpu.memref_slice %arg2[%dma_wait3A_484, %dma_wait3A_485] : memref<100000x32xf32, #tpu.memory_space<hbm>> -> memref<100000x32xf32, #tpu.memory_space<hbm>>
      tpu.wait_indirect_dma semaphore(%arg12 : memref<!tpu.dma_semaphore, #tpu.memory_space<semaphore_mem>>) src(%dma_wait3A_486 : memref<100000x32xf32, #tpu.memory_space<hbm>>) dst(%dma_wait3A_480 : memref<125x32xf32, #tpu.memory_space<vmem>>)
      %dma_start3A_487 = arith.constant 2 : i32
      %dma_start3A_488 = arith.constant 6 : i32
      %dma_start3A_489 = arith.constant 0 : i32
      %dma_start3A_490 = arith.constant 0 : i32
      %dma_start3A_491 = tpu.memref_slice %arg10[%dma_start3A_487, %dma_start3A_489, %dma_start3A_490] : memref<4x125x32xf32, #tpu.memory_space<vmem>> -> memref<1x125x32xf32, #tpu.memory_space<vmem>>
      %dma_start3A_492 = tpu.memref_squeeze %dma_start3A_491 : memref<1x125x32xf32, #tpu.memory_space<vmem>> -> memref<125x32xf32, #tpu.memory_space<vmem>>
      %dma_start3A_493 = arith.constant 0 : i32
      %dma_start3A_494 = tpu.memref_slice %arg9[%select_n3A_133, %dma_start3A_488, %dma_start3A_493] : memref<2x8x125xi32, #tpu.memory_space<vmem>> -> memref<1x1x125xi32, #tpu.memory_space<vmem>>
      %dma_start3A_495 = tpu.memref_squeeze %dma_start3A_494 : memref<1x1x125xi32, #tpu.memory_space<vmem>> -> memref<125xi32, #tpu.memory_space<vmem>>
      %dma_start3A_496 = arith.constant 0 : i32
      %dma_start3A_497 = arith.constant 0 : i32
      %dma_start3A_498 = tpu.memref_slice %arg7[%dma_start3A_496, %dma_start3A_497] : memref<50000x32xf32, #tpu.memory_space<vmem_shared>> -> memref<50000x32xf32, #tpu.memory_space<vmem_shared>>
      tpu.enqueue_indirect_dma source(%dma_start3A_492 : memref<125x32xf32, #tpu.memory_space<vmem>>) target(%dma_start3A_498 : memref<50000x32xf32, #tpu.memory_space<vmem_shared>>) offsets(%dma_start3A_495 : memref<125xi32, #tpu.memory_space<vmem>>) semaphore(%arg13 : memref<!tpu.dma_semaphore, #tpu.memory_space<semaphore_mem>>) {add = true}
      %scan3A_499 = arith.constant 0 : i32
      scf.yield %scan3A_499 : i32
    }
    %scan3A_40 = arith.constant 50 : i32
    %dma_wait3A = arith.constant 1 : i32
    %dma_wait3A_41 = arith.constant 7 : i32
    %dma_wait3A_42 = arith.constant 3 : i32
    %dma_wait3A_43 = arith.constant 0 : i32
    %dma_wait3A_44 = arith.constant 0 : i32
    %dma_wait3A_45 = tpu.memref_slice %arg10[%dma_wait3A_42, %dma_wait3A_43, %dma_wait3A_44] : memref<4x125x32xf32, #tpu.memory_space<vmem>> -> memref<1x125x32xf32, #tpu.memory_space<vmem>>
    %dma_wait3A_46 = tpu.memref_squeeze %dma_wait3A_45 : memref<1x125x32xf32, #tpu.memory_space<vmem>> -> memref<125x32xf32, #tpu.memory_space<vmem>>
    %dma_wait3A_47 = arith.constant 0 : i32
    %dma_wait3A_48 = tpu.memref_slice %arg8[%dma_wait3A, %dma_wait3A_41, %dma_wait3A_47] : memref<2x8x125xi32, #tpu.memory_space<vmem>> -> memref<1x1x125xi32, #tpu.memory_space<vmem>>
    %dma_wait3A_49 = tpu.memref_squeeze %dma_wait3A_48 : memref<1x1x125xi32, #tpu.memory_space<vmem>> -> memref<125xi32, #tpu.memory_space<vmem>>
    %dma_wait3A_50 = arith.constant 0 : i32
    %dma_wait3A_51 = arith.constant 0 : i32
    %dma_wait3A_52 = tpu.memref_slice %arg2[%dma_wait3A_50, %dma_wait3A_51] : memref<100000x32xf32, #tpu.memory_space<hbm>> -> memref<100000x32xf32, #tpu.memory_space<hbm>>
    tpu.wait_indirect_dma semaphore(%arg12 : memref<!tpu.dma_semaphore, #tpu.memory_space<semaphore_mem>>) src(%dma_wait3A_52 : memref<100000x32xf32, #tpu.memory_space<hbm>>) dst(%dma_wait3A_46 : memref<125x32xf32, #tpu.memory_space<vmem>>)
    %dma_start3A_53 = arith.constant 3 : i32
    %dma_start3A_54 = arith.constant 1 : i32
    %dma_start3A_55 = arith.constant 7 : i32
    %dma_start3A_56 = arith.constant 0 : i32
    %dma_start3A_57 = arith.constant 0 : i32
    %dma_start3A_58 = tpu.memref_slice %arg10[%dma_start3A_53, %dma_start3A_56, %dma_start3A_57] : memref<4x125x32xf32, #tpu.memory_space<vmem>> -> memref<1x125x32xf32, #tpu.memory_space<vmem>>
    %dma_start3A_59 = tpu.memref_squeeze %dma_start3A_58 : memref<1x125x32xf32, #tpu.memory_space<vmem>> -> memref<125x32xf32, #tpu.memory_space<vmem>>
    %dma_start3A_60 = arith.constant 0 : i32
    %dma_start3A_61 = tpu.memref_slice %arg9[%dma_start3A_54, %dma_start3A_55, %dma_start3A_60] : memref<2x8x125xi32, #tpu.memory_space<vmem>> -> memref<1x1x125xi32, #tpu.memory_space<vmem>>
    %dma_start3A_62 = tpu.memref_squeeze %dma_start3A_61 : memref<1x1x125xi32, #tpu.memory_space<vmem>> -> memref<125xi32, #tpu.memory_space<vmem>>
    %dma_start3A_63 = arith.constant 0 : i32
    %dma_start3A_64 = arith.constant 0 : i32
    %dma_start3A_65 = tpu.memref_slice %arg7[%dma_start3A_63, %dma_start3A_64] : memref<50000x32xf32, #tpu.memory_space<vmem_shared>> -> memref<50000x32xf32, #tpu.memory_space<vmem_shared>>
    tpu.enqueue_indirect_dma source(%dma_start3A_59 : memref<125x32xf32, #tpu.memory_space<vmem>>) target(%dma_start3A_65 : memref<50000x32xf32, #tpu.memory_space<vmem_shared>>) offsets(%dma_start3A_62 : memref<125xi32, #tpu.memory_space<vmem>>) semaphore(%arg13 : memref<!tpu.dma_semaphore, #tpu.memory_space<semaphore_mem>>) {add = true}
    %dma_wait3A_66 = arith.constant 0 : i32
    %dma_wait3A_67 = arith.constant 1 : i32
    %dma_wait3A_68 = arith.constant 4 : i32
    %dma_wait3A_69 = arith.constant 0 : i32
    %dma_wait3A_70 = arith.constant 0 : i32
    %dma_wait3A_71 = tpu.memref_slice %arg10[%dma_wait3A_66, %dma_wait3A_69, %dma_wait3A_70] : memref<4x125x32xf32, #tpu.memory_space<vmem>> -> memref<1x125x32xf32, #tpu.memory_space<vmem>>
    %dma_wait3A_72 = tpu.memref_squeeze %dma_wait3A_71 : memref<1x125x32xf32, #tpu.memory_space<vmem>> -> memref<125x32xf32, #tpu.memory_space<vmem>>
    %dma_wait3A_73 = arith.constant 0 : i32
    %dma_wait3A_74 = tpu.memref_slice %arg9[%dma_wait3A_67, %dma_wait3A_68, %dma_wait3A_73] : memref<2x8x125xi32, #tpu.memory_space<vmem>> -> memref<1x1x125xi32, #tpu.memory_space<vmem>>
    %dma_wait3A_75 = tpu.memref_squeeze %dma_wait3A_74 : memref<1x1x125xi32, #tpu.memory_space<vmem>> -> memref<125xi32, #tpu.memory_space<vmem>>
    %dma_wait3A_76 = arith.constant 0 : i32
    %dma_wait3A_77 = arith.constant 0 : i32
    %dma_wait3A_78 = tpu.memref_slice %arg7[%dma_wait3A_76, %dma_wait3A_77] : memref<50000x32xf32, #tpu.memory_space<vmem_shared>> -> memref<50000x32xf32, #tpu.memory_space<vmem_shared>>
    tpu.wait_indirect_dma semaphore(%arg13 : memref<!tpu.dma_semaphore, #tpu.memory_space<semaphore_mem>>) src(%dma_wait3A_72 : memref<125x32xf32, #tpu.memory_space<vmem>>) dst(%dma_wait3A_78 : memref<50000x32xf32, #tpu.memory_space<vmem_shared>>)
    %dma_wait3A_79 = arith.constant 1 : i32
    %dma_wait3A_80 = arith.constant 1 : i32
    %dma_wait3A_81 = arith.constant 5 : i32
    %dma_wait3A_82 = arith.constant 0 : i32
    %dma_wait3A_83 = arith.constant 0 : i32
    %dma_wait3A_84 = tpu.memref_slice %arg10[%dma_wait3A_79, %dma_wait3A_82, %dma_wait3A_83] : memref<4x125x32xf32, #tpu.memory_space<vmem>> -> memref<1x125x32xf32, #tpu.memory_space<vmem>>
    %dma_wait3A_85 = tpu.memref_squeeze %dma_wait3A_84 : memref<1x125x32xf32, #tpu.memory_space<vmem>> -> memref<125x32xf32, #tpu.memory_space<vmem>>
    %dma_wait3A_86 = arith.constant 0 : i32
    %dma_wait3A_87 = tpu.memref_slice %arg9[%dma_wait3A_80, %dma_wait3A_81, %dma_wait3A_86] : memref<2x8x125xi32, #tpu.memory_space<vmem>> -> memref<1x1x125xi32, #tpu.memory_space<vmem>>
    %dma_wait3A_88 = tpu.memref_squeeze %dma_wait3A_87 : memref<1x1x125xi32, #tpu.memory_space<vmem>> -> memref<125xi32, #tpu.memory_space<vmem>>
    %dma_wait3A_89 = arith.constant 0 : i32
    %dma_wait3A_90 = arith.constant 0 : i32
    %dma_wait3A_91 = tpu.memref_slice %arg7[%dma_wait3A_89, %dma_wait3A_90] : memref<50000x32xf32, #tpu.memory_space<vmem_shared>> -> memref<50000x32xf32, #tpu.memory_space<vmem_shared>>
    tpu.wait_indirect_dma semaphore(%arg13 : memref<!tpu.dma_semaphore, #tpu.memory_space<semaphore_mem>>) src(%dma_wait3A_85 : memref<125x32xf32, #tpu.memory_space<vmem>>) dst(%dma_wait3A_91 : memref<50000x32xf32, #tpu.memory_space<vmem_shared>>)
    %dma_wait3A_92 = arith.constant 2 : i32
    %dma_wait3A_93 = arith.constant 1 : i32
    %dma_wait3A_94 = arith.constant 6 : i32
    %dma_wait3A_95 = arith.constant 0 : i32
    %dma_wait3A_96 = arith.constant 0 : i32
    %dma_wait3A_97 = tpu.memref_slice %arg10[%dma_wait3A_92, %dma_wait3A_95, %dma_wait3A_96] : memref<4x125x32xf32, #tpu.memory_space<vmem>> -> memref<1x125x32xf32, #tpu.memory_space<vmem>>
    %dma_wait3A_98 = tpu.memref_squeeze %dma_wait3A_97 : memref<1x125x32xf32, #tpu.memory_space<vmem>> -> memref<125x32xf32, #tpu.memory_space<vmem>>
    %dma_wait3A_99 = arith.constant 0 : i32
    %dma_wait3A_100 = tpu.memref_slice %arg9[%dma_wait3A_93, %dma_wait3A_94, %dma_wait3A_99] : memref<2x8x125xi32, #tpu.memory_space<vmem>> -> memref<1x1x125xi32, #tpu.memory_space<vmem>>
    %dma_wait3A_101 = tpu.memref_squeeze %dma_wait3A_100 : memref<1x1x125xi32, #tpu.memory_space<vmem>> -> memref<125xi32, #tpu.memory_space<vmem>>
    %dma_wait3A_102 = arith.constant 0 : i32
    %dma_wait3A_103 = arith.constant 0 : i32
    %dma_wait3A_104 = tpu.memref_slice %arg7[%dma_wait3A_102, %dma_wait3A_103] : memref<50000x32xf32, #tpu.memory_space<vmem_shared>> -> memref<50000x32xf32, #tpu.memory_space<vmem_shared>>
    tpu.wait_indirect_dma semaphore(%arg13 : memref<!tpu.dma_semaphore, #tpu.memory_space<semaphore_mem>>) src(%dma_wait3A_98 : memref<125x32xf32, #tpu.memory_space<vmem>>) dst(%dma_wait3A_104 : memref<50000x32xf32, #tpu.memory_space<vmem_shared>>)
    %dma_wait3A_105 = arith.constant 3 : i32
    %dma_wait3A_106 = arith.constant 1 : i32
    %dma_wait3A_107 = arith.constant 7 : i32
    %dma_wait3A_108 = arith.constant 0 : i32
    %dma_wait3A_109 = arith.constant 0 : i32
    %dma_wait3A_110 = tpu.memref_slice %arg10[%dma_wait3A_105, %dma_wait3A_108, %dma_wait3A_109] : memref<4x125x32xf32, #tpu.memory_space<vmem>> -> memref<1x125x32xf32, #tpu.memory_space<vmem>>
    %dma_wait3A_111 = tpu.memref_squeeze %dma_wait3A_110 : memref<1x125x32xf32, #tpu.memory_space<vmem>> -> memref<125x32xf32, #tpu.memory_space<vmem>>
    %dma_wait3A_112 = arith.constant 0 : i32
    %dma_wait3A_113 = tpu.memref_slice %arg9[%dma_wait3A_106, %dma_wait3A_107, %dma_wait3A_112] : memref<2x8x125xi32, #tpu.memory_space<vmem>> -> memref<1x1x125xi32, #tpu.memory_space<vmem>>
    %dma_wait3A_114 = tpu.memref_squeeze %dma_wait3A_113 : memref<1x1x125xi32, #tpu.memory_space<vmem>> -> memref<125xi32, #tpu.memory_space<vmem>>
    %dma_wait3A_115 = arith.constant 0 : i32
    %dma_wait3A_116 = arith.constant 0 : i32
    %dma_wait3A_117 = tpu.memref_slice %arg7[%dma_wait3A_115, %dma_wait3A_116] : memref<50000x32xf32, #tpu.memory_space<vmem_shared>> -> memref<50000x32xf32, #tpu.memory_space<vmem_shared>>
    tpu.wait_indirect_dma semaphore(%arg13 : memref<!tpu.dma_semaphore, #tpu.memory_space<semaphore_mem>>) src(%dma_wait3A_111 : memref<125x32xf32, #tpu.memory_space<vmem>>) dst(%dma_wait3A_117 : memref<50000x32xf32, #tpu.memory_space<vmem_shared>>)
    %barrier3A_118 = arith.constant 0 : index
    tpu.barrier barrier_id(%barrier3A_118)
    %mul3A_119 = arith.constant 3125 : i32
    %mul3A_120 = arith.muli %arg1, %mul3A_119 : i32
    %mul3A_121 = arith.constant 3125 : i32
    %mul3A_122 = arith.muli %arg1, %mul3A_121 : i32
    "tpu.region"() ({
      %run_scoped3A = tpu.sem_alloc : memref<!tpu.dma_semaphore, #tpu.memory_space<semaphore_mem>>
      %dma_start3A_123 = arith.constant 0 : i32
      %dma_start3A_124 = tpu.memref_slice %arg6[%arg0, %mul3A_122, %dma_start3A_123] : memref<2x50000x32xf32, #tpu.memory_space<hbm>> -> memref<1x3125x32xf32, #tpu.memory_space<hbm>>
      %dma_start3A_125 = tpu.memref_squeeze %dma_start3A_124 : memref<1x3125x32xf32, #tpu.memory_space<hbm>> -> memref<3125x32xf32, #tpu.memory_space<hbm>>
      %dma_start3A_126 = arith.constant 0 : i32
      %dma_start3A_127 = tpu.memref_slice %arg7[%mul3A_120, %dma_start3A_126] : memref<50000x32xf32, #tpu.memory_space<vmem_shared>> -> memref<3125x32xf32, #tpu.memory_space<vmem_shared>>
      tpu.enqueue_dma source(%dma_start3A_127 : memref<3125x32xf32, #tpu.memory_space<vmem_shared>>) target(%dma_start3A_125 : memref<3125x32xf32, #tpu.memory_space<hbm>>) target_semaphore(%run_scoped3A : memref<!tpu.dma_semaphore, #tpu.memory_space<semaphore_mem>>)
      %dma_wait3A_128 = arith.constant 0 : i32
      %dma_wait3A_129 = tpu.memref_slice %arg6[%arg0, %mul3A_122, %dma_wait3A_128] : memref<2x50000x32xf32, #tpu.memory_space<hbm>> -> memref<1x3125x32xf32, #tpu.memory_space<hbm>>
      %dma_wait3A_130 = tpu.memref_squeeze %dma_wait3A_129 : memref<1x3125x32xf32, #tpu.memory_space<hbm>> -> memref<3125x32xf32, #tpu.memory_space<hbm>>
      %dma_wait3A_131 = arith.constant 0 : i32
      %dma_wait3A_132 = tpu.memref_slice %arg7[%mul3A_120, %dma_wait3A_131] : memref<50000x32xf32, #tpu.memory_space<vmem_shared>> -> memref<3125x32xf32, #tpu.memory_space<vmem_shared>>
      tpu.wait_dma2 semaphore(%run_scoped3A : memref<!tpu.dma_semaphore, #tpu.memory_space<semaphore_mem>>) src(%dma_wait3A_132 : memref<3125x32xf32, #tpu.memory_space<vmem_shared>>) dst(%dma_wait3A_130 : memref<3125x32xf32, #tpu.memory_space<hbm>>)
      tpu.yield
    }) : () -> ()
    return
  }
}

#map = affine_map<(d0, d1) -> (0, 0)>
module attributes {stable_mosaic.version = 14 : i64} {
  func.func @_emb_sc_body(%arg0: i32, %arg1: i32, %arg2: memref<100000x64xf32, #tpu.memory_space<hbm>>, %arg3: memref<512x125xi32, #tpu.memory_space<hbm>>, %arg4: memref<64000x64xf32, #tpu.memory_space<hbm>>, %arg5: memref<16x125xi32, #tpu.memory_space<vmem>>, %arg6: memref<8x125x64xf32, #tpu.memory_space<vmem>>, %arg7: memref<!tpu.dma_semaphore, #tpu.memory_space<semaphore_mem>>, %arg8: memref<!tpu.dma_semaphore, #tpu.memory_space<semaphore_mem>>) attributes {dimension_semantics = [#tpu.dimension_semantics<core_parallel>, #tpu.dimension_semantics<subcore_parallel>], iteration_bounds = array<i64: 2, 16>, scalar_prefetch = 0 : i64, scratch_operands = 4 : i64, tpu.core_type = #tpu.core_type<sc_vector_subcore>, window_params = [{transform_indices = #map}, {transform_indices = #map}, {transform_indices = #map}]} {
    %mul3A = arith.constant 2 : i32
    %mul3A_0 = arith.muli %arg1, %mul3A : i32
    %add3A = arith.addi %mul3A_0, %arg0 : i32
    %mul3A_1 = arith.constant 16 : i32
    %mul3A_2 = arith.muli %add3A, %mul3A_1 : i32
    "tpu.region"() ({
      %run_scoped3A = tpu.sem_alloc : memref<!tpu.dma_semaphore, #tpu.memory_space<semaphore_mem>>
      %dma_start3A_929 = arith.constant 0 : i32
      %dma_start3A_930 = tpu.memref_slice %arg3[%mul3A_2, %dma_start3A_929] : memref<512x125xi32, #tpu.memory_space<hbm>> -> memref<16x125xi32, #tpu.memory_space<hbm>>
      %dma_start3A_931 = arith.constant 0 : i32
      %dma_start3A_932 = tpu.memref_slice %arg3[%mul3A_2, %dma_start3A_931] : memref<512x125xi32, #tpu.memory_space<hbm>> -> memref<16x125xi32, #tpu.memory_space<hbm>>
      tpu.enqueue_dma source(%dma_start3A_932 : memref<16x125xi32, #tpu.memory_space<hbm>>) target(%arg5 : memref<16x125xi32, #tpu.memory_space<vmem>>) target_semaphore(%run_scoped3A : memref<!tpu.dma_semaphore, #tpu.memory_space<semaphore_mem>>)
      %dma_wait3A_933 = arith.constant 0 : i32
      %dma_wait3A_934 = tpu.memref_slice %arg3[%mul3A_2, %dma_wait3A_933] : memref<512x125xi32, #tpu.memory_space<hbm>> -> memref<16x125xi32, #tpu.memory_space<hbm>>
      %dma_wait3A_935 = arith.constant 0 : i32
      %dma_wait3A_936 = tpu.memref_slice %arg3[%mul3A_2, %dma_wait3A_935] : memref<512x125xi32, #tpu.memory_space<hbm>> -> memref<16x125xi32, #tpu.memory_space<hbm>>
      tpu.wait_dma2 semaphore(%run_scoped3A : memref<!tpu.dma_semaphore, #tpu.memory_space<semaphore_mem>>) src(%dma_wait3A_936 : memref<16x125xi32, #tpu.memory_space<hbm>>) dst(%arg5 : memref<16x125xi32, #tpu.memory_space<vmem>>)
      tpu.yield
    }) : () -> ()
    %dma_start3A = arith.constant 0 : i32
    %dma_start3A_3 = arith.constant 0 : i32
    %dma_start3A_4 = arith.constant 0 : i32
    %dma_start3A_5 = arith.constant 0 : i32
    %dma_start3A_6 = tpu.memref_slice %arg6[%dma_start3A_3, %dma_start3A_4, %dma_start3A_5] : memref<8x125x64xf32, #tpu.memory_space<vmem>> -> memref<1x125x64xf32, #tpu.memory_space<vmem>>
    %dma_start3A_7 = tpu.memref_squeeze %dma_start3A_6 : memref<1x125x64xf32, #tpu.memory_space<vmem>> -> memref<125x64xf32, #tpu.memory_space<vmem>>
    %dma_start3A_8 = arith.constant 0 : i32
    %dma_start3A_9 = tpu.memref_slice %arg5[%dma_start3A, %dma_start3A_8] : memref<16x125xi32, #tpu.memory_space<vmem>> -> memref<1x125xi32, #tpu.memory_space<vmem>>
    %dma_start3A_10 = tpu.memref_squeeze %dma_start3A_9 : memref<1x125xi32, #tpu.memory_space<vmem>> -> memref<125xi32, #tpu.memory_space<vmem>>
    %dma_start3A_11 = arith.constant 0 : i32
    %dma_start3A_12 = arith.constant 0 : i32
    %dma_start3A_13 = tpu.memref_slice %arg2[%dma_start3A_11, %dma_start3A_12] : memref<100000x64xf32, #tpu.memory_space<hbm>> -> memref<100000x64xf32, #tpu.memory_space<hbm>>
    tpu.enqueue_indirect_dma source(%dma_start3A_13 : memref<100000x64xf32, #tpu.memory_space<hbm>>) target(%dma_start3A_7 : memref<125x64xf32, #tpu.memory_space<vmem>>) offsets(%dma_start3A_10 : memref<125xi32, #tpu.memory_space<vmem>>) semaphore(%arg7 : memref<!tpu.dma_semaphore, #tpu.memory_space<semaphore_mem>>)
    %dma_start3A_14 = arith.constant 1 : i32
    %dma_start3A_15 = arith.constant 1 : i32
    %dma_start3A_16 = arith.constant 0 : i32
    %dma_start3A_17 = arith.constant 0 : i32
    %dma_start3A_18 = tpu.memref_slice %arg6[%dma_start3A_15, %dma_start3A_16, %dma_start3A_17] : memref<8x125x64xf32, #tpu.memory_space<vmem>> -> memref<1x125x64xf32, #tpu.memory_space<vmem>>
    %dma_start3A_19 = tpu.memref_squeeze %dma_start3A_18 : memref<1x125x64xf32, #tpu.memory_space<vmem>> -> memref<125x64xf32, #tpu.memory_space<vmem>>
    %dma_start3A_20 = arith.constant 0 : i32
    %dma_start3A_21 = tpu.memref_slice %arg5[%dma_start3A_14, %dma_start3A_20] : memref<16x125xi32, #tpu.memory_space<vmem>> -> memref<1x125xi32, #tpu.memory_space<vmem>>
    %dma_start3A_22 = tpu.memref_squeeze %dma_start3A_21 : memref<1x125xi32, #tpu.memory_space<vmem>> -> memref<125xi32, #tpu.memory_space<vmem>>
    %dma_start3A_23 = arith.constant 0 : i32
    %dma_start3A_24 = arith.constant 0 : i32
    %dma_start3A_25 = tpu.memref_slice %arg2[%dma_start3A_23, %dma_start3A_24] : memref<100000x64xf32, #tpu.memory_space<hbm>> -> memref<100000x64xf32, #tpu.memory_space<hbm>>
    tpu.enqueue_indirect_dma source(%dma_start3A_25 : memref<100000x64xf32, #tpu.memory_space<hbm>>) target(%dma_start3A_19 : memref<125x64xf32, #tpu.memory_space<vmem>>) offsets(%dma_start3A_22 : memref<125xi32, #tpu.memory_space<vmem>>) semaphore(%arg7 : memref<!tpu.dma_semaphore, #tpu.memory_space<semaphore_mem>>)
    %dma_start3A_26 = arith.constant 2 : i32
    %dma_start3A_27 = arith.constant 2 : i32
    %dma_start3A_28 = arith.constant 0 : i32
    %dma_start3A_29 = arith.constant 0 : i32
    %dma_start3A_30 = tpu.memref_slice %arg6[%dma_start3A_27, %dma_start3A_28, %dma_start3A_29] : memref<8x125x64xf32, #tpu.memory_space<vmem>> -> memref<1x125x64xf32, #tpu.memory_space<vmem>>
    %dma_start3A_31 = tpu.memref_squeeze %dma_start3A_30 : memref<1x125x64xf32, #tpu.memory_space<vmem>> -> memref<125x64xf32, #tpu.memory_space<vmem>>
    %dma_start3A_32 = arith.constant 0 : i32
    %dma_start3A_33 = tpu.memref_slice %arg5[%dma_start3A_26, %dma_start3A_32] : memref<16x125xi32, #tpu.memory_space<vmem>> -> memref<1x125xi32, #tpu.memory_space<vmem>>
    %dma_start3A_34 = tpu.memref_squeeze %dma_start3A_33 : memref<1x125xi32, #tpu.memory_space<vmem>> -> memref<125xi32, #tpu.memory_space<vmem>>
    %dma_start3A_35 = arith.constant 0 : i32
    %dma_start3A_36 = arith.constant 0 : i32
    %dma_start3A_37 = tpu.memref_slice %arg2[%dma_start3A_35, %dma_start3A_36] : memref<100000x64xf32, #tpu.memory_space<hbm>> -> memref<100000x64xf32, #tpu.memory_space<hbm>>
    tpu.enqueue_indirect_dma source(%dma_start3A_37 : memref<100000x64xf32, #tpu.memory_space<hbm>>) target(%dma_start3A_31 : memref<125x64xf32, #tpu.memory_space<vmem>>) offsets(%dma_start3A_34 : memref<125xi32, #tpu.memory_space<vmem>>) semaphore(%arg7 : memref<!tpu.dma_semaphore, #tpu.memory_space<semaphore_mem>>)
    %dma_start3A_38 = arith.constant 3 : i32
    %dma_start3A_39 = arith.constant 3 : i32
    %dma_start3A_40 = arith.constant 0 : i32
    %dma_start3A_41 = arith.constant 0 : i32
    %dma_start3A_42 = tpu.memref_slice %arg6[%dma_start3A_39, %dma_start3A_40, %dma_start3A_41] : memref<8x125x64xf32, #tpu.memory_space<vmem>> -> memref<1x125x64xf32, #tpu.memory_space<vmem>>
    %dma_start3A_43 = tpu.memref_squeeze %dma_start3A_42 : memref<1x125x64xf32, #tpu.memory_space<vmem>> -> memref<125x64xf32, #tpu.memory_space<vmem>>
    %dma_start3A_44 = arith.constant 0 : i32
    %dma_start3A_45 = tpu.memref_slice %arg5[%dma_start3A_38, %dma_start3A_44] : memref<16x125xi32, #tpu.memory_space<vmem>> -> memref<1x125xi32, #tpu.memory_space<vmem>>
    %dma_start3A_46 = tpu.memref_squeeze %dma_start3A_45 : memref<1x125xi32, #tpu.memory_space<vmem>> -> memref<125xi32, #tpu.memory_space<vmem>>
    %dma_start3A_47 = arith.constant 0 : i32
    %dma_start3A_48 = arith.constant 0 : i32
    %dma_start3A_49 = tpu.memref_slice %arg2[%dma_start3A_47, %dma_start3A_48] : memref<100000x64xf32, #tpu.memory_space<hbm>> -> memref<100000x64xf32, #tpu.memory_space<hbm>>
    tpu.enqueue_indirect_dma source(%dma_start3A_49 : memref<100000x64xf32, #tpu.memory_space<hbm>>) target(%dma_start3A_43 : memref<125x64xf32, #tpu.memory_space<vmem>>) offsets(%dma_start3A_46 : memref<125xi32, #tpu.memory_space<vmem>>) semaphore(%arg7 : memref<!tpu.dma_semaphore, #tpu.memory_space<semaphore_mem>>)
    %dma_start3A_50 = arith.constant 4 : i32
    %dma_start3A_51 = arith.constant 4 : i32
    %dma_start3A_52 = arith.constant 0 : i32
    %dma_start3A_53 = arith.constant 0 : i32
    %dma_start3A_54 = tpu.memref_slice %arg6[%dma_start3A_51, %dma_start3A_52, %dma_start3A_53] : memref<8x125x64xf32, #tpu.memory_space<vmem>> -> memref<1x125x64xf32, #tpu.memory_space<vmem>>
    %dma_start3A_55 = tpu.memref_squeeze %dma_start3A_54 : memref<1x125x64xf32, #tpu.memory_space<vmem>> -> memref<125x64xf32, #tpu.memory_space<vmem>>
    %dma_start3A_56 = arith.constant 0 : i32
    %dma_start3A_57 = tpu.memref_slice %arg5[%dma_start3A_50, %dma_start3A_56] : memref<16x125xi32, #tpu.memory_space<vmem>> -> memref<1x125xi32, #tpu.memory_space<vmem>>
    %dma_start3A_58 = tpu.memref_squeeze %dma_start3A_57 : memref<1x125xi32, #tpu.memory_space<vmem>> -> memref<125xi32, #tpu.memory_space<vmem>>
    %dma_start3A_59 = arith.constant 0 : i32
    %dma_start3A_60 = arith.constant 0 : i32
    %dma_start3A_61 = tpu.memref_slice %arg2[%dma_start3A_59, %dma_start3A_60] : memref<100000x64xf32, #tpu.memory_space<hbm>> -> memref<100000x64xf32, #tpu.memory_space<hbm>>
    tpu.enqueue_indirect_dma source(%dma_start3A_61 : memref<100000x64xf32, #tpu.memory_space<hbm>>) target(%dma_start3A_55 : memref<125x64xf32, #tpu.memory_space<vmem>>) offsets(%dma_start3A_58 : memref<125xi32, #tpu.memory_space<vmem>>) semaphore(%arg7 : memref<!tpu.dma_semaphore, #tpu.memory_space<semaphore_mem>>)
    %dma_start3A_62 = arith.constant 5 : i32
    %dma_start3A_63 = arith.constant 5 : i32
    %dma_start3A_64 = arith.constant 0 : i32
    %dma_start3A_65 = arith.constant 0 : i32
    %dma_start3A_66 = tpu.memref_slice %arg6[%dma_start3A_63, %dma_start3A_64, %dma_start3A_65] : memref<8x125x64xf32, #tpu.memory_space<vmem>> -> memref<1x125x64xf32, #tpu.memory_space<vmem>>
    %dma_start3A_67 = tpu.memref_squeeze %dma_start3A_66 : memref<1x125x64xf32, #tpu.memory_space<vmem>> -> memref<125x64xf32, #tpu.memory_space<vmem>>
    %dma_start3A_68 = arith.constant 0 : i32
    %dma_start3A_69 = tpu.memref_slice %arg5[%dma_start3A_62, %dma_start3A_68] : memref<16x125xi32, #tpu.memory_space<vmem>> -> memref<1x125xi32, #tpu.memory_space<vmem>>
    %dma_start3A_70 = tpu.memref_squeeze %dma_start3A_69 : memref<1x125xi32, #tpu.memory_space<vmem>> -> memref<125xi32, #tpu.memory_space<vmem>>
    %dma_start3A_71 = arith.constant 0 : i32
    %dma_start3A_72 = arith.constant 0 : i32
    %dma_start3A_73 = tpu.memref_slice %arg2[%dma_start3A_71, %dma_start3A_72] : memref<100000x64xf32, #tpu.memory_space<hbm>> -> memref<100000x64xf32, #tpu.memory_space<hbm>>
    tpu.enqueue_indirect_dma source(%dma_start3A_73 : memref<100000x64xf32, #tpu.memory_space<hbm>>) target(%dma_start3A_67 : memref<125x64xf32, #tpu.memory_space<vmem>>) offsets(%dma_start3A_70 : memref<125xi32, #tpu.memory_space<vmem>>) semaphore(%arg7 : memref<!tpu.dma_semaphore, #tpu.memory_space<semaphore_mem>>)
    %dma_start3A_74 = arith.constant 6 : i32
    %dma_start3A_75 = arith.constant 6 : i32
    %dma_start3A_76 = arith.constant 0 : i32
    %dma_start3A_77 = arith.constant 0 : i32
    %dma_start3A_78 = tpu.memref_slice %arg6[%dma_start3A_75, %dma_start3A_76, %dma_start3A_77] : memref<8x125x64xf32, #tpu.memory_space<vmem>> -> memref<1x125x64xf32, #tpu.memory_space<vmem>>
    %dma_start3A_79 = tpu.memref_squeeze %dma_start3A_78 : memref<1x125x64xf32, #tpu.memory_space<vmem>> -> memref<125x64xf32, #tpu.memory_space<vmem>>
    %dma_start3A_80 = arith.constant 0 : i32
    %dma_start3A_81 = tpu.memref_slice %arg5[%dma_start3A_74, %dma_start3A_80] : memref<16x125xi32, #tpu.memory_space<vmem>> -> memref<1x125xi32, #tpu.memory_space<vmem>>
    %dma_start3A_82 = tpu.memref_squeeze %dma_start3A_81 : memref<1x125xi32, #tpu.memory_space<vmem>> -> memref<125xi32, #tpu.memory_space<vmem>>
    %dma_start3A_83 = arith.constant 0 : i32
    %dma_start3A_84 = arith.constant 0 : i32
    %dma_start3A_85 = tpu.memref_slice %arg2[%dma_start3A_83, %dma_start3A_84] : memref<100000x64xf32, #tpu.memory_space<hbm>> -> memref<100000x64xf32, #tpu.memory_space<hbm>>
    tpu.enqueue_indirect_dma source(%dma_start3A_85 : memref<100000x64xf32, #tpu.memory_space<hbm>>) target(%dma_start3A_79 : memref<125x64xf32, #tpu.memory_space<vmem>>) offsets(%dma_start3A_82 : memref<125xi32, #tpu.memory_space<vmem>>) semaphore(%arg7 : memref<!tpu.dma_semaphore, #tpu.memory_space<semaphore_mem>>)
    %dma_start3A_86 = arith.constant 7 : i32
    %dma_start3A_87 = arith.constant 7 : i32
    %dma_start3A_88 = arith.constant 0 : i32
    %dma_start3A_89 = arith.constant 0 : i32
    %dma_start3A_90 = tpu.memref_slice %arg6[%dma_start3A_87, %dma_start3A_88, %dma_start3A_89] : memref<8x125x64xf32, #tpu.memory_space<vmem>> -> memref<1x125x64xf32, #tpu.memory_space<vmem>>
    %dma_start3A_91 = tpu.memref_squeeze %dma_start3A_90 : memref<1x125x64xf32, #tpu.memory_space<vmem>> -> memref<125x64xf32, #tpu.memory_space<vmem>>
    %dma_start3A_92 = arith.constant 0 : i32
    %dma_start3A_93 = tpu.memref_slice %arg5[%dma_start3A_86, %dma_start3A_92] : memref<16x125xi32, #tpu.memory_space<vmem>> -> memref<1x125xi32, #tpu.memory_space<vmem>>
    %dma_start3A_94 = tpu.memref_squeeze %dma_start3A_93 : memref<1x125xi32, #tpu.memory_space<vmem>> -> memref<125xi32, #tpu.memory_space<vmem>>
    %dma_start3A_95 = arith.constant 0 : i32
    %dma_start3A_96 = arith.constant 0 : i32
    %dma_start3A_97 = tpu.memref_slice %arg2[%dma_start3A_95, %dma_start3A_96] : memref<100000x64xf32, #tpu.memory_space<hbm>> -> memref<100000x64xf32, #tpu.memory_space<hbm>>
    tpu.enqueue_indirect_dma source(%dma_start3A_97 : memref<100000x64xf32, #tpu.memory_space<hbm>>) target(%dma_start3A_91 : memref<125x64xf32, #tpu.memory_space<vmem>>) offsets(%dma_start3A_94 : memref<125xi32, #tpu.memory_space<vmem>>) semaphore(%arg7 : memref<!tpu.dma_semaphore, #tpu.memory_space<semaphore_mem>>)
    %dma_wait3A = arith.constant 0 : i32
    %dma_wait3A_98 = arith.constant 0 : i32
    %dma_wait3A_99 = arith.constant 0 : i32
    %dma_wait3A_100 = arith.constant 0 : i32
    %dma_wait3A_101 = tpu.memref_slice %arg6[%dma_wait3A_98, %dma_wait3A_99, %dma_wait3A_100] : memref<8x125x64xf32, #tpu.memory_space<vmem>> -> memref<1x125x64xf32, #tpu.memory_space<vmem>>
    %dma_wait3A_102 = tpu.memref_squeeze %dma_wait3A_101 : memref<1x125x64xf32, #tpu.memory_space<vmem>> -> memref<125x64xf32, #tpu.memory_space<vmem>>
    %dma_wait3A_103 = arith.constant 0 : i32
    %dma_wait3A_104 = tpu.memref_slice %arg5[%dma_wait3A, %dma_wait3A_103] : memref<16x125xi32, #tpu.memory_space<vmem>> -> memref<1x125xi32, #tpu.memory_space<vmem>>
    %dma_wait3A_105 = tpu.memref_squeeze %dma_wait3A_104 : memref<1x125xi32, #tpu.memory_space<vmem>> -> memref<125xi32, #tpu.memory_space<vmem>>
    %dma_wait3A_106 = arith.constant 0 : i32
    %dma_wait3A_107 = arith.constant 0 : i32
    %dma_wait3A_108 = tpu.memref_slice %arg2[%dma_wait3A_106, %dma_wait3A_107] : memref<100000x64xf32, #tpu.memory_space<hbm>> -> memref<100000x64xf32, #tpu.memory_space<hbm>>
    tpu.wait_indirect_dma semaphore(%arg7 : memref<!tpu.dma_semaphore, #tpu.memory_space<semaphore_mem>>) src(%dma_wait3A_108 : memref<100000x64xf32, #tpu.memory_space<hbm>>) dst(%dma_wait3A_102 : memref<125x64xf32, #tpu.memory_space<vmem>>)
    %add3A_109 = arith.constant 0 : i32
    %add3A_110 = arith.addi %mul3A_2, %add3A_109 : i32
    %mul3A_111 = arith.constant 125 : i32
    %mul3A_112 = arith.muli %add3A_110, %mul3A_111 : i32
    %dma_start3A_113 = arith.constant 0 : i32
    %dma_start3A_114 = arith.constant 0 : i32
    %dma_start3A_115 = arith.constant 0 : i32
    %dma_start3A_116 = tpu.memref_slice %arg6[%dma_start3A_113, %dma_start3A_114, %dma_start3A_115] : memref<8x125x64xf32, #tpu.memory_space<vmem>> -> memref<1x125x64xf32, #tpu.memory_space<vmem>>
    %dma_start3A_117 = tpu.memref_squeeze %dma_start3A_116 : memref<1x125x64xf32, #tpu.memory_space<vmem>> -> memref<125x64xf32, #tpu.memory_space<vmem>>
    %dma_start3A_118 = arith.constant 0 : i32
    %dma_start3A_119 = tpu.memref_slice %arg4[%mul3A_112, %dma_start3A_118] : memref<64000x64xf32, #tpu.memory_space<hbm>> -> memref<125x64xf32, #tpu.memory_space<hbm>>
    %dma_start3A_120 = arith.constant 0 : i32
    %dma_start3A_121 = tpu.memref_slice %arg4[%mul3A_112, %dma_start3A_120] : memref<64000x64xf32, #tpu.memory_space<hbm>> -> memref<125x64xf32, #tpu.memory_space<hbm>>
    %dma_start3A_122 = arith.constant 0 : i32
    %dma_start3A_123 = arith.constant 0 : i32
    %dma_start3A_124 = tpu.memref_slice %arg6[%dma_start3A_113, %dma_start3A_122, %dma_start3A_123] : memref<8x125x64xf32, #tpu.memory_space<vmem>> -> memref<1x125x64xf32, #tpu.memory_space<vmem>>
    %dma_start3A_125 = tpu.memref_squeeze %dma_start3A_124 : memref<1x125x64xf32, #tpu.memory_space<vmem>> -> memref<125x64xf32, #tpu.memory_space<vmem>>
    tpu.enqueue_dma source(%dma_start3A_125 : memref<125x64xf32, #tpu.memory_space<vmem>>) target(%dma_start3A_121 : memref<125x64xf32, #tpu.memory_space<hbm>>) target_semaphore(%arg8 : memref<!tpu.dma_semaphore, #tpu.memory_space<semaphore_mem>>)
    %add3A_126 = arith.constant 0 : i32
    %add3A_127 = arith.addi %mul3A_2, %add3A_126 : i32
    %mul3A_128 = arith.constant 125 : i32
    %mul3A_129 = arith.muli %add3A_127, %mul3A_128 : i32
    %dma_wait3A_130 = arith.constant 0 : i32
    %dma_wait3A_131 = arith.constant 0 : i32
    %dma_wait3A_132 = arith.constant 0 : i32
    %dma_wait3A_133 = tpu.memref_slice %arg6[%dma_wait3A_130, %dma_wait3A_131, %dma_wait3A_132] : memref<8x125x64xf32, #tpu.memory_space<vmem>> -> memref<1x125x64xf32, #tpu.memory_space<vmem>>
    %dma_wait3A_134 = tpu.memref_squeeze %dma_wait3A_133 : memref<1x125x64xf32, #tpu.memory_space<vmem>> -> memref<125x64xf32, #tpu.memory_space<vmem>>
    %dma_wait3A_135 = arith.constant 0 : i32
    %dma_wait3A_136 = tpu.memref_slice %arg4[%mul3A_129, %dma_wait3A_135] : memref<64000x64xf32, #tpu.memory_space<hbm>> -> memref<125x64xf32, #tpu.memory_space<hbm>>
    %dma_wait3A_137 = arith.constant 0 : i32
    %dma_wait3A_138 = tpu.memref_slice %arg4[%mul3A_129, %dma_wait3A_137] : memref<64000x64xf32, #tpu.memory_space<hbm>> -> memref<125x64xf32, #tpu.memory_space<hbm>>
    %dma_wait3A_139 = arith.constant 0 : i32
    %dma_wait3A_140 = arith.constant 0 : i32
    %dma_wait3A_141 = tpu.memref_slice %arg6[%dma_wait3A_130, %dma_wait3A_139, %dma_wait3A_140] : memref<8x125x64xf32, #tpu.memory_space<vmem>> -> memref<1x125x64xf32, #tpu.memory_space<vmem>>
    %dma_wait3A_142 = tpu.memref_squeeze %dma_wait3A_141 : memref<1x125x64xf32, #tpu.memory_space<vmem>> -> memref<125x64xf32, #tpu.memory_space<vmem>>
    tpu.wait_dma2 semaphore(%arg8 : memref<!tpu.dma_semaphore, #tpu.memory_space<semaphore_mem>>) src(%dma_wait3A_142 : memref<125x64xf32, #tpu.memory_space<vmem>>) dst(%dma_wait3A_138 : memref<125x64xf32, #tpu.memory_space<hbm>>)
    %dma_start3A_143 = arith.constant 8 : i32
    %dma_start3A_144 = arith.constant 0 : i32
    %dma_start3A_145 = arith.constant 0 : i32
    %dma_start3A_146 = arith.constant 0 : i32
    %dma_start3A_147 = tpu.memref_slice %arg6[%dma_start3A_144, %dma_start3A_145, %dma_start3A_146] : memref<8x125x64xf32, #tpu.memory_space<vmem>> -> memref<1x125x64xf32, #tpu.memory_space<vmem>>
    %dma_start3A_148 = tpu.memref_squeeze %dma_start3A_147 : memref<1x125x64xf32, #tpu.memory_space<vmem>> -> memref<125x64xf32, #tpu.memory_space<vmem>>
    %dma_start3A_149 = arith.constant 0 : i32
    %dma_start3A_150 = tpu.memref_slice %arg5[%dma_start3A_143, %dma_start3A_149] : memref<16x125xi32, #tpu.memory_space<vmem>> -> memref<1x125xi32, #tpu.memory_space<vmem>>
    %dma_start3A_151 = tpu.memref_squeeze %dma_start3A_150 : memref<1x125xi32, #tpu.memory_space<vmem>> -> memref<125xi32, #tpu.memory_space<vmem>>
    %dma_start3A_152 = arith.constant 0 : i32
    %dma_start3A_153 = arith.constant 0 : i32
    %dma_start3A_154 = tpu.memref_slice %arg2[%dma_start3A_152, %dma_start3A_153] : memref<100000x64xf32, #tpu.memory_space<hbm>> -> memref<100000x64xf32, #tpu.memory_space<hbm>>
    tpu.enqueue_indirect_dma source(%dma_start3A_154 : memref<100000x64xf32, #tpu.memory_space<hbm>>) target(%dma_start3A_148 : memref<125x64xf32, #tpu.memory_space<vmem>>) offsets(%dma_start3A_151 : memref<125xi32, #tpu.memory_space<vmem>>) semaphore(%arg7 : memref<!tpu.dma_semaphore, #tpu.memory_space<semaphore_mem>>)
    %dma_wait3A_155 = arith.constant 1 : i32
    %dma_wait3A_156 = arith.constant 1 : i32
    %dma_wait3A_157 = arith.constant 0 : i32
    %dma_wait3A_158 = arith.constant 0 : i32
    %dma_wait3A_159 = tpu.memref_slice %arg6[%dma_wait3A_156, %dma_wait3A_157, %dma_wait3A_158] : memref<8x125x64xf32, #tpu.memory_space<vmem>> -> memref<1x125x64xf32, #tpu.memory_space<vmem>>
    %dma_wait3A_160 = tpu.memref_squeeze %dma_wait3A_159 : memref<1x125x64xf32, #tpu.memory_space<vmem>> -> memref<125x64xf32, #tpu.memory_space<vmem>>
    %dma_wait3A_161 = arith.constant 0 : i32
    %dma_wait3A_162 = tpu.memref_slice %arg5[%dma_wait3A_155, %dma_wait3A_161] : memref<16x125xi32, #tpu.memory_space<vmem>> -> memref<1x125xi32, #tpu.memory_space<vmem>>
    %dma_wait3A_163 = tpu.memref_squeeze %dma_wait3A_162 : memref<1x125xi32, #tpu.memory_space<vmem>> -> memref<125xi32, #tpu.memory_space<vmem>>
    %dma_wait3A_164 = arith.constant 0 : i32
    %dma_wait3A_165 = arith.constant 0 : i32
    %dma_wait3A_166 = tpu.memref_slice %arg2[%dma_wait3A_164, %dma_wait3A_165] : memref<100000x64xf32, #tpu.memory_space<hbm>> -> memref<100000x64xf32, #tpu.memory_space<hbm>>
    tpu.wait_indirect_dma semaphore(%arg7 : memref<!tpu.dma_semaphore, #tpu.memory_space<semaphore_mem>>) src(%dma_wait3A_166 : memref<100000x64xf32, #tpu.memory_space<hbm>>) dst(%dma_wait3A_160 : memref<125x64xf32, #tpu.memory_space<vmem>>)
    %add3A_167 = arith.constant 1 : i32
    %add3A_168 = arith.addi %mul3A_2, %add3A_167 : i32
    %mul3A_169 = arith.constant 125 : i32
    %mul3A_170 = arith.muli %add3A_168, %mul3A_169 : i32
    %dma_start3A_171 = arith.constant 1 : i32
    %dma_start3A_172 = arith.constant 0 : i32
    %dma_start3A_173 = arith.constant 0 : i32
    %dma_start3A_174 = tpu.memref_slice %arg6[%dma_start3A_171, %dma_start3A_172, %dma_start3A_173] : memref<8x125x64xf32, #tpu.memory_space<vmem>> -> memref<1x125x64xf32, #tpu.memory_space<vmem>>
    %dma_start3A_175 = tpu.memref_squeeze %dma_start3A_174 : memref<1x125x64xf32, #tpu.memory_space<vmem>> -> memref<125x64xf32, #tpu.memory_space<vmem>>
    %dma_start3A_176 = arith.constant 0 : i32
    %dma_start3A_177 = tpu.memref_slice %arg4[%mul3A_170, %dma_start3A_176] : memref<64000x64xf32, #tpu.memory_space<hbm>> -> memref<125x64xf32, #tpu.memory_space<hbm>>
    %dma_start3A_178 = arith.constant 0 : i32
    %dma_start3A_179 = tpu.memref_slice %arg4[%mul3A_170, %dma_start3A_178] : memref<64000x64xf32, #tpu.memory_space<hbm>> -> memref<125x64xf32, #tpu.memory_space<hbm>>
    %dma_start3A_180 = arith.constant 0 : i32
    %dma_start3A_181 = arith.constant 0 : i32
    %dma_start3A_182 = tpu.memref_slice %arg6[%dma_start3A_171, %dma_start3A_180, %dma_start3A_181] : memref<8x125x64xf32, #tpu.memory_space<vmem>> -> memref<1x125x64xf32, #tpu.memory_space<vmem>>
    %dma_start3A_183 = tpu.memref_squeeze %dma_start3A_182 : memref<1x125x64xf32, #tpu.memory_space<vmem>> -> memref<125x64xf32, #tpu.memory_space<vmem>>
    tpu.enqueue_dma source(%dma_start3A_183 : memref<125x64xf32, #tpu.memory_space<vmem>>) target(%dma_start3A_179 : memref<125x64xf32, #tpu.memory_space<hbm>>) target_semaphore(%arg8 : memref<!tpu.dma_semaphore, #tpu.memory_space<semaphore_mem>>)
    %add3A_184 = arith.constant 1 : i32
    %add3A_185 = arith.addi %mul3A_2, %add3A_184 : i32
    %mul3A_186 = arith.constant 125 : i32
    %mul3A_187 = arith.muli %add3A_185, %mul3A_186 : i32
    %dma_wait3A_188 = arith.constant 1 : i32
    %dma_wait3A_189 = arith.constant 0 : i32
    %dma_wait3A_190 = arith.constant 0 : i32
    %dma_wait3A_191 = tpu.memref_slice %arg6[%dma_wait3A_188, %dma_wait3A_189, %dma_wait3A_190] : memref<8x125x64xf32, #tpu.memory_space<vmem>> -> memref<1x125x64xf32, #tpu.memory_space<vmem>>
    %dma_wait3A_192 = tpu.memref_squeeze %dma_wait3A_191 : memref<1x125x64xf32, #tpu.memory_space<vmem>> -> memref<125x64xf32, #tpu.memory_space<vmem>>
    %dma_wait3A_193 = arith.constant 0 : i32
    %dma_wait3A_194 = tpu.memref_slice %arg4[%mul3A_187, %dma_wait3A_193] : memref<64000x64xf32, #tpu.memory_space<hbm>> -> memref<125x64xf32, #tpu.memory_space<hbm>>
    %dma_wait3A_195 = arith.constant 0 : i32
    %dma_wait3A_196 = tpu.memref_slice %arg4[%mul3A_187, %dma_wait3A_195] : memref<64000x64xf32, #tpu.memory_space<hbm>> -> memref<125x64xf32, #tpu.memory_space<hbm>>
    %dma_wait3A_197 = arith.constant 0 : i32
    %dma_wait3A_198 = arith.constant 0 : i32
    %dma_wait3A_199 = tpu.memref_slice %arg6[%dma_wait3A_188, %dma_wait3A_197, %dma_wait3A_198] : memref<8x125x64xf32, #tpu.memory_space<vmem>> -> memref<1x125x64xf32, #tpu.memory_space<vmem>>
    %dma_wait3A_200 = tpu.memref_squeeze %dma_wait3A_199 : memref<1x125x64xf32, #tpu.memory_space<vmem>> -> memref<125x64xf32, #tpu.memory_space<vmem>>
    tpu.wait_dma2 semaphore(%arg8 : memref<!tpu.dma_semaphore, #tpu.memory_space<semaphore_mem>>) src(%dma_wait3A_200 : memref<125x64xf32, #tpu.memory_space<vmem>>) dst(%dma_wait3A_196 : memref<125x64xf32, #tpu.memory_space<hbm>>)
    %dma_start3A_201 = arith.constant 9 : i32
    %dma_start3A_202 = arith.constant 1 : i32
    %dma_start3A_203 = arith.constant 0 : i32
    %dma_start3A_204 = arith.constant 0 : i32
    %dma_start3A_205 = tpu.memref_slice %arg6[%dma_start3A_202, %dma_start3A_203, %dma_start3A_204] : memref<8x125x64xf32, #tpu.memory_space<vmem>> -> memref<1x125x64xf32, #tpu.memory_space<vmem>>
    %dma_start3A_206 = tpu.memref_squeeze %dma_start3A_205 : memref<1x125x64xf32, #tpu.memory_space<vmem>> -> memref<125x64xf32, #tpu.memory_space<vmem>>
    %dma_start3A_207 = arith.constant 0 : i32
    %dma_start3A_208 = tpu.memref_slice %arg5[%dma_start3A_201, %dma_start3A_207] : memref<16x125xi32, #tpu.memory_space<vmem>> -> memref<1x125xi32, #tpu.memory_space<vmem>>
    %dma_start3A_209 = tpu.memref_squeeze %dma_start3A_208 : memref<1x125xi32, #tpu.memory_space<vmem>> -> memref<125xi32, #tpu.memory_space<vmem>>
    %dma_start3A_210 = arith.constant 0 : i32
    %dma_start3A_211 = arith.constant 0 : i32
    %dma_start3A_212 = tpu.memref_slice %arg2[%dma_start3A_210, %dma_start3A_211] : memref<100000x64xf32, #tpu.memory_space<hbm>> -> memref<100000x64xf32, #tpu.memory_space<hbm>>
    tpu.enqueue_indirect_dma source(%dma_start3A_212 : memref<100000x64xf32, #tpu.memory_space<hbm>>) target(%dma_start3A_206 : memref<125x64xf32, #tpu.memory_space<vmem>>) offsets(%dma_start3A_209 : memref<125xi32, #tpu.memory_space<vmem>>) semaphore(%arg7 : memref<!tpu.dma_semaphore, #tpu.memory_space<semaphore_mem>>)
    %dma_wait3A_213 = arith.constant 2 : i32
    %dma_wait3A_214 = arith.constant 2 : i32
    %dma_wait3A_215 = arith.constant 0 : i32
    %dma_wait3A_216 = arith.constant 0 : i32
    %dma_wait3A_217 = tpu.memref_slice %arg6[%dma_wait3A_214, %dma_wait3A_215, %dma_wait3A_216] : memref<8x125x64xf32, #tpu.memory_space<vmem>> -> memref<1x125x64xf32, #tpu.memory_space<vmem>>
    %dma_wait3A_218 = tpu.memref_squeeze %dma_wait3A_217 : memref<1x125x64xf32, #tpu.memory_space<vmem>> -> memref<125x64xf32, #tpu.memory_space<vmem>>
    %dma_wait3A_219 = arith.constant 0 : i32
    %dma_wait3A_220 = tpu.memref_slice %arg5[%dma_wait3A_213, %dma_wait3A_219] : memref<16x125xi32, #tpu.memory_space<vmem>> -> memref<1x125xi32, #tpu.memory_space<vmem>>
    %dma_wait3A_221 = tpu.memref_squeeze %dma_wait3A_220 : memref<1x125xi32, #tpu.memory_space<vmem>> -> memref<125xi32, #tpu.memory_space<vmem>>
    %dma_wait3A_222 = arith.constant 0 : i32
    %dma_wait3A_223 = arith.constant 0 : i32
    %dma_wait3A_224 = tpu.memref_slice %arg2[%dma_wait3A_222, %dma_wait3A_223] : memref<100000x64xf32, #tpu.memory_space<hbm>> -> memref<100000x64xf32, #tpu.memory_space<hbm>>
    tpu.wait_indirect_dma semaphore(%arg7 : memref<!tpu.dma_semaphore, #tpu.memory_space<semaphore_mem>>) src(%dma_wait3A_224 : memref<100000x64xf32, #tpu.memory_space<hbm>>) dst(%dma_wait3A_218 : memref<125x64xf32, #tpu.memory_space<vmem>>)
    %add3A_225 = arith.constant 2 : i32
    %add3A_226 = arith.addi %mul3A_2, %add3A_225 : i32
    %mul3A_227 = arith.constant 125 : i32
    %mul3A_228 = arith.muli %add3A_226, %mul3A_227 : i32
    %dma_start3A_229 = arith.constant 2 : i32
    %dma_start3A_230 = arith.constant 0 : i32
    %dma_start3A_231 = arith.constant 0 : i32
    %dma_start3A_232 = tpu.memref_slice %arg6[%dma_start3A_229, %dma_start3A_230, %dma_start3A_231] : memref<8x125x64xf32, #tpu.memory_space<vmem>> -> memref<1x125x64xf32, #tpu.memory_space<vmem>>
    %dma_start3A_233 = tpu.memref_squeeze %dma_start3A_232 : memref<1x125x64xf32, #tpu.memory_space<vmem>> -> memref<125x64xf32, #tpu.memory_space<vmem>>
    %dma_start3A_234 = arith.constant 0 : i32
    %dma_start3A_235 = tpu.memref_slice %arg4[%mul3A_228, %dma_start3A_234] : memref<64000x64xf32, #tpu.memory_space<hbm>> -> memref<125x64xf32, #tpu.memory_space<hbm>>
    %dma_start3A_236 = arith.constant 0 : i32
    %dma_start3A_237 = tpu.memref_slice %arg4[%mul3A_228, %dma_start3A_236] : memref<64000x64xf32, #tpu.memory_space<hbm>> -> memref<125x64xf32, #tpu.memory_space<hbm>>
    %dma_start3A_238 = arith.constant 0 : i32
    %dma_start3A_239 = arith.constant 0 : i32
    %dma_start3A_240 = tpu.memref_slice %arg6[%dma_start3A_229, %dma_start3A_238, %dma_start3A_239] : memref<8x125x64xf32, #tpu.memory_space<vmem>> -> memref<1x125x64xf32, #tpu.memory_space<vmem>>
    %dma_start3A_241 = tpu.memref_squeeze %dma_start3A_240 : memref<1x125x64xf32, #tpu.memory_space<vmem>> -> memref<125x64xf32, #tpu.memory_space<vmem>>
    tpu.enqueue_dma source(%dma_start3A_241 : memref<125x64xf32, #tpu.memory_space<vmem>>) target(%dma_start3A_237 : memref<125x64xf32, #tpu.memory_space<hbm>>) target_semaphore(%arg8 : memref<!tpu.dma_semaphore, #tpu.memory_space<semaphore_mem>>)
    %add3A_242 = arith.constant 2 : i32
    %add3A_243 = arith.addi %mul3A_2, %add3A_242 : i32
    %mul3A_244 = arith.constant 125 : i32
    %mul3A_245 = arith.muli %add3A_243, %mul3A_244 : i32
    %dma_wait3A_246 = arith.constant 2 : i32
    %dma_wait3A_247 = arith.constant 0 : i32
    %dma_wait3A_248 = arith.constant 0 : i32
    %dma_wait3A_249 = tpu.memref_slice %arg6[%dma_wait3A_246, %dma_wait3A_247, %dma_wait3A_248] : memref<8x125x64xf32, #tpu.memory_space<vmem>> -> memref<1x125x64xf32, #tpu.memory_space<vmem>>
    %dma_wait3A_250 = tpu.memref_squeeze %dma_wait3A_249 : memref<1x125x64xf32, #tpu.memory_space<vmem>> -> memref<125x64xf32, #tpu.memory_space<vmem>>
    %dma_wait3A_251 = arith.constant 0 : i32
    %dma_wait3A_252 = tpu.memref_slice %arg4[%mul3A_245, %dma_wait3A_251] : memref<64000x64xf32, #tpu.memory_space<hbm>> -> memref<125x64xf32, #tpu.memory_space<hbm>>
    %dma_wait3A_253 = arith.constant 0 : i32
    %dma_wait3A_254 = tpu.memref_slice %arg4[%mul3A_245, %dma_wait3A_253] : memref<64000x64xf32, #tpu.memory_space<hbm>> -> memref<125x64xf32, #tpu.memory_space<hbm>>
    %dma_wait3A_255 = arith.constant 0 : i32
    %dma_wait3A_256 = arith.constant 0 : i32
    %dma_wait3A_257 = tpu.memref_slice %arg6[%dma_wait3A_246, %dma_wait3A_255, %dma_wait3A_256] : memref<8x125x64xf32, #tpu.memory_space<vmem>> -> memref<1x125x64xf32, #tpu.memory_space<vmem>>
    %dma_wait3A_258 = tpu.memref_squeeze %dma_wait3A_257 : memref<1x125x64xf32, #tpu.memory_space<vmem>> -> memref<125x64xf32, #tpu.memory_space<vmem>>
    tpu.wait_dma2 semaphore(%arg8 : memref<!tpu.dma_semaphore, #tpu.memory_space<semaphore_mem>>) src(%dma_wait3A_258 : memref<125x64xf32, #tpu.memory_space<vmem>>) dst(%dma_wait3A_254 : memref<125x64xf32, #tpu.memory_space<hbm>>)
    %dma_start3A_259 = arith.constant 10 : i32
    %dma_start3A_260 = arith.constant 2 : i32
    %dma_start3A_261 = arith.constant 0 : i32
    %dma_start3A_262 = arith.constant 0 : i32
    %dma_start3A_263 = tpu.memref_slice %arg6[%dma_start3A_260, %dma_start3A_261, %dma_start3A_262] : memref<8x125x64xf32, #tpu.memory_space<vmem>> -> memref<1x125x64xf32, #tpu.memory_space<vmem>>
    %dma_start3A_264 = tpu.memref_squeeze %dma_start3A_263 : memref<1x125x64xf32, #tpu.memory_space<vmem>> -> memref<125x64xf32, #tpu.memory_space<vmem>>
    %dma_start3A_265 = arith.constant 0 : i32
    %dma_start3A_266 = tpu.memref_slice %arg5[%dma_start3A_259, %dma_start3A_265] : memref<16x125xi32, #tpu.memory_space<vmem>> -> memref<1x125xi32, #tpu.memory_space<vmem>>
    %dma_start3A_267 = tpu.memref_squeeze %dma_start3A_266 : memref<1x125xi32, #tpu.memory_space<vmem>> -> memref<125xi32, #tpu.memory_space<vmem>>
    %dma_start3A_268 = arith.constant 0 : i32
    %dma_start3A_269 = arith.constant 0 : i32
    %dma_start3A_270 = tpu.memref_slice %arg2[%dma_start3A_268, %dma_start3A_269] : memref<100000x64xf32, #tpu.memory_space<hbm>> -> memref<100000x64xf32, #tpu.memory_space<hbm>>
    tpu.enqueue_indirect_dma source(%dma_start3A_270 : memref<100000x64xf32, #tpu.memory_space<hbm>>) target(%dma_start3A_264 : memref<125x64xf32, #tpu.memory_space<vmem>>) offsets(%dma_start3A_267 : memref<125xi32, #tpu.memory_space<vmem>>) semaphore(%arg7 : memref<!tpu.dma_semaphore, #tpu.memory_space<semaphore_mem>>)
    %dma_wait3A_271 = arith.constant 3 : i32
    %dma_wait3A_272 = arith.constant 3 : i32
    %dma_wait3A_273 = arith.constant 0 : i32
    %dma_wait3A_274 = arith.constant 0 : i32
    %dma_wait3A_275 = tpu.memref_slice %arg6[%dma_wait3A_272, %dma_wait3A_273, %dma_wait3A_274] : memref<8x125x64xf32, #tpu.memory_space<vmem>> -> memref<1x125x64xf32, #tpu.memory_space<vmem>>
    %dma_wait3A_276 = tpu.memref_squeeze %dma_wait3A_275 : memref<1x125x64xf32, #tpu.memory_space<vmem>> -> memref<125x64xf32, #tpu.memory_space<vmem>>
    %dma_wait3A_277 = arith.constant 0 : i32
    %dma_wait3A_278 = tpu.memref_slice %arg5[%dma_wait3A_271, %dma_wait3A_277] : memref<16x125xi32, #tpu.memory_space<vmem>> -> memref<1x125xi32, #tpu.memory_space<vmem>>
    %dma_wait3A_279 = tpu.memref_squeeze %dma_wait3A_278 : memref<1x125xi32, #tpu.memory_space<vmem>> -> memref<125xi32, #tpu.memory_space<vmem>>
    %dma_wait3A_280 = arith.constant 0 : i32
    %dma_wait3A_281 = arith.constant 0 : i32
    %dma_wait3A_282 = tpu.memref_slice %arg2[%dma_wait3A_280, %dma_wait3A_281] : memref<100000x64xf32, #tpu.memory_space<hbm>> -> memref<100000x64xf32, #tpu.memory_space<hbm>>
    tpu.wait_indirect_dma semaphore(%arg7 : memref<!tpu.dma_semaphore, #tpu.memory_space<semaphore_mem>>) src(%dma_wait3A_282 : memref<100000x64xf32, #tpu.memory_space<hbm>>) dst(%dma_wait3A_276 : memref<125x64xf32, #tpu.memory_space<vmem>>)
    %add3A_283 = arith.constant 3 : i32
    %add3A_284 = arith.addi %mul3A_2, %add3A_283 : i32
    %mul3A_285 = arith.constant 125 : i32
    %mul3A_286 = arith.muli %add3A_284, %mul3A_285 : i32
    %dma_start3A_287 = arith.constant 3 : i32
    %dma_start3A_288 = arith.constant 0 : i32
    %dma_start3A_289 = arith.constant 0 : i32
    %dma_start3A_290 = tpu.memref_slice %arg6[%dma_start3A_287, %dma_start3A_288, %dma_start3A_289] : memref<8x125x64xf32, #tpu.memory_space<vmem>> -> memref<1x125x64xf32, #tpu.memory_space<vmem>>
    %dma_start3A_291 = tpu.memref_squeeze %dma_start3A_290 : memref<1x125x64xf32, #tpu.memory_space<vmem>> -> memref<125x64xf32, #tpu.memory_space<vmem>>
    %dma_start3A_292 = arith.constant 0 : i32
    %dma_start3A_293 = tpu.memref_slice %arg4[%mul3A_286, %dma_start3A_292] : memref<64000x64xf32, #tpu.memory_space<hbm>> -> memref<125x64xf32, #tpu.memory_space<hbm>>
    %dma_start3A_294 = arith.constant 0 : i32
    %dma_start3A_295 = tpu.memref_slice %arg4[%mul3A_286, %dma_start3A_294] : memref<64000x64xf32, #tpu.memory_space<hbm>> -> memref<125x64xf32, #tpu.memory_space<hbm>>
    %dma_start3A_296 = arith.constant 0 : i32
    %dma_start3A_297 = arith.constant 0 : i32
    %dma_start3A_298 = tpu.memref_slice %arg6[%dma_start3A_287, %dma_start3A_296, %dma_start3A_297] : memref<8x125x64xf32, #tpu.memory_space<vmem>> -> memref<1x125x64xf32, #tpu.memory_space<vmem>>
    %dma_start3A_299 = tpu.memref_squeeze %dma_start3A_298 : memref<1x125x64xf32, #tpu.memory_space<vmem>> -> memref<125x64xf32, #tpu.memory_space<vmem>>
    tpu.enqueue_dma source(%dma_start3A_299 : memref<125x64xf32, #tpu.memory_space<vmem>>) target(%dma_start3A_295 : memref<125x64xf32, #tpu.memory_space<hbm>>) target_semaphore(%arg8 : memref<!tpu.dma_semaphore, #tpu.memory_space<semaphore_mem>>)
    %add3A_300 = arith.constant 3 : i32
    %add3A_301 = arith.addi %mul3A_2, %add3A_300 : i32
    %mul3A_302 = arith.constant 125 : i32
    %mul3A_303 = arith.muli %add3A_301, %mul3A_302 : i32
    %dma_wait3A_304 = arith.constant 3 : i32
    %dma_wait3A_305 = arith.constant 0 : i32
    %dma_wait3A_306 = arith.constant 0 : i32
    %dma_wait3A_307 = tpu.memref_slice %arg6[%dma_wait3A_304, %dma_wait3A_305, %dma_wait3A_306] : memref<8x125x64xf32, #tpu.memory_space<vmem>> -> memref<1x125x64xf32, #tpu.memory_space<vmem>>
    %dma_wait3A_308 = tpu.memref_squeeze %dma_wait3A_307 : memref<1x125x64xf32, #tpu.memory_space<vmem>> -> memref<125x64xf32, #tpu.memory_space<vmem>>
    %dma_wait3A_309 = arith.constant 0 : i32
    %dma_wait3A_310 = tpu.memref_slice %arg4[%mul3A_303, %dma_wait3A_309] : memref<64000x64xf32, #tpu.memory_space<hbm>> -> memref<125x64xf32, #tpu.memory_space<hbm>>
    %dma_wait3A_311 = arith.constant 0 : i32
    %dma_wait3A_312 = tpu.memref_slice %arg4[%mul3A_303, %dma_wait3A_311] : memref<64000x64xf32, #tpu.memory_space<hbm>> -> memref<125x64xf32, #tpu.memory_space<hbm>>
    %dma_wait3A_313 = arith.constant 0 : i32
    %dma_wait3A_314 = arith.constant 0 : i32
    %dma_wait3A_315 = tpu.memref_slice %arg6[%dma_wait3A_304, %dma_wait3A_313, %dma_wait3A_314] : memref<8x125x64xf32, #tpu.memory_space<vmem>> -> memref<1x125x64xf32, #tpu.memory_space<vmem>>
    %dma_wait3A_316 = tpu.memref_squeeze %dma_wait3A_315 : memref<1x125x64xf32, #tpu.memory_space<vmem>> -> memref<125x64xf32, #tpu.memory_space<vmem>>
    tpu.wait_dma2 semaphore(%arg8 : memref<!tpu.dma_semaphore, #tpu.memory_space<semaphore_mem>>) src(%dma_wait3A_316 : memref<125x64xf32, #tpu.memory_space<vmem>>) dst(%dma_wait3A_312 : memref<125x64xf32, #tpu.memory_space<hbm>>)
    %dma_start3A_317 = arith.constant 11 : i32
    %dma_start3A_318 = arith.constant 3 : i32
    %dma_start3A_319 = arith.constant 0 : i32
    %dma_start3A_320 = arith.constant 0 : i32
    %dma_start3A_321 = tpu.memref_slice %arg6[%dma_start3A_318, %dma_start3A_319, %dma_start3A_320] : memref<8x125x64xf32, #tpu.memory_space<vmem>> -> memref<1x125x64xf32, #tpu.memory_space<vmem>>
    %dma_start3A_322 = tpu.memref_squeeze %dma_start3A_321 : memref<1x125x64xf32, #tpu.memory_space<vmem>> -> memref<125x64xf32, #tpu.memory_space<vmem>>
    %dma_start3A_323 = arith.constant 0 : i32
    %dma_start3A_324 = tpu.memref_slice %arg5[%dma_start3A_317, %dma_start3A_323] : memref<16x125xi32, #tpu.memory_space<vmem>> -> memref<1x125xi32, #tpu.memory_space<vmem>>
    %dma_start3A_325 = tpu.memref_squeeze %dma_start3A_324 : memref<1x125xi32, #tpu.memory_space<vmem>> -> memref<125xi32, #tpu.memory_space<vmem>>
    %dma_start3A_326 = arith.constant 0 : i32
    %dma_start3A_327 = arith.constant 0 : i32
    %dma_start3A_328 = tpu.memref_slice %arg2[%dma_start3A_326, %dma_start3A_327] : memref<100000x64xf32, #tpu.memory_space<hbm>> -> memref<100000x64xf32, #tpu.memory_space<hbm>>
    tpu.enqueue_indirect_dma source(%dma_start3A_328 : memref<100000x64xf32, #tpu.memory_space<hbm>>) target(%dma_start3A_322 : memref<125x64xf32, #tpu.memory_space<vmem>>) offsets(%dma_start3A_325 : memref<125xi32, #tpu.memory_space<vmem>>) semaphore(%arg7 : memref<!tpu.dma_semaphore, #tpu.memory_space<semaphore_mem>>)
    %dma_wait3A_329 = arith.constant 4 : i32
    %dma_wait3A_330 = arith.constant 4 : i32
    %dma_wait3A_331 = arith.constant 0 : i32
    %dma_wait3A_332 = arith.constant 0 : i32
    %dma_wait3A_333 = tpu.memref_slice %arg6[%dma_wait3A_330, %dma_wait3A_331, %dma_wait3A_332] : memref<8x125x64xf32, #tpu.memory_space<vmem>> -> memref<1x125x64xf32, #tpu.memory_space<vmem>>
    %dma_wait3A_334 = tpu.memref_squeeze %dma_wait3A_333 : memref<1x125x64xf32, #tpu.memory_space<vmem>> -> memref<125x64xf32, #tpu.memory_space<vmem>>
    %dma_wait3A_335 = arith.constant 0 : i32
    %dma_wait3A_336 = tpu.memref_slice %arg5[%dma_wait3A_329, %dma_wait3A_335] : memref<16x125xi32, #tpu.memory_space<vmem>> -> memref<1x125xi32, #tpu.memory_space<vmem>>
    %dma_wait3A_337 = tpu.memref_squeeze %dma_wait3A_336 : memref<1x125xi32, #tpu.memory_space<vmem>> -> memref<125xi32, #tpu.memory_space<vmem>>
    %dma_wait3A_338 = arith.constant 0 : i32
    %dma_wait3A_339 = arith.constant 0 : i32
    %dma_wait3A_340 = tpu.memref_slice %arg2[%dma_wait3A_338, %dma_wait3A_339] : memref<100000x64xf32, #tpu.memory_space<hbm>> -> memref<100000x64xf32, #tpu.memory_space<hbm>>
    tpu.wait_indirect_dma semaphore(%arg7 : memref<!tpu.dma_semaphore, #tpu.memory_space<semaphore_mem>>) src(%dma_wait3A_340 : memref<100000x64xf32, #tpu.memory_space<hbm>>) dst(%dma_wait3A_334 : memref<125x64xf32, #tpu.memory_space<vmem>>)
    %add3A_341 = arith.constant 4 : i32
    %add3A_342 = arith.addi %mul3A_2, %add3A_341 : i32
    %mul3A_343 = arith.constant 125 : i32
    %mul3A_344 = arith.muli %add3A_342, %mul3A_343 : i32
    %dma_start3A_345 = arith.constant 4 : i32
    %dma_start3A_346 = arith.constant 0 : i32
    %dma_start3A_347 = arith.constant 0 : i32
    %dma_start3A_348 = tpu.memref_slice %arg6[%dma_start3A_345, %dma_start3A_346, %dma_start3A_347] : memref<8x125x64xf32, #tpu.memory_space<vmem>> -> memref<1x125x64xf32, #tpu.memory_space<vmem>>
    %dma_start3A_349 = tpu.memref_squeeze %dma_start3A_348 : memref<1x125x64xf32, #tpu.memory_space<vmem>> -> memref<125x64xf32, #tpu.memory_space<vmem>>
    %dma_start3A_350 = arith.constant 0 : i32
    %dma_start3A_351 = tpu.memref_slice %arg4[%mul3A_344, %dma_start3A_350] : memref<64000x64xf32, #tpu.memory_space<hbm>> -> memref<125x64xf32, #tpu.memory_space<hbm>>
    %dma_start3A_352 = arith.constant 0 : i32
    %dma_start3A_353 = tpu.memref_slice %arg4[%mul3A_344, %dma_start3A_352] : memref<64000x64xf32, #tpu.memory_space<hbm>> -> memref<125x64xf32, #tpu.memory_space<hbm>>
    %dma_start3A_354 = arith.constant 0 : i32
    %dma_start3A_355 = arith.constant 0 : i32
    %dma_start3A_356 = tpu.memref_slice %arg6[%dma_start3A_345, %dma_start3A_354, %dma_start3A_355] : memref<8x125x64xf32, #tpu.memory_space<vmem>> -> memref<1x125x64xf32, #tpu.memory_space<vmem>>
    %dma_start3A_357 = tpu.memref_squeeze %dma_start3A_356 : memref<1x125x64xf32, #tpu.memory_space<vmem>> -> memref<125x64xf32, #tpu.memory_space<vmem>>
    tpu.enqueue_dma source(%dma_start3A_357 : memref<125x64xf32, #tpu.memory_space<vmem>>) target(%dma_start3A_353 : memref<125x64xf32, #tpu.memory_space<hbm>>) target_semaphore(%arg8 : memref<!tpu.dma_semaphore, #tpu.memory_space<semaphore_mem>>)
    %add3A_358 = arith.constant 4 : i32
    %add3A_359 = arith.addi %mul3A_2, %add3A_358 : i32
    %mul3A_360 = arith.constant 125 : i32
    %mul3A_361 = arith.muli %add3A_359, %mul3A_360 : i32
    %dma_wait3A_362 = arith.constant 4 : i32
    %dma_wait3A_363 = arith.constant 0 : i32
    %dma_wait3A_364 = arith.constant 0 : i32
    %dma_wait3A_365 = tpu.memref_slice %arg6[%dma_wait3A_362, %dma_wait3A_363, %dma_wait3A_364] : memref<8x125x64xf32, #tpu.memory_space<vmem>> -> memref<1x125x64xf32, #tpu.memory_space<vmem>>
    %dma_wait3A_366 = tpu.memref_squeeze %dma_wait3A_365 : memref<1x125x64xf32, #tpu.memory_space<vmem>> -> memref<125x64xf32, #tpu.memory_space<vmem>>
    %dma_wait3A_367 = arith.constant 0 : i32
    %dma_wait3A_368 = tpu.memref_slice %arg4[%mul3A_361, %dma_wait3A_367] : memref<64000x64xf32, #tpu.memory_space<hbm>> -> memref<125x64xf32, #tpu.memory_space<hbm>>
    %dma_wait3A_369 = arith.constant 0 : i32
    %dma_wait3A_370 = tpu.memref_slice %arg4[%mul3A_361, %dma_wait3A_369] : memref<64000x64xf32, #tpu.memory_space<hbm>> -> memref<125x64xf32, #tpu.memory_space<hbm>>
    %dma_wait3A_371 = arith.constant 0 : i32
    %dma_wait3A_372 = arith.constant 0 : i32
    %dma_wait3A_373 = tpu.memref_slice %arg6[%dma_wait3A_362, %dma_wait3A_371, %dma_wait3A_372] : memref<8x125x64xf32, #tpu.memory_space<vmem>> -> memref<1x125x64xf32, #tpu.memory_space<vmem>>
    %dma_wait3A_374 = tpu.memref_squeeze %dma_wait3A_373 : memref<1x125x64xf32, #tpu.memory_space<vmem>> -> memref<125x64xf32, #tpu.memory_space<vmem>>
    tpu.wait_dma2 semaphore(%arg8 : memref<!tpu.dma_semaphore, #tpu.memory_space<semaphore_mem>>) src(%dma_wait3A_374 : memref<125x64xf32, #tpu.memory_space<vmem>>) dst(%dma_wait3A_370 : memref<125x64xf32, #tpu.memory_space<hbm>>)
    %dma_start3A_375 = arith.constant 12 : i32
    %dma_start3A_376 = arith.constant 4 : i32
    %dma_start3A_377 = arith.constant 0 : i32
    %dma_start3A_378 = arith.constant 0 : i32
    %dma_start3A_379 = tpu.memref_slice %arg6[%dma_start3A_376, %dma_start3A_377, %dma_start3A_378] : memref<8x125x64xf32, #tpu.memory_space<vmem>> -> memref<1x125x64xf32, #tpu.memory_space<vmem>>
    %dma_start3A_380 = tpu.memref_squeeze %dma_start3A_379 : memref<1x125x64xf32, #tpu.memory_space<vmem>> -> memref<125x64xf32, #tpu.memory_space<vmem>>
    %dma_start3A_381 = arith.constant 0 : i32
    %dma_start3A_382 = tpu.memref_slice %arg5[%dma_start3A_375, %dma_start3A_381] : memref<16x125xi32, #tpu.memory_space<vmem>> -> memref<1x125xi32, #tpu.memory_space<vmem>>
    %dma_start3A_383 = tpu.memref_squeeze %dma_start3A_382 : memref<1x125xi32, #tpu.memory_space<vmem>> -> memref<125xi32, #tpu.memory_space<vmem>>
    %dma_start3A_384 = arith.constant 0 : i32
    %dma_start3A_385 = arith.constant 0 : i32
    %dma_start3A_386 = tpu.memref_slice %arg2[%dma_start3A_384, %dma_start3A_385] : memref<100000x64xf32, #tpu.memory_space<hbm>> -> memref<100000x64xf32, #tpu.memory_space<hbm>>
    tpu.enqueue_indirect_dma source(%dma_start3A_386 : memref<100000x64xf32, #tpu.memory_space<hbm>>) target(%dma_start3A_380 : memref<125x64xf32, #tpu.memory_space<vmem>>) offsets(%dma_start3A_383 : memref<125xi32, #tpu.memory_space<vmem>>) semaphore(%arg7 : memref<!tpu.dma_semaphore, #tpu.memory_space<semaphore_mem>>)
    %dma_wait3A_387 = arith.constant 5 : i32
    %dma_wait3A_388 = arith.constant 5 : i32
    %dma_wait3A_389 = arith.constant 0 : i32
    %dma_wait3A_390 = arith.constant 0 : i32
    %dma_wait3A_391 = tpu.memref_slice %arg6[%dma_wait3A_388, %dma_wait3A_389, %dma_wait3A_390] : memref<8x125x64xf32, #tpu.memory_space<vmem>> -> memref<1x125x64xf32, #tpu.memory_space<vmem>>
    %dma_wait3A_392 = tpu.memref_squeeze %dma_wait3A_391 : memref<1x125x64xf32, #tpu.memory_space<vmem>> -> memref<125x64xf32, #tpu.memory_space<vmem>>
    %dma_wait3A_393 = arith.constant 0 : i32
    %dma_wait3A_394 = tpu.memref_slice %arg5[%dma_wait3A_387, %dma_wait3A_393] : memref<16x125xi32, #tpu.memory_space<vmem>> -> memref<1x125xi32, #tpu.memory_space<vmem>>
    %dma_wait3A_395 = tpu.memref_squeeze %dma_wait3A_394 : memref<1x125xi32, #tpu.memory_space<vmem>> -> memref<125xi32, #tpu.memory_space<vmem>>
    %dma_wait3A_396 = arith.constant 0 : i32
    %dma_wait3A_397 = arith.constant 0 : i32
    %dma_wait3A_398 = tpu.memref_slice %arg2[%dma_wait3A_396, %dma_wait3A_397] : memref<100000x64xf32, #tpu.memory_space<hbm>> -> memref<100000x64xf32, #tpu.memory_space<hbm>>
    tpu.wait_indirect_dma semaphore(%arg7 : memref<!tpu.dma_semaphore, #tpu.memory_space<semaphore_mem>>) src(%dma_wait3A_398 : memref<100000x64xf32, #tpu.memory_space<hbm>>) dst(%dma_wait3A_392 : memref<125x64xf32, #tpu.memory_space<vmem>>)
    %add3A_399 = arith.constant 5 : i32
    %add3A_400 = arith.addi %mul3A_2, %add3A_399 : i32
    %mul3A_401 = arith.constant 125 : i32
    %mul3A_402 = arith.muli %add3A_400, %mul3A_401 : i32
    %dma_start3A_403 = arith.constant 5 : i32
    %dma_start3A_404 = arith.constant 0 : i32
    %dma_start3A_405 = arith.constant 0 : i32
    %dma_start3A_406 = tpu.memref_slice %arg6[%dma_start3A_403, %dma_start3A_404, %dma_start3A_405] : memref<8x125x64xf32, #tpu.memory_space<vmem>> -> memref<1x125x64xf32, #tpu.memory_space<vmem>>
    %dma_start3A_407 = tpu.memref_squeeze %dma_start3A_406 : memref<1x125x64xf32, #tpu.memory_space<vmem>> -> memref<125x64xf32, #tpu.memory_space<vmem>>
    %dma_start3A_408 = arith.constant 0 : i32
    %dma_start3A_409 = tpu.memref_slice %arg4[%mul3A_402, %dma_start3A_408] : memref<64000x64xf32, #tpu.memory_space<hbm>> -> memref<125x64xf32, #tpu.memory_space<hbm>>
    %dma_start3A_410 = arith.constant 0 : i32
    %dma_start3A_411 = tpu.memref_slice %arg4[%mul3A_402, %dma_start3A_410] : memref<64000x64xf32, #tpu.memory_space<hbm>> -> memref<125x64xf32, #tpu.memory_space<hbm>>
    %dma_start3A_412 = arith.constant 0 : i32
    %dma_start3A_413 = arith.constant 0 : i32
    %dma_start3A_414 = tpu.memref_slice %arg6[%dma_start3A_403, %dma_start3A_412, %dma_start3A_413] : memref<8x125x64xf32, #tpu.memory_space<vmem>> -> memref<1x125x64xf32, #tpu.memory_space<vmem>>
    %dma_start3A_415 = tpu.memref_squeeze %dma_start3A_414 : memref<1x125x64xf32, #tpu.memory_space<vmem>> -> memref<125x64xf32, #tpu.memory_space<vmem>>
    tpu.enqueue_dma source(%dma_start3A_415 : memref<125x64xf32, #tpu.memory_space<vmem>>) target(%dma_start3A_411 : memref<125x64xf32, #tpu.memory_space<hbm>>) target_semaphore(%arg8 : memref<!tpu.dma_semaphore, #tpu.memory_space<semaphore_mem>>)
    %add3A_416 = arith.constant 5 : i32
    %add3A_417 = arith.addi %mul3A_2, %add3A_416 : i32
    %mul3A_418 = arith.constant 125 : i32
    %mul3A_419 = arith.muli %add3A_417, %mul3A_418 : i32
    %dma_wait3A_420 = arith.constant 5 : i32
    %dma_wait3A_421 = arith.constant 0 : i32
    %dma_wait3A_422 = arith.constant 0 : i32
    %dma_wait3A_423 = tpu.memref_slice %arg6[%dma_wait3A_420, %dma_wait3A_421, %dma_wait3A_422] : memref<8x125x64xf32, #tpu.memory_space<vmem>> -> memref<1x125x64xf32, #tpu.memory_space<vmem>>
    %dma_wait3A_424 = tpu.memref_squeeze %dma_wait3A_423 : memref<1x125x64xf32, #tpu.memory_space<vmem>> -> memref<125x64xf32, #tpu.memory_space<vmem>>
    %dma_wait3A_425 = arith.constant 0 : i32
    %dma_wait3A_426 = tpu.memref_slice %arg4[%mul3A_419, %dma_wait3A_425] : memref<64000x64xf32, #tpu.memory_space<hbm>> -> memref<125x64xf32, #tpu.memory_space<hbm>>
    %dma_wait3A_427 = arith.constant 0 : i32
    %dma_wait3A_428 = tpu.memref_slice %arg4[%mul3A_419, %dma_wait3A_427] : memref<64000x64xf32, #tpu.memory_space<hbm>> -> memref<125x64xf32, #tpu.memory_space<hbm>>
    %dma_wait3A_429 = arith.constant 0 : i32
    %dma_wait3A_430 = arith.constant 0 : i32
    %dma_wait3A_431 = tpu.memref_slice %arg6[%dma_wait3A_420, %dma_wait3A_429, %dma_wait3A_430] : memref<8x125x64xf32, #tpu.memory_space<vmem>> -> memref<1x125x64xf32, #tpu.memory_space<vmem>>
    %dma_wait3A_432 = tpu.memref_squeeze %dma_wait3A_431 : memref<1x125x64xf32, #tpu.memory_space<vmem>> -> memref<125x64xf32, #tpu.memory_space<vmem>>
    tpu.wait_dma2 semaphore(%arg8 : memref<!tpu.dma_semaphore, #tpu.memory_space<semaphore_mem>>) src(%dma_wait3A_432 : memref<125x64xf32, #tpu.memory_space<vmem>>) dst(%dma_wait3A_428 : memref<125x64xf32, #tpu.memory_space<hbm>>)
    %dma_start3A_433 = arith.constant 13 : i32
    %dma_start3A_434 = arith.constant 5 : i32
    %dma_start3A_435 = arith.constant 0 : i32
    %dma_start3A_436 = arith.constant 0 : i32
    %dma_start3A_437 = tpu.memref_slice %arg6[%dma_start3A_434, %dma_start3A_435, %dma_start3A_436] : memref<8x125x64xf32, #tpu.memory_space<vmem>> -> memref<1x125x64xf32, #tpu.memory_space<vmem>>
    %dma_start3A_438 = tpu.memref_squeeze %dma_start3A_437 : memref<1x125x64xf32, #tpu.memory_space<vmem>> -> memref<125x64xf32, #tpu.memory_space<vmem>>
    %dma_start3A_439 = arith.constant 0 : i32
    %dma_start3A_440 = tpu.memref_slice %arg5[%dma_start3A_433, %dma_start3A_439] : memref<16x125xi32, #tpu.memory_space<vmem>> -> memref<1x125xi32, #tpu.memory_space<vmem>>
    %dma_start3A_441 = tpu.memref_squeeze %dma_start3A_440 : memref<1x125xi32, #tpu.memory_space<vmem>> -> memref<125xi32, #tpu.memory_space<vmem>>
    %dma_start3A_442 = arith.constant 0 : i32
    %dma_start3A_443 = arith.constant 0 : i32
    %dma_start3A_444 = tpu.memref_slice %arg2[%dma_start3A_442, %dma_start3A_443] : memref<100000x64xf32, #tpu.memory_space<hbm>> -> memref<100000x64xf32, #tpu.memory_space<hbm>>
    tpu.enqueue_indirect_dma source(%dma_start3A_444 : memref<100000x64xf32, #tpu.memory_space<hbm>>) target(%dma_start3A_438 : memref<125x64xf32, #tpu.memory_space<vmem>>) offsets(%dma_start3A_441 : memref<125xi32, #tpu.memory_space<vmem>>) semaphore(%arg7 : memref<!tpu.dma_semaphore, #tpu.memory_space<semaphore_mem>>)
    %dma_wait3A_445 = arith.constant 6 : i32
    %dma_wait3A_446 = arith.constant 6 : i32
    %dma_wait3A_447 = arith.constant 0 : i32
    %dma_wait3A_448 = arith.constant 0 : i32
    %dma_wait3A_449 = tpu.memref_slice %arg6[%dma_wait3A_446, %dma_wait3A_447, %dma_wait3A_448] : memref<8x125x64xf32, #tpu.memory_space<vmem>> -> memref<1x125x64xf32, #tpu.memory_space<vmem>>
    %dma_wait3A_450 = tpu.memref_squeeze %dma_wait3A_449 : memref<1x125x64xf32, #tpu.memory_space<vmem>> -> memref<125x64xf32, #tpu.memory_space<vmem>>
    %dma_wait3A_451 = arith.constant 0 : i32
    %dma_wait3A_452 = tpu.memref_slice %arg5[%dma_wait3A_445, %dma_wait3A_451] : memref<16x125xi32, #tpu.memory_space<vmem>> -> memref<1x125xi32, #tpu.memory_space<vmem>>
    %dma_wait3A_453 = tpu.memref_squeeze %dma_wait3A_452 : memref<1x125xi32, #tpu.memory_space<vmem>> -> memref<125xi32, #tpu.memory_space<vmem>>
    %dma_wait3A_454 = arith.constant 0 : i32
    %dma_wait3A_455 = arith.constant 0 : i32
    %dma_wait3A_456 = tpu.memref_slice %arg2[%dma_wait3A_454, %dma_wait3A_455] : memref<100000x64xf32, #tpu.memory_space<hbm>> -> memref<100000x64xf32, #tpu.memory_space<hbm>>
    tpu.wait_indirect_dma semaphore(%arg7 : memref<!tpu.dma_semaphore, #tpu.memory_space<semaphore_mem>>) src(%dma_wait3A_456 : memref<100000x64xf32, #tpu.memory_space<hbm>>) dst(%dma_wait3A_450 : memref<125x64xf32, #tpu.memory_space<vmem>>)
    %add3A_457 = arith.constant 6 : i32
    %add3A_458 = arith.addi %mul3A_2, %add3A_457 : i32
    %mul3A_459 = arith.constant 125 : i32
    %mul3A_460 = arith.muli %add3A_458, %mul3A_459 : i32
    %dma_start3A_461 = arith.constant 6 : i32
    %dma_start3A_462 = arith.constant 0 : i32
    %dma_start3A_463 = arith.constant 0 : i32
    %dma_start3A_464 = tpu.memref_slice %arg6[%dma_start3A_461, %dma_start3A_462, %dma_start3A_463] : memref<8x125x64xf32, #tpu.memory_space<vmem>> -> memref<1x125x64xf32, #tpu.memory_space<vmem>>
    %dma_start3A_465 = tpu.memref_squeeze %dma_start3A_464 : memref<1x125x64xf32, #tpu.memory_space<vmem>> -> memref<125x64xf32, #tpu.memory_space<vmem>>
    %dma_start3A_466 = arith.constant 0 : i32
    %dma_start3A_467 = tpu.memref_slice %arg4[%mul3A_460, %dma_start3A_466] : memref<64000x64xf32, #tpu.memory_space<hbm>> -> memref<125x64xf32, #tpu.memory_space<hbm>>
    %dma_start3A_468 = arith.constant 0 : i32
    %dma_start3A_469 = tpu.memref_slice %arg4[%mul3A_460, %dma_start3A_468] : memref<64000x64xf32, #tpu.memory_space<hbm>> -> memref<125x64xf32, #tpu.memory_space<hbm>>
    %dma_start3A_470 = arith.constant 0 : i32
    %dma_start3A_471 = arith.constant 0 : i32
    %dma_start3A_472 = tpu.memref_slice %arg6[%dma_start3A_461, %dma_start3A_470, %dma_start3A_471] : memref<8x125x64xf32, #tpu.memory_space<vmem>> -> memref<1x125x64xf32, #tpu.memory_space<vmem>>
    %dma_start3A_473 = tpu.memref_squeeze %dma_start3A_472 : memref<1x125x64xf32, #tpu.memory_space<vmem>> -> memref<125x64xf32, #tpu.memory_space<vmem>>
    tpu.enqueue_dma source(%dma_start3A_473 : memref<125x64xf32, #tpu.memory_space<vmem>>) target(%dma_start3A_469 : memref<125x64xf32, #tpu.memory_space<hbm>>) target_semaphore(%arg8 : memref<!tpu.dma_semaphore, #tpu.memory_space<semaphore_mem>>)
    %add3A_474 = arith.constant 6 : i32
    %add3A_475 = arith.addi %mul3A_2, %add3A_474 : i32
    %mul3A_476 = arith.constant 125 : i32
    %mul3A_477 = arith.muli %add3A_475, %mul3A_476 : i32
    %dma_wait3A_478 = arith.constant 6 : i32
    %dma_wait3A_479 = arith.constant 0 : i32
    %dma_wait3A_480 = arith.constant 0 : i32
    %dma_wait3A_481 = tpu.memref_slice %arg6[%dma_wait3A_478, %dma_wait3A_479, %dma_wait3A_480] : memref<8x125x64xf32, #tpu.memory_space<vmem>> -> memref<1x125x64xf32, #tpu.memory_space<vmem>>
    %dma_wait3A_482 = tpu.memref_squeeze %dma_wait3A_481 : memref<1x125x64xf32, #tpu.memory_space<vmem>> -> memref<125x64xf32, #tpu.memory_space<vmem>>
    %dma_wait3A_483 = arith.constant 0 : i32
    %dma_wait3A_484 = tpu.memref_slice %arg4[%mul3A_477, %dma_wait3A_483] : memref<64000x64xf32, #tpu.memory_space<hbm>> -> memref<125x64xf32, #tpu.memory_space<hbm>>
    %dma_wait3A_485 = arith.constant 0 : i32
    %dma_wait3A_486 = tpu.memref_slice %arg4[%mul3A_477, %dma_wait3A_485] : memref<64000x64xf32, #tpu.memory_space<hbm>> -> memref<125x64xf32, #tpu.memory_space<hbm>>
    %dma_wait3A_487 = arith.constant 0 : i32
    %dma_wait3A_488 = arith.constant 0 : i32
    %dma_wait3A_489 = tpu.memref_slice %arg6[%dma_wait3A_478, %dma_wait3A_487, %dma_wait3A_488] : memref<8x125x64xf32, #tpu.memory_space<vmem>> -> memref<1x125x64xf32, #tpu.memory_space<vmem>>
    %dma_wait3A_490 = tpu.memref_squeeze %dma_wait3A_489 : memref<1x125x64xf32, #tpu.memory_space<vmem>> -> memref<125x64xf32, #tpu.memory_space<vmem>>
    tpu.wait_dma2 semaphore(%arg8 : memref<!tpu.dma_semaphore, #tpu.memory_space<semaphore_mem>>) src(%dma_wait3A_490 : memref<125x64xf32, #tpu.memory_space<vmem>>) dst(%dma_wait3A_486 : memref<125x64xf32, #tpu.memory_space<hbm>>)
    %dma_start3A_491 = arith.constant 14 : i32
    %dma_start3A_492 = arith.constant 6 : i32
    %dma_start3A_493 = arith.constant 0 : i32
    %dma_start3A_494 = arith.constant 0 : i32
    %dma_start3A_495 = tpu.memref_slice %arg6[%dma_start3A_492, %dma_start3A_493, %dma_start3A_494] : memref<8x125x64xf32, #tpu.memory_space<vmem>> -> memref<1x125x64xf32, #tpu.memory_space<vmem>>
    %dma_start3A_496 = tpu.memref_squeeze %dma_start3A_495 : memref<1x125x64xf32, #tpu.memory_space<vmem>> -> memref<125x64xf32, #tpu.memory_space<vmem>>
    %dma_start3A_497 = arith.constant 0 : i32
    %dma_start3A_498 = tpu.memref_slice %arg5[%dma_start3A_491, %dma_start3A_497] : memref<16x125xi32, #tpu.memory_space<vmem>> -> memref<1x125xi32, #tpu.memory_space<vmem>>
    %dma_start3A_499 = tpu.memref_squeeze %dma_start3A_498 : memref<1x125xi32, #tpu.memory_space<vmem>> -> memref<125xi32, #tpu.memory_space<vmem>>
    %dma_start3A_500 = arith.constant 0 : i32
    %dma_start3A_501 = arith.constant 0 : i32
    %dma_start3A_502 = tpu.memref_slice %arg2[%dma_start3A_500, %dma_start3A_501] : memref<100000x64xf32, #tpu.memory_space<hbm>> -> memref<100000x64xf32, #tpu.memory_space<hbm>>
    tpu.enqueue_indirect_dma source(%dma_start3A_502 : memref<100000x64xf32, #tpu.memory_space<hbm>>) target(%dma_start3A_496 : memref<125x64xf32, #tpu.memory_space<vmem>>) offsets(%dma_start3A_499 : memref<125xi32, #tpu.memory_space<vmem>>) semaphore(%arg7 : memref<!tpu.dma_semaphore, #tpu.memory_space<semaphore_mem>>)
    %dma_wait3A_503 = arith.constant 7 : i32
    %dma_wait3A_504 = arith.constant 7 : i32
    %dma_wait3A_505 = arith.constant 0 : i32
    %dma_wait3A_506 = arith.constant 0 : i32
    %dma_wait3A_507 = tpu.memref_slice %arg6[%dma_wait3A_504, %dma_wait3A_505, %dma_wait3A_506] : memref<8x125x64xf32, #tpu.memory_space<vmem>> -> memref<1x125x64xf32, #tpu.memory_space<vmem>>
    %dma_wait3A_508 = tpu.memref_squeeze %dma_wait3A_507 : memref<1x125x64xf32, #tpu.memory_space<vmem>> -> memref<125x64xf32, #tpu.memory_space<vmem>>
    %dma_wait3A_509 = arith.constant 0 : i32
    %dma_wait3A_510 = tpu.memref_slice %arg5[%dma_wait3A_503, %dma_wait3A_509] : memref<16x125xi32, #tpu.memory_space<vmem>> -> memref<1x125xi32, #tpu.memory_space<vmem>>
    %dma_wait3A_511 = tpu.memref_squeeze %dma_wait3A_510 : memref<1x125xi32, #tpu.memory_space<vmem>> -> memref<125xi32, #tpu.memory_space<vmem>>
    %dma_wait3A_512 = arith.constant 0 : i32
    %dma_wait3A_513 = arith.constant 0 : i32
    %dma_wait3A_514 = tpu.memref_slice %arg2[%dma_wait3A_512, %dma_wait3A_513] : memref<100000x64xf32, #tpu.memory_space<hbm>> -> memref<100000x64xf32, #tpu.memory_space<hbm>>
    tpu.wait_indirect_dma semaphore(%arg7 : memref<!tpu.dma_semaphore, #tpu.memory_space<semaphore_mem>>) src(%dma_wait3A_514 : memref<100000x64xf32, #tpu.memory_space<hbm>>) dst(%dma_wait3A_508 : memref<125x64xf32, #tpu.memory_space<vmem>>)
    %add3A_515 = arith.constant 7 : i32
    %add3A_516 = arith.addi %mul3A_2, %add3A_515 : i32
    %mul3A_517 = arith.constant 125 : i32
    %mul3A_518 = arith.muli %add3A_516, %mul3A_517 : i32
    %dma_start3A_519 = arith.constant 7 : i32
    %dma_start3A_520 = arith.constant 0 : i32
    %dma_start3A_521 = arith.constant 0 : i32
    %dma_start3A_522 = tpu.memref_slice %arg6[%dma_start3A_519, %dma_start3A_520, %dma_start3A_521] : memref<8x125x64xf32, #tpu.memory_space<vmem>> -> memref<1x125x64xf32, #tpu.memory_space<vmem>>
    %dma_start3A_523 = tpu.memref_squeeze %dma_start3A_522 : memref<1x125x64xf32, #tpu.memory_space<vmem>> -> memref<125x64xf32, #tpu.memory_space<vmem>>
    %dma_start3A_524 = arith.constant 0 : i32
    %dma_start3A_525 = tpu.memref_slice %arg4[%mul3A_518, %dma_start3A_524] : memref<64000x64xf32, #tpu.memory_space<hbm>> -> memref<125x64xf32, #tpu.memory_space<hbm>>
    %dma_start3A_526 = arith.constant 0 : i32
    %dma_start3A_527 = tpu.memref_slice %arg4[%mul3A_518, %dma_start3A_526] : memref<64000x64xf32, #tpu.memory_space<hbm>> -> memref<125x64xf32, #tpu.memory_space<hbm>>
    %dma_start3A_528 = arith.constant 0 : i32
    %dma_start3A_529 = arith.constant 0 : i32
    %dma_start3A_530 = tpu.memref_slice %arg6[%dma_start3A_519, %dma_start3A_528, %dma_start3A_529] : memref<8x125x64xf32, #tpu.memory_space<vmem>> -> memref<1x125x64xf32, #tpu.memory_space<vmem>>
    %dma_start3A_531 = tpu.memref_squeeze %dma_start3A_530 : memref<1x125x64xf32, #tpu.memory_space<vmem>> -> memref<125x64xf32, #tpu.memory_space<vmem>>
    tpu.enqueue_dma source(%dma_start3A_531 : memref<125x64xf32, #tpu.memory_space<vmem>>) target(%dma_start3A_527 : memref<125x64xf32, #tpu.memory_space<hbm>>) target_semaphore(%arg8 : memref<!tpu.dma_semaphore, #tpu.memory_space<semaphore_mem>>)
    %add3A_532 = arith.constant 7 : i32
    %add3A_533 = arith.addi %mul3A_2, %add3A_532 : i32
    %mul3A_534 = arith.constant 125 : i32
    %mul3A_535 = arith.muli %add3A_533, %mul3A_534 : i32
    %dma_wait3A_536 = arith.constant 7 : i32
    %dma_wait3A_537 = arith.constant 0 : i32
    %dma_wait3A_538 = arith.constant 0 : i32
    %dma_wait3A_539 = tpu.memref_slice %arg6[%dma_wait3A_536, %dma_wait3A_537, %dma_wait3A_538] : memref<8x125x64xf32, #tpu.memory_space<vmem>> -> memref<1x125x64xf32, #tpu.memory_space<vmem>>
    %dma_wait3A_540 = tpu.memref_squeeze %dma_wait3A_539 : memref<1x125x64xf32, #tpu.memory_space<vmem>> -> memref<125x64xf32, #tpu.memory_space<vmem>>
    %dma_wait3A_541 = arith.constant 0 : i32
    %dma_wait3A_542 = tpu.memref_slice %arg4[%mul3A_535, %dma_wait3A_541] : memref<64000x64xf32, #tpu.memory_space<hbm>> -> memref<125x64xf32, #tpu.memory_space<hbm>>
    %dma_wait3A_543 = arith.constant 0 : i32
    %dma_wait3A_544 = tpu.memref_slice %arg4[%mul3A_535, %dma_wait3A_543] : memref<64000x64xf32, #tpu.memory_space<hbm>> -> memref<125x64xf32, #tpu.memory_space<hbm>>
    %dma_wait3A_545 = arith.constant 0 : i32
    %dma_wait3A_546 = arith.constant 0 : i32
    %dma_wait3A_547 = tpu.memref_slice %arg6[%dma_wait3A_536, %dma_wait3A_545, %dma_wait3A_546] : memref<8x125x64xf32, #tpu.memory_space<vmem>> -> memref<1x125x64xf32, #tpu.memory_space<vmem>>
    %dma_wait3A_548 = tpu.memref_squeeze %dma_wait3A_547 : memref<1x125x64xf32, #tpu.memory_space<vmem>> -> memref<125x64xf32, #tpu.memory_space<vmem>>
    tpu.wait_dma2 semaphore(%arg8 : memref<!tpu.dma_semaphore, #tpu.memory_space<semaphore_mem>>) src(%dma_wait3A_548 : memref<125x64xf32, #tpu.memory_space<vmem>>) dst(%dma_wait3A_544 : memref<125x64xf32, #tpu.memory_space<hbm>>)
    %dma_start3A_549 = arith.constant 15 : i32
    %dma_start3A_550 = arith.constant 7 : i32
    %dma_start3A_551 = arith.constant 0 : i32
    %dma_start3A_552 = arith.constant 0 : i32
    %dma_start3A_553 = tpu.memref_slice %arg6[%dma_start3A_550, %dma_start3A_551, %dma_start3A_552] : memref<8x125x64xf32, #tpu.memory_space<vmem>> -> memref<1x125x64xf32, #tpu.memory_space<vmem>>
    %dma_start3A_554 = tpu.memref_squeeze %dma_start3A_553 : memref<1x125x64xf32, #tpu.memory_space<vmem>> -> memref<125x64xf32, #tpu.memory_space<vmem>>
    %dma_start3A_555 = arith.constant 0 : i32
    %dma_start3A_556 = tpu.memref_slice %arg5[%dma_start3A_549, %dma_start3A_555] : memref<16x125xi32, #tpu.memory_space<vmem>> -> memref<1x125xi32, #tpu.memory_space<vmem>>
    %dma_start3A_557 = tpu.memref_squeeze %dma_start3A_556 : memref<1x125xi32, #tpu.memory_space<vmem>> -> memref<125xi32, #tpu.memory_space<vmem>>
    %dma_start3A_558 = arith.constant 0 : i32
    %dma_start3A_559 = arith.constant 0 : i32
    %dma_start3A_560 = tpu.memref_slice %arg2[%dma_start3A_558, %dma_start3A_559] : memref<100000x64xf32, #tpu.memory_space<hbm>> -> memref<100000x64xf32, #tpu.memory_space<hbm>>
    tpu.enqueue_indirect_dma source(%dma_start3A_560 : memref<100000x64xf32, #tpu.memory_space<hbm>>) target(%dma_start3A_554 : memref<125x64xf32, #tpu.memory_space<vmem>>) offsets(%dma_start3A_557 : memref<125xi32, #tpu.memory_space<vmem>>) semaphore(%arg7 : memref<!tpu.dma_semaphore, #tpu.memory_space<semaphore_mem>>)
    %dma_wait3A_561 = arith.constant 8 : i32
    %dma_wait3A_562 = arith.constant 0 : i32
    %dma_wait3A_563 = arith.constant 0 : i32
    %dma_wait3A_564 = arith.constant 0 : i32
    %dma_wait3A_565 = tpu.memref_slice %arg6[%dma_wait3A_562, %dma_wait3A_563, %dma_wait3A_564] : memref<8x125x64xf32, #tpu.memory_space<vmem>> -> memref<1x125x64xf32, #tpu.memory_space<vmem>>
    %dma_wait3A_566 = tpu.memref_squeeze %dma_wait3A_565 : memref<1x125x64xf32, #tpu.memory_space<vmem>> -> memref<125x64xf32, #tpu.memory_space<vmem>>
    %dma_wait3A_567 = arith.constant 0 : i32
    %dma_wait3A_568 = tpu.memref_slice %arg5[%dma_wait3A_561, %dma_wait3A_567] : memref<16x125xi32, #tpu.memory_space<vmem>> -> memref<1x125xi32, #tpu.memory_space<vmem>>
    %dma_wait3A_569 = tpu.memref_squeeze %dma_wait3A_568 : memref<1x125xi32, #tpu.memory_space<vmem>> -> memref<125xi32, #tpu.memory_space<vmem>>
    %dma_wait3A_570 = arith.constant 0 : i32
    %dma_wait3A_571 = arith.constant 0 : i32
    %dma_wait3A_572 = tpu.memref_slice %arg2[%dma_wait3A_570, %dma_wait3A_571] : memref<100000x64xf32, #tpu.memory_space<hbm>> -> memref<100000x64xf32, #tpu.memory_space<hbm>>
    tpu.wait_indirect_dma semaphore(%arg7 : memref<!tpu.dma_semaphore, #tpu.memory_space<semaphore_mem>>) src(%dma_wait3A_572 : memref<100000x64xf32, #tpu.memory_space<hbm>>) dst(%dma_wait3A_566 : memref<125x64xf32, #tpu.memory_space<vmem>>)
    %add3A_573 = arith.constant 8 : i32
    %add3A_574 = arith.addi %mul3A_2, %add3A_573 : i32
    %mul3A_575 = arith.constant 125 : i32
    %mul3A_576 = arith.muli %add3A_574, %mul3A_575 : i32
    %dma_start3A_577 = arith.constant 0 : i32
    %dma_start3A_578 = arith.constant 0 : i32
    %dma_start3A_579 = arith.constant 0 : i32
    %dma_start3A_580 = tpu.memref_slice %arg6[%dma_start3A_577, %dma_start3A_578, %dma_start3A_579] : memref<8x125x64xf32, #tpu.memory_space<vmem>> -> memref<1x125x64xf32, #tpu.memory_space<vmem>>
    %dma_start3A_581 = tpu.memref_squeeze %dma_start3A_580 : memref<1x125x64xf32, #tpu.memory_space<vmem>> -> memref<125x64xf32, #tpu.memory_space<vmem>>
    %dma_start3A_582 = arith.constant 0 : i32
    %dma_start3A_583 = tpu.memref_slice %arg4[%mul3A_576, %dma_start3A_582] : memref<64000x64xf32, #tpu.memory_space<hbm>> -> memref<125x64xf32, #tpu.memory_space<hbm>>
    %dma_start3A_584 = arith.constant 0 : i32
    %dma_start3A_585 = tpu.memref_slice %arg4[%mul3A_576, %dma_start3A_584] : memref<64000x64xf32, #tpu.memory_space<hbm>> -> memref<125x64xf32, #tpu.memory_space<hbm>>
    %dma_start3A_586 = arith.constant 0 : i32
    %dma_start3A_587 = arith.constant 0 : i32
    %dma_start3A_588 = tpu.memref_slice %arg6[%dma_start3A_577, %dma_start3A_586, %dma_start3A_587] : memref<8x125x64xf32, #tpu.memory_space<vmem>> -> memref<1x125x64xf32, #tpu.memory_space<vmem>>
    %dma_start3A_589 = tpu.memref_squeeze %dma_start3A_588 : memref<1x125x64xf32, #tpu.memory_space<vmem>> -> memref<125x64xf32, #tpu.memory_space<vmem>>
    tpu.enqueue_dma source(%dma_start3A_589 : memref<125x64xf32, #tpu.memory_space<vmem>>) target(%dma_start3A_585 : memref<125x64xf32, #tpu.memory_space<hbm>>) target_semaphore(%arg8 : memref<!tpu.dma_semaphore, #tpu.memory_space<semaphore_mem>>)
    %dma_wait3A_590 = arith.constant 9 : i32
    %dma_wait3A_591 = arith.constant 1 : i32
    %dma_wait3A_592 = arith.constant 0 : i32
    %dma_wait3A_593 = arith.constant 0 : i32
    %dma_wait3A_594 = tpu.memref_slice %arg6[%dma_wait3A_591, %dma_wait3A_592, %dma_wait3A_593] : memref<8x125x64xf32, #tpu.memory_space<vmem>> -> memref<1x125x64xf32, #tpu.memory_space<vmem>>
    %dma_wait3A_595 = tpu.memref_squeeze %dma_wait3A_594 : memref<1x125x64xf32, #tpu.memory_space<vmem>> -> memref<125x64xf32, #tpu.memory_space<vmem>>
    %dma_wait3A_596 = arith.constant 0 : i32
    %dma_wait3A_597 = tpu.memref_slice %arg5[%dma_wait3A_590, %dma_wait3A_596] : memref<16x125xi32, #tpu.memory_space<vmem>> -> memref<1x125xi32, #tpu.memory_space<vmem>>
    %dma_wait3A_598 = tpu.memref_squeeze %dma_wait3A_597 : memref<1x125xi32, #tpu.memory_space<vmem>> -> memref<125xi32, #tpu.memory_space<vmem>>
    %dma_wait3A_599 = arith.constant 0 : i32
    %dma_wait3A_600 = arith.constant 0 : i32
    %dma_wait3A_601 = tpu.memref_slice %arg2[%dma_wait3A_599, %dma_wait3A_600] : memref<100000x64xf32, #tpu.memory_space<hbm>> -> memref<100000x64xf32, #tpu.memory_space<hbm>>
    tpu.wait_indirect_dma semaphore(%arg7 : memref<!tpu.dma_semaphore, #tpu.memory_space<semaphore_mem>>) src(%dma_wait3A_601 : memref<100000x64xf32, #tpu.memory_space<hbm>>) dst(%dma_wait3A_595 : memref<125x64xf32, #tpu.memory_space<vmem>>)
    %add3A_602 = arith.constant 9 : i32
    %add3A_603 = arith.addi %mul3A_2, %add3A_602 : i32
    %mul3A_604 = arith.constant 125 : i32
    %mul3A_605 = arith.muli %add3A_603, %mul3A_604 : i32
    %dma_start3A_606 = arith.constant 1 : i32
    %dma_start3A_607 = arith.constant 0 : i32
    %dma_start3A_608 = arith.constant 0 : i32
    %dma_start3A_609 = tpu.memref_slice %arg6[%dma_start3A_606, %dma_start3A_607, %dma_start3A_608] : memref<8x125x64xf32, #tpu.memory_space<vmem>> -> memref<1x125x64xf32, #tpu.memory_space<vmem>>
    %dma_start3A_610 = tpu.memref_squeeze %dma_start3A_609 : memref<1x125x64xf32, #tpu.memory_space<vmem>> -> memref<125x64xf32, #tpu.memory_space<vmem>>
    %dma_start3A_611 = arith.constant 0 : i32
    %dma_start3A_612 = tpu.memref_slice %arg4[%mul3A_605, %dma_start3A_611] : memref<64000x64xf32, #tpu.memory_space<hbm>> -> memref<125x64xf32, #tpu.memory_space<hbm>>
    %dma_start3A_613 = arith.constant 0 : i32
    %dma_start3A_614 = tpu.memref_slice %arg4[%mul3A_605, %dma_start3A_613] : memref<64000x64xf32, #tpu.memory_space<hbm>> -> memref<125x64xf32, #tpu.memory_space<hbm>>
    %dma_start3A_615 = arith.constant 0 : i32
    %dma_start3A_616 = arith.constant 0 : i32
    %dma_start3A_617 = tpu.memref_slice %arg6[%dma_start3A_606, %dma_start3A_615, %dma_start3A_616] : memref<8x125x64xf32, #tpu.memory_space<vmem>> -> memref<1x125x64xf32, #tpu.memory_space<vmem>>
    %dma_start3A_618 = tpu.memref_squeeze %dma_start3A_617 : memref<1x125x64xf32, #tpu.memory_space<vmem>> -> memref<125x64xf32, #tpu.memory_space<vmem>>
    tpu.enqueue_dma source(%dma_start3A_618 : memref<125x64xf32, #tpu.memory_space<vmem>>) target(%dma_start3A_614 : memref<125x64xf32, #tpu.memory_space<hbm>>) target_semaphore(%arg8 : memref<!tpu.dma_semaphore, #tpu.memory_space<semaphore_mem>>)
    %dma_wait3A_619 = arith.constant 10 : i32
    %dma_wait3A_620 = arith.constant 2 : i32
    %dma_wait3A_621 = arith.constant 0 : i32
    %dma_wait3A_622 = arith.constant 0 : i32
    %dma_wait3A_623 = tpu.memref_slice %arg6[%dma_wait3A_620, %dma_wait3A_621, %dma_wait3A_622] : memref<8x125x64xf32, #tpu.memory_space<vmem>> -> memref<1x125x64xf32, #tpu.memory_space<vmem>>
    %dma_wait3A_624 = tpu.memref_squeeze %dma_wait3A_623 : memref<1x125x64xf32, #tpu.memory_space<vmem>> -> memref<125x64xf32, #tpu.memory_space<vmem>>
    %dma_wait3A_625 = arith.constant 0 : i32
    %dma_wait3A_626 = tpu.memref_slice %arg5[%dma_wait3A_619, %dma_wait3A_625] : memref<16x125xi32, #tpu.memory_space<vmem>> -> memref<1x125xi32, #tpu.memory_space<vmem>>
    %dma_wait3A_627 = tpu.memref_squeeze %dma_wait3A_626 : memref<1x125xi32, #tpu.memory_space<vmem>> -> memref<125xi32, #tpu.memory_space<vmem>>
    %dma_wait3A_628 = arith.constant 0 : i32
    %dma_wait3A_629 = arith.constant 0 : i32
    %dma_wait3A_630 = tpu.memref_slice %arg2[%dma_wait3A_628, %dma_wait3A_629] : memref<100000x64xf32, #tpu.memory_space<hbm>> -> memref<100000x64xf32, #tpu.memory_space<hbm>>
    tpu.wait_indirect_dma semaphore(%arg7 : memref<!tpu.dma_semaphore, #tpu.memory_space<semaphore_mem>>) src(%dma_wait3A_630 : memref<100000x64xf32, #tpu.memory_space<hbm>>) dst(%dma_wait3A_624 : memref<125x64xf32, #tpu.memory_space<vmem>>)
    %add3A_631 = arith.constant 10 : i32
    %add3A_632 = arith.addi %mul3A_2, %add3A_631 : i32
    %mul3A_633 = arith.constant 125 : i32
    %mul3A_634 = arith.muli %add3A_632, %mul3A_633 : i32
    %dma_start3A_635 = arith.constant 2 : i32
    %dma_start3A_636 = arith.constant 0 : i32
    %dma_start3A_637 = arith.constant 0 : i32
    %dma_start3A_638 = tpu.memref_slice %arg6[%dma_start3A_635, %dma_start3A_636, %dma_start3A_637] : memref<8x125x64xf32, #tpu.memory_space<vmem>> -> memref<1x125x64xf32, #tpu.memory_space<vmem>>
    %dma_start3A_639 = tpu.memref_squeeze %dma_start3A_638 : memref<1x125x64xf32, #tpu.memory_space<vmem>> -> memref<125x64xf32, #tpu.memory_space<vmem>>
    %dma_start3A_640 = arith.constant 0 : i32
    %dma_start3A_641 = tpu.memref_slice %arg4[%mul3A_634, %dma_start3A_640] : memref<64000x64xf32, #tpu.memory_space<hbm>> -> memref<125x64xf32, #tpu.memory_space<hbm>>
    %dma_start3A_642 = arith.constant 0 : i32
    %dma_start3A_643 = tpu.memref_slice %arg4[%mul3A_634, %dma_start3A_642] : memref<64000x64xf32, #tpu.memory_space<hbm>> -> memref<125x64xf32, #tpu.memory_space<hbm>>
    %dma_start3A_644 = arith.constant 0 : i32
    %dma_start3A_645 = arith.constant 0 : i32
    %dma_start3A_646 = tpu.memref_slice %arg6[%dma_start3A_635, %dma_start3A_644, %dma_start3A_645] : memref<8x125x64xf32, #tpu.memory_space<vmem>> -> memref<1x125x64xf32, #tpu.memory_space<vmem>>
    %dma_start3A_647 = tpu.memref_squeeze %dma_start3A_646 : memref<1x125x64xf32, #tpu.memory_space<vmem>> -> memref<125x64xf32, #tpu.memory_space<vmem>>
    tpu.enqueue_dma source(%dma_start3A_647 : memref<125x64xf32, #tpu.memory_space<vmem>>) target(%dma_start3A_643 : memref<125x64xf32, #tpu.memory_space<hbm>>) target_semaphore(%arg8 : memref<!tpu.dma_semaphore, #tpu.memory_space<semaphore_mem>>)
    %dma_wait3A_648 = arith.constant 11 : i32
    %dma_wait3A_649 = arith.constant 3 : i32
    %dma_wait3A_650 = arith.constant 0 : i32
    %dma_wait3A_651 = arith.constant 0 : i32
    %dma_wait3A_652 = tpu.memref_slice %arg6[%dma_wait3A_649, %dma_wait3A_650, %dma_wait3A_651] : memref<8x125x64xf32, #tpu.memory_space<vmem>> -> memref<1x125x64xf32, #tpu.memory_space<vmem>>
    %dma_wait3A_653 = tpu.memref_squeeze %dma_wait3A_652 : memref<1x125x64xf32, #tpu.memory_space<vmem>> -> memref<125x64xf32, #tpu.memory_space<vmem>>
    %dma_wait3A_654 = arith.constant 0 : i32
    %dma_wait3A_655 = tpu.memref_slice %arg5[%dma_wait3A_648, %dma_wait3A_654] : memref<16x125xi32, #tpu.memory_space<vmem>> -> memref<1x125xi32, #tpu.memory_space<vmem>>
    %dma_wait3A_656 = tpu.memref_squeeze %dma_wait3A_655 : memref<1x125xi32, #tpu.memory_space<vmem>> -> memref<125xi32, #tpu.memory_space<vmem>>
    %dma_wait3A_657 = arith.constant 0 : i32
    %dma_wait3A_658 = arith.constant 0 : i32
    %dma_wait3A_659 = tpu.memref_slice %arg2[%dma_wait3A_657, %dma_wait3A_658] : memref<100000x64xf32, #tpu.memory_space<hbm>> -> memref<100000x64xf32, #tpu.memory_space<hbm>>
    tpu.wait_indirect_dma semaphore(%arg7 : memref<!tpu.dma_semaphore, #tpu.memory_space<semaphore_mem>>) src(%dma_wait3A_659 : memref<100000x64xf32, #tpu.memory_space<hbm>>) dst(%dma_wait3A_653 : memref<125x64xf32, #tpu.memory_space<vmem>>)
    %add3A_660 = arith.constant 11 : i32
    %add3A_661 = arith.addi %mul3A_2, %add3A_660 : i32
    %mul3A_662 = arith.constant 125 : i32
    %mul3A_663 = arith.muli %add3A_661, %mul3A_662 : i32
    %dma_start3A_664 = arith.constant 3 : i32
    %dma_start3A_665 = arith.constant 0 : i32
    %dma_start3A_666 = arith.constant 0 : i32
    %dma_start3A_667 = tpu.memref_slice %arg6[%dma_start3A_664, %dma_start3A_665, %dma_start3A_666] : memref<8x125x64xf32, #tpu.memory_space<vmem>> -> memref<1x125x64xf32, #tpu.memory_space<vmem>>
    %dma_start3A_668 = tpu.memref_squeeze %dma_start3A_667 : memref<1x125x64xf32, #tpu.memory_space<vmem>> -> memref<125x64xf32, #tpu.memory_space<vmem>>
    %dma_start3A_669 = arith.constant 0 : i32
    %dma_start3A_670 = tpu.memref_slice %arg4[%mul3A_663, %dma_start3A_669] : memref<64000x64xf32, #tpu.memory_space<hbm>> -> memref<125x64xf32, #tpu.memory_space<hbm>>
    %dma_start3A_671 = arith.constant 0 : i32
    %dma_start3A_672 = tpu.memref_slice %arg4[%mul3A_663, %dma_start3A_671] : memref<64000x64xf32, #tpu.memory_space<hbm>> -> memref<125x64xf32, #tpu.memory_space<hbm>>
    %dma_start3A_673 = arith.constant 0 : i32
    %dma_start3A_674 = arith.constant 0 : i32
    %dma_start3A_675 = tpu.memref_slice %arg6[%dma_start3A_664, %dma_start3A_673, %dma_start3A_674] : memref<8x125x64xf32, #tpu.memory_space<vmem>> -> memref<1x125x64xf32, #tpu.memory_space<vmem>>
    %dma_start3A_676 = tpu.memref_squeeze %dma_start3A_675 : memref<1x125x64xf32, #tpu.memory_space<vmem>> -> memref<125x64xf32, #tpu.memory_space<vmem>>
    tpu.enqueue_dma source(%dma_start3A_676 : memref<125x64xf32, #tpu.memory_space<vmem>>) target(%dma_start3A_672 : memref<125x64xf32, #tpu.memory_space<hbm>>) target_semaphore(%arg8 : memref<!tpu.dma_semaphore, #tpu.memory_space<semaphore_mem>>)
    %dma_wait3A_677 = arith.constant 12 : i32
    %dma_wait3A_678 = arith.constant 4 : i32
    %dma_wait3A_679 = arith.constant 0 : i32
    %dma_wait3A_680 = arith.constant 0 : i32
    %dma_wait3A_681 = tpu.memref_slice %arg6[%dma_wait3A_678, %dma_wait3A_679, %dma_wait3A_680] : memref<8x125x64xf32, #tpu.memory_space<vmem>> -> memref<1x125x64xf32, #tpu.memory_space<vmem>>
    %dma_wait3A_682 = tpu.memref_squeeze %dma_wait3A_681 : memref<1x125x64xf32, #tpu.memory_space<vmem>> -> memref<125x64xf32, #tpu.memory_space<vmem>>
    %dma_wait3A_683 = arith.constant 0 : i32
    %dma_wait3A_684 = tpu.memref_slice %arg5[%dma_wait3A_677, %dma_wait3A_683] : memref<16x125xi32, #tpu.memory_space<vmem>> -> memref<1x125xi32, #tpu.memory_space<vmem>>
    %dma_wait3A_685 = tpu.memref_squeeze %dma_wait3A_684 : memref<1x125xi32, #tpu.memory_space<vmem>> -> memref<125xi32, #tpu.memory_space<vmem>>
    %dma_wait3A_686 = arith.constant 0 : i32
    %dma_wait3A_687 = arith.constant 0 : i32
    %dma_wait3A_688 = tpu.memref_slice %arg2[%dma_wait3A_686, %dma_wait3A_687] : memref<100000x64xf32, #tpu.memory_space<hbm>> -> memref<100000x64xf32, #tpu.memory_space<hbm>>
    tpu.wait_indirect_dma semaphore(%arg7 : memref<!tpu.dma_semaphore, #tpu.memory_space<semaphore_mem>>) src(%dma_wait3A_688 : memref<100000x64xf32, #tpu.memory_space<hbm>>) dst(%dma_wait3A_682 : memref<125x64xf32, #tpu.memory_space<vmem>>)
    %add3A_689 = arith.constant 12 : i32
    %add3A_690 = arith.addi %mul3A_2, %add3A_689 : i32
    %mul3A_691 = arith.constant 125 : i32
    %mul3A_692 = arith.muli %add3A_690, %mul3A_691 : i32
    %dma_start3A_693 = arith.constant 4 : i32
    %dma_start3A_694 = arith.constant 0 : i32
    %dma_start3A_695 = arith.constant 0 : i32
    %dma_start3A_696 = tpu.memref_slice %arg6[%dma_start3A_693, %dma_start3A_694, %dma_start3A_695] : memref<8x125x64xf32, #tpu.memory_space<vmem>> -> memref<1x125x64xf32, #tpu.memory_space<vmem>>
    %dma_start3A_697 = tpu.memref_squeeze %dma_start3A_696 : memref<1x125x64xf32, #tpu.memory_space<vmem>> -> memref<125x64xf32, #tpu.memory_space<vmem>>
    %dma_start3A_698 = arith.constant 0 : i32
    %dma_start3A_699 = tpu.memref_slice %arg4[%mul3A_692, %dma_start3A_698] : memref<64000x64xf32, #tpu.memory_space<hbm>> -> memref<125x64xf32, #tpu.memory_space<hbm>>
    %dma_start3A_700 = arith.constant 0 : i32
    %dma_start3A_701 = tpu.memref_slice %arg4[%mul3A_692, %dma_start3A_700] : memref<64000x64xf32, #tpu.memory_space<hbm>> -> memref<125x64xf32, #tpu.memory_space<hbm>>
    %dma_start3A_702 = arith.constant 0 : i32
    %dma_start3A_703 = arith.constant 0 : i32
    %dma_start3A_704 = tpu.memref_slice %arg6[%dma_start3A_693, %dma_start3A_702, %dma_start3A_703] : memref<8x125x64xf32, #tpu.memory_space<vmem>> -> memref<1x125x64xf32, #tpu.memory_space<vmem>>
    %dma_start3A_705 = tpu.memref_squeeze %dma_start3A_704 : memref<1x125x64xf32, #tpu.memory_space<vmem>> -> memref<125x64xf32, #tpu.memory_space<vmem>>
    tpu.enqueue_dma source(%dma_start3A_705 : memref<125x64xf32, #tpu.memory_space<vmem>>) target(%dma_start3A_701 : memref<125x64xf32, #tpu.memory_space<hbm>>) target_semaphore(%arg8 : memref<!tpu.dma_semaphore, #tpu.memory_space<semaphore_mem>>)
    %dma_wait3A_706 = arith.constant 13 : i32
    %dma_wait3A_707 = arith.constant 5 : i32
    %dma_wait3A_708 = arith.constant 0 : i32
    %dma_wait3A_709 = arith.constant 0 : i32
    %dma_wait3A_710 = tpu.memref_slice %arg6[%dma_wait3A_707, %dma_wait3A_708, %dma_wait3A_709] : memref<8x125x64xf32, #tpu.memory_space<vmem>> -> memref<1x125x64xf32, #tpu.memory_space<vmem>>
    %dma_wait3A_711 = tpu.memref_squeeze %dma_wait3A_710 : memref<1x125x64xf32, #tpu.memory_space<vmem>> -> memref<125x64xf32, #tpu.memory_space<vmem>>
    %dma_wait3A_712 = arith.constant 0 : i32
    %dma_wait3A_713 = tpu.memref_slice %arg5[%dma_wait3A_706, %dma_wait3A_712] : memref<16x125xi32, #tpu.memory_space<vmem>> -> memref<1x125xi32, #tpu.memory_space<vmem>>
    %dma_wait3A_714 = tpu.memref_squeeze %dma_wait3A_713 : memref<1x125xi32, #tpu.memory_space<vmem>> -> memref<125xi32, #tpu.memory_space<vmem>>
    %dma_wait3A_715 = arith.constant 0 : i32
    %dma_wait3A_716 = arith.constant 0 : i32
    %dma_wait3A_717 = tpu.memref_slice %arg2[%dma_wait3A_715, %dma_wait3A_716] : memref<100000x64xf32, #tpu.memory_space<hbm>> -> memref<100000x64xf32, #tpu.memory_space<hbm>>
    tpu.wait_indirect_dma semaphore(%arg7 : memref<!tpu.dma_semaphore, #tpu.memory_space<semaphore_mem>>) src(%dma_wait3A_717 : memref<100000x64xf32, #tpu.memory_space<hbm>>) dst(%dma_wait3A_711 : memref<125x64xf32, #tpu.memory_space<vmem>>)
    %add3A_718 = arith.constant 13 : i32
    %add3A_719 = arith.addi %mul3A_2, %add3A_718 : i32
    %mul3A_720 = arith.constant 125 : i32
    %mul3A_721 = arith.muli %add3A_719, %mul3A_720 : i32
    %dma_start3A_722 = arith.constant 5 : i32
    %dma_start3A_723 = arith.constant 0 : i32
    %dma_start3A_724 = arith.constant 0 : i32
    %dma_start3A_725 = tpu.memref_slice %arg6[%dma_start3A_722, %dma_start3A_723, %dma_start3A_724] : memref<8x125x64xf32, #tpu.memory_space<vmem>> -> memref<1x125x64xf32, #tpu.memory_space<vmem>>
    %dma_start3A_726 = tpu.memref_squeeze %dma_start3A_725 : memref<1x125x64xf32, #tpu.memory_space<vmem>> -> memref<125x64xf32, #tpu.memory_space<vmem>>
    %dma_start3A_727 = arith.constant 0 : i32
    %dma_start3A_728 = tpu.memref_slice %arg4[%mul3A_721, %dma_start3A_727] : memref<64000x64xf32, #tpu.memory_space<hbm>> -> memref<125x64xf32, #tpu.memory_space<hbm>>
    %dma_start3A_729 = arith.constant 0 : i32
    %dma_start3A_730 = tpu.memref_slice %arg4[%mul3A_721, %dma_start3A_729] : memref<64000x64xf32, #tpu.memory_space<hbm>> -> memref<125x64xf32, #tpu.memory_space<hbm>>
    %dma_start3A_731 = arith.constant 0 : i32
    %dma_start3A_732 = arith.constant 0 : i32
    %dma_start3A_733 = tpu.memref_slice %arg6[%dma_start3A_722, %dma_start3A_731, %dma_start3A_732] : memref<8x125x64xf32, #tpu.memory_space<vmem>> -> memref<1x125x64xf32, #tpu.memory_space<vmem>>
    %dma_start3A_734 = tpu.memref_squeeze %dma_start3A_733 : memref<1x125x64xf32, #tpu.memory_space<vmem>> -> memref<125x64xf32, #tpu.memory_space<vmem>>
    tpu.enqueue_dma source(%dma_start3A_734 : memref<125x64xf32, #tpu.memory_space<vmem>>) target(%dma_start3A_730 : memref<125x64xf32, #tpu.memory_space<hbm>>) target_semaphore(%arg8 : memref<!tpu.dma_semaphore, #tpu.memory_space<semaphore_mem>>)
    %dma_wait3A_735 = arith.constant 14 : i32
    %dma_wait3A_736 = arith.constant 6 : i32
    %dma_wait3A_737 = arith.constant 0 : i32
    %dma_wait3A_738 = arith.constant 0 : i32
    %dma_wait3A_739 = tpu.memref_slice %arg6[%dma_wait3A_736, %dma_wait3A_737, %dma_wait3A_738] : memref<8x125x64xf32, #tpu.memory_space<vmem>> -> memref<1x125x64xf32, #tpu.memory_space<vmem>>
    %dma_wait3A_740 = tpu.memref_squeeze %dma_wait3A_739 : memref<1x125x64xf32, #tpu.memory_space<vmem>> -> memref<125x64xf32, #tpu.memory_space<vmem>>
    %dma_wait3A_741 = arith.constant 0 : i32
    %dma_wait3A_742 = tpu.memref_slice %arg5[%dma_wait3A_735, %dma_wait3A_741] : memref<16x125xi32, #tpu.memory_space<vmem>> -> memref<1x125xi32, #tpu.memory_space<vmem>>
    %dma_wait3A_743 = tpu.memref_squeeze %dma_wait3A_742 : memref<1x125xi32, #tpu.memory_space<vmem>> -> memref<125xi32, #tpu.memory_space<vmem>>
    %dma_wait3A_744 = arith.constant 0 : i32
    %dma_wait3A_745 = arith.constant 0 : i32
    %dma_wait3A_746 = tpu.memref_slice %arg2[%dma_wait3A_744, %dma_wait3A_745] : memref<100000x64xf32, #tpu.memory_space<hbm>> -> memref<100000x64xf32, #tpu.memory_space<hbm>>
    tpu.wait_indirect_dma semaphore(%arg7 : memref<!tpu.dma_semaphore, #tpu.memory_space<semaphore_mem>>) src(%dma_wait3A_746 : memref<100000x64xf32, #tpu.memory_space<hbm>>) dst(%dma_wait3A_740 : memref<125x64xf32, #tpu.memory_space<vmem>>)
    %add3A_747 = arith.constant 14 : i32
    %add3A_748 = arith.addi %mul3A_2, %add3A_747 : i32
    %mul3A_749 = arith.constant 125 : i32
    %mul3A_750 = arith.muli %add3A_748, %mul3A_749 : i32
    %dma_start3A_751 = arith.constant 6 : i32
    %dma_start3A_752 = arith.constant 0 : i32
    %dma_start3A_753 = arith.constant 0 : i32
    %dma_start3A_754 = tpu.memref_slice %arg6[%dma_start3A_751, %dma_start3A_752, %dma_start3A_753] : memref<8x125x64xf32, #tpu.memory_space<vmem>> -> memref<1x125x64xf32, #tpu.memory_space<vmem>>
    %dma_start3A_755 = tpu.memref_squeeze %dma_start3A_754 : memref<1x125x64xf32, #tpu.memory_space<vmem>> -> memref<125x64xf32, #tpu.memory_space<vmem>>
    %dma_start3A_756 = arith.constant 0 : i32
    %dma_start3A_757 = tpu.memref_slice %arg4[%mul3A_750, %dma_start3A_756] : memref<64000x64xf32, #tpu.memory_space<hbm>> -> memref<125x64xf32, #tpu.memory_space<hbm>>
    %dma_start3A_758 = arith.constant 0 : i32
    %dma_start3A_759 = tpu.memref_slice %arg4[%mul3A_750, %dma_start3A_758] : memref<64000x64xf32, #tpu.memory_space<hbm>> -> memref<125x64xf32, #tpu.memory_space<hbm>>
    %dma_start3A_760 = arith.constant 0 : i32
    %dma_start3A_761 = arith.constant 0 : i32
    %dma_start3A_762 = tpu.memref_slice %arg6[%dma_start3A_751, %dma_start3A_760, %dma_start3A_761] : memref<8x125x64xf32, #tpu.memory_space<vmem>> -> memref<1x125x64xf32, #tpu.memory_space<vmem>>
    %dma_start3A_763 = tpu.memref_squeeze %dma_start3A_762 : memref<1x125x64xf32, #tpu.memory_space<vmem>> -> memref<125x64xf32, #tpu.memory_space<vmem>>
    tpu.enqueue_dma source(%dma_start3A_763 : memref<125x64xf32, #tpu.memory_space<vmem>>) target(%dma_start3A_759 : memref<125x64xf32, #tpu.memory_space<hbm>>) target_semaphore(%arg8 : memref<!tpu.dma_semaphore, #tpu.memory_space<semaphore_mem>>)
    %dma_wait3A_764 = arith.constant 15 : i32
    %dma_wait3A_765 = arith.constant 7 : i32
    %dma_wait3A_766 = arith.constant 0 : i32
    %dma_wait3A_767 = arith.constant 0 : i32
    %dma_wait3A_768 = tpu.memref_slice %arg6[%dma_wait3A_765, %dma_wait3A_766, %dma_wait3A_767] : memref<8x125x64xf32, #tpu.memory_space<vmem>> -> memref<1x125x64xf32, #tpu.memory_space<vmem>>
    %dma_wait3A_769 = tpu.memref_squeeze %dma_wait3A_768 : memref<1x125x64xf32, #tpu.memory_space<vmem>> -> memref<125x64xf32, #tpu.memory_space<vmem>>
    %dma_wait3A_770 = arith.constant 0 : i32
    %dma_wait3A_771 = tpu.memref_slice %arg5[%dma_wait3A_764, %dma_wait3A_770] : memref<16x125xi32, #tpu.memory_space<vmem>> -> memref<1x125xi32, #tpu.memory_space<vmem>>
    %dma_wait3A_772 = tpu.memref_squeeze %dma_wait3A_771 : memref<1x125xi32, #tpu.memory_space<vmem>> -> memref<125xi32, #tpu.memory_space<vmem>>
    %dma_wait3A_773 = arith.constant 0 : i32
    %dma_wait3A_774 = arith.constant 0 : i32
    %dma_wait3A_775 = tpu.memref_slice %arg2[%dma_wait3A_773, %dma_wait3A_774] : memref<100000x64xf32, #tpu.memory_space<hbm>> -> memref<100000x64xf32, #tpu.memory_space<hbm>>
    tpu.wait_indirect_dma semaphore(%arg7 : memref<!tpu.dma_semaphore, #tpu.memory_space<semaphore_mem>>) src(%dma_wait3A_775 : memref<100000x64xf32, #tpu.memory_space<hbm>>) dst(%dma_wait3A_769 : memref<125x64xf32, #tpu.memory_space<vmem>>)
    %add3A_776 = arith.constant 15 : i32
    %add3A_777 = arith.addi %mul3A_2, %add3A_776 : i32
    %mul3A_778 = arith.constant 125 : i32
    %mul3A_779 = arith.muli %add3A_777, %mul3A_778 : i32
    %dma_start3A_780 = arith.constant 7 : i32
    %dma_start3A_781 = arith.constant 0 : i32
    %dma_start3A_782 = arith.constant 0 : i32
    %dma_start3A_783 = tpu.memref_slice %arg6[%dma_start3A_780, %dma_start3A_781, %dma_start3A_782] : memref<8x125x64xf32, #tpu.memory_space<vmem>> -> memref<1x125x64xf32, #tpu.memory_space<vmem>>
    %dma_start3A_784 = tpu.memref_squeeze %dma_start3A_783 : memref<1x125x64xf32, #tpu.memory_space<vmem>> -> memref<125x64xf32, #tpu.memory_space<vmem>>
    %dma_start3A_785 = arith.constant 0 : i32
    %dma_start3A_786 = tpu.memref_slice %arg4[%mul3A_779, %dma_start3A_785] : memref<64000x64xf32, #tpu.memory_space<hbm>> -> memref<125x64xf32, #tpu.memory_space<hbm>>
    %dma_start3A_787 = arith.constant 0 : i32
    %dma_start3A_788 = tpu.memref_slice %arg4[%mul3A_779, %dma_start3A_787] : memref<64000x64xf32, #tpu.memory_space<hbm>> -> memref<125x64xf32, #tpu.memory_space<hbm>>
    %dma_start3A_789 = arith.constant 0 : i32
    %dma_start3A_790 = arith.constant 0 : i32
    %dma_start3A_791 = tpu.memref_slice %arg6[%dma_start3A_780, %dma_start3A_789, %dma_start3A_790] : memref<8x125x64xf32, #tpu.memory_space<vmem>> -> memref<1x125x64xf32, #tpu.memory_space<vmem>>
    %dma_start3A_792 = tpu.memref_squeeze %dma_start3A_791 : memref<1x125x64xf32, #tpu.memory_space<vmem>> -> memref<125x64xf32, #tpu.memory_space<vmem>>
    tpu.enqueue_dma source(%dma_start3A_792 : memref<125x64xf32, #tpu.memory_space<vmem>>) target(%dma_start3A_788 : memref<125x64xf32, #tpu.memory_space<hbm>>) target_semaphore(%arg8 : memref<!tpu.dma_semaphore, #tpu.memory_space<semaphore_mem>>)
    %add3A_793 = arith.constant 8 : i32
    %add3A_794 = arith.addi %mul3A_2, %add3A_793 : i32
    %mul3A_795 = arith.constant 125 : i32
    %mul3A_796 = arith.muli %add3A_794, %mul3A_795 : i32
    %dma_wait3A_797 = arith.constant 0 : i32
    %dma_wait3A_798 = arith.constant 0 : i32
    %dma_wait3A_799 = arith.constant 0 : i32
    %dma_wait3A_800 = tpu.memref_slice %arg6[%dma_wait3A_797, %dma_wait3A_798, %dma_wait3A_799] : memref<8x125x64xf32, #tpu.memory_space<vmem>> -> memref<1x125x64xf32, #tpu.memory_space<vmem>>
    %dma_wait3A_801 = tpu.memref_squeeze %dma_wait3A_800 : memref<1x125x64xf32, #tpu.memory_space<vmem>> -> memref<125x64xf32, #tpu.memory_space<vmem>>
    %dma_wait3A_802 = arith.constant 0 : i32
    %dma_wait3A_803 = tpu.memref_slice %arg4[%mul3A_796, %dma_wait3A_802] : memref<64000x64xf32, #tpu.memory_space<hbm>> -> memref<125x64xf32, #tpu.memory_space<hbm>>
    %dma_wait3A_804 = arith.constant 0 : i32
    %dma_wait3A_805 = tpu.memref_slice %arg4[%mul3A_796, %dma_wait3A_804] : memref<64000x64xf32, #tpu.memory_space<hbm>> -> memref<125x64xf32, #tpu.memory_space<hbm>>
    %dma_wait3A_806 = arith.constant 0 : i32
    %dma_wait3A_807 = arith.constant 0 : i32
    %dma_wait3A_808 = tpu.memref_slice %arg6[%dma_wait3A_797, %dma_wait3A_806, %dma_wait3A_807] : memref<8x125x64xf32, #tpu.memory_space<vmem>> -> memref<1x125x64xf32, #tpu.memory_space<vmem>>
    %dma_wait3A_809 = tpu.memref_squeeze %dma_wait3A_808 : memref<1x125x64xf32, #tpu.memory_space<vmem>> -> memref<125x64xf32, #tpu.memory_space<vmem>>
    tpu.wait_dma2 semaphore(%arg8 : memref<!tpu.dma_semaphore, #tpu.memory_space<semaphore_mem>>) src(%dma_wait3A_809 : memref<125x64xf32, #tpu.memory_space<vmem>>) dst(%dma_wait3A_805 : memref<125x64xf32, #tpu.memory_space<hbm>>)
    %add3A_810 = arith.constant 9 : i32
    %add3A_811 = arith.addi %mul3A_2, %add3A_810 : i32
    %mul3A_812 = arith.constant 125 : i32
    %mul3A_813 = arith.muli %add3A_811, %mul3A_812 : i32
    %dma_wait3A_814 = arith.constant 1 : i32
    %dma_wait3A_815 = arith.constant 0 : i32
    %dma_wait3A_816 = arith.constant 0 : i32
    %dma_wait3A_817 = tpu.memref_slice %arg6[%dma_wait3A_814, %dma_wait3A_815, %dma_wait3A_816] : memref<8x125x64xf32, #tpu.memory_space<vmem>> -> memref<1x125x64xf32, #tpu.memory_space<vmem>>
    %dma_wait3A_818 = tpu.memref_squeeze %dma_wait3A_817 : memref<1x125x64xf32, #tpu.memory_space<vmem>> -> memref<125x64xf32, #tpu.memory_space<vmem>>
    %dma_wait3A_819 = arith.constant 0 : i32
    %dma_wait3A_820 = tpu.memref_slice %arg4[%mul3A_813, %dma_wait3A_819] : memref<64000x64xf32, #tpu.memory_space<hbm>> -> memref<125x64xf32, #tpu.memory_space<hbm>>
    %dma_wait3A_821 = arith.constant 0 : i32
    %dma_wait3A_822 = tpu.memref_slice %arg4[%mul3A_813, %dma_wait3A_821] : memref<64000x64xf32, #tpu.memory_space<hbm>> -> memref<125x64xf32, #tpu.memory_space<hbm>>
    %dma_wait3A_823 = arith.constant 0 : i32
    %dma_wait3A_824 = arith.constant 0 : i32
    %dma_wait3A_825 = tpu.memref_slice %arg6[%dma_wait3A_814, %dma_wait3A_823, %dma_wait3A_824] : memref<8x125x64xf32, #tpu.memory_space<vmem>> -> memref<1x125x64xf32, #tpu.memory_space<vmem>>
    %dma_wait3A_826 = tpu.memref_squeeze %dma_wait3A_825 : memref<1x125x64xf32, #tpu.memory_space<vmem>> -> memref<125x64xf32, #tpu.memory_space<vmem>>
    tpu.wait_dma2 semaphore(%arg8 : memref<!tpu.dma_semaphore, #tpu.memory_space<semaphore_mem>>) src(%dma_wait3A_826 : memref<125x64xf32, #tpu.memory_space<vmem>>) dst(%dma_wait3A_822 : memref<125x64xf32, #tpu.memory_space<hbm>>)
    %add3A_827 = arith.constant 10 : i32
    %add3A_828 = arith.addi %mul3A_2, %add3A_827 : i32
    %mul3A_829 = arith.constant 125 : i32
    %mul3A_830 = arith.muli %add3A_828, %mul3A_829 : i32
    %dma_wait3A_831 = arith.constant 2 : i32
    %dma_wait3A_832 = arith.constant 0 : i32
    %dma_wait3A_833 = arith.constant 0 : i32
    %dma_wait3A_834 = tpu.memref_slice %arg6[%dma_wait3A_831, %dma_wait3A_832, %dma_wait3A_833] : memref<8x125x64xf32, #tpu.memory_space<vmem>> -> memref<1x125x64xf32, #tpu.memory_space<vmem>>
    %dma_wait3A_835 = tpu.memref_squeeze %dma_wait3A_834 : memref<1x125x64xf32, #tpu.memory_space<vmem>> -> memref<125x64xf32, #tpu.memory_space<vmem>>
    %dma_wait3A_836 = arith.constant 0 : i32
    %dma_wait3A_837 = tpu.memref_slice %arg4[%mul3A_830, %dma_wait3A_836] : memref<64000x64xf32, #tpu.memory_space<hbm>> -> memref<125x64xf32, #tpu.memory_space<hbm>>
    %dma_wait3A_838 = arith.constant 0 : i32
    %dma_wait3A_839 = tpu.memref_slice %arg4[%mul3A_830, %dma_wait3A_838] : memref<64000x64xf32, #tpu.memory_space<hbm>> -> memref<125x64xf32, #tpu.memory_space<hbm>>
    %dma_wait3A_840 = arith.constant 0 : i32
    %dma_wait3A_841 = arith.constant 0 : i32
    %dma_wait3A_842 = tpu.memref_slice %arg6[%dma_wait3A_831, %dma_wait3A_840, %dma_wait3A_841] : memref<8x125x64xf32, #tpu.memory_space<vmem>> -> memref<1x125x64xf32, #tpu.memory_space<vmem>>
    %dma_wait3A_843 = tpu.memref_squeeze %dma_wait3A_842 : memref<1x125x64xf32, #tpu.memory_space<vmem>> -> memref<125x64xf32, #tpu.memory_space<vmem>>
    tpu.wait_dma2 semaphore(%arg8 : memref<!tpu.dma_semaphore, #tpu.memory_space<semaphore_mem>>) src(%dma_wait3A_843 : memref<125x64xf32, #tpu.memory_space<vmem>>) dst(%dma_wait3A_839 : memref<125x64xf32, #tpu.memory_space<hbm>>)
    %add3A_844 = arith.constant 11 : i32
    %add3A_845 = arith.addi %mul3A_2, %add3A_844 : i32
    %mul3A_846 = arith.constant 125 : i32
    %mul3A_847 = arith.muli %add3A_845, %mul3A_846 : i32
    %dma_wait3A_848 = arith.constant 3 : i32
    %dma_wait3A_849 = arith.constant 0 : i32
    %dma_wait3A_850 = arith.constant 0 : i32
    %dma_wait3A_851 = tpu.memref_slice %arg6[%dma_wait3A_848, %dma_wait3A_849, %dma_wait3A_850] : memref<8x125x64xf32, #tpu.memory_space<vmem>> -> memref<1x125x64xf32, #tpu.memory_space<vmem>>
    %dma_wait3A_852 = tpu.memref_squeeze %dma_wait3A_851 : memref<1x125x64xf32, #tpu.memory_space<vmem>> -> memref<125x64xf32, #tpu.memory_space<vmem>>
    %dma_wait3A_853 = arith.constant 0 : i32
    %dma_wait3A_854 = tpu.memref_slice %arg4[%mul3A_847, %dma_wait3A_853] : memref<64000x64xf32, #tpu.memory_space<hbm>> -> memref<125x64xf32, #tpu.memory_space<hbm>>
    %dma_wait3A_855 = arith.constant 0 : i32
    %dma_wait3A_856 = tpu.memref_slice %arg4[%mul3A_847, %dma_wait3A_855] : memref<64000x64xf32, #tpu.memory_space<hbm>> -> memref<125x64xf32, #tpu.memory_space<hbm>>
    %dma_wait3A_857 = arith.constant 0 : i32
    %dma_wait3A_858 = arith.constant 0 : i32
    %dma_wait3A_859 = tpu.memref_slice %arg6[%dma_wait3A_848, %dma_wait3A_857, %dma_wait3A_858] : memref<8x125x64xf32, #tpu.memory_space<vmem>> -> memref<1x125x64xf32, #tpu.memory_space<vmem>>
    %dma_wait3A_860 = tpu.memref_squeeze %dma_wait3A_859 : memref<1x125x64xf32, #tpu.memory_space<vmem>> -> memref<125x64xf32, #tpu.memory_space<vmem>>
    tpu.wait_dma2 semaphore(%arg8 : memref<!tpu.dma_semaphore, #tpu.memory_space<semaphore_mem>>) src(%dma_wait3A_860 : memref<125x64xf32, #tpu.memory_space<vmem>>) dst(%dma_wait3A_856 : memref<125x64xf32, #tpu.memory_space<hbm>>)
    %add3A_861 = arith.constant 12 : i32
    %add3A_862 = arith.addi %mul3A_2, %add3A_861 : i32
    %mul3A_863 = arith.constant 125 : i32
    %mul3A_864 = arith.muli %add3A_862, %mul3A_863 : i32
    %dma_wait3A_865 = arith.constant 4 : i32
    %dma_wait3A_866 = arith.constant 0 : i32
    %dma_wait3A_867 = arith.constant 0 : i32
    %dma_wait3A_868 = tpu.memref_slice %arg6[%dma_wait3A_865, %dma_wait3A_866, %dma_wait3A_867] : memref<8x125x64xf32, #tpu.memory_space<vmem>> -> memref<1x125x64xf32, #tpu.memory_space<vmem>>
    %dma_wait3A_869 = tpu.memref_squeeze %dma_wait3A_868 : memref<1x125x64xf32, #tpu.memory_space<vmem>> -> memref<125x64xf32, #tpu.memory_space<vmem>>
    %dma_wait3A_870 = arith.constant 0 : i32
    %dma_wait3A_871 = tpu.memref_slice %arg4[%mul3A_864, %dma_wait3A_870] : memref<64000x64xf32, #tpu.memory_space<hbm>> -> memref<125x64xf32, #tpu.memory_space<hbm>>
    %dma_wait3A_872 = arith.constant 0 : i32
    %dma_wait3A_873 = tpu.memref_slice %arg4[%mul3A_864, %dma_wait3A_872] : memref<64000x64xf32, #tpu.memory_space<hbm>> -> memref<125x64xf32, #tpu.memory_space<hbm>>
    %dma_wait3A_874 = arith.constant 0 : i32
    %dma_wait3A_875 = arith.constant 0 : i32
    %dma_wait3A_876 = tpu.memref_slice %arg6[%dma_wait3A_865, %dma_wait3A_874, %dma_wait3A_875] : memref<8x125x64xf32, #tpu.memory_space<vmem>> -> memref<1x125x64xf32, #tpu.memory_space<vmem>>
    %dma_wait3A_877 = tpu.memref_squeeze %dma_wait3A_876 : memref<1x125x64xf32, #tpu.memory_space<vmem>> -> memref<125x64xf32, #tpu.memory_space<vmem>>
    tpu.wait_dma2 semaphore(%arg8 : memref<!tpu.dma_semaphore, #tpu.memory_space<semaphore_mem>>) src(%dma_wait3A_877 : memref<125x64xf32, #tpu.memory_space<vmem>>) dst(%dma_wait3A_873 : memref<125x64xf32, #tpu.memory_space<hbm>>)
    %add3A_878 = arith.constant 13 : i32
    %add3A_879 = arith.addi %mul3A_2, %add3A_878 : i32
    %mul3A_880 = arith.constant 125 : i32
    %mul3A_881 = arith.muli %add3A_879, %mul3A_880 : i32
    %dma_wait3A_882 = arith.constant 5 : i32
    %dma_wait3A_883 = arith.constant 0 : i32
    %dma_wait3A_884 = arith.constant 0 : i32
    %dma_wait3A_885 = tpu.memref_slice %arg6[%dma_wait3A_882, %dma_wait3A_883, %dma_wait3A_884] : memref<8x125x64xf32, #tpu.memory_space<vmem>> -> memref<1x125x64xf32, #tpu.memory_space<vmem>>
    %dma_wait3A_886 = tpu.memref_squeeze %dma_wait3A_885 : memref<1x125x64xf32, #tpu.memory_space<vmem>> -> memref<125x64xf32, #tpu.memory_space<vmem>>
    %dma_wait3A_887 = arith.constant 0 : i32
    %dma_wait3A_888 = tpu.memref_slice %arg4[%mul3A_881, %dma_wait3A_887] : memref<64000x64xf32, #tpu.memory_space<hbm>> -> memref<125x64xf32, #tpu.memory_space<hbm>>
    %dma_wait3A_889 = arith.constant 0 : i32
    %dma_wait3A_890 = tpu.memref_slice %arg4[%mul3A_881, %dma_wait3A_889] : memref<64000x64xf32, #tpu.memory_space<hbm>> -> memref<125x64xf32, #tpu.memory_space<hbm>>
    %dma_wait3A_891 = arith.constant 0 : i32
    %dma_wait3A_892 = arith.constant 0 : i32
    %dma_wait3A_893 = tpu.memref_slice %arg6[%dma_wait3A_882, %dma_wait3A_891, %dma_wait3A_892] : memref<8x125x64xf32, #tpu.memory_space<vmem>> -> memref<1x125x64xf32, #tpu.memory_space<vmem>>
    %dma_wait3A_894 = tpu.memref_squeeze %dma_wait3A_893 : memref<1x125x64xf32, #tpu.memory_space<vmem>> -> memref<125x64xf32, #tpu.memory_space<vmem>>
    tpu.wait_dma2 semaphore(%arg8 : memref<!tpu.dma_semaphore, #tpu.memory_space<semaphore_mem>>) src(%dma_wait3A_894 : memref<125x64xf32, #tpu.memory_space<vmem>>) dst(%dma_wait3A_890 : memref<125x64xf32, #tpu.memory_space<hbm>>)
    %add3A_895 = arith.constant 14 : i32
    %add3A_896 = arith.addi %mul3A_2, %add3A_895 : i32
    %mul3A_897 = arith.constant 125 : i32
    %mul3A_898 = arith.muli %add3A_896, %mul3A_897 : i32
    %dma_wait3A_899 = arith.constant 6 : i32
    %dma_wait3A_900 = arith.constant 0 : i32
    %dma_wait3A_901 = arith.constant 0 : i32
    %dma_wait3A_902 = tpu.memref_slice %arg6[%dma_wait3A_899, %dma_wait3A_900, %dma_wait3A_901] : memref<8x125x64xf32, #tpu.memory_space<vmem>> -> memref<1x125x64xf32, #tpu.memory_space<vmem>>
    %dma_wait3A_903 = tpu.memref_squeeze %dma_wait3A_902 : memref<1x125x64xf32, #tpu.memory_space<vmem>> -> memref<125x64xf32, #tpu.memory_space<vmem>>
    %dma_wait3A_904 = arith.constant 0 : i32
    %dma_wait3A_905 = tpu.memref_slice %arg4[%mul3A_898, %dma_wait3A_904] : memref<64000x64xf32, #tpu.memory_space<hbm>> -> memref<125x64xf32, #tpu.memory_space<hbm>>
    %dma_wait3A_906 = arith.constant 0 : i32
    %dma_wait3A_907 = tpu.memref_slice %arg4[%mul3A_898, %dma_wait3A_906] : memref<64000x64xf32, #tpu.memory_space<hbm>> -> memref<125x64xf32, #tpu.memory_space<hbm>>
    %dma_wait3A_908 = arith.constant 0 : i32
    %dma_wait3A_909 = arith.constant 0 : i32
    %dma_wait3A_910 = tpu.memref_slice %arg6[%dma_wait3A_899, %dma_wait3A_908, %dma_wait3A_909] : memref<8x125x64xf32, #tpu.memory_space<vmem>> -> memref<1x125x64xf32, #tpu.memory_space<vmem>>
    %dma_wait3A_911 = tpu.memref_squeeze %dma_wait3A_910 : memref<1x125x64xf32, #tpu.memory_space<vmem>> -> memref<125x64xf32, #tpu.memory_space<vmem>>
    tpu.wait_dma2 semaphore(%arg8 : memref<!tpu.dma_semaphore, #tpu.memory_space<semaphore_mem>>) src(%dma_wait3A_911 : memref<125x64xf32, #tpu.memory_space<vmem>>) dst(%dma_wait3A_907 : memref<125x64xf32, #tpu.memory_space<hbm>>)
    %add3A_912 = arith.constant 15 : i32
    %add3A_913 = arith.addi %mul3A_2, %add3A_912 : i32
    %mul3A_914 = arith.constant 125 : i32
    %mul3A_915 = arith.muli %add3A_913, %mul3A_914 : i32
    %dma_wait3A_916 = arith.constant 7 : i32
    %dma_wait3A_917 = arith.constant 0 : i32
    %dma_wait3A_918 = arith.constant 0 : i32
    %dma_wait3A_919 = tpu.memref_slice %arg6[%dma_wait3A_916, %dma_wait3A_917, %dma_wait3A_918] : memref<8x125x64xf32, #tpu.memory_space<vmem>> -> memref<1x125x64xf32, #tpu.memory_space<vmem>>
    %dma_wait3A_920 = tpu.memref_squeeze %dma_wait3A_919 : memref<1x125x64xf32, #tpu.memory_space<vmem>> -> memref<125x64xf32, #tpu.memory_space<vmem>>
    %dma_wait3A_921 = arith.constant 0 : i32
    %dma_wait3A_922 = tpu.memref_slice %arg4[%mul3A_915, %dma_wait3A_921] : memref<64000x64xf32, #tpu.memory_space<hbm>> -> memref<125x64xf32, #tpu.memory_space<hbm>>
    %dma_wait3A_923 = arith.constant 0 : i32
    %dma_wait3A_924 = tpu.memref_slice %arg4[%mul3A_915, %dma_wait3A_923] : memref<64000x64xf32, #tpu.memory_space<hbm>> -> memref<125x64xf32, #tpu.memory_space<hbm>>
    %dma_wait3A_925 = arith.constant 0 : i32
    %dma_wait3A_926 = arith.constant 0 : i32
    %dma_wait3A_927 = tpu.memref_slice %arg6[%dma_wait3A_916, %dma_wait3A_925, %dma_wait3A_926] : memref<8x125x64xf32, #tpu.memory_space<vmem>> -> memref<1x125x64xf32, #tpu.memory_space<vmem>>
    %dma_wait3A_928 = tpu.memref_squeeze %dma_wait3A_927 : memref<1x125x64xf32, #tpu.memory_space<vmem>> -> memref<125x64xf32, #tpu.memory_space<vmem>>
    tpu.wait_dma2 semaphore(%arg8 : memref<!tpu.dma_semaphore, #tpu.memory_space<semaphore_mem>>) src(%dma_wait3A_928 : memref<125x64xf32, #tpu.memory_space<vmem>>) dst(%dma_wait3A_924 : memref<125x64xf32, #tpu.memory_space<hbm>>)
    return
  }
}

#map = affine_map<(d0, d1) -> (0, 0)>
#map1 = affine_map<(d0, d1) -> (0, 0, 0)>
module attributes {stable_mosaic.version = 14 : i64} {
  func.func @_deg_sc_body(%arg0: i32, %arg1: i32, %arg2: memref<6400x125xi32, #tpu.memory_space<hbm>>, %arg3: memref<125x16xf32, #tpu.memory_space<hbm>>, %arg4: memref<50000x16xf32, #tpu.memory_space<hbm>>, %arg5: memref<2x50000x16xf32, #tpu.memory_space<hbm>>, %arg6: memref<50000x16xf32, #tpu.memory_space<vmem_shared>>, %arg7: memref<2x8x125xi32, #tpu.memory_space<vmem>>, %arg8: memref<125x16xf32, #tpu.memory_space<vmem>>, %arg9: memref<!tpu.dma_semaphore, #tpu.memory_space<semaphore_mem>>, %arg10: memref<!tpu.dma_semaphore, #tpu.memory_space<semaphore_mem>>) attributes {dimension_semantics = [#tpu.dimension_semantics<core_parallel>, #tpu.dimension_semantics<subcore_parallel>], iteration_bounds = array<i64: 2, 16>, scalar_prefetch = 0 : i64, scratch_operands = 5 : i64, tpu.core_type = #tpu.core_type<sc_vector_subcore>, window_params = [{transform_indices = #map}, {transform_indices = #map}, {transform_indices = #map}, {transform_indices = #map1}]} {
    %mul3A = arith.constant 3125 : i32
    %mul3A_0 = arith.muli %arg1, %mul3A : i32
    %mul3A_1 = arith.constant 3125 : i32
    %mul3A_2 = arith.muli %arg1, %mul3A_1 : i32
    "tpu.region"() ({
      %run_scoped3A = tpu.sem_alloc : memref<!tpu.dma_semaphore, #tpu.memory_space<semaphore_mem>>
      %dma_start3A_63 = arith.constant 0 : i32
      %dma_start3A_64 = tpu.memref_slice %arg6[%mul3A_2, %dma_start3A_63] : memref<50000x16xf32, #tpu.memory_space<vmem_shared>> -> memref<3125x16xf32, #tpu.memory_space<vmem_shared>>
      %dma_start3A_65 = arith.constant 0 : i32
      %dma_start3A_66 = tpu.memref_slice %arg4[%mul3A_0, %dma_start3A_65] : memref<50000x16xf32, #tpu.memory_space<hbm>> -> memref<3125x16xf32, #tpu.memory_space<hbm>>
      tpu.enqueue_dma source(%dma_start3A_66 : memref<3125x16xf32, #tpu.memory_space<hbm>>) target(%dma_start3A_64 : memref<3125x16xf32, #tpu.memory_space<vmem_shared>>) target_semaphore(%run_scoped3A : memref<!tpu.dma_semaphore, #tpu.memory_space<semaphore_mem>>)
      %dma_wait3A_67 = arith.constant 0 : i32
      %dma_wait3A_68 = tpu.memref_slice %arg6[%mul3A_2, %dma_wait3A_67] : memref<50000x16xf32, #tpu.memory_space<vmem_shared>> -> memref<3125x16xf32, #tpu.memory_space<vmem_shared>>
      %dma_wait3A_69 = arith.constant 0 : i32
      %dma_wait3A_70 = tpu.memref_slice %arg4[%mul3A_0, %dma_wait3A_69] : memref<50000x16xf32, #tpu.memory_space<hbm>> -> memref<3125x16xf32, #tpu.memory_space<hbm>>
      tpu.wait_dma2 semaphore(%run_scoped3A : memref<!tpu.dma_semaphore, #tpu.memory_space<semaphore_mem>>) src(%dma_wait3A_70 : memref<3125x16xf32, #tpu.memory_space<hbm>>) dst(%dma_wait3A_68 : memref<3125x16xf32, #tpu.memory_space<vmem_shared>>)
      tpu.yield
    }) : () -> ()
    "tpu.region"() ({
      %run_scoped3A = tpu.sem_alloc : memref<!tpu.dma_semaphore, #tpu.memory_space<semaphore_mem>>
      tpu.enqueue_dma source(%arg3 : memref<125x16xf32, #tpu.memory_space<hbm>>) target(%arg8 : memref<125x16xf32, #tpu.memory_space<vmem>>) target_semaphore(%run_scoped3A : memref<!tpu.dma_semaphore, #tpu.memory_space<semaphore_mem>>)
      tpu.wait_dma2 semaphore(%run_scoped3A : memref<!tpu.dma_semaphore, #tpu.memory_space<semaphore_mem>>) src(%arg3 : memref<125x16xf32, #tpu.memory_space<hbm>>) dst(%arg8 : memref<125x16xf32, #tpu.memory_space<vmem>>)
      tpu.yield
    }) : () -> ()
    %barrier3A = arith.constant 0 : index
    tpu.barrier barrier_id(%barrier3A)
    %mul3A_3 = arith.constant 16 : i32
    %mul3A_4 = arith.muli %arg0, %mul3A_3 : i32
    %add3A = arith.addi %mul3A_4, %arg1 : i32
    %mul3A_5 = arith.constant 200 : i32
    %mul3A_6 = arith.muli %add3A, %mul3A_5 : i32
    %add3A_7 = arith.constant 0 : i32
    %add3A_8 = arith.addi %mul3A_6, %add3A_7 : i32
    %dma_start3A = arith.constant 0 : i32
    %dma_start3A_9 = arith.constant 0 : i32
    %dma_start3A_10 = arith.constant 0 : i32
    %dma_start3A_11 = tpu.memref_slice %arg7[%dma_start3A, %dma_start3A_9, %dma_start3A_10] : memref<2x8x125xi32, #tpu.memory_space<vmem>> -> memref<1x8x125xi32, #tpu.memory_space<vmem>>
    %dma_start3A_12 = tpu.memref_squeeze %dma_start3A_11 : memref<1x8x125xi32, #tpu.memory_space<vmem>> -> memref<8x125xi32, #tpu.memory_space<vmem>>
    %dma_start3A_13 = arith.constant 0 : i32
    %dma_start3A_14 = tpu.memref_slice %arg2[%add3A_8, %dma_start3A_13] : memref<6400x125xi32, #tpu.memory_space<hbm>> -> memref<8x125xi32, #tpu.memory_space<hbm>>
    %dma_start3A_15 = arith.constant 0 : i32
    %dma_start3A_16 = arith.constant 0 : i32
    %dma_start3A_17 = tpu.memref_slice %arg7[%dma_start3A, %dma_start3A_15, %dma_start3A_16] : memref<2x8x125xi32, #tpu.memory_space<vmem>> -> memref<1x8x125xi32, #tpu.memory_space<vmem>>
    %dma_start3A_18 = tpu.memref_squeeze %dma_start3A_17 : memref<1x8x125xi32, #tpu.memory_space<vmem>> -> memref<8x125xi32, #tpu.memory_space<vmem>>
    %dma_start3A_19 = arith.constant 0 : i32
    %dma_start3A_20 = tpu.memref_slice %arg2[%add3A_8, %dma_start3A_19] : memref<6400x125xi32, #tpu.memory_space<hbm>> -> memref<8x125xi32, #tpu.memory_space<hbm>>
    tpu.enqueue_dma source(%dma_start3A_20 : memref<8x125xi32, #tpu.memory_space<hbm>>) target(%dma_start3A_18 : memref<8x125xi32, #tpu.memory_space<vmem>>) target_semaphore(%arg9 : memref<!tpu.dma_semaphore, #tpu.memory_space<semaphore_mem>>)
    %scan3A = arith.constant 0 : i32
    %scan3A_21 = arith.constant 0 : i32
    %scan3A_22 = arith.constant 25 : i32
    %scan3A_23 = arith.addi %scan3A_21, %scan3A_22 : i32
    %scan3A_24 = arith.constant 1 : i32
    %scan3A_25 = scf.for %scan3A_63 = %scan3A_21 to %scan3A_23 step %scan3A_24 iter_args(%scan3A_64 = %scan3A) -> (i32)  : i32 {
      %jit3A = arith.constant 2 : i32
      %eq3A = arith.constant 0 : i32
      %eq3A_65 = arith.cmpi eq, %jit3A, %eq3A : i32
      %jit3A_66 = arith.constant 1 : i32
      %select_n3A = arith.select %eq3A_65, %jit3A_66, %jit3A : i32
      %rem3A = arith.remsi %scan3A_63, %select_n3A : i32
      %ne3A = arith.constant 0 : i32
      %ne3A_67 = arith.cmpi ne, %rem3A, %ne3A : i32
      %lt3A = arith.constant 0 : i32
      %lt3A_68 = arith.cmpi slt, %rem3A, %lt3A : i32
      %lt3A_69 = arith.constant 0 : i32
      %lt3A_70 = arith.cmpi slt, %select_n3A, %lt3A_69 : i32
      %ne3A_71 = arith.xori %lt3A_68, %lt3A_70 : i1
      %and3A = arith.andi %ne3A_71, %ne3A_67 : i1
      %add3A_72 = arith.addi %rem3A, %select_n3A : i32
      %select_n3A_73 = arith.select %and3A, %add3A_72, %rem3A : i32
      %dma_wait3A_74 = arith.constant 0 : i32
      %dma_wait3A_75 = arith.constant 0 : i32
      %dma_wait3A_76 = tpu.memref_slice %arg7[%select_n3A_73, %dma_wait3A_74, %dma_wait3A_75] : memref<2x8x125xi32, #tpu.memory_space<vmem>> -> memref<1x8x125xi32, #tpu.memory_space<vmem>>
      %dma_wait3A_77 = tpu.memref_squeeze %dma_wait3A_76 : memref<1x8x125xi32, #tpu.memory_space<vmem>> -> memref<8x125xi32, #tpu.memory_space<vmem>>
      %dma_wait3A_78 = arith.constant 0 : i32
      %dma_wait3A_79 = tpu.memref_slice %arg2[%mul3A_6, %dma_wait3A_78] : memref<6400x125xi32, #tpu.memory_space<hbm>> -> memref<8x125xi32, #tpu.memory_space<hbm>>
      %dma_wait3A_80 = arith.constant 0 : i32
      %dma_wait3A_81 = arith.constant 0 : i32
      %dma_wait3A_82 = tpu.memref_slice %arg7[%select_n3A_73, %dma_wait3A_80, %dma_wait3A_81] : memref<2x8x125xi32, #tpu.memory_space<vmem>> -> memref<1x8x125xi32, #tpu.memory_space<vmem>>
      %dma_wait3A_83 = tpu.memref_squeeze %dma_wait3A_82 : memref<1x8x125xi32, #tpu.memory_space<vmem>> -> memref<8x125xi32, #tpu.memory_space<vmem>>
      %dma_wait3A_84 = arith.constant 0 : i32
      %dma_wait3A_85 = tpu.memref_slice %arg2[%mul3A_6, %dma_wait3A_84] : memref<6400x125xi32, #tpu.memory_space<hbm>> -> memref<8x125xi32, #tpu.memory_space<hbm>>
      tpu.wait_dma2 semaphore(%arg9 : memref<!tpu.dma_semaphore, #tpu.memory_space<semaphore_mem>>) src(%dma_wait3A_85 : memref<8x125xi32, #tpu.memory_space<hbm>>) dst(%dma_wait3A_83 : memref<8x125xi32, #tpu.memory_space<vmem>>)
      %ge3A = arith.constant 1 : i32
      %ge3A_86 = arith.cmpi sge, %scan3A_63, %ge3A : i32
      %convert_element_type3A = arith.extui %ge3A_86 : i1 to i32
      %cond3A = arith.constant 0 : i32
      %cond3A_87 = arith.cmpi ne, %convert_element_type3A, %cond3A : i32
      scf.if %cond3A_87 {
        %sub3A = arith.constant 1 : i32
        %sub3A_195 = arith.subi %sub3A, %select_n3A_73 : i32
        %dma_wait3A_196 = arith.constant 4 : i32
        %dma_wait3A_197 = arith.constant 0 : i32
        %dma_wait3A_198 = tpu.memref_slice %arg7[%sub3A_195, %dma_wait3A_196, %dma_wait3A_197] : memref<2x8x125xi32, #tpu.memory_space<vmem>> -> memref<1x1x125xi32, #tpu.memory_space<vmem>>
        %dma_wait3A_199 = tpu.memref_squeeze %dma_wait3A_198 : memref<1x1x125xi32, #tpu.memory_space<vmem>> -> memref<125xi32, #tpu.memory_space<vmem>>
        %dma_wait3A_200 = arith.constant 0 : i32
        %dma_wait3A_201 = arith.constant 0 : i32
        %dma_wait3A_202 = tpu.memref_slice %arg6[%dma_wait3A_200, %dma_wait3A_201] : memref<50000x16xf32, #tpu.memory_space<vmem_shared>> -> memref<50000x16xf32, #tpu.memory_space<vmem_shared>>
        tpu.wait_indirect_dma semaphore(%arg10 : memref<!tpu.dma_semaphore, #tpu.memory_space<semaphore_mem>>) src(%arg8 : memref<125x16xf32, #tpu.memory_space<vmem>>) dst(%dma_wait3A_202 : memref<50000x16xf32, #tpu.memory_space<vmem_shared>>)
      } else {
      }
      %dma_start3A_88 = arith.constant 0 : i32
      %dma_start3A_89 = arith.constant 0 : i32
      %dma_start3A_90 = tpu.memref_slice %arg7[%select_n3A_73, %dma_start3A_88, %dma_start3A_89] : memref<2x8x125xi32, #tpu.memory_space<vmem>> -> memref<1x1x125xi32, #tpu.memory_space<vmem>>
      %dma_start3A_91 = tpu.memref_squeeze %dma_start3A_90 : memref<1x1x125xi32, #tpu.memory_space<vmem>> -> memref<125xi32, #tpu.memory_space<vmem>>
      %dma_start3A_92 = arith.constant 0 : i32
      %dma_start3A_93 = arith.constant 0 : i32
      %dma_start3A_94 = tpu.memref_slice %arg6[%dma_start3A_92, %dma_start3A_93] : memref<50000x16xf32, #tpu.memory_space<vmem_shared>> -> memref<50000x16xf32, #tpu.memory_space<vmem_shared>>
      tpu.enqueue_indirect_dma source(%arg8 : memref<125x16xf32, #tpu.memory_space<vmem>>) target(%dma_start3A_94 : memref<50000x16xf32, #tpu.memory_space<vmem_shared>>) offsets(%dma_start3A_91 : memref<125xi32, #tpu.memory_space<vmem>>) semaphore(%arg10 : memref<!tpu.dma_semaphore, #tpu.memory_space<semaphore_mem>>) {add = true}
      %ge3A_95 = arith.constant 1 : i32
      %ge3A_96 = arith.cmpi sge, %scan3A_63, %ge3A_95 : i32
      %convert_element_type3A_97 = arith.extui %ge3A_96 : i1 to i32
      %cond3A_98 = arith.constant 0 : i32
      %cond3A_99 = arith.cmpi ne, %convert_element_type3A_97, %cond3A_98 : i32
      scf.if %cond3A_99 {
        %sub3A = arith.constant 1 : i32
        %sub3A_195 = arith.subi %sub3A, %select_n3A_73 : i32
        %dma_wait3A_196 = arith.constant 5 : i32
        %dma_wait3A_197 = arith.constant 0 : i32
        %dma_wait3A_198 = tpu.memref_slice %arg7[%sub3A_195, %dma_wait3A_196, %dma_wait3A_197] : memref<2x8x125xi32, #tpu.memory_space<vmem>> -> memref<1x1x125xi32, #tpu.memory_space<vmem>>
        %dma_wait3A_199 = tpu.memref_squeeze %dma_wait3A_198 : memref<1x1x125xi32, #tpu.memory_space<vmem>> -> memref<125xi32, #tpu.memory_space<vmem>>
        %dma_wait3A_200 = arith.constant 0 : i32
        %dma_wait3A_201 = arith.constant 0 : i32
        %dma_wait3A_202 = tpu.memref_slice %arg6[%dma_wait3A_200, %dma_wait3A_201] : memref<50000x16xf32, #tpu.memory_space<vmem_shared>> -> memref<50000x16xf32, #tpu.memory_space<vmem_shared>>
        tpu.wait_indirect_dma semaphore(%arg10 : memref<!tpu.dma_semaphore, #tpu.memory_space<semaphore_mem>>) src(%arg8 : memref<125x16xf32, #tpu.memory_space<vmem>>) dst(%dma_wait3A_202 : memref<50000x16xf32, #tpu.memory_space<vmem_shared>>)
      } else {
      }
      %dma_start3A_100 = arith.constant 1 : i32
      %dma_start3A_101 = arith.constant 0 : i32
      %dma_start3A_102 = tpu.memref_slice %arg7[%select_n3A_73, %dma_start3A_100, %dma_start3A_101] : memref<2x8x125xi32, #tpu.memory_space<vmem>> -> memref<1x1x125xi32, #tpu.memory_space<vmem>>
      %dma_start3A_103 = tpu.memref_squeeze %dma_start3A_102 : memref<1x1x125xi32, #tpu.memory_space<vmem>> -> memref<125xi32, #tpu.memory_space<vmem>>
      %dma_start3A_104 = arith.constant 0 : i32
      %dma_start3A_105 = arith.constant 0 : i32
      %dma_start3A_106 = tpu.memref_slice %arg6[%dma_start3A_104, %dma_start3A_105] : memref<50000x16xf32, #tpu.memory_space<vmem_shared>> -> memref<50000x16xf32, #tpu.memory_space<vmem_shared>>
      tpu.enqueue_indirect_dma source(%arg8 : memref<125x16xf32, #tpu.memory_space<vmem>>) target(%dma_start3A_106 : memref<50000x16xf32, #tpu.memory_space<vmem_shared>>) offsets(%dma_start3A_103 : memref<125xi32, #tpu.memory_space<vmem>>) semaphore(%arg10 : memref<!tpu.dma_semaphore, #tpu.memory_space<semaphore_mem>>) {add = true}
      %ge3A_107 = arith.constant 1 : i32
      %ge3A_108 = arith.cmpi sge, %scan3A_63, %ge3A_107 : i32
      %convert_element_type3A_109 = arith.extui %ge3A_108 : i1 to i32
      %cond3A_110 = arith.constant 0 : i32
      %cond3A_111 = arith.cmpi ne, %convert_element_type3A_109, %cond3A_110 : i32
      scf.if %cond3A_111 {
        %sub3A = arith.constant 1 : i32
        %sub3A_195 = arith.subi %sub3A, %select_n3A_73 : i32
        %dma_wait3A_196 = arith.constant 6 : i32
        %dma_wait3A_197 = arith.constant 0 : i32
        %dma_wait3A_198 = tpu.memref_slice %arg7[%sub3A_195, %dma_wait3A_196, %dma_wait3A_197] : memref<2x8x125xi32, #tpu.memory_space<vmem>> -> memref<1x1x125xi32, #tpu.memory_space<vmem>>
        %dma_wait3A_199 = tpu.memref_squeeze %dma_wait3A_198 : memref<1x1x125xi32, #tpu.memory_space<vmem>> -> memref<125xi32, #tpu.memory_space<vmem>>
        %dma_wait3A_200 = arith.constant 0 : i32
        %dma_wait3A_201 = arith.constant 0 : i32
        %dma_wait3A_202 = tpu.memref_slice %arg6[%dma_wait3A_200, %dma_wait3A_201] : memref<50000x16xf32, #tpu.memory_space<vmem_shared>> -> memref<50000x16xf32, #tpu.memory_space<vmem_shared>>
        tpu.wait_indirect_dma semaphore(%arg10 : memref<!tpu.dma_semaphore, #tpu.memory_space<semaphore_mem>>) src(%arg8 : memref<125x16xf32, #tpu.memory_space<vmem>>) dst(%dma_wait3A_202 : memref<50000x16xf32, #tpu.memory_space<vmem_shared>>)
      } else {
      }
      %dma_start3A_112 = arith.constant 2 : i32
      %dma_start3A_113 = arith.constant 0 : i32
      %dma_start3A_114 = tpu.memref_slice %arg7[%select_n3A_73, %dma_start3A_112, %dma_start3A_113] : memref<2x8x125xi32, #tpu.memory_space<vmem>> -> memref<1x1x125xi32, #tpu.memory_space<vmem>>
      %dma_start3A_115 = tpu.memref_squeeze %dma_start3A_114 : memref<1x1x125xi32, #tpu.memory_space<vmem>> -> memref<125xi32, #tpu.memory_space<vmem>>
      %dma_start3A_116 = arith.constant 0 : i32
      %dma_start3A_117 = arith.constant 0 : i32
      %dma_start3A_118 = tpu.memref_slice %arg6[%dma_start3A_116, %dma_start3A_117] : memref<50000x16xf32, #tpu.memory_space<vmem_shared>> -> memref<50000x16xf32, #tpu.memory_space<vmem_shared>>
      tpu.enqueue_indirect_dma source(%arg8 : memref<125x16xf32, #tpu.memory_space<vmem>>) target(%dma_start3A_118 : memref<50000x16xf32, #tpu.memory_space<vmem_shared>>) offsets(%dma_start3A_115 : memref<125xi32, #tpu.memory_space<vmem>>) semaphore(%arg10 : memref<!tpu.dma_semaphore, #tpu.memory_space<semaphore_mem>>) {add = true}
      %ge3A_119 = arith.constant 1 : i32
      %ge3A_120 = arith.cmpi sge, %scan3A_63, %ge3A_119 : i32
      %convert_element_type3A_121 = arith.extui %ge3A_120 : i1 to i32
      %cond3A_122 = arith.constant 0 : i32
      %cond3A_123 = arith.cmpi ne, %convert_element_type3A_121, %cond3A_122 : i32
      scf.if %cond3A_123 {
        %sub3A = arith.constant 1 : i32
        %sub3A_195 = arith.subi %sub3A, %select_n3A_73 : i32
        %dma_wait3A_196 = arith.constant 7 : i32
        %dma_wait3A_197 = arith.constant 0 : i32
        %dma_wait3A_198 = tpu.memref_slice %arg7[%sub3A_195, %dma_wait3A_196, %dma_wait3A_197] : memref<2x8x125xi32, #tpu.memory_space<vmem>> -> memref<1x1x125xi32, #tpu.memory_space<vmem>>
        %dma_wait3A_199 = tpu.memref_squeeze %dma_wait3A_198 : memref<1x1x125xi32, #tpu.memory_space<vmem>> -> memref<125xi32, #tpu.memory_space<vmem>>
        %dma_wait3A_200 = arith.constant 0 : i32
        %dma_wait3A_201 = arith.constant 0 : i32
        %dma_wait3A_202 = tpu.memref_slice %arg6[%dma_wait3A_200, %dma_wait3A_201] : memref<50000x16xf32, #tpu.memory_space<vmem_shared>> -> memref<50000x16xf32, #tpu.memory_space<vmem_shared>>
        tpu.wait_indirect_dma semaphore(%arg10 : memref<!tpu.dma_semaphore, #tpu.memory_space<semaphore_mem>>) src(%arg8 : memref<125x16xf32, #tpu.memory_space<vmem>>) dst(%dma_wait3A_202 : memref<50000x16xf32, #tpu.memory_space<vmem_shared>>)
      } else {
      }
      %dma_start3A_124 = arith.constant 3 : i32
      %dma_start3A_125 = arith.constant 0 : i32
      %dma_start3A_126 = tpu.memref_slice %arg7[%select_n3A_73, %dma_start3A_124, %dma_start3A_125] : memref<2x8x125xi32, #tpu.memory_space<vmem>> -> memref<1x1x125xi32, #tpu.memory_space<vmem>>
      %dma_start3A_127 = tpu.memref_squeeze %dma_start3A_126 : memref<1x1x125xi32, #tpu.memory_space<vmem>> -> memref<125xi32, #tpu.memory_space<vmem>>
      %dma_start3A_128 = arith.constant 0 : i32
      %dma_start3A_129 = arith.constant 0 : i32
      %dma_start3A_130 = tpu.memref_slice %arg6[%dma_start3A_128, %dma_start3A_129] : memref<50000x16xf32, #tpu.memory_space<vmem_shared>> -> memref<50000x16xf32, #tpu.memory_space<vmem_shared>>
      tpu.enqueue_indirect_dma source(%arg8 : memref<125x16xf32, #tpu.memory_space<vmem>>) target(%dma_start3A_130 : memref<50000x16xf32, #tpu.memory_space<vmem_shared>>) offsets(%dma_start3A_127 : memref<125xi32, #tpu.memory_space<vmem>>) semaphore(%arg10 : memref<!tpu.dma_semaphore, #tpu.memory_space<semaphore_mem>>) {add = true}
      %dma_wait3A_131 = arith.constant 0 : i32
      %dma_wait3A_132 = arith.constant 0 : i32
      %dma_wait3A_133 = tpu.memref_slice %arg7[%select_n3A_73, %dma_wait3A_131, %dma_wait3A_132] : memref<2x8x125xi32, #tpu.memory_space<vmem>> -> memref<1x1x125xi32, #tpu.memory_space<vmem>>
      %dma_wait3A_134 = tpu.memref_squeeze %dma_wait3A_133 : memref<1x1x125xi32, #tpu.memory_space<vmem>> -> memref<125xi32, #tpu.memory_space<vmem>>
      %dma_wait3A_135 = arith.constant 0 : i32
      %dma_wait3A_136 = arith.constant 0 : i32
      %dma_wait3A_137 = tpu.memref_slice %arg6[%dma_wait3A_135, %dma_wait3A_136] : memref<50000x16xf32, #tpu.memory_space<vmem_shared>> -> memref<50000x16xf32, #tpu.memory_space<vmem_shared>>
      tpu.wait_indirect_dma semaphore(%arg10 : memref<!tpu.dma_semaphore, #tpu.memory_space<semaphore_mem>>) src(%arg8 : memref<125x16xf32, #tpu.memory_space<vmem>>) dst(%dma_wait3A_137 : memref<50000x16xf32, #tpu.memory_space<vmem_shared>>)
      %dma_start3A_138 = arith.constant 4 : i32
      %dma_start3A_139 = arith.constant 0 : i32
      %dma_start3A_140 = tpu.memref_slice %arg7[%select_n3A_73, %dma_start3A_138, %dma_start3A_139] : memref<2x8x125xi32, #tpu.memory_space<vmem>> -> memref<1x1x125xi32, #tpu.memory_space<vmem>>
      %dma_start3A_141 = tpu.memref_squeeze %dma_start3A_140 : memref<1x1x125xi32, #tpu.memory_space<vmem>> -> memref<125xi32, #tpu.memory_space<vmem>>
      %dma_start3A_142 = arith.constant 0 : i32
      %dma_start3A_143 = arith.constant 0 : i32
      %dma_start3A_144 = tpu.memref_slice %arg6[%dma_start3A_142, %dma_start3A_143] : memref<50000x16xf32, #tpu.memory_space<vmem_shared>> -> memref<50000x16xf32, #tpu.memory_space<vmem_shared>>
      tpu.enqueue_indirect_dma source(%arg8 : memref<125x16xf32, #tpu.memory_space<vmem>>) target(%dma_start3A_144 : memref<50000x16xf32, #tpu.memory_space<vmem_shared>>) offsets(%dma_start3A_141 : memref<125xi32, #tpu.memory_space<vmem>>) semaphore(%arg10 : memref<!tpu.dma_semaphore, #tpu.memory_space<semaphore_mem>>) {add = true}
      %add3A_145 = arith.constant 1 : i32
      %add3A_146 = arith.addi %scan3A_63, %add3A_145 : i32
      %lt3A_147 = arith.constant 25 : i32
      %lt3A_148 = arith.cmpi slt, %add3A_146, %lt3A_147 : i32
      %convert_element_type3A_149 = arith.extui %lt3A_148 : i1 to i32
      %cond3A_150 = arith.constant 0 : i32
      %cond3A_151 = arith.cmpi ne, %convert_element_type3A_149, %cond3A_150 : i32
      scf.if %cond3A_151 {
        %add3A_195 = arith.constant 1 : i32
        %add3A_196 = arith.addi %scan3A_63, %add3A_195 : i32
        %sub3A = arith.constant 1 : i32
        %sub3A_197 = arith.subi %sub3A, %select_n3A_73 : i32
        %mul3A_198 = arith.constant 8 : i32
        %mul3A_199 = arith.muli %add3A_196, %mul3A_198 : i32
        %add3A_200 = arith.addi %mul3A_6, %mul3A_199 : i32
        %dma_start3A_201 = arith.constant 0 : i32
        %dma_start3A_202 = arith.constant 0 : i32
        %dma_start3A_203 = tpu.memref_slice %arg7[%sub3A_197, %dma_start3A_201, %dma_start3A_202] : memref<2x8x125xi32, #tpu.memory_space<vmem>> -> memref<1x8x125xi32, #tpu.memory_space<vmem>>
        %dma_start3A_204 = tpu.memref_squeeze %dma_start3A_203 : memref<1x8x125xi32, #tpu.memory_space<vmem>> -> memref<8x125xi32, #tpu.memory_space<vmem>>
        %dma_start3A_205 = arith.constant 0 : i32
        %dma_start3A_206 = tpu.memref_slice %arg2[%add3A_200, %dma_start3A_205] : memref<6400x125xi32, #tpu.memory_space<hbm>> -> memref<8x125xi32, #tpu.memory_space<hbm>>
        %dma_start3A_207 = arith.constant 0 : i32
        %dma_start3A_208 = arith.constant 0 : i32
        %dma_start3A_209 = tpu.memref_slice %arg7[%sub3A_197, %dma_start3A_207, %dma_start3A_208] : memref<2x8x125xi32, #tpu.memory_space<vmem>> -> memref<1x8x125xi32, #tpu.memory_space<vmem>>
        %dma_start3A_210 = tpu.memref_squeeze %dma_start3A_209 : memref<1x8x125xi32, #tpu.memory_space<vmem>> -> memref<8x125xi32, #tpu.memory_space<vmem>>
        %dma_start3A_211 = arith.constant 0 : i32
        %dma_start3A_212 = tpu.memref_slice %arg2[%add3A_200, %dma_start3A_211] : memref<6400x125xi32, #tpu.memory_space<hbm>> -> memref<8x125xi32, #tpu.memory_space<hbm>>
        tpu.enqueue_dma source(%dma_start3A_212 : memref<8x125xi32, #tpu.memory_space<hbm>>) target(%dma_start3A_210 : memref<8x125xi32, #tpu.memory_space<vmem>>) target_semaphore(%arg9 : memref<!tpu.dma_semaphore, #tpu.memory_space<semaphore_mem>>)
      } else {
      }
      %dma_wait3A_152 = arith.constant 1 : i32
      %dma_wait3A_153 = arith.constant 0 : i32
      %dma_wait3A_154 = tpu.memref_slice %arg7[%select_n3A_73, %dma_wait3A_152, %dma_wait3A_153] : memref<2x8x125xi32, #tpu.memory_space<vmem>> -> memref<1x1x125xi32, #tpu.memory_space<vmem>>
      %dma_wait3A_155 = tpu.memref_squeeze %dma_wait3A_154 : memref<1x1x125xi32, #tpu.memory_space<vmem>> -> memref<125xi32, #tpu.memory_space<vmem>>
      %dma_wait3A_156 = arith.constant 0 : i32
      %dma_wait3A_157 = arith.constant 0 : i32
      %dma_wait3A_158 = tpu.memref_slice %arg6[%dma_wait3A_156, %dma_wait3A_157] : memref<50000x16xf32, #tpu.memory_space<vmem_shared>> -> memref<50000x16xf32, #tpu.memory_space<vmem_shared>>
      tpu.wait_indirect_dma semaphore(%arg10 : memref<!tpu.dma_semaphore, #tpu.memory_space<semaphore_mem>>) src(%arg8 : memref<125x16xf32, #tpu.memory_space<vmem>>) dst(%dma_wait3A_158 : memref<50000x16xf32, #tpu.memory_space<vmem_shared>>)
      %dma_start3A_159 = arith.constant 5 : i32
      %dma_start3A_160 = arith.constant 0 : i32
      %dma_start3A_161 = tpu.memref_slice %arg7[%select_n3A_73, %dma_start3A_159, %dma_start3A_160] : memref<2x8x125xi32, #tpu.memory_space<vmem>> -> memref<1x1x125xi32, #tpu.memory_space<vmem>>
      %dma_start3A_162 = tpu.memref_squeeze %dma_start3A_161 : memref<1x1x125xi32, #tpu.memory_space<vmem>> -> memref<125xi32, #tpu.memory_space<vmem>>
      %dma_start3A_163 = arith.constant 0 : i32
      %dma_start3A_164 = arith.constant 0 : i32
      %dma_start3A_165 = tpu.memref_slice %arg6[%dma_start3A_163, %dma_start3A_164] : memref<50000x16xf32, #tpu.memory_space<vmem_shared>> -> memref<50000x16xf32, #tpu.memory_space<vmem_shared>>
      tpu.enqueue_indirect_dma source(%arg8 : memref<125x16xf32, #tpu.memory_space<vmem>>) target(%dma_start3A_165 : memref<50000x16xf32, #tpu.memory_space<vmem_shared>>) offsets(%dma_start3A_162 : memref<125xi32, #tpu.memory_space<vmem>>) semaphore(%arg10 : memref<!tpu.dma_semaphore, #tpu.memory_space<semaphore_mem>>) {add = true}
      %dma_wait3A_166 = arith.constant 2 : i32
      %dma_wait3A_167 = arith.constant 0 : i32
      %dma_wait3A_168 = tpu.memref_slice %arg7[%select_n3A_73, %dma_wait3A_166, %dma_wait3A_167] : memref<2x8x125xi32, #tpu.memory_space<vmem>> -> memref<1x1x125xi32, #tpu.memory_space<vmem>>
      %dma_wait3A_169 = tpu.memref_squeeze %dma_wait3A_168 : memref<1x1x125xi32, #tpu.memory_space<vmem>> -> memref<125xi32, #tpu.memory_space<vmem>>
      %dma_wait3A_170 = arith.constant 0 : i32
      %dma_wait3A_171 = arith.constant 0 : i32
      %dma_wait3A_172 = tpu.memref_slice %arg6[%dma_wait3A_170, %dma_wait3A_171] : memref<50000x16xf32, #tpu.memory_space<vmem_shared>> -> memref<50000x16xf32, #tpu.memory_space<vmem_shared>>
      tpu.wait_indirect_dma semaphore(%arg10 : memref<!tpu.dma_semaphore, #tpu.memory_space<semaphore_mem>>) src(%arg8 : memref<125x16xf32, #tpu.memory_space<vmem>>) dst(%dma_wait3A_172 : memref<50000x16xf32, #tpu.memory_space<vmem_shared>>)
      %dma_start3A_173 = arith.constant 6 : i32
      %dma_start3A_174 = arith.constant 0 : i32
      %dma_start3A_175 = tpu.memref_slice %arg7[%select_n3A_73, %dma_start3A_173, %dma_start3A_174] : memref<2x8x125xi32, #tpu.memory_space<vmem>> -> memref<1x1x125xi32, #tpu.memory_space<vmem>>
      %dma_start3A_176 = tpu.memref_squeeze %dma_start3A_175 : memref<1x1x125xi32, #tpu.memory_space<vmem>> -> memref<125xi32, #tpu.memory_space<vmem>>
      %dma_start3A_177 = arith.constant 0 : i32
      %dma_start3A_178 = arith.constant 0 : i32
      %dma_start3A_179 = tpu.memref_slice %arg6[%dma_start3A_177, %dma_start3A_178] : memref<50000x16xf32, #tpu.memory_space<vmem_shared>> -> memref<50000x16xf32, #tpu.memory_space<vmem_shared>>
      tpu.enqueue_indirect_dma source(%arg8 : memref<125x16xf32, #tpu.memory_space<vmem>>) target(%dma_start3A_179 : memref<50000x16xf32, #tpu.memory_space<vmem_shared>>) offsets(%dma_start3A_176 : memref<125xi32, #tpu.memory_space<vmem>>) semaphore(%arg10 : memref<!tpu.dma_semaphore, #tpu.memory_space<semaphore_mem>>) {add = true}
      %dma_wait3A_180 = arith.constant 3 : i32
      %dma_wait3A_181 = arith.constant 0 : i32
      %dma_wait3A_182 = tpu.memref_slice %arg7[%select_n3A_73, %dma_wait3A_180, %dma_wait3A_181] : memref<2x8x125xi32, #tpu.memory_space<vmem>> -> memref<1x1x125xi32, #tpu.memory_space<vmem>>
      %dma_wait3A_183 = tpu.memref_squeeze %dma_wait3A_182 : memref<1x1x125xi32, #tpu.memory_space<vmem>> -> memref<125xi32, #tpu.memory_space<vmem>>
      %dma_wait3A_184 = arith.constant 0 : i32
      %dma_wait3A_185 = arith.constant 0 : i32
      %dma_wait3A_186 = tpu.memref_slice %arg6[%dma_wait3A_184, %dma_wait3A_185] : memref<50000x16xf32, #tpu.memory_space<vmem_shared>> -> memref<50000x16xf32, #tpu.memory_space<vmem_shared>>
      tpu.wait_indirect_dma semaphore(%arg10 : memref<!tpu.dma_semaphore, #tpu.memory_space<semaphore_mem>>) src(%arg8 : memref<125x16xf32, #tpu.memory_space<vmem>>) dst(%dma_wait3A_186 : memref<50000x16xf32, #tpu.memory_space<vmem_shared>>)
      %dma_start3A_187 = arith.constant 7 : i32
      %dma_start3A_188 = arith.constant 0 : i32
      %dma_start3A_189 = tpu.memref_slice %arg7[%select_n3A_73, %dma_start3A_187, %dma_start3A_188] : memref<2x8x125xi32, #tpu.memory_space<vmem>> -> memref<1x1x125xi32, #tpu.memory_space<vmem>>
      %dma_start3A_190 = tpu.memref_squeeze %dma_start3A_189 : memref<1x1x125xi32, #tpu.memory_space<vmem>> -> memref<125xi32, #tpu.memory_space<vmem>>
      %dma_start3A_191 = arith.constant 0 : i32
      %dma_start3A_192 = arith.constant 0 : i32
      %dma_start3A_193 = tpu.memref_slice %arg6[%dma_start3A_191, %dma_start3A_192] : memref<50000x16xf32, #tpu.memory_space<vmem_shared>> -> memref<50000x16xf32, #tpu.memory_space<vmem_shared>>
      tpu.enqueue_indirect_dma source(%arg8 : memref<125x16xf32, #tpu.memory_space<vmem>>) target(%dma_start3A_193 : memref<50000x16xf32, #tpu.memory_space<vmem_shared>>) offsets(%dma_start3A_190 : memref<125xi32, #tpu.memory_space<vmem>>) semaphore(%arg10 : memref<!tpu.dma_semaphore, #tpu.memory_space<semaphore_mem>>) {add = true}
      %scan3A_194 = arith.constant 0 : i32
      scf.yield %scan3A_194 : i32
    }
    %scan3A_26 = arith.constant 25 : i32
    %dma_wait3A = arith.constant 0 : i32
    %dma_wait3A_27 = arith.constant 4 : i32
    %dma_wait3A_28 = arith.constant 0 : i32
    %dma_wait3A_29 = tpu.memref_slice %arg7[%dma_wait3A, %dma_wait3A_27, %dma_wait3A_28] : memref<2x8x125xi32, #tpu.memory_space<vmem>> -> memref<1x1x125xi32, #tpu.memory_space<vmem>>
    %dma_wait3A_30 = tpu.memref_squeeze %dma_wait3A_29 : memref<1x1x125xi32, #tpu.memory_space<vmem>> -> memref<125xi32, #tpu.memory_space<vmem>>
    %dma_wait3A_31 = arith.constant 0 : i32
    %dma_wait3A_32 = arith.constant 0 : i32
    %dma_wait3A_33 = tpu.memref_slice %arg6[%dma_wait3A_31, %dma_wait3A_32] : memref<50000x16xf32, #tpu.memory_space<vmem_shared>> -> memref<50000x16xf32, #tpu.memory_space<vmem_shared>>
    tpu.wait_indirect_dma semaphore(%arg10 : memref<!tpu.dma_semaphore, #tpu.memory_space<semaphore_mem>>) src(%arg8 : memref<125x16xf32, #tpu.memory_space<vmem>>) dst(%dma_wait3A_33 : memref<50000x16xf32, #tpu.memory_space<vmem_shared>>)
    %dma_wait3A_34 = arith.constant 0 : i32
    %dma_wait3A_35 = arith.constant 5 : i32
    %dma_wait3A_36 = arith.constant 0 : i32
    %dma_wait3A_37 = tpu.memref_slice %arg7[%dma_wait3A_34, %dma_wait3A_35, %dma_wait3A_36] : memref<2x8x125xi32, #tpu.memory_space<vmem>> -> memref<1x1x125xi32, #tpu.memory_space<vmem>>
    %dma_wait3A_38 = tpu.memref_squeeze %dma_wait3A_37 : memref<1x1x125xi32, #tpu.memory_space<vmem>> -> memref<125xi32, #tpu.memory_space<vmem>>
    %dma_wait3A_39 = arith.constant 0 : i32
    %dma_wait3A_40 = arith.constant 0 : i32
    %dma_wait3A_41 = tpu.memref_slice %arg6[%dma_wait3A_39, %dma_wait3A_40] : memref<50000x16xf32, #tpu.memory_space<vmem_shared>> -> memref<50000x16xf32, #tpu.memory_space<vmem_shared>>
    tpu.wait_indirect_dma semaphore(%arg10 : memref<!tpu.dma_semaphore, #tpu.memory_space<semaphore_mem>>) src(%arg8 : memref<125x16xf32, #tpu.memory_space<vmem>>) dst(%dma_wait3A_41 : memref<50000x16xf32, #tpu.memory_space<vmem_shared>>)
    %dma_wait3A_42 = arith.constant 0 : i32
    %dma_wait3A_43 = arith.constant 6 : i32
    %dma_wait3A_44 = arith.constant 0 : i32
    %dma_wait3A_45 = tpu.memref_slice %arg7[%dma_wait3A_42, %dma_wait3A_43, %dma_wait3A_44] : memref<2x8x125xi32, #tpu.memory_space<vmem>> -> memref<1x1x125xi32, #tpu.memory_space<vmem>>
    %dma_wait3A_46 = tpu.memref_squeeze %dma_wait3A_45 : memref<1x1x125xi32, #tpu.memory_space<vmem>> -> memref<125xi32, #tpu.memory_space<vmem>>
    %dma_wait3A_47 = arith.constant 0 : i32
    %dma_wait3A_48 = arith.constant 0 : i32
    %dma_wait3A_49 = tpu.memref_slice %arg6[%dma_wait3A_47, %dma_wait3A_48] : memref<50000x16xf32, #tpu.memory_space<vmem_shared>> -> memref<50000x16xf32, #tpu.memory_space<vmem_shared>>
    tpu.wait_indirect_dma semaphore(%arg10 : memref<!tpu.dma_semaphore, #tpu.memory_space<semaphore_mem>>) src(%arg8 : memref<125x16xf32, #tpu.memory_space<vmem>>) dst(%dma_wait3A_49 : memref<50000x16xf32, #tpu.memory_space<vmem_shared>>)
    %dma_wait3A_50 = arith.constant 0 : i32
    %dma_wait3A_51 = arith.constant 7 : i32
    %dma_wait3A_52 = arith.constant 0 : i32
    %dma_wait3A_53 = tpu.memref_slice %arg7[%dma_wait3A_50, %dma_wait3A_51, %dma_wait3A_52] : memref<2x8x125xi32, #tpu.memory_space<vmem>> -> memref<1x1x125xi32, #tpu.memory_space<vmem>>
    %dma_wait3A_54 = tpu.memref_squeeze %dma_wait3A_53 : memref<1x1x125xi32, #tpu.memory_space<vmem>> -> memref<125xi32, #tpu.memory_space<vmem>>
    %dma_wait3A_55 = arith.constant 0 : i32
    %dma_wait3A_56 = arith.constant 0 : i32
    %dma_wait3A_57 = tpu.memref_slice %arg6[%dma_wait3A_55, %dma_wait3A_56] : memref<50000x16xf32, #tpu.memory_space<vmem_shared>> -> memref<50000x16xf32, #tpu.memory_space<vmem_shared>>
    tpu.wait_indirect_dma semaphore(%arg10 : memref<!tpu.dma_semaphore, #tpu.memory_space<semaphore_mem>>) src(%arg8 : memref<125x16xf32, #tpu.memory_space<vmem>>) dst(%dma_wait3A_57 : memref<50000x16xf32, #tpu.memory_space<vmem_shared>>)
    %barrier3A_58 = arith.constant 0 : index
    tpu.barrier barrier_id(%barrier3A_58)
    %mul3A_59 = arith.constant 3125 : i32
    %mul3A_60 = arith.muli %arg1, %mul3A_59 : i32
    %mul3A_61 = arith.constant 3125 : i32
    %mul3A_62 = arith.muli %arg1, %mul3A_61 : i32
    "tpu.region"() ({
      %run_scoped3A = tpu.sem_alloc : memref<!tpu.dma_semaphore, #tpu.memory_space<semaphore_mem>>
      %dma_start3A_63 = arith.constant 0 : i32
      %dma_start3A_64 = tpu.memref_slice %arg5[%arg0, %mul3A_62, %dma_start3A_63] : memref<2x50000x16xf32, #tpu.memory_space<hbm>> -> memref<1x3125x16xf32, #tpu.memory_space<hbm>>
      %dma_start3A_65 = tpu.memref_squeeze %dma_start3A_64 : memref<1x3125x16xf32, #tpu.memory_space<hbm>> -> memref<3125x16xf32, #tpu.memory_space<hbm>>
      %dma_start3A_66 = arith.constant 0 : i32
      %dma_start3A_67 = tpu.memref_slice %arg6[%mul3A_60, %dma_start3A_66] : memref<50000x16xf32, #tpu.memory_space<vmem_shared>> -> memref<3125x16xf32, #tpu.memory_space<vmem_shared>>
      tpu.enqueue_dma source(%dma_start3A_67 : memref<3125x16xf32, #tpu.memory_space<vmem_shared>>) target(%dma_start3A_65 : memref<3125x16xf32, #tpu.memory_space<hbm>>) target_semaphore(%run_scoped3A : memref<!tpu.dma_semaphore, #tpu.memory_space<semaphore_mem>>)
      %dma_wait3A_68 = arith.constant 0 : i32
      %dma_wait3A_69 = tpu.memref_slice %arg5[%arg0, %mul3A_62, %dma_wait3A_68] : memref<2x50000x16xf32, #tpu.memory_space<hbm>> -> memref<1x3125x16xf32, #tpu.memory_space<hbm>>
      %dma_wait3A_70 = tpu.memref_squeeze %dma_wait3A_69 : memref<1x3125x16xf32, #tpu.memory_space<hbm>> -> memref<3125x16xf32, #tpu.memory_space<hbm>>
      %dma_wait3A_71 = arith.constant 0 : i32
      %dma_wait3A_72 = tpu.memref_slice %arg6[%mul3A_60, %dma_wait3A_71] : memref<50000x16xf32, #tpu.memory_space<vmem_shared>> -> memref<3125x16xf32, #tpu.memory_space<vmem_shared>>
      tpu.wait_dma2 semaphore(%run_scoped3A : memref<!tpu.dma_semaphore, #tpu.memory_space<semaphore_mem>>) src(%dma_wait3A_72 : memref<3125x16xf32, #tpu.memory_space<vmem_shared>>) dst(%dma_wait3A_70 : memref<3125x16xf32, #tpu.memory_space<hbm>>)
      tpu.yield
    }) : () -> ()
    return
  }
}

#map = affine_map<(d0, d1) -> (0, 0)>
#map1 = affine_map<(d0, d1) -> (0, 0, 0)>
module attributes {stable_mosaic.version = 14 : i64} {
  func.func @_edge_sc_body(%arg0: i32, %arg1: i32, %arg2: memref<100000x32xf32, #tpu.memory_space<hbm>>, %arg3: memref<2x6400x125xi32, #tpu.memory_space<hbm>>, %arg4: memref<6400x125xi32, #tpu.memory_space<hbm>>, %arg5: memref<50000x32xf32, #tpu.memory_space<hbm>>, %arg6: memref<2x50000x32xf32, #tpu.memory_space<hbm>>, %arg7: memref<50000x32xf32, #tpu.memory_space<vmem_shared>>, %arg8: memref<2x8x125xi32, #tpu.memory_space<vmem>>, %arg9: memref<2x8x125xi32, #tpu.memory_space<vmem>>, %arg10: memref<4x125x32xf32, #tpu.memory_space<vmem>>, %arg11: memref<!tpu.dma_semaphore, #tpu.memory_space<semaphore_mem>>, %arg12: memref<!tpu.dma_semaphore, #tpu.memory_space<semaphore_mem>>, %arg13: memref<!tpu.dma_semaphore, #tpu.memory_space<semaphore_mem>>) attributes {dimension_semantics = [#tpu.dimension_semantics<core_parallel>, #tpu.dimension_semantics<subcore_parallel>], iteration_bounds = array<i64: 2, 16>, scalar_prefetch = 0 : i64, scratch_operands = 7 : i64, tpu.core_type = #tpu.core_type<sc_vector_subcore>, window_params = [{transform_indices = #map}, {transform_indices = #map1}, {transform_indices = #map}, {transform_indices = #map}, {transform_indices = #map1}]} {
    %mul3A = arith.constant 3125 : i32
    %mul3A_0 = arith.muli %arg1, %mul3A : i32
    %mul3A_1 = arith.constant 3125 : i32
    %mul3A_2 = arith.muli %arg1, %mul3A_1 : i32
    "tpu.region"() ({
      %run_scoped3A = tpu.sem_alloc : memref<!tpu.dma_semaphore, #tpu.memory_space<semaphore_mem>>
      %dma_start3A_123 = arith.constant 0 : i32
      %dma_start3A_124 = tpu.memref_slice %arg7[%mul3A_2, %dma_start3A_123] : memref<50000x32xf32, #tpu.memory_space<vmem_shared>> -> memref<3125x32xf32, #tpu.memory_space<vmem_shared>>
      %dma_start3A_125 = arith.constant 0 : i32
      %dma_start3A_126 = tpu.memref_slice %arg5[%mul3A_0, %dma_start3A_125] : memref<50000x32xf32, #tpu.memory_space<hbm>> -> memref<3125x32xf32, #tpu.memory_space<hbm>>
      tpu.enqueue_dma source(%dma_start3A_126 : memref<3125x32xf32, #tpu.memory_space<hbm>>) target(%dma_start3A_124 : memref<3125x32xf32, #tpu.memory_space<vmem_shared>>) target_semaphore(%run_scoped3A : memref<!tpu.dma_semaphore, #tpu.memory_space<semaphore_mem>>)
      %dma_wait3A_127 = arith.constant 0 : i32
      %dma_wait3A_128 = tpu.memref_slice %arg7[%mul3A_2, %dma_wait3A_127] : memref<50000x32xf32, #tpu.memory_space<vmem_shared>> -> memref<3125x32xf32, #tpu.memory_space<vmem_shared>>
      %dma_wait3A_129 = arith.constant 0 : i32
      %dma_wait3A_130 = tpu.memref_slice %arg5[%mul3A_0, %dma_wait3A_129] : memref<50000x32xf32, #tpu.memory_space<hbm>> -> memref<3125x32xf32, #tpu.memory_space<hbm>>
      tpu.wait_dma2 semaphore(%run_scoped3A : memref<!tpu.dma_semaphore, #tpu.memory_space<semaphore_mem>>) src(%dma_wait3A_130 : memref<3125x32xf32, #tpu.memory_space<hbm>>) dst(%dma_wait3A_128 : memref<3125x32xf32, #tpu.memory_space<vmem_shared>>)
      tpu.yield
    }) : () -> ()
    %barrier3A = arith.constant 0 : index
    tpu.barrier barrier_id(%barrier3A)
    %mul3A_3 = arith.constant 400 : i32
    %mul3A_4 = arith.muli %arg1, %mul3A_3 : i32
    %add3A = arith.constant 0 : i32
    %add3A_5 = arith.addi %mul3A_4, %add3A : i32
    %dma_start3A = arith.constant 0 : i32
    %dma_start3A_6 = arith.constant 0 : i32
    %dma_start3A_7 = arith.constant 0 : i32
    %dma_start3A_8 = tpu.memref_slice %arg8[%dma_start3A, %dma_start3A_6, %dma_start3A_7] : memref<2x8x125xi32, #tpu.memory_space<vmem>> -> memref<1x8x125xi32, #tpu.memory_space<vmem>>
    %dma_start3A_9 = tpu.memref_squeeze %dma_start3A_8 : memref<1x8x125xi32, #tpu.memory_space<vmem>> -> memref<8x125xi32, #tpu.memory_space<vmem>>
    %dma_start3A_10 = arith.constant 0 : i32
    %dma_start3A_11 = tpu.memref_slice %arg3[%arg0, %add3A_5, %dma_start3A_10] : memref<2x6400x125xi32, #tpu.memory_space<hbm>> -> memref<1x8x125xi32, #tpu.memory_space<hbm>>
    %dma_start3A_12 = tpu.memref_squeeze %dma_start3A_11 : memref<1x8x125xi32, #tpu.memory_space<hbm>> -> memref<8x125xi32, #tpu.memory_space<hbm>>
    %dma_start3A_13 = arith.constant 0 : i32
    %dma_start3A_14 = arith.constant 0 : i32
    %dma_start3A_15 = tpu.memref_slice %arg8[%dma_start3A, %dma_start3A_13, %dma_start3A_14] : memref<2x8x125xi32, #tpu.memory_space<vmem>> -> memref<1x8x125xi32, #tpu.memory_space<vmem>>
    %dma_start3A_16 = tpu.memref_squeeze %dma_start3A_15 : memref<1x8x125xi32, #tpu.memory_space<vmem>> -> memref<8x125xi32, #tpu.memory_space<vmem>>
    %dma_start3A_17 = arith.constant 0 : i32
    %dma_start3A_18 = tpu.memref_slice %arg3[%arg0, %add3A_5, %dma_start3A_17] : memref<2x6400x125xi32, #tpu.memory_space<hbm>> -> memref<1x8x125xi32, #tpu.memory_space<hbm>>
    %dma_start3A_19 = tpu.memref_squeeze %dma_start3A_18 : memref<1x8x125xi32, #tpu.memory_space<hbm>> -> memref<8x125xi32, #tpu.memory_space<hbm>>
    tpu.enqueue_dma source(%dma_start3A_19 : memref<8x125xi32, #tpu.memory_space<hbm>>) target(%dma_start3A_16 : memref<8x125xi32, #tpu.memory_space<vmem>>) target_semaphore(%arg11 : memref<!tpu.dma_semaphore, #tpu.memory_space<semaphore_mem>>)
    %add3A_20 = arith.constant 0 : i32
    %add3A_21 = arith.addi %mul3A_4, %add3A_20 : i32
    %dma_start3A_22 = arith.constant 0 : i32
    %dma_start3A_23 = arith.constant 0 : i32
    %dma_start3A_24 = arith.constant 0 : i32
    %dma_start3A_25 = tpu.memref_slice %arg9[%dma_start3A_22, %dma_start3A_23, %dma_start3A_24] : memref<2x8x125xi32, #tpu.memory_space<vmem>> -> memref<1x8x125xi32, #tpu.memory_space<vmem>>
    %dma_start3A_26 = tpu.memref_squeeze %dma_start3A_25 : memref<1x8x125xi32, #tpu.memory_space<vmem>> -> memref<8x125xi32, #tpu.memory_space<vmem>>
    %dma_start3A_27 = arith.constant 0 : i32
    %dma_start3A_28 = tpu.memref_slice %arg4[%add3A_21, %dma_start3A_27] : memref<6400x125xi32, #tpu.memory_space<hbm>> -> memref<8x125xi32, #tpu.memory_space<hbm>>
    %dma_start3A_29 = arith.constant 0 : i32
    %dma_start3A_30 = arith.constant 0 : i32
    %dma_start3A_31 = tpu.memref_slice %arg9[%dma_start3A_22, %dma_start3A_29, %dma_start3A_30] : memref<2x8x125xi32, #tpu.memory_space<vmem>> -> memref<1x8x125xi32, #tpu.memory_space<vmem>>
    %dma_start3A_32 = tpu.memref_squeeze %dma_start3A_31 : memref<1x8x125xi32, #tpu.memory_space<vmem>> -> memref<8x125xi32, #tpu.memory_space<vmem>>
    %dma_start3A_33 = arith.constant 0 : i32
    %dma_start3A_34 = tpu.memref_slice %arg4[%add3A_21, %dma_start3A_33] : memref<6400x125xi32, #tpu.memory_space<hbm>> -> memref<8x125xi32, #tpu.memory_space<hbm>>
    tpu.enqueue_dma source(%dma_start3A_34 : memref<8x125xi32, #tpu.memory_space<hbm>>) target(%dma_start3A_32 : memref<8x125xi32, #tpu.memory_space<vmem>>) target_semaphore(%arg11 : memref<!tpu.dma_semaphore, #tpu.memory_space<semaphore_mem>>)
    %scan3A = arith.constant 0 : i32
    %scan3A_35 = arith.constant 0 : i32
    %scan3A_36 = arith.constant 50 : i32
    %scan3A_37 = arith.addi %scan3A_35, %scan3A_36 : i32
    %scan3A_38 = arith.constant 1 : i32
    %scan3A_39 = scf.for %scan3A_123 = %scan3A_35 to %scan3A_37 step %scan3A_38 iter_args(%scan3A_124 = %scan3A) -> (i32)  : i32 {
      %jit3A = arith.constant 2 : i32
      %eq3A = arith.constant 0 : i32
      %eq3A_125 = arith.cmpi eq, %jit3A, %eq3A : i32
      %jit3A_126 = arith.constant 1 : i32
      %select_n3A = arith.select %eq3A_125, %jit3A_126, %jit3A : i32
      %rem3A = arith.remsi %scan3A_123, %select_n3A : i32
      %ne3A = arith.constant 0 : i32
      %ne3A_127 = arith.cmpi ne, %rem3A, %ne3A : i32
      %lt3A = arith.constant 0 : i32
      %lt3A_128 = arith.cmpi slt, %rem3A, %lt3A : i32
      %lt3A_129 = arith.constant 0 : i32
      %lt3A_130 = arith.cmpi slt, %select_n3A, %lt3A_129 : i32
      %ne3A_131 = arith.xori %lt3A_128, %lt3A_130 : i1
      %and3A = arith.andi %ne3A_131, %ne3A_127 : i1
      %add3A_132 = arith.addi %rem3A, %select_n3A : i32
      %select_n3A_133 = arith.select %and3A, %add3A_132, %rem3A : i32
      %dma_wait3A_134 = arith.constant 0 : i32
      %dma_wait3A_135 = arith.constant 0 : i32
      %dma_wait3A_136 = tpu.memref_slice %arg8[%select_n3A_133, %dma_wait3A_134, %dma_wait3A_135] : memref<2x8x125xi32, #tpu.memory_space<vmem>> -> memref<1x8x125xi32, #tpu.memory_space<vmem>>
      %dma_wait3A_137 = tpu.memref_squeeze %dma_wait3A_136 : memref<1x8x125xi32, #tpu.memory_space<vmem>> -> memref<8x125xi32, #tpu.memory_space<vmem>>
      %dma_wait3A_138 = arith.constant 0 : i32
      %dma_wait3A_139 = tpu.memref_slice %arg4[%mul3A_4, %dma_wait3A_138] : memref<6400x125xi32, #tpu.memory_space<hbm>> -> memref<8x125xi32, #tpu.memory_space<hbm>>
      %dma_wait3A_140 = arith.constant 0 : i32
      %dma_wait3A_141 = arith.constant 0 : i32
      %dma_wait3A_142 = tpu.memref_slice %arg8[%select_n3A_133, %dma_wait3A_140, %dma_wait3A_141] : memref<2x8x125xi32, #tpu.memory_space<vmem>> -> memref<1x8x125xi32, #tpu.memory_space<vmem>>
      %dma_wait3A_143 = tpu.memref_squeeze %dma_wait3A_142 : memref<1x8x125xi32, #tpu.memory_space<vmem>> -> memref<8x125xi32, #tpu.memory_space<vmem>>
      %dma_wait3A_144 = arith.constant 0 : i32
      %dma_wait3A_145 = tpu.memref_slice %arg4[%mul3A_4, %dma_wait3A_144] : memref<6400x125xi32, #tpu.memory_space<hbm>> -> memref<8x125xi32, #tpu.memory_space<hbm>>
      tpu.wait_dma2 semaphore(%arg11 : memref<!tpu.dma_semaphore, #tpu.memory_space<semaphore_mem>>) src(%dma_wait3A_145 : memref<8x125xi32, #tpu.memory_space<hbm>>) dst(%dma_wait3A_143 : memref<8x125xi32, #tpu.memory_space<vmem>>)
      %dma_wait3A_146 = arith.constant 0 : i32
      %dma_wait3A_147 = arith.constant 0 : i32
      %dma_wait3A_148 = tpu.memref_slice %arg9[%select_n3A_133, %dma_wait3A_146, %dma_wait3A_147] : memref<2x8x125xi32, #tpu.memory_space<vmem>> -> memref<1x8x125xi32, #tpu.memory_space<vmem>>
      %dma_wait3A_149 = tpu.memref_squeeze %dma_wait3A_148 : memref<1x8x125xi32, #tpu.memory_space<vmem>> -> memref<8x125xi32, #tpu.memory_space<vmem>>
      %dma_wait3A_150 = arith.constant 0 : i32
      %dma_wait3A_151 = tpu.memref_slice %arg4[%mul3A_4, %dma_wait3A_150] : memref<6400x125xi32, #tpu.memory_space<hbm>> -> memref<8x125xi32, #tpu.memory_space<hbm>>
      %dma_wait3A_152 = arith.constant 0 : i32
      %dma_wait3A_153 = arith.constant 0 : i32
      %dma_wait3A_154 = tpu.memref_slice %arg9[%select_n3A_133, %dma_wait3A_152, %dma_wait3A_153] : memref<2x8x125xi32, #tpu.memory_space<vmem>> -> memref<1x8x125xi32, #tpu.memory_space<vmem>>
      %dma_wait3A_155 = tpu.memref_squeeze %dma_wait3A_154 : memref<1x8x125xi32, #tpu.memory_space<vmem>> -> memref<8x125xi32, #tpu.memory_space<vmem>>
      %dma_wait3A_156 = arith.constant 0 : i32
      %dma_wait3A_157 = tpu.memref_slice %arg4[%mul3A_4, %dma_wait3A_156] : memref<6400x125xi32, #tpu.memory_space<hbm>> -> memref<8x125xi32, #tpu.memory_space<hbm>>
      tpu.wait_dma2 semaphore(%arg11 : memref<!tpu.dma_semaphore, #tpu.memory_space<semaphore_mem>>) src(%dma_wait3A_157 : memref<8x125xi32, #tpu.memory_space<hbm>>) dst(%dma_wait3A_155 : memref<8x125xi32, #tpu.memory_space<vmem>>)
      %ge3A = arith.constant 1 : i32
      %ge3A_158 = arith.cmpi sge, %scan3A_123, %ge3A : i32
      %convert_element_type3A = arith.extui %ge3A_158 : i1 to i32
      %cond3A = arith.constant 0 : i32
      %cond3A_159 = arith.cmpi ne, %convert_element_type3A, %cond3A : i32
      scf.if %cond3A_159 {
        %sub3A = arith.constant 1 : i32
        %sub3A_500 = arith.subi %sub3A, %select_n3A_133 : i32
        %dma_wait3A_501 = arith.constant 0 : i32
        %dma_wait3A_502 = arith.constant 4 : i32
        %dma_wait3A_503 = arith.constant 0 : i32
        %dma_wait3A_504 = arith.constant 0 : i32
        %dma_wait3A_505 = tpu.memref_slice %arg10[%dma_wait3A_501, %dma_wait3A_503, %dma_wait3A_504] : memref<4x125x32xf32, #tpu.memory_space<vmem>> -> memref<1x125x32xf32, #tpu.memory_space<vmem>>
        %dma_wait3A_506 = tpu.memref_squeeze %dma_wait3A_505 : memref<1x125x32xf32, #tpu.memory_space<vmem>> -> memref<125x32xf32, #tpu.memory_space<vmem>>
        %dma_wait3A_507 = arith.constant 0 : i32
        %dma_wait3A_508 = tpu.memref_slice %arg9[%sub3A_500, %dma_wait3A_502, %dma_wait3A_507] : memref<2x8x125xi32, #tpu.memory_space<vmem>> -> memref<1x1x125xi32, #tpu.memory_space<vmem>>
        %dma_wait3A_509 = tpu.memref_squeeze %dma_wait3A_508 : memref<1x1x125xi32, #tpu.memory_space<vmem>> -> memref<125xi32, #tpu.memory_space<vmem>>
        %dma_wait3A_510 = arith.constant 0 : i32
        %dma_wait3A_511 = arith.constant 0 : i32
        %dma_wait3A_512 = tpu.memref_slice %arg7[%dma_wait3A_510, %dma_wait3A_511] : memref<50000x32xf32, #tpu.memory_space<vmem_shared>> -> memref<50000x32xf32, #tpu.memory_space<vmem_shared>>
        tpu.wait_indirect_dma semaphore(%arg13 : memref<!tpu.dma_semaphore, #tpu.memory_space<semaphore_mem>>) src(%dma_wait3A_506 : memref<125x32xf32, #tpu.memory_space<vmem>>) dst(%dma_wait3A_512 : memref<50000x32xf32, #tpu.memory_space<vmem_shared>>)
      } else {
      }
      %dma_start3A_160 = arith.constant 0 : i32
      %dma_start3A_161 = arith.constant 0 : i32
      %dma_start3A_162 = arith.constant 0 : i32
      %dma_start3A_163 = arith.constant 0 : i32
      %dma_start3A_164 = tpu.memref_slice %arg10[%dma_start3A_161, %dma_start3A_162, %dma_start3A_163] : memref<4x125x32xf32, #tpu.memory_space<vmem>> -> memref<1x125x32xf32, #tpu.memory_space<vmem>>
      %dma_start3A_165 = tpu.memref_squeeze %dma_start3A_164 : memref<1x125x32xf32, #tpu.memory_space<vmem>> -> memref<125x32xf32, #tpu.memory_space<vmem>>
      %dma_start3A_166 = arith.constant 0 : i32
      %dma_start3A_167 = tpu.memref_slice %arg8[%select_n3A_133, %dma_start3A_160, %dma_start3A_166] : memref<2x8x125xi32, #tpu.memory_space<vmem>> -> memref<1x1x125xi32, #tpu.memory_space<vmem>>
      %dma_start3A_168 = tpu.memref_squeeze %dma_start3A_167 : memref<1x1x125xi32, #tpu.memory_space<vmem>> -> memref<125xi32, #tpu.memory_space<vmem>>
      %dma_start3A_169 = arith.constant 0 : i32
      %dma_start3A_170 = arith.constant 0 : i32
      %dma_start3A_171 = tpu.memref_slice %arg2[%dma_start3A_169, %dma_start3A_170] : memref<100000x32xf32, #tpu.memory_space<hbm>> -> memref<100000x32xf32, #tpu.memory_space<hbm>>
      tpu.enqueue_indirect_dma source(%dma_start3A_171 : memref<100000x32xf32, #tpu.memory_space<hbm>>) target(%dma_start3A_165 : memref<125x32xf32, #tpu.memory_space<vmem>>) offsets(%dma_start3A_168 : memref<125xi32, #tpu.memory_space<vmem>>) semaphore(%arg12 : memref<!tpu.dma_semaphore, #tpu.memory_space<semaphore_mem>>)
      %ge3A_172 = arith.constant 1 : i32
      %ge3A_173 = arith.cmpi sge, %scan3A_123, %ge3A_172 : i32
      %convert_element_type3A_174 = arith.extui %ge3A_173 : i1 to i32
      %cond3A_175 = arith.constant 0 : i32
      %cond3A_176 = arith.cmpi ne, %convert_element_type3A_174, %cond3A_175 : i32
      scf.if %cond3A_176 {
        %sub3A = arith.constant 1 : i32
        %sub3A_500 = arith.subi %sub3A, %select_n3A_133 : i32
        %dma_wait3A_501 = arith.constant 7 : i32
        %dma_wait3A_502 = arith.constant 3 : i32
        %dma_wait3A_503 = arith.constant 0 : i32
        %dma_wait3A_504 = arith.constant 0 : i32
        %dma_wait3A_505 = tpu.memref_slice %arg10[%dma_wait3A_502, %dma_wait3A_503, %dma_wait3A_504] : memref<4x125x32xf32, #tpu.memory_space<vmem>> -> memref<1x125x32xf32, #tpu.memory_space<vmem>>
        %dma_wait3A_506 = tpu.memref_squeeze %dma_wait3A_505 : memref<1x125x32xf32, #tpu.memory_space<vmem>> -> memref<125x32xf32, #tpu.memory_space<vmem>>
        %dma_wait3A_507 = arith.constant 0 : i32
        %dma_wait3A_508 = tpu.memref_slice %arg8[%sub3A_500, %dma_wait3A_501, %dma_wait3A_507] : memref<2x8x125xi32, #tpu.memory_space<vmem>> -> memref<1x1x125xi32, #tpu.memory_space<vmem>>
        %dma_wait3A_509 = tpu.memref_squeeze %dma_wait3A_508 : memref<1x1x125xi32, #tpu.memory_space<vmem>> -> memref<125xi32, #tpu.memory_space<vmem>>
        %dma_wait3A_510 = arith.constant 0 : i32
        %dma_wait3A_511 = arith.constant 0 : i32
        %dma_wait3A_512 = tpu.memref_slice %arg2[%dma_wait3A_510, %dma_wait3A_511] : memref<100000x32xf32, #tpu.memory_space<hbm>> -> memref<100000x32xf32, #tpu.memory_space<hbm>>
        tpu.wait_indirect_dma semaphore(%arg12 : memref<!tpu.dma_semaphore, #tpu.memory_space<semaphore_mem>>) src(%dma_wait3A_512 : memref<100000x32xf32, #tpu.memory_space<hbm>>) dst(%dma_wait3A_506 : memref<125x32xf32, #tpu.memory_space<vmem>>)
        %sub3A_513 = arith.constant 1 : i32
        %sub3A_514 = arith.subi %sub3A_513, %select_n3A_133 : i32
        %dma_start3A_515 = arith.constant 3 : i32
        %dma_start3A_516 = arith.constant 7 : i32
        %dma_start3A_517 = arith.constant 0 : i32
        %dma_start3A_518 = arith.constant 0 : i32
        %dma_start3A_519 = tpu.memref_slice %arg10[%dma_start3A_515, %dma_start3A_517, %dma_start3A_518] : memref<4x125x32xf32, #tpu.memory_space<vmem>> -> memref<1x125x32xf32, #tpu.memory_space<vmem>>
        %dma_start3A_520 = tpu.memref_squeeze %dma_start3A_519 : memref<1x125x32xf32, #tpu.memory_space<vmem>> -> memref<125x32xf32, #tpu.memory_space<vmem>>
        %dma_start3A_521 = arith.constant 0 : i32
        %dma_start3A_522 = tpu.memref_slice %arg9[%sub3A_514, %dma_start3A_516, %dma_start3A_521] : memref<2x8x125xi32, #tpu.memory_space<vmem>> -> memref<1x1x125xi32, #tpu.memory_space<vmem>>
        %dma_start3A_523 = tpu.memref_squeeze %dma_start3A_522 : memref<1x1x125xi32, #tpu.memory_space<vmem>> -> memref<125xi32, #tpu.memory_space<vmem>>
        %dma_start3A_524 = arith.constant 0 : i32
        %dma_start3A_525 = arith.constant 0 : i32
        %dma_start3A_526 = tpu.memref_slice %arg7[%dma_start3A_524, %dma_start3A_525] : memref<50000x32xf32, #tpu.memory_space<vmem_shared>> -> memref<50000x32xf32, #tpu.memory_space<vmem_shared>>
        tpu.enqueue_indirect_dma source(%dma_start3A_520 : memref<125x32xf32, #tpu.memory_space<vmem>>) target(%dma_start3A_526 : memref<50000x32xf32, #tpu.memory_space<vmem_shared>>) offsets(%dma_start3A_523 : memref<125xi32, #tpu.memory_space<vmem>>) semaphore(%arg13 : memref<!tpu.dma_semaphore, #tpu.memory_space<semaphore_mem>>) {add = true}
      } else {
      }
      %ge3A_177 = arith.constant 1 : i32
      %ge3A_178 = arith.cmpi sge, %scan3A_123, %ge3A_177 : i32
      %convert_element_type3A_179 = arith.extui %ge3A_178 : i1 to i32
      %cond3A_180 = arith.constant 0 : i32
      %cond3A_181 = arith.cmpi ne, %convert_element_type3A_179, %cond3A_180 : i32
      scf.if %cond3A_181 {
        %sub3A = arith.constant 1 : i32
        %sub3A_500 = arith.subi %sub3A, %select_n3A_133 : i32
        %dma_wait3A_501 = arith.constant 1 : i32
        %dma_wait3A_502 = arith.constant 5 : i32
        %dma_wait3A_503 = arith.constant 0 : i32
        %dma_wait3A_504 = arith.constant 0 : i32
        %dma_wait3A_505 = tpu.memref_slice %arg10[%dma_wait3A_501, %dma_wait3A_503, %dma_wait3A_504] : memref<4x125x32xf32, #tpu.memory_space<vmem>> -> memref<1x125x32xf32, #tpu.memory_space<vmem>>
        %dma_wait3A_506 = tpu.memref_squeeze %dma_wait3A_505 : memref<1x125x32xf32, #tpu.memory_space<vmem>> -> memref<125x32xf32, #tpu.memory_space<vmem>>
        %dma_wait3A_507 = arith.constant 0 : i32
        %dma_wait3A_508 = tpu.memref_slice %arg9[%sub3A_500, %dma_wait3A_502, %dma_wait3A_507] : memref<2x8x125xi32, #tpu.memory_space<vmem>> -> memref<1x1x125xi32, #tpu.memory_space<vmem>>
        %dma_wait3A_509 = tpu.memref_squeeze %dma_wait3A_508 : memref<1x1x125xi32, #tpu.memory_space<vmem>> -> memref<125xi32, #tpu.memory_space<vmem>>
        %dma_wait3A_510 = arith.constant 0 : i32
        %dma_wait3A_511 = arith.constant 0 : i32
        %dma_wait3A_512 = tpu.memref_slice %arg7[%dma_wait3A_510, %dma_wait3A_511] : memref<50000x32xf32, #tpu.memory_space<vmem_shared>> -> memref<50000x32xf32, #tpu.memory_space<vmem_shared>>
        tpu.wait_indirect_dma semaphore(%arg13 : memref<!tpu.dma_semaphore, #tpu.memory_space<semaphore_mem>>) src(%dma_wait3A_506 : memref<125x32xf32, #tpu.memory_space<vmem>>) dst(%dma_wait3A_512 : memref<50000x32xf32, #tpu.memory_space<vmem_shared>>)
      } else {
      }
      %dma_start3A_182 = arith.constant 1 : i32
      %dma_start3A_183 = arith.constant 1 : i32
      %dma_start3A_184 = arith.constant 0 : i32
      %dma_start3A_185 = arith.constant 0 : i32
      %dma_start3A_186 = tpu.memref_slice %arg10[%dma_start3A_183, %dma_start3A_184, %dma_start3A_185] : memref<4x125x32xf32, #tpu.memory_space<vmem>> -> memref<1x125x32xf32, #tpu.memory_space<vmem>>
      %dma_start3A_187 = tpu.memref_squeeze %dma_start3A_186 : memref<1x125x32xf32, #tpu.memory_space<vmem>> -> memref<125x32xf32, #tpu.memory_space<vmem>>
      %dma_start3A_188 = arith.constant 0 : i32
      %dma_start3A_189 = tpu.memref_slice %arg8[%select_n3A_133, %dma_start3A_182, %dma_start3A_188] : memref<2x8x125xi32, #tpu.memory_space<vmem>> -> memref<1x1x125xi32, #tpu.memory_space<vmem>>
      %dma_start3A_190 = tpu.memref_squeeze %dma_start3A_189 : memref<1x1x125xi32, #tpu.memory_space<vmem>> -> memref<125xi32, #tpu.memory_space<vmem>>
      %dma_start3A_191 = arith.constant 0 : i32
      %dma_start3A_192 = arith.constant 0 : i32
      %dma_start3A_193 = tpu.memref_slice %arg2[%dma_start3A_191, %dma_start3A_192] : memref<100000x32xf32, #tpu.memory_space<hbm>> -> memref<100000x32xf32, #tpu.memory_space<hbm>>
      tpu.enqueue_indirect_dma source(%dma_start3A_193 : memref<100000x32xf32, #tpu.memory_space<hbm>>) target(%dma_start3A_187 : memref<125x32xf32, #tpu.memory_space<vmem>>) offsets(%dma_start3A_190 : memref<125xi32, #tpu.memory_space<vmem>>) semaphore(%arg12 : memref<!tpu.dma_semaphore, #tpu.memory_space<semaphore_mem>>)
      %dma_wait3A_194 = arith.constant 0 : i32
      %dma_wait3A_195 = arith.constant 0 : i32
      %dma_wait3A_196 = arith.constant 0 : i32
      %dma_wait3A_197 = arith.constant 0 : i32
      %dma_wait3A_198 = tpu.memref_slice %arg10[%dma_wait3A_195, %dma_wait3A_196, %dma_wait3A_197] : memref<4x125x32xf32, #tpu.memory_space<vmem>> -> memref<1x125x32xf32, #tpu.memory_space<vmem>>
      %dma_wait3A_199 = tpu.memref_squeeze %dma_wait3A_198 : memref<1x125x32xf32, #tpu.memory_space<vmem>> -> memref<125x32xf32, #tpu.memory_space<vmem>>
      %dma_wait3A_200 = arith.constant 0 : i32
      %dma_wait3A_201 = tpu.memref_slice %arg8[%select_n3A_133, %dma_wait3A_194, %dma_wait3A_200] : memref<2x8x125xi32, #tpu.memory_space<vmem>> -> memref<1x1x125xi32, #tpu.memory_space<vmem>>
      %dma_wait3A_202 = tpu.memref_squeeze %dma_wait3A_201 : memref<1x1x125xi32, #tpu.memory_space<vmem>> -> memref<125xi32, #tpu.memory_space<vmem>>
      %dma_wait3A_203 = arith.constant 0 : i32
      %dma_wait3A_204 = arith.constant 0 : i32
      %dma_wait3A_205 = tpu.memref_slice %arg2[%dma_wait3A_203, %dma_wait3A_204] : memref<100000x32xf32, #tpu.memory_space<hbm>> -> memref<100000x32xf32, #tpu.memory_space<hbm>>
      tpu.wait_indirect_dma semaphore(%arg12 : memref<!tpu.dma_semaphore, #tpu.memory_space<semaphore_mem>>) src(%dma_wait3A_205 : memref<100000x32xf32, #tpu.memory_space<hbm>>) dst(%dma_wait3A_199 : memref<125x32xf32, #tpu.memory_space<vmem>>)
      %dma_start3A_206 = arith.constant 0 : i32
      %dma_start3A_207 = arith.constant 0 : i32
      %dma_start3A_208 = arith.constant 0 : i32
      %dma_start3A_209 = arith.constant 0 : i32
      %dma_start3A_210 = tpu.memref_slice %arg10[%dma_start3A_206, %dma_start3A_208, %dma_start3A_209] : memref<4x125x32xf32, #tpu.memory_space<vmem>> -> memref<1x125x32xf32, #tpu.memory_space<vmem>>
      %dma_start3A_211 = tpu.memref_squeeze %dma_start3A_210 : memref<1x125x32xf32, #tpu.memory_space<vmem>> -> memref<125x32xf32, #tpu.memory_space<vmem>>
      %dma_start3A_212 = arith.constant 0 : i32
      %dma_start3A_213 = tpu.memref_slice %arg9[%select_n3A_133, %dma_start3A_207, %dma_start3A_212] : memref<2x8x125xi32, #tpu.memory_space<vmem>> -> memref<1x1x125xi32, #tpu.memory_space<vmem>>
      %dma_start3A_214 = tpu.memref_squeeze %dma_start3A_213 : memref<1x1x125xi32, #tpu.memory_space<vmem>> -> memref<125xi32, #tpu.memory_space<vmem>>
      %dma_start3A_215 = arith.constant 0 : i32
      %dma_start3A_216 = arith.constant 0 : i32
      %dma_start3A_217 = tpu.memref_slice %arg7[%dma_start3A_215, %dma_start3A_216] : memref<50000x32xf32, #tpu.memory_space<vmem_shared>> -> memref<50000x32xf32, #tpu.memory_space<vmem_shared>>
      tpu.enqueue_indirect_dma source(%dma_start3A_211 : memref<125x32xf32, #tpu.memory_space<vmem>>) target(%dma_start3A_217 : memref<50000x32xf32, #tpu.memory_space<vmem_shared>>) offsets(%dma_start3A_214 : memref<125xi32, #tpu.memory_space<vmem>>) semaphore(%arg13 : memref<!tpu.dma_semaphore, #tpu.memory_space<semaphore_mem>>) {add = true}
      %ge3A_218 = arith.constant 1 : i32
      %ge3A_219 = arith.cmpi sge, %scan3A_123, %ge3A_218 : i32
      %convert_element_type3A_220 = arith.extui %ge3A_219 : i1 to i32
      %cond3A_221 = arith.constant 0 : i32
      %cond3A_222 = arith.cmpi ne, %convert_element_type3A_220, %cond3A_221 : i32
      scf.if %cond3A_222 {
        %sub3A = arith.constant 1 : i32
        %sub3A_500 = arith.subi %sub3A, %select_n3A_133 : i32
        %dma_wait3A_501 = arith.constant 2 : i32
        %dma_wait3A_502 = arith.constant 6 : i32
        %dma_wait3A_503 = arith.constant 0 : i32
        %dma_wait3A_504 = arith.constant 0 : i32
        %dma_wait3A_505 = tpu.memref_slice %arg10[%dma_wait3A_501, %dma_wait3A_503, %dma_wait3A_504] : memref<4x125x32xf32, #tpu.memory_space<vmem>> -> memref<1x125x32xf32, #tpu.memory_space<vmem>>
        %dma_wait3A_506 = tpu.memref_squeeze %dma_wait3A_505 : memref<1x125x32xf32, #tpu.memory_space<vmem>> -> memref<125x32xf32, #tpu.memory_space<vmem>>
        %dma_wait3A_507 = arith.constant 0 : i32
        %dma_wait3A_508 = tpu.memref_slice %arg9[%sub3A_500, %dma_wait3A_502, %dma_wait3A_507] : memref<2x8x125xi32, #tpu.memory_space<vmem>> -> memref<1x1x125xi32, #tpu.memory_space<vmem>>
        %dma_wait3A_509 = tpu.memref_squeeze %dma_wait3A_508 : memref<1x1x125xi32, #tpu.memory_space<vmem>> -> memref<125xi32, #tpu.memory_space<vmem>>
        %dma_wait3A_510 = arith.constant 0 : i32
        %dma_wait3A_511 = arith.constant 0 : i32
        %dma_wait3A_512 = tpu.memref_slice %arg7[%dma_wait3A_510, %dma_wait3A_511] : memref<50000x32xf32, #tpu.memory_space<vmem_shared>> -> memref<50000x32xf32, #tpu.memory_space<vmem_shared>>
        tpu.wait_indirect_dma semaphore(%arg13 : memref<!tpu.dma_semaphore, #tpu.memory_space<semaphore_mem>>) src(%dma_wait3A_506 : memref<125x32xf32, #tpu.memory_space<vmem>>) dst(%dma_wait3A_512 : memref<50000x32xf32, #tpu.memory_space<vmem_shared>>)
      } else {
      }
      %dma_start3A_223 = arith.constant 2 : i32
      %dma_start3A_224 = arith.constant 2 : i32
      %dma_start3A_225 = arith.constant 0 : i32
      %dma_start3A_226 = arith.constant 0 : i32
      %dma_start3A_227 = tpu.memref_slice %arg10[%dma_start3A_224, %dma_start3A_225, %dma_start3A_226] : memref<4x125x32xf32, #tpu.memory_space<vmem>> -> memref<1x125x32xf32, #tpu.memory_space<vmem>>
      %dma_start3A_228 = tpu.memref_squeeze %dma_start3A_227 : memref<1x125x32xf32, #tpu.memory_space<vmem>> -> memref<125x32xf32, #tpu.memory_space<vmem>>
      %dma_start3A_229 = arith.constant 0 : i32
      %dma_start3A_230 = tpu.memref_slice %arg8[%select_n3A_133, %dma_start3A_223, %dma_start3A_229] : memref<2x8x125xi32, #tpu.memory_space<vmem>> -> memref<1x1x125xi32, #tpu.memory_space<vmem>>
      %dma_start3A_231 = tpu.memref_squeeze %dma_start3A_230 : memref<1x1x125xi32, #tpu.memory_space<vmem>> -> memref<125xi32, #tpu.memory_space<vmem>>
      %dma_start3A_232 = arith.constant 0 : i32
      %dma_start3A_233 = arith.constant 0 : i32
      %dma_start3A_234 = tpu.memref_slice %arg2[%dma_start3A_232, %dma_start3A_233] : memref<100000x32xf32, #tpu.memory_space<hbm>> -> memref<100000x32xf32, #tpu.memory_space<hbm>>
      tpu.enqueue_indirect_dma source(%dma_start3A_234 : memref<100000x32xf32, #tpu.memory_space<hbm>>) target(%dma_start3A_228 : memref<125x32xf32, #tpu.memory_space<vmem>>) offsets(%dma_start3A_231 : memref<125xi32, #tpu.memory_space<vmem>>) semaphore(%arg12 : memref<!tpu.dma_semaphore, #tpu.memory_space<semaphore_mem>>)
      %dma_wait3A_235 = arith.constant 1 : i32
      %dma_wait3A_236 = arith.constant 1 : i32
      %dma_wait3A_237 = arith.constant 0 : i32
      %dma_wait3A_238 = arith.constant 0 : i32
      %dma_wait3A_239 = tpu.memref_slice %arg10[%dma_wait3A_236, %dma_wait3A_237, %dma_wait3A_238] : memref<4x125x32xf32, #tpu.memory_space<vmem>> -> memref<1x125x32xf32, #tpu.memory_space<vmem>>
      %dma_wait3A_240 = tpu.memref_squeeze %dma_wait3A_239 : memref<1x125x32xf32, #tpu.memory_space<vmem>> -> memref<125x32xf32, #tpu.memory_space<vmem>>
      %dma_wait3A_241 = arith.constant 0 : i32
      %dma_wait3A_242 = tpu.memref_slice %arg8[%select_n3A_133, %dma_wait3A_235, %dma_wait3A_241] : memref<2x8x125xi32, #tpu.memory_space<vmem>> -> memref<1x1x125xi32, #tpu.memory_space<vmem>>
      %dma_wait3A_243 = tpu.memref_squeeze %dma_wait3A_242 : memref<1x1x125xi32, #tpu.memory_space<vmem>> -> memref<125xi32, #tpu.memory_space<vmem>>
      %dma_wait3A_244 = arith.constant 0 : i32
      %dma_wait3A_245 = arith.constant 0 : i32
      %dma_wait3A_246 = tpu.memref_slice %arg2[%dma_wait3A_244, %dma_wait3A_245] : memref<100000x32xf32, #tpu.memory_space<hbm>> -> memref<100000x32xf32, #tpu.memory_space<hbm>>
      tpu.wait_indirect_dma semaphore(%arg12 : memref<!tpu.dma_semaphore, #tpu.memory_space<semaphore_mem>>) src(%dma_wait3A_246 : memref<100000x32xf32, #tpu.memory_space<hbm>>) dst(%dma_wait3A_240 : memref<125x32xf32, #tpu.memory_space<vmem>>)
      %dma_start3A_247 = arith.constant 1 : i32
      %dma_start3A_248 = arith.constant 1 : i32
      %dma_start3A_249 = arith.constant 0 : i32
      %dma_start3A_250 = arith.constant 0 : i32
      %dma_start3A_251 = tpu.memref_slice %arg10[%dma_start3A_247, %dma_start3A_249, %dma_start3A_250] : memref<4x125x32xf32, #tpu.memory_space<vmem>> -> memref<1x125x32xf32, #tpu.memory_space<vmem>>
      %dma_start3A_252 = tpu.memref_squeeze %dma_start3A_251 : memref<1x125x32xf32, #tpu.memory_space<vmem>> -> memref<125x32xf32, #tpu.memory_space<vmem>>
      %dma_start3A_253 = arith.constant 0 : i32
      %dma_start3A_254 = tpu.memref_slice %arg9[%select_n3A_133, %dma_start3A_248, %dma_start3A_253] : memref<2x8x125xi32, #tpu.memory_space<vmem>> -> memref<1x1x125xi32, #tpu.memory_space<vmem>>
      %dma_start3A_255 = tpu.memref_squeeze %dma_start3A_254 : memref<1x1x125xi32, #tpu.memory_space<vmem>> -> memref<125xi32, #tpu.memory_space<vmem>>
      %dma_start3A_256 = arith.constant 0 : i32
      %dma_start3A_257 = arith.constant 0 : i32
      %dma_start3A_258 = tpu.memref_slice %arg7[%dma_start3A_256, %dma_start3A_257] : memref<50000x32xf32, #tpu.memory_space<vmem_shared>> -> memref<50000x32xf32, #tpu.memory_space<vmem_shared>>
      tpu.enqueue_indirect_dma source(%dma_start3A_252 : memref<125x32xf32, #tpu.memory_space<vmem>>) target(%dma_start3A_258 : memref<50000x32xf32, #tpu.memory_space<vmem_shared>>) offsets(%dma_start3A_255 : memref<125xi32, #tpu.memory_space<vmem>>) semaphore(%arg13 : memref<!tpu.dma_semaphore, #tpu.memory_space<semaphore_mem>>) {add = true}
      %ge3A_259 = arith.constant 1 : i32
      %ge3A_260 = arith.cmpi sge, %scan3A_123, %ge3A_259 : i32
      %convert_element_type3A_261 = arith.extui %ge3A_260 : i1 to i32
      %cond3A_262 = arith.constant 0 : i32
      %cond3A_263 = arith.cmpi ne, %convert_element_type3A_261, %cond3A_262 : i32
      scf.if %cond3A_263 {
        %sub3A = arith.constant 1 : i32
        %sub3A_500 = arith.subi %sub3A, %select_n3A_133 : i32
        %dma_wait3A_501 = arith.constant 3 : i32
        %dma_wait3A_502 = arith.constant 7 : i32
        %dma_wait3A_503 = arith.constant 0 : i32
        %dma_wait3A_504 = arith.constant 0 : i32
        %dma_wait3A_505 = tpu.memref_slice %arg10[%dma_wait3A_501, %dma_wait3A_503, %dma_wait3A_504] : memref<4x125x32xf32, #tpu.memory_space<vmem>> -> memref<1x125x32xf32, #tpu.memory_space<vmem>>
        %dma_wait3A_506 = tpu.memref_squeeze %dma_wait3A_505 : memref<1x125x32xf32, #tpu.memory_space<vmem>> -> memref<125x32xf32, #tpu.memory_space<vmem>>
        %dma_wait3A_507 = arith.constant 0 : i32
        %dma_wait3A_508 = tpu.memref_slice %arg9[%sub3A_500, %dma_wait3A_502, %dma_wait3A_507] : memref<2x8x125xi32, #tpu.memory_space<vmem>> -> memref<1x1x125xi32, #tpu.memory_space<vmem>>
        %dma_wait3A_509 = tpu.memref_squeeze %dma_wait3A_508 : memref<1x1x125xi32, #tpu.memory_space<vmem>> -> memref<125xi32, #tpu.memory_space<vmem>>
        %dma_wait3A_510 = arith.constant 0 : i32
        %dma_wait3A_511 = arith.constant 0 : i32
        %dma_wait3A_512 = tpu.memref_slice %arg7[%dma_wait3A_510, %dma_wait3A_511] : memref<50000x32xf32, #tpu.memory_space<vmem_shared>> -> memref<50000x32xf32, #tpu.memory_space<vmem_shared>>
        tpu.wait_indirect_dma semaphore(%arg13 : memref<!tpu.dma_semaphore, #tpu.memory_space<semaphore_mem>>) src(%dma_wait3A_506 : memref<125x32xf32, #tpu.memory_space<vmem>>) dst(%dma_wait3A_512 : memref<50000x32xf32, #tpu.memory_space<vmem_shared>>)
      } else {
      }
      %dma_start3A_264 = arith.constant 3 : i32
      %dma_start3A_265 = arith.constant 3 : i32
      %dma_start3A_266 = arith.constant 0 : i32
      %dma_start3A_267 = arith.constant 0 : i32
      %dma_start3A_268 = tpu.memref_slice %arg10[%dma_start3A_265, %dma_start3A_266, %dma_start3A_267] : memref<4x125x32xf32, #tpu.memory_space<vmem>> -> memref<1x125x32xf32, #tpu.memory_space<vmem>>
      %dma_start3A_269 = tpu.memref_squeeze %dma_start3A_268 : memref<1x125x32xf32, #tpu.memory_space<vmem>> -> memref<125x32xf32, #tpu.memory_space<vmem>>
      %dma_start3A_270 = arith.constant 0 : i32
      %dma_start3A_271 = tpu.memref_slice %arg8[%select_n3A_133, %dma_start3A_264, %dma_start3A_270] : memref<2x8x125xi32, #tpu.memory_space<vmem>> -> memref<1x1x125xi32, #tpu.memory_space<vmem>>
      %dma_start3A_272 = tpu.memref_squeeze %dma_start3A_271 : memref<1x1x125xi32, #tpu.memory_space<vmem>> -> memref<125xi32, #tpu.memory_space<vmem>>
      %dma_start3A_273 = arith.constant 0 : i32
      %dma_start3A_274 = arith.constant 0 : i32
      %dma_start3A_275 = tpu.memref_slice %arg2[%dma_start3A_273, %dma_start3A_274] : memref<100000x32xf32, #tpu.memory_space<hbm>> -> memref<100000x32xf32, #tpu.memory_space<hbm>>
      tpu.enqueue_indirect_dma source(%dma_start3A_275 : memref<100000x32xf32, #tpu.memory_space<hbm>>) target(%dma_start3A_269 : memref<125x32xf32, #tpu.memory_space<vmem>>) offsets(%dma_start3A_272 : memref<125xi32, #tpu.memory_space<vmem>>) semaphore(%arg12 : memref<!tpu.dma_semaphore, #tpu.memory_space<semaphore_mem>>)
      %dma_wait3A_276 = arith.constant 2 : i32
      %dma_wait3A_277 = arith.constant 2 : i32
      %dma_wait3A_278 = arith.constant 0 : i32
      %dma_wait3A_279 = arith.constant 0 : i32
      %dma_wait3A_280 = tpu.memref_slice %arg10[%dma_wait3A_277, %dma_wait3A_278, %dma_wait3A_279] : memref<4x125x32xf32, #tpu.memory_space<vmem>> -> memref<1x125x32xf32, #tpu.memory_space<vmem>>
      %dma_wait3A_281 = tpu.memref_squeeze %dma_wait3A_280 : memref<1x125x32xf32, #tpu.memory_space<vmem>> -> memref<125x32xf32, #tpu.memory_space<vmem>>
      %dma_wait3A_282 = arith.constant 0 : i32
      %dma_wait3A_283 = tpu.memref_slice %arg8[%select_n3A_133, %dma_wait3A_276, %dma_wait3A_282] : memref<2x8x125xi32, #tpu.memory_space<vmem>> -> memref<1x1x125xi32, #tpu.memory_space<vmem>>
      %dma_wait3A_284 = tpu.memref_squeeze %dma_wait3A_283 : memref<1x1x125xi32, #tpu.memory_space<vmem>> -> memref<125xi32, #tpu.memory_space<vmem>>
      %dma_wait3A_285 = arith.constant 0 : i32
      %dma_wait3A_286 = arith.constant 0 : i32
      %dma_wait3A_287 = tpu.memref_slice %arg2[%dma_wait3A_285, %dma_wait3A_286] : memref<100000x32xf32, #tpu.memory_space<hbm>> -> memref<100000x32xf32, #tpu.memory_space<hbm>>
      tpu.wait_indirect_dma semaphore(%arg12 : memref<!tpu.dma_semaphore, #tpu.memory_space<semaphore_mem>>) src(%dma_wait3A_287 : memref<100000x32xf32, #tpu.memory_space<hbm>>) dst(%dma_wait3A_281 : memref<125x32xf32, #tpu.memory_space<vmem>>)
      %dma_start3A_288 = arith.constant 2 : i32
      %dma_start3A_289 = arith.constant 2 : i32
      %dma_start3A_290 = arith.constant 0 : i32
      %dma_start3A_291 = arith.constant 0 : i32
      %dma_start3A_292 = tpu.memref_slice %arg10[%dma_start3A_288, %dma_start3A_290, %dma_start3A_291] : memref<4x125x32xf32, #tpu.memory_space<vmem>> -> memref<1x125x32xf32, #tpu.memory_space<vmem>>
      %dma_start3A_293 = tpu.memref_squeeze %dma_start3A_292 : memref<1x125x32xf32, #tpu.memory_space<vmem>> -> memref<125x32xf32, #tpu.memory_space<vmem>>
      %dma_start3A_294 = arith.constant 0 : i32
      %dma_start3A_295 = tpu.memref_slice %arg9[%select_n3A_133, %dma_start3A_289, %dma_start3A_294] : memref<2x8x125xi32, #tpu.memory_space<vmem>> -> memref<1x1x125xi32, #tpu.memory_space<vmem>>
      %dma_start3A_296 = tpu.memref_squeeze %dma_start3A_295 : memref<1x1x125xi32, #tpu.memory_space<vmem>> -> memref<125xi32, #tpu.memory_space<vmem>>
      %dma_start3A_297 = arith.constant 0 : i32
      %dma_start3A_298 = arith.constant 0 : i32
      %dma_start3A_299 = tpu.memref_slice %arg7[%dma_start3A_297, %dma_start3A_298] : memref<50000x32xf32, #tpu.memory_space<vmem_shared>> -> memref<50000x32xf32, #tpu.memory_space<vmem_shared>>
      tpu.enqueue_indirect_dma source(%dma_start3A_293 : memref<125x32xf32, #tpu.memory_space<vmem>>) target(%dma_start3A_299 : memref<50000x32xf32, #tpu.memory_space<vmem_shared>>) offsets(%dma_start3A_296 : memref<125xi32, #tpu.memory_space<vmem>>) semaphore(%arg13 : memref<!tpu.dma_semaphore, #tpu.memory_space<semaphore_mem>>) {add = true}
      %dma_wait3A_300 = arith.constant 0 : i32
      %dma_wait3A_301 = arith.constant 0 : i32
      %dma_wait3A_302 = arith.constant 0 : i32
      %dma_wait3A_303 = arith.constant 0 : i32
      %dma_wait3A_304 = tpu.memref_slice %arg10[%dma_wait3A_300, %dma_wait3A_302, %dma_wait3A_303] : memref<4x125x32xf32, #tpu.memory_space<vmem>> -> memref<1x125x32xf32, #tpu.memory_space<vmem>>
      %dma_wait3A_305 = tpu.memref_squeeze %dma_wait3A_304 : memref<1x125x32xf32, #tpu.memory_space<vmem>> -> memref<125x32xf32, #tpu.memory_space<vmem>>
      %dma_wait3A_306 = arith.constant 0 : i32
      %dma_wait3A_307 = tpu.memref_slice %arg9[%select_n3A_133, %dma_wait3A_301, %dma_wait3A_306] : memref<2x8x125xi32, #tpu.memory_space<vmem>> -> memref<1x1x125xi32, #tpu.memory_space<vmem>>
      %dma_wait3A_308 = tpu.memref_squeeze %dma_wait3A_307 : memref<1x1x125xi32, #tpu.memory_space<vmem>> -> memref<125xi32, #tpu.memory_space<vmem>>
      %dma_wait3A_309 = arith.constant 0 : i32
      %dma_wait3A_310 = arith.constant 0 : i32
      %dma_wait3A_311 = tpu.memref_slice %arg7[%dma_wait3A_309, %dma_wait3A_310] : memref<50000x32xf32, #tpu.memory_space<vmem_shared>> -> memref<50000x32xf32, #tpu.memory_space<vmem_shared>>
      tpu.wait_indirect_dma semaphore(%arg13 : memref<!tpu.dma_semaphore, #tpu.memory_space<semaphore_mem>>) src(%dma_wait3A_305 : memref<125x32xf32, #tpu.memory_space<vmem>>) dst(%dma_wait3A_311 : memref<50000x32xf32, #tpu.memory_space<vmem_shared>>)
      %dma_start3A_312 = arith.constant 4 : i32
      %dma_start3A_313 = arith.constant 0 : i32
      %dma_start3A_314 = arith.constant 0 : i32
      %dma_start3A_315 = arith.constant 0 : i32
      %dma_start3A_316 = tpu.memref_slice %arg10[%dma_start3A_313, %dma_start3A_314, %dma_start3A_315] : memref<4x125x32xf32, #tpu.memory_space<vmem>> -> memref<1x125x32xf32, #tpu.memory_space<vmem>>
      %dma_start3A_317 = tpu.memref_squeeze %dma_start3A_316 : memref<1x125x32xf32, #tpu.memory_space<vmem>> -> memref<125x32xf32, #tpu.memory_space<vmem>>
      %dma_start3A_318 = arith.constant 0 : i32
      %dma_start3A_319 = tpu.memref_slice %arg8[%select_n3A_133, %dma_start3A_312, %dma_start3A_318] : memref<2x8x125xi32, #tpu.memory_space<vmem>> -> memref<1x1x125xi32, #tpu.memory_space<vmem>>
      %dma_start3A_320 = tpu.memref_squeeze %dma_start3A_319 : memref<1x1x125xi32, #tpu.memory_space<vmem>> -> memref<125xi32, #tpu.memory_space<vmem>>
      %dma_start3A_321 = arith.constant 0 : i32
      %dma_start3A_322 = arith.constant 0 : i32
      %dma_start3A_323 = tpu.memref_slice %arg2[%dma_start3A_321, %dma_start3A_322] : memref<100000x32xf32, #tpu.memory_space<hbm>> -> memref<100000x32xf32, #tpu.memory_space<hbm>>
      tpu.enqueue_indirect_dma source(%dma_start3A_323 : memref<100000x32xf32, #tpu.memory_space<hbm>>) target(%dma_start3A_317 : memref<125x32xf32, #tpu.memory_space<vmem>>) offsets(%dma_start3A_320 : memref<125xi32, #tpu.memory_space<vmem>>) semaphore(%arg12 : memref<!tpu.dma_semaphore, #tpu.memory_space<semaphore_mem>>)
      %dma_wait3A_324 = arith.constant 3 : i32
      %dma_wait3A_325 = arith.constant 3 : i32
      %dma_wait3A_326 = arith.constant 0 : i32
      %dma_wait3A_327 = arith.constant 0 : i32
      %dma_wait3A_328 = tpu.memref_slice %arg10[%dma_wait3A_325, %dma_wait3A_326, %dma_wait3A_327] : memref<4x125x32xf32, #tpu.memory_space<vmem>> -> memref<1x125x32xf32, #tpu.memory_space<vmem>>
      %dma_wait3A_329 = tpu.memref_squeeze %dma_wait3A_328 : memref<1x125x32xf32, #tpu.memory_space<vmem>> -> memref<125x32xf32, #tpu.memory_space<vmem>>
      %dma_wait3A_330 = arith.constant 0 : i32
      %dma_wait3A_331 = tpu.memref_slice %arg8[%select_n3A_133, %dma_wait3A_324, %dma_wait3A_330] : memref<2x8x125xi32, #tpu.memory_space<vmem>> -> memref<1x1x125xi32, #tpu.memory_space<vmem>>
      %dma_wait3A_332 = tpu.memref_squeeze %dma_wait3A_331 : memref<1x1x125xi32, #tpu.memory_space<vmem>> -> memref<125xi32, #tpu.memory_space<vmem>>
      %dma_wait3A_333 = arith.constant 0 : i32
      %dma_wait3A_334 = arith.constant 0 : i32
      %dma_wait3A_335 = tpu.memref_slice %arg2[%dma_wait3A_333, %dma_wait3A_334] : memref<100000x32xf32, #tpu.memory_space<hbm>> -> memref<100000x32xf32, #tpu.memory_space<hbm>>
      tpu.wait_indirect_dma semaphore(%arg12 : memref<!tpu.dma_semaphore, #tpu.memory_space<semaphore_mem>>) src(%dma_wait3A_335 : memref<100000x32xf32, #tpu.memory_space<hbm>>) dst(%dma_wait3A_329 : memref<125x32xf32, #tpu.memory_space<vmem>>)
      %dma_start3A_336 = arith.constant 3 : i32
      %dma_start3A_337 = arith.constant 3 : i32
      %dma_start3A_338 = arith.constant 0 : i32
      %dma_start3A_339 = arith.constant 0 : i32
      %dma_start3A_340 = tpu.memref_slice %arg10[%dma_start3A_336, %dma_start3A_338, %dma_start3A_339] : memref<4x125x32xf32, #tpu.memory_space<vmem>> -> memref<1x125x32xf32, #tpu.memory_space<vmem>>
      %dma_start3A_341 = tpu.memref_squeeze %dma_start3A_340 : memref<1x125x32xf32, #tpu.memory_space<vmem>> -> memref<125x32xf32, #tpu.memory_space<vmem>>
      %dma_start3A_342 = arith.constant 0 : i32
      %dma_start3A_343 = tpu.memref_slice %arg9[%select_n3A_133, %dma_start3A_337, %dma_start3A_342] : memref<2x8x125xi32, #tpu.memory_space<vmem>> -> memref<1x1x125xi32, #tpu.memory_space<vmem>>
      %dma_start3A_344 = tpu.memref_squeeze %dma_start3A_343 : memref<1x1x125xi32, #tpu.memory_space<vmem>> -> memref<125xi32, #tpu.memory_space<vmem>>
      %dma_start3A_345 = arith.constant 0 : i32
      %dma_start3A_346 = arith.constant 0 : i32
      %dma_start3A_347 = tpu.memref_slice %arg7[%dma_start3A_345, %dma_start3A_346] : memref<50000x32xf32, #tpu.memory_space<vmem_shared>> -> memref<50000x32xf32, #tpu.memory_space<vmem_shared>>
      tpu.enqueue_indirect_dma source(%dma_start3A_341 : memref<125x32xf32, #tpu.memory_space<vmem>>) target(%dma_start3A_347 : memref<50000x32xf32, #tpu.memory_space<vmem_shared>>) offsets(%dma_start3A_344 : memref<125xi32, #tpu.memory_space<vmem>>) semaphore(%arg13 : memref<!tpu.dma_semaphore, #tpu.memory_space<semaphore_mem>>) {add = true}
      %add3A_348 = arith.constant 1 : i32
      %add3A_349 = arith.addi %scan3A_123, %add3A_348 : i32
      %lt3A_350 = arith.constant 50 : i32
      %lt3A_351 = arith.cmpi slt, %add3A_349, %lt3A_350 : i32
      %convert_element_type3A_352 = arith.extui %lt3A_351 : i1 to i32
      %cond3A_353 = arith.constant 0 : i32
      %cond3A_354 = arith.cmpi ne, %convert_element_type3A_352, %cond3A_353 : i32
      scf.if %cond3A_354 {
        %add3A_500 = arith.constant 1 : i32
        %add3A_501 = arith.addi %scan3A_123, %add3A_500 : i32
        %sub3A = arith.constant 1 : i32
        %sub3A_502 = arith.subi %sub3A, %select_n3A_133 : i32
        %mul3A_503 = arith.constant 8 : i32
        %mul3A_504 = arith.muli %add3A_501, %mul3A_503 : i32
        %add3A_505 = arith.addi %mul3A_4, %mul3A_504 : i32
        %dma_start3A_506 = arith.constant 0 : i32
        %dma_start3A_507 = arith.constant 0 : i32
        %dma_start3A_508 = tpu.memref_slice %arg8[%sub3A_502, %dma_start3A_506, %dma_start3A_507] : memref<2x8x125xi32, #tpu.memory_space<vmem>> -> memref<1x8x125xi32, #tpu.memory_space<vmem>>
        %dma_start3A_509 = tpu.memref_squeeze %dma_start3A_508 : memref<1x8x125xi32, #tpu.memory_space<vmem>> -> memref<8x125xi32, #tpu.memory_space<vmem>>
        %dma_start3A_510 = arith.constant 0 : i32
        %dma_start3A_511 = tpu.memref_slice %arg3[%arg0, %add3A_505, %dma_start3A_510] : memref<2x6400x125xi32, #tpu.memory_space<hbm>> -> memref<1x8x125xi32, #tpu.memory_space<hbm>>
        %dma_start3A_512 = tpu.memref_squeeze %dma_start3A_511 : memref<1x8x125xi32, #tpu.memory_space<hbm>> -> memref<8x125xi32, #tpu.memory_space<hbm>>
        %dma_start3A_513 = arith.constant 0 : i32
        %dma_start3A_514 = arith.constant 0 : i32
        %dma_start3A_515 = tpu.memref_slice %arg8[%sub3A_502, %dma_start3A_513, %dma_start3A_514] : memref<2x8x125xi32, #tpu.memory_space<vmem>> -> memref<1x8x125xi32, #tpu.memory_space<vmem>>
        %dma_start3A_516 = tpu.memref_squeeze %dma_start3A_515 : memref<1x8x125xi32, #tpu.memory_space<vmem>> -> memref<8x125xi32, #tpu.memory_space<vmem>>
        %dma_start3A_517 = arith.constant 0 : i32
        %dma_start3A_518 = tpu.memref_slice %arg3[%arg0, %add3A_505, %dma_start3A_517] : memref<2x6400x125xi32, #tpu.memory_space<hbm>> -> memref<1x8x125xi32, #tpu.memory_space<hbm>>
        %dma_start3A_519 = tpu.memref_squeeze %dma_start3A_518 : memref<1x8x125xi32, #tpu.memory_space<hbm>> -> memref<8x125xi32, #tpu.memory_space<hbm>>
        tpu.enqueue_dma source(%dma_start3A_519 : memref<8x125xi32, #tpu.memory_space<hbm>>) target(%dma_start3A_516 : memref<8x125xi32, #tpu.memory_space<vmem>>) target_semaphore(%arg11 : memref<!tpu.dma_semaphore, #tpu.memory_space<semaphore_mem>>)
        %mul3A_520 = arith.constant 8 : i32
        %mul3A_521 = arith.muli %add3A_501, %mul3A_520 : i32
        %add3A_522 = arith.addi %mul3A_4, %mul3A_521 : i32
        %dma_start3A_523 = arith.constant 0 : i32
        %dma_start3A_524 = arith.constant 0 : i32
        %dma_start3A_525 = tpu.memref_slice %arg9[%sub3A_502, %dma_start3A_523, %dma_start3A_524] : memref<2x8x125xi32, #tpu.memory_space<vmem>> -> memref<1x8x125xi32, #tpu.memory_space<vmem>>
        %dma_start3A_526 = tpu.memref_squeeze %dma_start3A_525 : memref<1x8x125xi32, #tpu.memory_space<vmem>> -> memref<8x125xi32, #tpu.memory_space<vmem>>
        %dma_start3A_527 = arith.constant 0 : i32
        %dma_start3A_528 = tpu.memref_slice %arg4[%add3A_522, %dma_start3A_527] : memref<6400x125xi32, #tpu.memory_space<hbm>> -> memref<8x125xi32, #tpu.memory_space<hbm>>
        %dma_start3A_529 = arith.constant 0 : i32
        %dma_start3A_530 = arith.constant 0 : i32
        %dma_start3A_531 = tpu.memref_slice %arg9[%sub3A_502, %dma_start3A_529, %dma_start3A_530] : memref<2x8x125xi32, #tpu.memory_space<vmem>> -> memref<1x8x125xi32, #tpu.memory_space<vmem>>
        %dma_start3A_532 = tpu.memref_squeeze %dma_start3A_531 : memref<1x8x125xi32, #tpu.memory_space<vmem>> -> memref<8x125xi32, #tpu.memory_space<vmem>>
        %dma_start3A_533 = arith.constant 0 : i32
        %dma_start3A_534 = tpu.memref_slice %arg4[%add3A_522, %dma_start3A_533] : memref<6400x125xi32, #tpu.memory_space<hbm>> -> memref<8x125xi32, #tpu.memory_space<hbm>>
        tpu.enqueue_dma source(%dma_start3A_534 : memref<8x125xi32, #tpu.memory_space<hbm>>) target(%dma_start3A_532 : memref<8x125xi32, #tpu.memory_space<vmem>>) target_semaphore(%arg11 : memref<!tpu.dma_semaphore, #tpu.memory_space<semaphore_mem>>)
      } else {
      }
      %dma_wait3A_355 = arith.constant 1 : i32
      %dma_wait3A_356 = arith.constant 1 : i32
      %dma_wait3A_357 = arith.constant 0 : i32
      %dma_wait3A_358 = arith.constant 0 : i32
      %dma_wait3A_359 = tpu.memref_slice %arg10[%dma_wait3A_355, %dma_wait3A_357, %dma_wait3A_358] : memref<4x125x32xf32, #tpu.memory_space<vmem>> -> memref<1x125x32xf32, #tpu.memory_space<vmem>>
      %dma_wait3A_360 = tpu.memref_squeeze %dma_wait3A_359 : memref<1x125x32xf32, #tpu.memory_space<vmem>> -> memref<125x32xf32, #tpu.memory_space<vmem>>
      %dma_wait3A_361 = arith.constant 0 : i32
      %dma_wait3A_362 = tpu.memref_slice %arg9[%select_n3A_133, %dma_wait3A_356, %dma_wait3A_361] : memref<2x8x125xi32, #tpu.memory_space<vmem>> -> memref<1x1x125xi32, #tpu.memory_space<vmem>>
      %dma_wait3A_363 = tpu.memref_squeeze %dma_wait3A_362 : memref<1x1x125xi32, #tpu.memory_space<vmem>> -> memref<125xi32, #tpu.memory_space<vmem>>
      %dma_wait3A_364 = arith.constant 0 : i32
      %dma_wait3A_365 = arith.constant 0 : i32
      %dma_wait3A_366 = tpu.memref_slice %arg7[%dma_wait3A_364, %dma_wait3A_365] : memref<50000x32xf32, #tpu.memory_space<vmem_shared>> -> memref<50000x32xf32, #tpu.memory_space<vmem_shared>>
      tpu.wait_indirect_dma semaphore(%arg13 : memref<!tpu.dma_semaphore, #tpu.memory_space<semaphore_mem>>) src(%dma_wait3A_360 : memref<125x32xf32, #tpu.memory_space<vmem>>) dst(%dma_wait3A_366 : memref<50000x32xf32, #tpu.memory_space<vmem_shared>>)
      %dma_start3A_367 = arith.constant 5 : i32
      %dma_start3A_368 = arith.constant 1 : i32
      %dma_start3A_369 = arith.constant 0 : i32
      %dma_start3A_370 = arith.constant 0 : i32
      %dma_start3A_371 = tpu.memref_slice %arg10[%dma_start3A_368, %dma_start3A_369, %dma_start3A_370] : memref<4x125x32xf32, #tpu.memory_space<vmem>> -> memref<1x125x32xf32, #tpu.memory_space<vmem>>
      %dma_start3A_372 = tpu.memref_squeeze %dma_start3A_371 : memref<1x125x32xf32, #tpu.memory_space<vmem>> -> memref<125x32xf32, #tpu.memory_space<vmem>>
      %dma_start3A_373 = arith.constant 0 : i32
      %dma_start3A_374 = tpu.memref_slice %arg8[%select_n3A_133, %dma_start3A_367, %dma_start3A_373] : memref<2x8x125xi32, #tpu.memory_space<vmem>> -> memref<1x1x125xi32, #tpu.memory_space<vmem>>
      %dma_start3A_375 = tpu.memref_squeeze %dma_start3A_374 : memref<1x1x125xi32, #tpu.memory_space<vmem>> -> memref<125xi32, #tpu.memory_space<vmem>>
      %dma_start3A_376 = arith.constant 0 : i32
      %dma_start3A_377 = arith.constant 0 : i32
      %dma_start3A_378 = tpu.memref_slice %arg2[%dma_start3A_376, %dma_start3A_377] : memref<100000x32xf32, #tpu.memory_space<hbm>> -> memref<100000x32xf32, #tpu.memory_space<hbm>>
      tpu.enqueue_indirect_dma source(%dma_start3A_378 : memref<100000x32xf32, #tpu.memory_space<hbm>>) target(%dma_start3A_372 : memref<125x32xf32, #tpu.memory_space<vmem>>) offsets(%dma_start3A_375 : memref<125xi32, #tpu.memory_space<vmem>>) semaphore(%arg12 : memref<!tpu.dma_semaphore, #tpu.memory_space<semaphore_mem>>)
      %dma_wait3A_379 = arith.constant 4 : i32
      %dma_wait3A_380 = arith.constant 0 : i32
      %dma_wait3A_381 = arith.constant 0 : i32
      %dma_wait3A_382 = arith.constant 0 : i32
      %dma_wait3A_383 = tpu.memref_slice %arg10[%dma_wait3A_380, %dma_wait3A_381, %dma_wait3A_382] : memref<4x125x32xf32, #tpu.memory_space<vmem>> -> memref<1x125x32xf32, #tpu.memory_space<vmem>>
      %dma_wait3A_384 = tpu.memref_squeeze %dma_wait3A_383 : memref<1x125x32xf32, #tpu.memory_space<vmem>> -> memref<125x32xf32, #tpu.memory_space<vmem>>
      %dma_wait3A_385 = arith.constant 0 : i32
      %dma_wait3A_386 = tpu.memref_slice %arg8[%select_n3A_133, %dma_wait3A_379, %dma_wait3A_385] : memref<2x8x125xi32, #tpu.memory_space<vmem>> -> memref<1x1x125xi32, #tpu.memory_space<vmem>>
      %dma_wait3A_387 = tpu.memref_squeeze %dma_wait3A_386 : memref<1x1x125xi32, #tpu.memory_space<vmem>> -> memref<125xi32, #tpu.memory_space<vmem>>
      %dma_wait3A_388 = arith.constant 0 : i32
      %dma_wait3A_389 = arith.constant 0 : i32
      %dma_wait3A_390 = tpu.memref_slice %arg2[%dma_wait3A_388, %dma_wait3A_389] : memref<100000x32xf32, #tpu.memory_space<hbm>> -> memref<100000x32xf32, #tpu.memory_space<hbm>>
      tpu.wait_indirect_dma semaphore(%arg12 : memref<!tpu.dma_semaphore, #tpu.memory_space<semaphore_mem>>) src(%dma_wait3A_390 : memref<100000x32xf32, #tpu.memory_space<hbm>>) dst(%dma_wait3A_384 : memref<125x32xf32, #tpu.memory_space<vmem>>)
      %dma_start3A_391 = arith.constant 0 : i32
      %dma_start3A_392 = arith.constant 4 : i32
      %dma_start3A_393 = arith.constant 0 : i32
      %dma_start3A_394 = arith.constant 0 : i32
      %dma_start3A_395 = tpu.memref_slice %arg10[%dma_start3A_391, %dma_start3A_393, %dma_start3A_394] : memref<4x125x32xf32, #tpu.memory_space<vmem>> -> memref<1x125x32xf32, #tpu.memory_space<vmem>>
      %dma_start3A_396 = tpu.memref_squeeze %dma_start3A_395 : memref<1x125x32xf32, #tpu.memory_space<vmem>> -> memref<125x32xf32, #tpu.memory_space<vmem>>
      %dma_start3A_397 = arith.constant 0 : i32
      %dma_start3A_398 = tpu.memref_slice %arg9[%select_n3A_133, %dma_start3A_392, %dma_start3A_397] : memref<2x8x125xi32, #tpu.memory_space<vmem>> -> memref<1x1x125xi32, #tpu.memory_space<vmem>>
      %dma_start3A_399 = tpu.memref_squeeze %dma_start3A_398 : memref<1x1x125xi32, #tpu.memory_space<vmem>> -> memref<125xi32, #tpu.memory_space<vmem>>
      %dma_start3A_400 = arith.constant 0 : i32
      %dma_start3A_401 = arith.constant 0 : i32
      %dma_start3A_402 = tpu.memref_slice %arg7[%dma_start3A_400, %dma_start3A_401] : memref<50000x32xf32, #tpu.memory_space<vmem_shared>> -> memref<50000x32xf32, #tpu.memory_space<vmem_shared>>
      tpu.enqueue_indirect_dma source(%dma_start3A_396 : memref<125x32xf32, #tpu.memory_space<vmem>>) target(%dma_start3A_402 : memref<50000x32xf32, #tpu.memory_space<vmem_shared>>) offsets(%dma_start3A_399 : memref<125xi32, #tpu.memory_space<vmem>>) semaphore(%arg13 : memref<!tpu.dma_semaphore, #tpu.memory_space<semaphore_mem>>) {add = true}
      %dma_wait3A_403 = arith.constant 2 : i32
      %dma_wait3A_404 = arith.constant 2 : i32
      %dma_wait3A_405 = arith.constant 0 : i32
      %dma_wait3A_406 = arith.constant 0 : i32
      %dma_wait3A_407 = tpu.memref_slice %arg10[%dma_wait3A_403, %dma_wait3A_405, %dma_wait3A_406] : memref<4x125x32xf32, #tpu.memory_space<vmem>> -> memref<1x125x32xf32, #tpu.memory_space<vmem>>
      %dma_wait3A_408 = tpu.memref_squeeze %dma_wait3A_407 : memref<1x125x32xf32, #tpu.memory_space<vmem>> -> memref<125x32xf32, #tpu.memory_space<vmem>>
      %dma_wait3A_409 = arith.constant 0 : i32
      %dma_wait3A_410 = tpu.memref_slice %arg9[%select_n3A_133, %dma_wait3A_404, %dma_wait3A_409] : memref<2x8x125xi32, #tpu.memory_space<vmem>> -> memref<1x1x125xi32, #tpu.memory_space<vmem>>
      %dma_wait3A_411 = tpu.memref_squeeze %dma_wait3A_410 : memref<1x1x125xi32, #tpu.memory_space<vmem>> -> memref<125xi32, #tpu.memory_space<vmem>>
      %dma_wait3A_412 = arith.constant 0 : i32
      %dma_wait3A_413 = arith.constant 0 : i32
      %dma_wait3A_414 = tpu.memref_slice %arg7[%dma_wait3A_412, %dma_wait3A_413] : memref<50000x32xf32, #tpu.memory_space<vmem_shared>> -> memref<50000x32xf32, #tpu.memory_space<vmem_shared>>
      tpu.wait_indirect_dma semaphore(%arg13 : memref<!tpu.dma_semaphore, #tpu.memory_space<semaphore_mem>>) src(%dma_wait3A_408 : memref<125x32xf32, #tpu.memory_space<vmem>>) dst(%dma_wait3A_414 : memref<50000x32xf32, #tpu.memory_space<vmem_shared>>)
      %dma_start3A_415 = arith.constant 6 : i32
      %dma_start3A_416 = arith.constant 2 : i32
      %dma_start3A_417 = arith.constant 0 : i32
      %dma_start3A_418 = arith.constant 0 : i32
      %dma_start3A_419 = tpu.memref_slice %arg10[%dma_start3A_416, %dma_start3A_417, %dma_start3A_418] : memref<4x125x32xf32, #tpu.memory_space<vmem>> -> memref<1x125x32xf32, #tpu.memory_space<vmem>>
      %dma_start3A_420 = tpu.memref_squeeze %dma_start3A_419 : memref<1x125x32xf32, #tpu.memory_space<vmem>> -> memref<125x32xf32, #tpu.memory_space<vmem>>
      %dma_start3A_421 = arith.constant 0 : i32
      %dma_start3A_422 = tpu.memref_slice %arg8[%select_n3A_133, %dma_start3A_415, %dma_start3A_421] : memref<2x8x125xi32, #tpu.memory_space<vmem>> -> memref<1x1x125xi32, #tpu.memory_space<vmem>>
      %dma_start3A_423 = tpu.memref_squeeze %dma_start3A_422 : memref<1x1x125xi32, #tpu.memory_space<vmem>> -> memref<125xi32, #tpu.memory_space<vmem>>
      %dma_start3A_424 = arith.constant 0 : i32
      %dma_start3A_425 = arith.constant 0 : i32
      %dma_start3A_426 = tpu.memref_slice %arg2[%dma_start3A_424, %dma_start3A_425] : memref<100000x32xf32, #tpu.memory_space<hbm>> -> memref<100000x32xf32, #tpu.memory_space<hbm>>
      tpu.enqueue_indirect_dma source(%dma_start3A_426 : memref<100000x32xf32, #tpu.memory_space<hbm>>) target(%dma_start3A_420 : memref<125x32xf32, #tpu.memory_space<vmem>>) offsets(%dma_start3A_423 : memref<125xi32, #tpu.memory_space<vmem>>) semaphore(%arg12 : memref<!tpu.dma_semaphore, #tpu.memory_space<semaphore_mem>>)
      %dma_wait3A_427 = arith.constant 5 : i32
      %dma_wait3A_428 = arith.constant 1 : i32
      %dma_wait3A_429 = arith.constant 0 : i32
      %dma_wait3A_430 = arith.constant 0 : i32
      %dma_wait3A_431 = tpu.memref_slice %arg10[%dma_wait3A_428, %dma_wait3A_429, %dma_wait3A_430] : memref<4x125x32xf32, #tpu.memory_space<vmem>> -> memref<1x125x32xf32, #tpu.memory_space<vmem>>
      %dma_wait3A_432 = tpu.memref_squeeze %dma_wait3A_431 : memref<1x125x32xf32, #tpu.memory_space<vmem>> -> memref<125x32xf32, #tpu.memory_space<vmem>>
      %dma_wait3A_433 = arith.constant 0 : i32
      %dma_wait3A_434 = tpu.memref_slice %arg8[%select_n3A_133, %dma_wait3A_427, %dma_wait3A_433] : memref<2x8x125xi32, #tpu.memory_space<vmem>> -> memref<1x1x125xi32, #tpu.memory_space<vmem>>
      %dma_wait3A_435 = tpu.memref_squeeze %dma_wait3A_434 : memref<1x1x125xi32, #tpu.memory_space<vmem>> -> memref<125xi32, #tpu.memory_space<vmem>>
      %dma_wait3A_436 = arith.constant 0 : i32
      %dma_wait3A_437 = arith.constant 0 : i32
      %dma_wait3A_438 = tpu.memref_slice %arg2[%dma_wait3A_436, %dma_wait3A_437] : memref<100000x32xf32, #tpu.memory_space<hbm>> -> memref<100000x32xf32, #tpu.memory_space<hbm>>
      tpu.wait_indirect_dma semaphore(%arg12 : memref<!tpu.dma_semaphore, #tpu.memory_space<semaphore_mem>>) src(%dma_wait3A_438 : memref<100000x32xf32, #tpu.memory_space<hbm>>) dst(%dma_wait3A_432 : memref<125x32xf32, #tpu.memory_space<vmem>>)
      %dma_start3A_439 = arith.constant 1 : i32
      %dma_start3A_440 = arith.constant 5 : i32
      %dma_start3A_441 = arith.constant 0 : i32
      %dma_start3A_442 = arith.constant 0 : i32
      %dma_start3A_443 = tpu.memref_slice %arg10[%dma_start3A_439, %dma_start3A_441, %dma_start3A_442] : memref<4x125x32xf32, #tpu.memory_space<vmem>> -> memref<1x125x32xf32, #tpu.memory_space<vmem>>
      %dma_start3A_444 = tpu.memref_squeeze %dma_start3A_443 : memref<1x125x32xf32, #tpu.memory_space<vmem>> -> memref<125x32xf32, #tpu.memory_space<vmem>>
      %dma_start3A_445 = arith.constant 0 : i32
      %dma_start3A_446 = tpu.memref_slice %arg9[%select_n3A_133, %dma_start3A_440, %dma_start3A_445] : memref<2x8x125xi32, #tpu.memory_space<vmem>> -> memref<1x1x125xi32, #tpu.memory_space<vmem>>
      %dma_start3A_447 = tpu.memref_squeeze %dma_start3A_446 : memref<1x1x125xi32, #tpu.memory_space<vmem>> -> memref<125xi32, #tpu.memory_space<vmem>>
      %dma_start3A_448 = arith.constant 0 : i32
      %dma_start3A_449 = arith.constant 0 : i32
      %dma_start3A_450 = tpu.memref_slice %arg7[%dma_start3A_448, %dma_start3A_449] : memref<50000x32xf32, #tpu.memory_space<vmem_shared>> -> memref<50000x32xf32, #tpu.memory_space<vmem_shared>>
      tpu.enqueue_indirect_dma source(%dma_start3A_444 : memref<125x32xf32, #tpu.memory_space<vmem>>) target(%dma_start3A_450 : memref<50000x32xf32, #tpu.memory_space<vmem_shared>>) offsets(%dma_start3A_447 : memref<125xi32, #tpu.memory_space<vmem>>) semaphore(%arg13 : memref<!tpu.dma_semaphore, #tpu.memory_space<semaphore_mem>>) {add = true}
      %dma_wait3A_451 = arith.constant 3 : i32
      %dma_wait3A_452 = arith.constant 3 : i32
      %dma_wait3A_453 = arith.constant 0 : i32
      %dma_wait3A_454 = arith.constant 0 : i32
      %dma_wait3A_455 = tpu.memref_slice %arg10[%dma_wait3A_451, %dma_wait3A_453, %dma_wait3A_454] : memref<4x125x32xf32, #tpu.memory_space<vmem>> -> memref<1x125x32xf32, #tpu.memory_space<vmem>>
      %dma_wait3A_456 = tpu.memref_squeeze %dma_wait3A_455 : memref<1x125x32xf32, #tpu.memory_space<vmem>> -> memref<125x32xf32, #tpu.memory_space<vmem>>
      %dma_wait3A_457 = arith.constant 0 : i32
      %dma_wait3A_458 = tpu.memref_slice %arg9[%select_n3A_133, %dma_wait3A_452, %dma_wait3A_457] : memref<2x8x125xi32, #tpu.memory_space<vmem>> -> memref<1x1x125xi32, #tpu.memory_space<vmem>>
      %dma_wait3A_459 = tpu.memref_squeeze %dma_wait3A_458 : memref<1x1x125xi32, #tpu.memory_space<vmem>> -> memref<125xi32, #tpu.memory_space<vmem>>
      %dma_wait3A_460 = arith.constant 0 : i32
      %dma_wait3A_461 = arith.constant 0 : i32
      %dma_wait3A_462 = tpu.memref_slice %arg7[%dma_wait3A_460, %dma_wait3A_461] : memref<50000x32xf32, #tpu.memory_space<vmem_shared>> -> memref<50000x32xf32, #tpu.memory_space<vmem_shared>>
      tpu.wait_indirect_dma semaphore(%arg13 : memref<!tpu.dma_semaphore, #tpu.memory_space<semaphore_mem>>) src(%dma_wait3A_456 : memref<125x32xf32, #tpu.memory_space<vmem>>) dst(%dma_wait3A_462 : memref<50000x32xf32, #tpu.memory_space<vmem_shared>>)
      %dma_start3A_463 = arith.constant 7 : i32
      %dma_start3A_464 = arith.constant 3 : i32
      %dma_start3A_465 = arith.constant 0 : i32
      %dma_start3A_466 = arith.constant 0 : i32
      %dma_start3A_467 = tpu.memref_slice %arg10[%dma_start3A_464, %dma_start3A_465, %dma_start3A_466] : memref<4x125x32xf32, #tpu.memory_space<vmem>> -> memref<1x125x32xf32, #tpu.memory_space<vmem>>
      %dma_start3A_468 = tpu.memref_squeeze %dma_start3A_467 : memref<1x125x32xf32, #tpu.memory_space<vmem>> -> memref<125x32xf32, #tpu.memory_space<vmem>>
      %dma_start3A_469 = arith.constant 0 : i32
      %dma_start3A_470 = tpu.memref_slice %arg8[%select_n3A_133, %dma_start3A_463, %dma_start3A_469] : memref<2x8x125xi32, #tpu.memory_space<vmem>> -> memref<1x1x125xi32, #tpu.memory_space<vmem>>
      %dma_start3A_471 = tpu.memref_squeeze %dma_start3A_470 : memref<1x1x125xi32, #tpu.memory_space<vmem>> -> memref<125xi32, #tpu.memory_space<vmem>>
      %dma_start3A_472 = arith.constant 0 : i32
      %dma_start3A_473 = arith.constant 0 : i32
      %dma_start3A_474 = tpu.memref_slice %arg2[%dma_start3A_472, %dma_start3A_473] : memref<100000x32xf32, #tpu.memory_space<hbm>> -> memref<100000x32xf32, #tpu.memory_space<hbm>>
      tpu.enqueue_indirect_dma source(%dma_start3A_474 : memref<100000x32xf32, #tpu.memory_space<hbm>>) target(%dma_start3A_468 : memref<125x32xf32, #tpu.memory_space<vmem>>) offsets(%dma_start3A_471 : memref<125xi32, #tpu.memory_space<vmem>>) semaphore(%arg12 : memref<!tpu.dma_semaphore, #tpu.memory_space<semaphore_mem>>)
      %dma_wait3A_475 = arith.constant 6 : i32
      %dma_wait3A_476 = arith.constant 2 : i32
      %dma_wait3A_477 = arith.constant 0 : i32
      %dma_wait3A_478 = arith.constant 0 : i32
      %dma_wait3A_479 = tpu.memref_slice %arg10[%dma_wait3A_476, %dma_wait3A_477, %dma_wait3A_478] : memref<4x125x32xf32, #tpu.memory_space<vmem>> -> memref<1x125x32xf32, #tpu.memory_space<vmem>>
      %dma_wait3A_480 = tpu.memref_squeeze %dma_wait3A_479 : memref<1x125x32xf32, #tpu.memory_space<vmem>> -> memref<125x32xf32, #tpu.memory_space<vmem>>
      %dma_wait3A_481 = arith.constant 0 : i32
      %dma_wait3A_482 = tpu.memref_slice %arg8[%select_n3A_133, %dma_wait3A_475, %dma_wait3A_481] : memref<2x8x125xi32, #tpu.memory_space<vmem>> -> memref<1x1x125xi32, #tpu.memory_space<vmem>>
      %dma_wait3A_483 = tpu.memref_squeeze %dma_wait3A_482 : memref<1x1x125xi32, #tpu.memory_space<vmem>> -> memref<125xi32, #tpu.memory_space<vmem>>
      %dma_wait3A_484 = arith.constant 0 : i32
      %dma_wait3A_485 = arith.constant 0 : i32
      %dma_wait3A_486 = tpu.memref_slice %arg2[%dma_wait3A_484, %dma_wait3A_485] : memref<100000x32xf32, #tpu.memory_space<hbm>> -> memref<100000x32xf32, #tpu.memory_space<hbm>>
      tpu.wait_indirect_dma semaphore(%arg12 : memref<!tpu.dma_semaphore, #tpu.memory_space<semaphore_mem>>) src(%dma_wait3A_486 : memref<100000x32xf32, #tpu.memory_space<hbm>>) dst(%dma_wait3A_480 : memref<125x32xf32, #tpu.memory_space<vmem>>)
      %dma_start3A_487 = arith.constant 2 : i32
      %dma_start3A_488 = arith.constant 6 : i32
      %dma_start3A_489 = arith.constant 0 : i32
      %dma_start3A_490 = arith.constant 0 : i32
      %dma_start3A_491 = tpu.memref_slice %arg10[%dma_start3A_487, %dma_start3A_489, %dma_start3A_490] : memref<4x125x32xf32, #tpu.memory_space<vmem>> -> memref<1x125x32xf32, #tpu.memory_space<vmem>>
      %dma_start3A_492 = tpu.memref_squeeze %dma_start3A_491 : memref<1x125x32xf32, #tpu.memory_space<vmem>> -> memref<125x32xf32, #tpu.memory_space<vmem>>
      %dma_start3A_493 = arith.constant 0 : i32
      %dma_start3A_494 = tpu.memref_slice %arg9[%select_n3A_133, %dma_start3A_488, %dma_start3A_493] : memref<2x8x125xi32, #tpu.memory_space<vmem>> -> memref<1x1x125xi32, #tpu.memory_space<vmem>>
      %dma_start3A_495 = tpu.memref_squeeze %dma_start3A_494 : memref<1x1x125xi32, #tpu.memory_space<vmem>> -> memref<125xi32, #tpu.memory_space<vmem>>
      %dma_start3A_496 = arith.constant 0 : i32
      %dma_start3A_497 = arith.constant 0 : i32
      %dma_start3A_498 = tpu.memref_slice %arg7[%dma_start3A_496, %dma_start3A_497] : memref<50000x32xf32, #tpu.memory_space<vmem_shared>> -> memref<50000x32xf32, #tpu.memory_space<vmem_shared>>
      tpu.enqueue_indirect_dma source(%dma_start3A_492 : memref<125x32xf32, #tpu.memory_space<vmem>>) target(%dma_start3A_498 : memref<50000x32xf32, #tpu.memory_space<vmem_shared>>) offsets(%dma_start3A_495 : memref<125xi32, #tpu.memory_space<vmem>>) semaphore(%arg13 : memref<!tpu.dma_semaphore, #tpu.memory_space<semaphore_mem>>) {add = true}
      %scan3A_499 = arith.constant 0 : i32
      scf.yield %scan3A_499 : i32
    }
    %scan3A_40 = arith.constant 50 : i32
    %dma_wait3A = arith.constant 1 : i32
    %dma_wait3A_41 = arith.constant 7 : i32
    %dma_wait3A_42 = arith.constant 3 : i32
    %dma_wait3A_43 = arith.constant 0 : i32
    %dma_wait3A_44 = arith.constant 0 : i32
    %dma_wait3A_45 = tpu.memref_slice %arg10[%dma_wait3A_42, %dma_wait3A_43, %dma_wait3A_44] : memref<4x125x32xf32, #tpu.memory_space<vmem>> -> memref<1x125x32xf32, #tpu.memory_space<vmem>>
    %dma_wait3A_46 = tpu.memref_squeeze %dma_wait3A_45 : memref<1x125x32xf32, #tpu.memory_space<vmem>> -> memref<125x32xf32, #tpu.memory_space<vmem>>
    %dma_wait3A_47 = arith.constant 0 : i32
    %dma_wait3A_48 = tpu.memref_slice %arg8[%dma_wait3A, %dma_wait3A_41, %dma_wait3A_47] : memref<2x8x125xi32, #tpu.memory_space<vmem>> -> memref<1x1x125xi32, #tpu.memory_space<vmem>>
    %dma_wait3A_49 = tpu.memref_squeeze %dma_wait3A_48 : memref<1x1x125xi32, #tpu.memory_space<vmem>> -> memref<125xi32, #tpu.memory_space<vmem>>
    %dma_wait3A_50 = arith.constant 0 : i32
    %dma_wait3A_51 = arith.constant 0 : i32
    %dma_wait3A_52 = tpu.memref_slice %arg2[%dma_wait3A_50, %dma_wait3A_51] : memref<100000x32xf32, #tpu.memory_space<hbm>> -> memref<100000x32xf32, #tpu.memory_space<hbm>>
    tpu.wait_indirect_dma semaphore(%arg12 : memref<!tpu.dma_semaphore, #tpu.memory_space<semaphore_mem>>) src(%dma_wait3A_52 : memref<100000x32xf32, #tpu.memory_space<hbm>>) dst(%dma_wait3A_46 : memref<125x32xf32, #tpu.memory_space<vmem>>)
    %dma_start3A_53 = arith.constant 3 : i32
    %dma_start3A_54 = arith.constant 1 : i32
    %dma_start3A_55 = arith.constant 7 : i32
    %dma_start3A_56 = arith.constant 0 : i32
    %dma_start3A_57 = arith.constant 0 : i32
    %dma_start3A_58 = tpu.memref_slice %arg10[%dma_start3A_53, %dma_start3A_56, %dma_start3A_57] : memref<4x125x32xf32, #tpu.memory_space<vmem>> -> memref<1x125x32xf32, #tpu.memory_space<vmem>>
    %dma_start3A_59 = tpu.memref_squeeze %dma_start3A_58 : memref<1x125x32xf32, #tpu.memory_space<vmem>> -> memref<125x32xf32, #tpu.memory_space<vmem>>
    %dma_start3A_60 = arith.constant 0 : i32
    %dma_start3A_61 = tpu.memref_slice %arg9[%dma_start3A_54, %dma_start3A_55, %dma_start3A_60] : memref<2x8x125xi32, #tpu.memory_space<vmem>> -> memref<1x1x125xi32, #tpu.memory_space<vmem>>
    %dma_start3A_62 = tpu.memref_squeeze %dma_start3A_61 : memref<1x1x125xi32, #tpu.memory_space<vmem>> -> memref<125xi32, #tpu.memory_space<vmem>>
    %dma_start3A_63 = arith.constant 0 : i32
    %dma_start3A_64 = arith.constant 0 : i32
    %dma_start3A_65 = tpu.memref_slice %arg7[%dma_start3A_63, %dma_start3A_64] : memref<50000x32xf32, #tpu.memory_space<vmem_shared>> -> memref<50000x32xf32, #tpu.memory_space<vmem_shared>>
    tpu.enqueue_indirect_dma source(%dma_start3A_59 : memref<125x32xf32, #tpu.memory_space<vmem>>) target(%dma_start3A_65 : memref<50000x32xf32, #tpu.memory_space<vmem_shared>>) offsets(%dma_start3A_62 : memref<125xi32, #tpu.memory_space<vmem>>) semaphore(%arg13 : memref<!tpu.dma_semaphore, #tpu.memory_space<semaphore_mem>>) {add = true}
    %dma_wait3A_66 = arith.constant 0 : i32
    %dma_wait3A_67 = arith.constant 1 : i32
    %dma_wait3A_68 = arith.constant 4 : i32
    %dma_wait3A_69 = arith.constant 0 : i32
    %dma_wait3A_70 = arith.constant 0 : i32
    %dma_wait3A_71 = tpu.memref_slice %arg10[%dma_wait3A_66, %dma_wait3A_69, %dma_wait3A_70] : memref<4x125x32xf32, #tpu.memory_space<vmem>> -> memref<1x125x32xf32, #tpu.memory_space<vmem>>
    %dma_wait3A_72 = tpu.memref_squeeze %dma_wait3A_71 : memref<1x125x32xf32, #tpu.memory_space<vmem>> -> memref<125x32xf32, #tpu.memory_space<vmem>>
    %dma_wait3A_73 = arith.constant 0 : i32
    %dma_wait3A_74 = tpu.memref_slice %arg9[%dma_wait3A_67, %dma_wait3A_68, %dma_wait3A_73] : memref<2x8x125xi32, #tpu.memory_space<vmem>> -> memref<1x1x125xi32, #tpu.memory_space<vmem>>
    %dma_wait3A_75 = tpu.memref_squeeze %dma_wait3A_74 : memref<1x1x125xi32, #tpu.memory_space<vmem>> -> memref<125xi32, #tpu.memory_space<vmem>>
    %dma_wait3A_76 = arith.constant 0 : i32
    %dma_wait3A_77 = arith.constant 0 : i32
    %dma_wait3A_78 = tpu.memref_slice %arg7[%dma_wait3A_76, %dma_wait3A_77] : memref<50000x32xf32, #tpu.memory_space<vmem_shared>> -> memref<50000x32xf32, #tpu.memory_space<vmem_shared>>
    tpu.wait_indirect_dma semaphore(%arg13 : memref<!tpu.dma_semaphore, #tpu.memory_space<semaphore_mem>>) src(%dma_wait3A_72 : memref<125x32xf32, #tpu.memory_space<vmem>>) dst(%dma_wait3A_78 : memref<50000x32xf32, #tpu.memory_space<vmem_shared>>)
    %dma_wait3A_79 = arith.constant 1 : i32
    %dma_wait3A_80 = arith.constant 1 : i32
    %dma_wait3A_81 = arith.constant 5 : i32
    %dma_wait3A_82 = arith.constant 0 : i32
    %dma_wait3A_83 = arith.constant 0 : i32
    %dma_wait3A_84 = tpu.memref_slice %arg10[%dma_wait3A_79, %dma_wait3A_82, %dma_wait3A_83] : memref<4x125x32xf32, #tpu.memory_space<vmem>> -> memref<1x125x32xf32, #tpu.memory_space<vmem>>
    %dma_wait3A_85 = tpu.memref_squeeze %dma_wait3A_84 : memref<1x125x32xf32, #tpu.memory_space<vmem>> -> memref<125x32xf32, #tpu.memory_space<vmem>>
    %dma_wait3A_86 = arith.constant 0 : i32
    %dma_wait3A_87 = tpu.memref_slice %arg9[%dma_wait3A_80, %dma_wait3A_81, %dma_wait3A_86] : memref<2x8x125xi32, #tpu.memory_space<vmem>> -> memref<1x1x125xi32, #tpu.memory_space<vmem>>
    %dma_wait3A_88 = tpu.memref_squeeze %dma_wait3A_87 : memref<1x1x125xi32, #tpu.memory_space<vmem>> -> memref<125xi32, #tpu.memory_space<vmem>>
    %dma_wait3A_89 = arith.constant 0 : i32
    %dma_wait3A_90 = arith.constant 0 : i32
    %dma_wait3A_91 = tpu.memref_slice %arg7[%dma_wait3A_89, %dma_wait3A_90] : memref<50000x32xf32, #tpu.memory_space<vmem_shared>> -> memref<50000x32xf32, #tpu.memory_space<vmem_shared>>
    tpu.wait_indirect_dma semaphore(%arg13 : memref<!tpu.dma_semaphore, #tpu.memory_space<semaphore_mem>>) src(%dma_wait3A_85 : memref<125x32xf32, #tpu.memory_space<vmem>>) dst(%dma_wait3A_91 : memref<50000x32xf32, #tpu.memory_space<vmem_shared>>)
    %dma_wait3A_92 = arith.constant 2 : i32
    %dma_wait3A_93 = arith.constant 1 : i32
    %dma_wait3A_94 = arith.constant 6 : i32
    %dma_wait3A_95 = arith.constant 0 : i32
    %dma_wait3A_96 = arith.constant 0 : i32
    %dma_wait3A_97 = tpu.memref_slice %arg10[%dma_wait3A_92, %dma_wait3A_95, %dma_wait3A_96] : memref<4x125x32xf32, #tpu.memory_space<vmem>> -> memref<1x125x32xf32, #tpu.memory_space<vmem>>
    %dma_wait3A_98 = tpu.memref_squeeze %dma_wait3A_97 : memref<1x125x32xf32, #tpu.memory_space<vmem>> -> memref<125x32xf32, #tpu.memory_space<vmem>>
    %dma_wait3A_99 = arith.constant 0 : i32
    %dma_wait3A_100 = tpu.memref_slice %arg9[%dma_wait3A_93, %dma_wait3A_94, %dma_wait3A_99] : memref<2x8x125xi32, #tpu.memory_space<vmem>> -> memref<1x1x125xi32, #tpu.memory_space<vmem>>
    %dma_wait3A_101 = tpu.memref_squeeze %dma_wait3A_100 : memref<1x1x125xi32, #tpu.memory_space<vmem>> -> memref<125xi32, #tpu.memory_space<vmem>>
    %dma_wait3A_102 = arith.constant 0 : i32
    %dma_wait3A_103 = arith.constant 0 : i32
    %dma_wait3A_104 = tpu.memref_slice %arg7[%dma_wait3A_102, %dma_wait3A_103] : memref<50000x32xf32, #tpu.memory_space<vmem_shared>> -> memref<50000x32xf32, #tpu.memory_space<vmem_shared>>
    tpu.wait_indirect_dma semaphore(%arg13 : memref<!tpu.dma_semaphore, #tpu.memory_space<semaphore_mem>>) src(%dma_wait3A_98 : memref<125x32xf32, #tpu.memory_space<vmem>>) dst(%dma_wait3A_104 : memref<50000x32xf32, #tpu.memory_space<vmem_shared>>)
    %dma_wait3A_105 = arith.constant 3 : i32
    %dma_wait3A_106 = arith.constant 1 : i32
    %dma_wait3A_107 = arith.constant 7 : i32
    %dma_wait3A_108 = arith.constant 0 : i32
    %dma_wait3A_109 = arith.constant 0 : i32
    %dma_wait3A_110 = tpu.memref_slice %arg10[%dma_wait3A_105, %dma_wait3A_108, %dma_wait3A_109] : memref<4x125x32xf32, #tpu.memory_space<vmem>> -> memref<1x125x32xf32, #tpu.memory_space<vmem>>
    %dma_wait3A_111 = tpu.memref_squeeze %dma_wait3A_110 : memref<1x125x32xf32, #tpu.memory_space<vmem>> -> memref<125x32xf32, #tpu.memory_space<vmem>>
    %dma_wait3A_112 = arith.constant 0 : i32
    %dma_wait3A_113 = tpu.memref_slice %arg9[%dma_wait3A_106, %dma_wait3A_107, %dma_wait3A_112] : memref<2x8x125xi32, #tpu.memory_space<vmem>> -> memref<1x1x125xi32, #tpu.memory_space<vmem>>
    %dma_wait3A_114 = tpu.memref_squeeze %dma_wait3A_113 : memref<1x1x125xi32, #tpu.memory_space<vmem>> -> memref<125xi32, #tpu.memory_space<vmem>>
    %dma_wait3A_115 = arith.constant 0 : i32
    %dma_wait3A_116 = arith.constant 0 : i32
    %dma_wait3A_117 = tpu.memref_slice %arg7[%dma_wait3A_115, %dma_wait3A_116] : memref<50000x32xf32, #tpu.memory_space<vmem_shared>> -> memref<50000x32xf32, #tpu.memory_space<vmem_shared>>
    tpu.wait_indirect_dma semaphore(%arg13 : memref<!tpu.dma_semaphore, #tpu.memory_space<semaphore_mem>>) src(%dma_wait3A_111 : memref<125x32xf32, #tpu.memory_space<vmem>>) dst(%dma_wait3A_117 : memref<50000x32xf32, #tpu.memory_space<vmem_shared>>)
    %barrier3A_118 = arith.constant 0 : index
    tpu.barrier barrier_id(%barrier3A_118)
    %mul3A_119 = arith.constant 3125 : i32
    %mul3A_120 = arith.muli %arg1, %mul3A_119 : i32
    %mul3A_121 = arith.constant 3125 : i32
    %mul3A_122 = arith.muli %arg1, %mul3A_121 : i32
    "tpu.region"() ({
      %run_scoped3A = tpu.sem_alloc : memref<!tpu.dma_semaphore, #tpu.memory_space<semaphore_mem>>
      %dma_start3A_123 = arith.constant 0 : i32
      %dma_start3A_124 = tpu.memref_slice %arg6[%arg0, %mul3A_122, %dma_start3A_123] : memref<2x50000x32xf32, #tpu.memory_space<hbm>> -> memref<1x3125x32xf32, #tpu.memory_space<hbm>>
      %dma_start3A_125 = tpu.memref_squeeze %dma_start3A_124 : memref<1x3125x32xf32, #tpu.memory_space<hbm>> -> memref<3125x32xf32, #tpu.memory_space<hbm>>
      %dma_start3A_126 = arith.constant 0 : i32
      %dma_start3A_127 = tpu.memref_slice %arg7[%mul3A_120, %dma_start3A_126] : memref<50000x32xf32, #tpu.memory_space<vmem_shared>> -> memref<3125x32xf32, #tpu.memory_space<vmem_shared>>
      tpu.enqueue_dma source(%dma_start3A_127 : memref<3125x32xf32, #tpu.memory_space<vmem_shared>>) target(%dma_start3A_125 : memref<3125x32xf32, #tpu.memory_space<hbm>>) target_semaphore(%run_scoped3A : memref<!tpu.dma_semaphore, #tpu.memory_space<semaphore_mem>>)
      %dma_wait3A_128 = arith.constant 0 : i32
      %dma_wait3A_129 = tpu.memref_slice %arg6[%arg0, %mul3A_122, %dma_wait3A_128] : memref<2x50000x32xf32, #tpu.memory_space<hbm>> -> memref<1x3125x32xf32, #tpu.memory_space<hbm>>
      %dma_wait3A_130 = tpu.memref_squeeze %dma_wait3A_129 : memref<1x3125x32xf32, #tpu.memory_space<hbm>> -> memref<3125x32xf32, #tpu.memory_space<hbm>>
      %dma_wait3A_131 = arith.constant 0 : i32
      %dma_wait3A_132 = tpu.memref_slice %arg7[%mul3A_120, %dma_wait3A_131] : memref<50000x32xf32, #tpu.memory_space<vmem_shared>> -> memref<3125x32xf32, #tpu.memory_space<vmem_shared>>
      tpu.wait_dma2 semaphore(%run_scoped3A : memref<!tpu.dma_semaphore, #tpu.memory_space<semaphore_mem>>) src(%dma_wait3A_132 : memref<3125x32xf32, #tpu.memory_space<vmem_shared>>) dst(%dma_wait3A_130 : memref<3125x32xf32, #tpu.memory_space<hbm>>)
      tpu.yield
    }) : () -> ()
    return
  }
}

module attributes {stable_mosaic.version = 14 : i64} {
  func.func @_lstm_body(%arg0: i32, %arg1: memref<200x64x32xbf16, #tpu.memory_space<vmem>>, %arg2: memref<200x64x32xbf16, #tpu.memory_space<vmem>>, %arg3: memref<128x96xbf16, #tpu.memory_space<vmem>>, %arg4: memref<128x96xbf16, #tpu.memory_space<vmem>>, %arg5: memref<128x1xf32, #tpu.memory_space<vmem>>, %arg6: memref<128x1xf32, #tpu.memory_space<vmem>>, %arg7: memref<200x32x32xf32, #tpu.memory_space<vmem>>, %arg8: memref<200x32x32xf32, #tpu.memory_space<vmem>>, %arg9: memref<32x32xf32, #tpu.memory_space<vmem>>, %arg10: memref<32x32xf32, #tpu.memory_space<vmem>>, %arg11: memref<32x32xf32, #tpu.memory_space<vmem>>, %arg12: memref<32x32xf32, #tpu.memory_space<vmem>>) attributes {dimension_semantics = [#tpu.dimension_semantics<arbitrary>], iteration_bounds = array<i64: 10>, scalar_prefetch = 0 : i64, scratch_operands = 4 : i64, tpu.core_type = #tpu.core_type<tc>, window_params = [{transform_indices = @transform_0, window_bounds = array<i64: 200, 64, 32>}, {transform_indices = @transform_1, window_bounds = array<i64: 200, 64, 32>}, {pipeline_mode = #tpu.pipeline_mode<synchronous>, transform_indices = @transform_2, window_bounds = array<i64: 128, 96>}, {pipeline_mode = #tpu.pipeline_mode<synchronous>, transform_indices = @transform_3, window_bounds = array<i64: 128, 96>}, {pipeline_mode = #tpu.pipeline_mode<synchronous>, transform_indices = @transform_4, window_bounds = array<i64: 128, 1>}, {pipeline_mode = #tpu.pipeline_mode<synchronous>, transform_indices = @transform_5, window_bounds = array<i64: 128, 1>}, {transform_indices = @transform_6, window_bounds = array<i64: 200, 32, 32>}, {transform_indices = @transform_7, window_bounds = array<i64: 200, 32, 32>}]} {
    %eq3A = arith.constant 0 : i32
    %eq3A_0 = arith.cmpi eq, %arg0, %eq3A : i32
    %convert_element_type3A = arith.extui %eq3A_0 : i1 to i32
    %cond3A = arith.constant 0 : i32
    %cond3A_1 = arith.cmpi ne, %convert_element_type3A, %cond3A : i32
    scf.if %cond3A_1 {
      %broadcast_in_dim3A = arith.constant 0.000000e+00 : f32
      %broadcast_in_dim3A_29 = vector.broadcast %broadcast_in_dim3A : f32 to vector<32x32xf32>
      %swap3A_30 = arith.constant 0 : index
      %swap3A_31 = arith.constant 0 : index
      %swap3A_32 = vector.load %arg9[%swap3A_30, %swap3A_31] : memref<32x32xf32, #tpu.memory_space<vmem>>, vector<32x32xf32>
      tpu.vector_store %arg9[%swap3A_30, %swap3A_31], %broadcast_in_dim3A_29 {strides = array<i32>} : memref<32x32xf32, #tpu.memory_space<vmem>>, vector<32x32xf32>,
      %broadcast_in_dim3A_33 = arith.constant 0.000000e+00 : f32
      %broadcast_in_dim3A_34 = vector.broadcast %broadcast_in_dim3A_33 : f32 to vector<32x32xf32>
      %swap3A_35 = arith.constant 0 : index
      %swap3A_36 = arith.constant 0 : index
      %swap3A_37 = vector.load %arg10[%swap3A_35, %swap3A_36] : memref<32x32xf32, #tpu.memory_space<vmem>>, vector<32x32xf32>
      tpu.vector_store %arg10[%swap3A_35, %swap3A_36], %broadcast_in_dim3A_34 {strides = array<i32>} : memref<32x32xf32, #tpu.memory_space<vmem>>, vector<32x32xf32>,
      %broadcast_in_dim3A_38 = arith.constant 0.000000e+00 : f32
      %broadcast_in_dim3A_39 = vector.broadcast %broadcast_in_dim3A_38 : f32 to vector<32x32xf32>
      %swap3A_40 = arith.constant 0 : index
      %swap3A_41 = arith.constant 0 : index
      %swap3A_42 = vector.load %arg11[%swap3A_40, %swap3A_41] : memref<32x32xf32, #tpu.memory_space<vmem>>, vector<32x32xf32>
      tpu.vector_store %arg11[%swap3A_40, %swap3A_41], %broadcast_in_dim3A_39 {strides = array<i32>} : memref<32x32xf32, #tpu.memory_space<vmem>>, vector<32x32xf32>,
      %broadcast_in_dim3A_43 = arith.constant 0.000000e+00 : f32
      %broadcast_in_dim3A_44 = vector.broadcast %broadcast_in_dim3A_43 : f32 to vector<32x32xf32>
      %swap3A_45 = arith.constant 0 : index
      %swap3A_46 = arith.constant 0 : index
      %swap3A_47 = vector.load %arg12[%swap3A_45, %swap3A_46] : memref<32x32xf32, #tpu.memory_space<vmem>>, vector<32x32xf32>
      tpu.vector_store %arg12[%swap3A_45, %swap3A_46], %broadcast_in_dim3A_44 {strides = array<i32>} : memref<32x32xf32, #tpu.memory_space<vmem>>, vector<32x32xf32>,
    } else {
    }
    %get3A = arith.constant 0 : index
    %get3A_2 = arith.constant 0 : index
    %get3A_3 = vector.load %arg9[%get3A, %get3A_2] : memref<32x32xf32, #tpu.memory_space<vmem>>, vector<32x32xf32>
    %get3A_4 = arith.constant 0 : index
    %get3A_5 = arith.constant 0 : index
    %get3A_6 = vector.load %arg10[%get3A_4, %get3A_5] : memref<32x32xf32, #tpu.memory_space<vmem>>, vector<32x32xf32>
    %get3A_7 = arith.constant 0 : index
    %get3A_8 = arith.constant 0 : index
    %get3A_9 = vector.load %arg11[%get3A_7, %get3A_8] : memref<32x32xf32, #tpu.memory_space<vmem>>, vector<32x32xf32>
    %get3A_10 = arith.constant 0 : index
    %get3A_11 = arith.constant 0 : index
    %get3A_12 = vector.load %arg12[%get3A_10, %get3A_11] : memref<32x32xf32, #tpu.memory_space<vmem>>, vector<32x32xf32>
    %scan3A = arith.constant 0 : i32
    %scan3A_13 = arith.constant 200 : i32
    %scan3A_14 = arith.addi %scan3A, %scan3A_13 : i32
    %scan3A_15 = arith.constant 1 : i32
    %scan3A_16:4 = scf.for %scan3A_29 = %scan3A to %scan3A_14 step %scan3A_15 iter_args(%scan3A_30 = %get3A_3, %scan3A_31 = %get3A_6, %scan3A_32 = %get3A_9, %scan3A_33 = %get3A_12) -> (vector<32x32xf32>, vector<32x32xf32>, vector<32x32xf32>, vector<32x32xf32>)  : i32 {
      %sub3A = arith.constant 199 : i32
      %sub3A_34 = arith.subi %sub3A, %scan3A_29 : i32
      %get3A_35 = arith.index_cast %scan3A_29 : i32 to index
      %get3A_36 = arith.constant 0 : index
      %get3A_37 = arith.constant 0 : index
      %get3A_38 = vector.load %arg1[%get3A_35, %get3A_36, %get3A_37] : memref<200x64x32xbf16, #tpu.memory_space<vmem>>, vector<1x64x32xbf16>
      %get3A_39 = vector.shape_cast %get3A_38 : vector<1x64x32xbf16> to vector<64x32xbf16>
      %convert_element_type3A_40 = arith.truncf %scan3A_30 : vector<32x32xf32> to vector<32x32xbf16>
      %concatenate3A = tpu.concatenate %get3A_39, %convert_element_type3A_40 in 0 : vector<64x32xbf16>, vector<32x32xbf16> -> vector<96x32xbf16>
      %get3A_41 = arith.index_cast %sub3A_34 : i32 to index
      %get3A_42 = arith.constant 0 : index
      %get3A_43 = arith.constant 0 : index
      %get3A_44 = vector.load %arg2[%get3A_41, %get3A_42, %get3A_43] : memref<200x64x32xbf16, #tpu.memory_space<vmem>>, vector<1x64x32xbf16>
      %get3A_45 = vector.shape_cast %get3A_44 : vector<1x64x32xbf16> to vector<64x32xbf16>
      %convert_element_type3A_46 = arith.truncf %scan3A_32 : vector<32x32xf32> to vector<32x32xbf16>
      %concatenate3A_47 = tpu.concatenate %get3A_45, %convert_element_type3A_46 in 0 : vector<64x32xbf16>, vector<32x32xbf16> -> vector<96x32xbf16>
      %get3A_48 = arith.constant 0 : index
      %get3A_49 = arith.constant 0 : index
      %get3A_50 = vector.load %arg3[%get3A_48, %get3A_49] : memref<128x96xbf16, #tpu.memory_space<vmem>>, vector<128x96xbf16>
      %dot_general3A = arith.constant dense<0.000000e+00> : vector<128x32xf32>
      %dot_general3A_51 = tpu.matmul %get3A_50, %concatenate3A, %dot_general3A {dimension_numbers = #tpu.dot_dimension_numbers<[1], [0], [0], [1], [0, 0, 1, 1], [], []>, transpose_lhs_hint = false} : vector<128x96xbf16>, vector<96x32xbf16>, vector<128x32xf32> -> vector<128x32xf32>
      %get3A_52 = arith.constant 0 : index
      %get3A_53 = arith.constant 0 : index
      %get3A_54 = vector.load %arg5[%get3A_52, %get3A_53] : memref<128x1xf32, #tpu.memory_space<vmem>>, vector<128x1xf32>
      %add3A = vector.broadcast %get3A_54 : vector<128x1xf32> to vector<128x32xf32>
      %add3A_55 = arith.addf %dot_general3A_51, %add3A : vector<128x32xf32>
      %get3A_56 = arith.constant 0 : index
      %get3A_57 = arith.constant 0 : index
      %get3A_58 = vector.load %arg4[%get3A_56, %get3A_57] : memref<128x96xbf16, #tpu.memory_space<vmem>>, vector<128x96xbf16>
      %dot_general3A_59 = arith.constant dense<0.000000e+00> : vector<128x32xf32>
      %dot_general3A_60 = tpu.matmul %get3A_58, %concatenate3A_47, %dot_general3A_59 {dimension_numbers = #tpu.dot_dimension_numbers<[1], [0], [0], [1], [0, 0, 1, 1], [], []>, transpose_lhs_hint = false} : vector<128x96xbf16>, vector<96x32xbf16>, vector<128x32xf32> -> vector<128x32xf32>
      %get3A_61 = arith.constant 0 : index
      %get3A_62 = arith.constant 0 : index
      %get3A_63 = vector.load %arg6[%get3A_61, %get3A_62] : memref<128x1xf32, #tpu.memory_space<vmem>>, vector<128x1xf32>
      %add3A_64 = vector.broadcast %get3A_63 : vector<128x1xf32> to vector<128x32xf32>
      %add3A_65 = arith.addf %dot_general3A_60, %add3A_64 : vector<128x32xf32>
      %slice3A = vector.extract_strided_slice %add3A_55 {offsets = [0, 0], sizes = [32, 32], strides = [1, 1]} : vector<128x32xf32> to vector<32x32xf32>
      %logistic3A = arith.negf %slice3A : vector<32x32xf32>
      %logistic3A_66 = math.exp %logistic3A : vector<32x32xf32>
      %logistic3A_67 = arith.constant 1.000000e+00 : f32
      %logistic3A_68 = vector.broadcast %logistic3A_67 : f32 to vector<32x32xf32>
      %logistic3A_69 = arith.addf %logistic3A_68, %logistic3A_66 : vector<32x32xf32>
      %logistic3A_70 = arith.divf %logistic3A_68, %logistic3A_69 : vector<32x32xf32>
      %slice3A_71 = vector.extract_strided_slice %add3A_55 {offsets = [32, 0], sizes = [32, 32], strides = [1, 1]} : vector<128x32xf32> to vector<32x32xf32>
      %logistic3A_72 = arith.negf %slice3A_71 : vector<32x32xf32>
      %logistic3A_73 = math.exp %logistic3A_72 : vector<32x32xf32>
      %logistic3A_74 = arith.constant 1.000000e+00 : f32
      %logistic3A_75 = vector.broadcast %logistic3A_74 : f32 to vector<32x32xf32>
      %logistic3A_76 = arith.addf %logistic3A_75, %logistic3A_73 : vector<32x32xf32>
      %logistic3A_77 = arith.divf %logistic3A_75, %logistic3A_76 : vector<32x32xf32>
      %slice3A_78 = vector.extract_strided_slice %add3A_55 {offsets = [64, 0], sizes = [32, 32], strides = [1, 1]} : vector<128x32xf32> to vector<32x32xf32>
      %tanh3A = math.tanh %slice3A_78 : vector<32x32xf32>
      %slice3A_79 = vector.extract_strided_slice %add3A_55 {offsets = [96, 0], sizes = [32, 32], strides = [1, 1]} : vector<128x32xf32> to vector<32x32xf32>
      %logistic3A_80 = arith.negf %slice3A_79 : vector<32x32xf32>
      %logistic3A_81 = math.exp %logistic3A_80 : vector<32x32xf32>
      %logistic3A_82 = arith.constant 1.000000e+00 : f32
      %logistic3A_83 = vector.broadcast %logistic3A_82 : f32 to vector<32x32xf32>
      %logistic3A_84 = arith.addf %logistic3A_83, %logistic3A_81 : vector<32x32xf32>
      %logistic3A_85 = arith.divf %logistic3A_83, %logistic3A_84 : vector<32x32xf32>
      %mul3A = arith.mulf %logistic3A_77, %scan3A_31 : vector<32x32xf32>
      %mul3A_86 = arith.mulf %logistic3A_70, %tanh3A : vector<32x32xf32>
      %add3A_87 = arith.addf %mul3A, %mul3A_86 : vector<32x32xf32>
      %tanh3A_88 = math.tanh %add3A_87 : vector<32x32xf32>
      %mul3A_89 = arith.mulf %logistic3A_85, %tanh3A_88 : vector<32x32xf32>
      %slice3A_90 = vector.extract_strided_slice %add3A_65 {offsets = [0, 0], sizes = [32, 32], strides = [1, 1]} : vector<128x32xf32> to vector<32x32xf32>
      %logistic3A_91 = arith.negf %slice3A_90 : vector<32x32xf32>
      %logistic3A_92 = math.exp %logistic3A_91 : vector<32x32xf32>
      %logistic3A_93 = arith.constant 1.000000e+00 : f32
      %logistic3A_94 = vector.broadcast %logistic3A_93 : f32 to vector<32x32xf32>
      %logistic3A_95 = arith.addf %logistic3A_94, %logistic3A_92 : vector<32x32xf32>
      %logistic3A_96 = arith.divf %logistic3A_94, %logistic3A_95 : vector<32x32xf32>
      %slice3A_97 = vector.extract_strided_slice %add3A_65 {offsets = [32, 0], sizes = [32, 32], strides = [1, 1]} : vector<128x32xf32> to vector<32x32xf32>
      %logistic3A_98 = arith.negf %slice3A_97 : vector<32x32xf32>
      %logistic3A_99 = math.exp %logistic3A_98 : vector<32x32xf32>
      %logistic3A_100 = arith.constant 1.000000e+00 : f32
      %logistic3A_101 = vector.broadcast %logistic3A_100 : f32 to vector<32x32xf32>
      %logistic3A_102 = arith.addf %logistic3A_101, %logistic3A_99 : vector<32x32xf32>
      %logistic3A_103 = arith.divf %logistic3A_101, %logistic3A_102 : vector<32x32xf32>
      %slice3A_104 = vector.extract_strided_slice %add3A_65 {offsets = [64, 0], sizes = [32, 32], strides = [1, 1]} : vector<128x32xf32> to vector<32x32xf32>
      %tanh3A_105 = math.tanh %slice3A_104 : vector<32x32xf32>
      %slice3A_106 = vector.extract_strided_slice %add3A_65 {offsets = [96, 0], sizes = [32, 32], strides = [1, 1]} : vector<128x32xf32> to vector<32x32xf32>
      %logistic3A_107 = arith.negf %slice3A_106 : vector<32x32xf32>
      %logistic3A_108 = math.exp %logistic3A_107 : vector<32x32xf32>
      %logistic3A_109 = arith.constant 1.000000e+00 : f32
      %logistic3A_110 = vector.broadcast %logistic3A_109 : f32 to vector<32x32xf32>
      %logistic3A_111 = arith.addf %logistic3A_110, %logistic3A_108 : vector<32x32xf32>
      %logistic3A_112 = arith.divf %logistic3A_110, %logistic3A_111 : vector<32x32xf32>
      %mul3A_113 = arith.mulf %logistic3A_103, %scan3A_33 : vector<32x32xf32>
      %mul3A_114 = arith.mulf %logistic3A_96, %tanh3A_105 : vector<32x32xf32>
      %add3A_115 = arith.addf %mul3A_113, %mul3A_114 : vector<32x32xf32>
      %tanh3A_116 = math.tanh %add3A_115 : vector<32x32xf32>
      %mul3A_117 = arith.mulf %logistic3A_112, %tanh3A_116 : vector<32x32xf32>
      %swap3A_118 = arith.index_cast %scan3A_29 : i32 to index
      %swap3A_119 = arith.constant 0 : index
      %swap3A_120 = arith.constant 0 : index
      %swap3A_121 = vector.load %arg7[%swap3A_118, %swap3A_119, %swap3A_120] : memref<200x32x32xf32, #tpu.memory_space<vmem>>, vector<1x32x32xf32>
      %swap3A_122 = vector.shape_cast %swap3A_121 : vector<1x32x32xf32> to vector<32x32xf32>
      %swap3A_123 = vector.shape_cast %mul3A_89 : vector<32x32xf32> to vector<1x32x32xf32>
      tpu.vector_store %arg7[%swap3A_118, %swap3A_119, %swap3A_120], %swap3A_123 {strides = array<i32>} : memref<200x32x32xf32, #tpu.memory_space<vmem>>, vector<1x32x32xf32>,
      %swap3A_124 = arith.index_cast %sub3A_34 : i32 to index
      %swap3A_125 = arith.constant 0 : index
      %swap3A_126 = arith.constant 0 : index
      %swap3A_127 = vector.load %arg8[%swap3A_124, %swap3A_125, %swap3A_126] : memref<200x32x32xf32, #tpu.memory_space<vmem>>, vector<1x32x32xf32>
      %swap3A_128 = vector.shape_cast %swap3A_127 : vector<1x32x32xf32> to vector<32x32xf32>
      %swap3A_129 = vector.shape_cast %mul3A_117 : vector<32x32xf32> to vector<1x32x32xf32>
      tpu.vector_store %arg8[%swap3A_124, %swap3A_125, %swap3A_126], %swap3A_129 {strides = array<i32>} : memref<200x32x32xf32, #tpu.memory_space<vmem>>, vector<1x32x32xf32>,
      scf.yield %mul3A_89, %add3A_87, %mul3A_117, %add3A_115 : vector<32x32xf32>, vector<32x32xf32>, vector<32x32xf32>, vector<32x32xf32>
    }
    %scan3A_17 = arith.constant 200 : i32
    %swap3A = arith.constant 0 : index
    %swap3A_18 = arith.constant 0 : index
    %swap3A_19 = vector.load %arg9[%swap3A, %swap3A_18] : memref<32x32xf32, #tpu.memory_space<vmem>>, vector<32x32xf32>
    tpu.vector_store %arg9[%swap3A, %swap3A_18], %scan3A_16#0 {strides = array<i32>} : memref<32x32xf32, #tpu.memory_space<vmem>>, vector<32x32xf32>,
    %swap3A_20 = arith.constant 0 : index
    %swap3A_21 = arith.constant 0 : index
    %swap3A_22 = vector.load %arg10[%swap3A_20, %swap3A_21] : memref<32x32xf32, #tpu.memory_space<vmem>>, vector<32x32xf32>
    tpu.vector_store %arg10[%swap3A_20, %swap3A_21], %scan3A_16#1 {strides = array<i32>} : memref<32x32xf32, #tpu.memory_space<vmem>>, vector<32x32xf32>,
    %swap3A_23 = arith.constant 0 : index
    %swap3A_24 = arith.constant 0 : index
    %swap3A_25 = vector.load %arg11[%swap3A_23, %swap3A_24] : memref<32x32xf32, #tpu.memory_space<vmem>>, vector<32x32xf32>
    tpu.vector_store %arg11[%swap3A_23, %swap3A_24], %scan3A_16#2 {strides = array<i32>} : memref<32x32xf32, #tpu.memory_space<vmem>>, vector<32x32xf32>,
    %swap3A_26 = arith.constant 0 : index
    %swap3A_27 = arith.constant 0 : index
    %swap3A_28 = vector.load %arg12[%swap3A_26, %swap3A_27] : memref<32x32xf32, #tpu.memory_space<vmem>>, vector<32x32xf32>
    tpu.vector_store %arg12[%swap3A_26, %swap3A_27], %scan3A_16#3 {strides = array<i32>} : memref<32x32xf32, #tpu.memory_space<vmem>>, vector<32x32xf32>,
    return
  }
  func.func @transform_0(%arg0: i32) -> (i32, i32, i32) {
    %c0_i32 = arith.constant 0 : i32
    %c0_i32_0 = arith.constant 0 : i32
    %c0_i32_1 = arith.constant 0 : i32
    return %arg0, %c0_i32, %c0_i32_0 : i32, i32, i32
  }
  func.func @transform_1(%arg0: i32) -> (i32, i32, i32) {
    %sub3A = arith.constant 9 : i32
    %sub3A_0 = arith.subi %sub3A, %arg0 : i32
    %c0_i32 = arith.constant 0 : i32
    %c0_i32_1 = arith.constant 0 : i32
    %c0_i32_2 = arith.constant 0 : i32
    return %sub3A_0, %c0_i32, %c0_i32_1 : i32, i32, i32
  }
  func.func @transform_2(%arg0: i32) -> (i32, i32) {
    %c0_i32 = arith.constant 0 : i32
    %c0_i32_0 = arith.constant 0 : i32
    %c0_i32_1 = arith.constant 0 : i32
    return %c0_i32, %c0_i32_0 : i32, i32
  }
  func.func @transform_3(%arg0: i32) -> (i32, i32) {
    %c0_i32 = arith.constant 0 : i32
    %c0_i32_0 = arith.constant 0 : i32
    %c0_i32_1 = arith.constant 0 : i32
    return %c0_i32, %c0_i32_0 : i32, i32
  }
  func.func @transform_4(%arg0: i32) -> (i32, i32) {
    %c0_i32 = arith.constant 0 : i32
    %c0_i32_0 = arith.constant 0 : i32
    %c0_i32_1 = arith.constant 0 : i32
    return %c0_i32, %c0_i32_0 : i32, i32
  }
  func.func @transform_5(%arg0: i32) -> (i32, i32) {
    %c0_i32 = arith.constant 0 : i32
    %c0_i32_0 = arith.constant 0 : i32
    %c0_i32_1 = arith.constant 0 : i32
    return %c0_i32, %c0_i32_0 : i32, i32
  }
  func.func @transform_6(%arg0: i32) -> (i32, i32, i32) {
    %c0_i32 = arith.constant 0 : i32
    %c0_i32_0 = arith.constant 0 : i32
    %c0_i32_1 = arith.constant 0 : i32
    return %arg0, %c0_i32, %c0_i32_0 : i32, i32, i32
  }
  func.func @transform_7(%arg0: i32) -> (i32, i32, i32) {
    %sub3A = arith.constant 9 : i32
    %sub3A_0 = arith.subi %sub3A, %arg0 : i32
    %c0_i32 = arith.constant 0 : i32
    %c0_i32_1 = arith.constant 0 : i32
    %c0_i32_2 = arith.constant 0 : i32
    return %sub3A_0, %c0_i32, %c0_i32_1 : i32, i32, i32
  }
}

module attributes {stable_mosaic.version = 14 : i64} {
  func.func @_hw1_body(%arg0: i32, %arg1: memref<2000x64xf32, #tpu.memory_space<vmem>>, %arg2: memref<2000x2xf32, #tpu.memory_space<vmem>>, %arg3: memref<64x64xf32, #tpu.memory_space<vmem>>, %arg4: memref<2x2000x32xf32, #tpu.memory_space<vmem>>) attributes {dimension_semantics = [#tpu.dimension_semantics<arbitrary>], iteration_bounds = array<i64: 25>, scalar_prefetch = 0 : i64, scratch_operands = 0 : i64, tpu.core_type = #tpu.core_type<tc>, window_params = [{transform_indices = @transform_0, window_bounds = array<i64: 2000, 64>}, {transform_indices = @transform_1, window_bounds = array<i64: 2000, 2>}, {pipeline_mode = #tpu.pipeline_mode<synchronous>, transform_indices = @transform_2, window_bounds = array<i64: 64, 64>}, {transform_indices = @transform_3, window_bounds = array<i64: 2, 2000, 32>}]} {
    %get3A = arith.constant 0 : index
    %get3A_0 = arith.constant 0 : index
    %get3A_1 = vector.load %arg2[%get3A, %get3A_0] : memref<2000x2xf32, #tpu.memory_space<vmem>>, vector<2000x1xf32>
    %get3A_2 = arith.constant 0 : index
    %get3A_3 = arith.constant 1 : index
    %get3A_4 = vector.load %arg2[%get3A_2, %get3A_3] : memref<2000x2xf32, #tpu.memory_space<vmem>>, vector<2000x1xf32>
    %add3A = arith.addf %get3A_1, %get3A_4 : vector<2000x1xf32>
    %add3A_5 = arith.constant 1.000000e+00 : f32
    %add3A_6 = vector.broadcast %add3A_5 : f32 to vector<2000x1xf32>
    %add3A_7 = arith.addf %add3A, %add3A_6 : vector<2000x1xf32>
    %rsqrt3A = math.rsqrt %add3A_7 : vector<2000x1xf32>
    %get3A_8 = arith.constant 0 : index
    %get3A_9 = arith.constant 0 : index
    %get3A_10 = vector.load %arg1[%get3A_8, %get3A_9] : memref<2000x64xf32, #tpu.memory_space<vmem>>, vector<2000x64xf32>
    %get3A_11 = arith.constant 0 : index
    %get3A_12 = arith.constant 0 : index
    %get3A_13 = vector.load %arg3[%get3A_11, %get3A_12] : memref<64x64xf32, #tpu.memory_space<vmem>>, vector<64x64xf32>
    %dot_general3A = arith.constant dense<0.000000e+00> : vector<2000x64xf32>
    %dot_general3A_14 = tpu.matmul %get3A_10, %get3A_13, %dot_general3A {dimension_numbers = #tpu.dot_dimension_numbers<[1], [0], [0], [1], [0, 0, 1, 1], [], []>, transpose_lhs_hint = false} : vector<2000x64xf32>, vector<64x64xf32>, vector<2000x64xf32> -> vector<2000x64xf32>
    %mul3A = vector.broadcast %rsqrt3A : vector<2000x1xf32> to vector<2000x64xf32>
    %mul3A_15 = arith.mulf %dot_general3A_14, %mul3A : vector<2000x64xf32>
    %slice3A = vector.extract_strided_slice %mul3A_15 {offsets = [0, 0], sizes = [2000, 32], strides = [1, 1]} : vector<2000x64xf32> to vector<2000x32xf32>
    %swap3A = arith.constant 0 : index
    %swap3A_16 = arith.constant 0 : index
    %swap3A_17 = arith.constant 0 : index
    %swap3A_18 = vector.load %arg4[%swap3A, %swap3A_16, %swap3A_17] : memref<2x2000x32xf32, #tpu.memory_space<vmem>>, vector<1x2000x32xf32>
    %swap3A_19 = vector.shape_cast %swap3A_18 : vector<1x2000x32xf32> to vector<2000x32xf32>
    %swap3A_20 = vector.shape_cast %slice3A : vector<2000x32xf32> to vector<1x2000x32xf32>
    tpu.vector_store %arg4[%swap3A, %swap3A_16, %swap3A_17], %swap3A_20 {strides = array<i32>} : memref<2x2000x32xf32, #tpu.memory_space<vmem>>, vector<1x2000x32xf32>,
    %slice3A_21 = vector.extract_strided_slice %mul3A_15 {offsets = [0, 32], sizes = [2000, 32], strides = [1, 1]} : vector<2000x64xf32> to vector<2000x32xf32>
    %swap3A_22 = arith.constant 1 : index
    %swap3A_23 = arith.constant 0 : index
    %swap3A_24 = arith.constant 0 : index
    %swap3A_25 = vector.load %arg4[%swap3A_22, %swap3A_23, %swap3A_24] : memref<2x2000x32xf32, #tpu.memory_space<vmem>>, vector<1x2000x32xf32>
    %swap3A_26 = vector.shape_cast %swap3A_25 : vector<1x2000x32xf32> to vector<2000x32xf32>
    %swap3A_27 = vector.shape_cast %slice3A_21 : vector<2000x32xf32> to vector<1x2000x32xf32>
    tpu.vector_store %arg4[%swap3A_22, %swap3A_23, %swap3A_24], %swap3A_27 {strides = array<i32>} : memref<2x2000x32xf32, #tpu.memory_space<vmem>>, vector<1x2000x32xf32>,
    return
  }
  func.func @transform_0(%arg0: i32) -> (i32, i32) {
    %c0_i32 = arith.constant 0 : i32
    %c0_i32_0 = arith.constant 0 : i32
    return %arg0, %c0_i32 : i32, i32
  }
  func.func @transform_1(%arg0: i32) -> (i32, i32) {
    %c0_i32 = arith.constant 0 : i32
    %c0_i32_0 = arith.constant 0 : i32
    return %arg0, %c0_i32 : i32, i32
  }
  func.func @transform_2(%arg0: i32) -> (i32, i32) {
    %c0_i32 = arith.constant 0 : i32
    %c0_i32_0 = arith.constant 0 : i32
    %c0_i32_1 = arith.constant 0 : i32
    return %c0_i32, %c0_i32_0 : i32, i32
  }
  func.func @transform_3(%arg0: i32) -> (i32, i32, i32) {
    %c0_i32 = arith.constant 0 : i32
    %c0_i32_0 = arith.constant 0 : i32
    %c0_i32_1 = arith.constant 0 : i32
    return %c0_i32, %arg0, %c0_i32_0 : i32, i32, i32
  }
}

module attributes {stable_mosaic.version = 14 : i64} {
  func.func @_mid_body(%arg0: i32, %arg1: memref<2x2000x32xf32, #tpu.memory_space<vmem>>, %arg2: memref<2x2000x32xf32, #tpu.memory_space<vmem>>, %arg3: memref<2000x2xf32, #tpu.memory_space<vmem>>, %arg4: memref<64x64xf32, #tpu.memory_space<vmem>>, %arg5: memref<1x64xf32, #tpu.memory_space<vmem>>, %arg6: memref<2x2000x32xf32, #tpu.memory_space<vmem>>) attributes {dimension_semantics = [#tpu.dimension_semantics<arbitrary>], iteration_bounds = array<i64: 25>, scalar_prefetch = 0 : i64, scratch_operands = 0 : i64, tpu.core_type = #tpu.core_type<tc>, window_params = [{transform_indices = @transform_0, window_bounds = array<i64: 2, 2000, 32>}, {transform_indices = @transform_1, window_bounds = array<i64: 2, 2000, 32>}, {transform_indices = @transform_2, window_bounds = array<i64: 2000, 2>}, {pipeline_mode = #tpu.pipeline_mode<synchronous>, transform_indices = @transform_3, window_bounds = array<i64: 64, 64>}, {pipeline_mode = #tpu.pipeline_mode<synchronous>, transform_indices = @transform_4, window_bounds = array<i64: 1, 64>}, {transform_indices = @transform_5, window_bounds = array<i64: 2, 2000, 32>}]} {
    %get3A = arith.constant 0 : index
    %get3A_0 = arith.constant 0 : index
    %get3A_1 = vector.load %arg3[%get3A, %get3A_0] : memref<2000x2xf32, #tpu.memory_space<vmem>>, vector<2000x1xf32>
    %get3A_2 = arith.constant 0 : index
    %get3A_3 = arith.constant 1 : index
    %get3A_4 = vector.load %arg3[%get3A_2, %get3A_3] : memref<2000x2xf32, #tpu.memory_space<vmem>>, vector<2000x1xf32>
    %add3A = arith.addf %get3A_1, %get3A_4 : vector<2000x1xf32>
    %add3A_5 = arith.constant 1.000000e+00 : f32
    %add3A_6 = vector.broadcast %add3A_5 : f32 to vector<2000x1xf32>
    %add3A_7 = arith.addf %add3A, %add3A_6 : vector<2000x1xf32>
    %rsqrt3A = math.rsqrt %add3A_7 : vector<2000x1xf32>
    %get3A_8 = arith.constant 0 : index
    %get3A_9 = arith.constant 0 : index
    %get3A_10 = arith.constant 0 : index
    %get3A_11 = vector.load %arg1[%get3A_8, %get3A_9, %get3A_10] : memref<2x2000x32xf32, #tpu.memory_space<vmem>>, vector<1x2000x32xf32>
    %get3A_12 = vector.shape_cast %get3A_11 : vector<1x2000x32xf32> to vector<2000x32xf32>
    %get3A_13 = arith.constant 0 : index
    %get3A_14 = arith.constant 0 : index
    %get3A_15 = arith.constant 0 : index
    %get3A_16 = vector.load %arg2[%get3A_13, %get3A_14, %get3A_15] : memref<2x2000x32xf32, #tpu.memory_space<vmem>>, vector<1x2000x32xf32>
    %get3A_17 = vector.shape_cast %get3A_16 : vector<1x2000x32xf32> to vector<2000x32xf32>
    %add3A_18 = arith.addf %get3A_12, %get3A_17 : vector<2000x32xf32>
    %mul3A = vector.broadcast %rsqrt3A : vector<2000x1xf32> to vector<2000x32xf32>
    %mul3A_19 = arith.mulf %mul3A, %add3A_18 : vector<2000x32xf32>
    %get3A_20 = arith.constant 0 : index
    %get3A_21 = arith.constant 0 : index
    %get3A_22 = vector.load %arg5[%get3A_20, %get3A_21] : memref<1x64xf32, #tpu.memory_space<vmem>>, vector<1x32xf32>
    %add3A_23 = vector.broadcast %get3A_22 : vector<1x32xf32> to vector<2000x32xf32>
    %add3A_24 = arith.addf %mul3A_19, %add3A_23 : vector<2000x32xf32>
    %max3A = arith.constant 0.000000e+00 : f32
    %max3A_25 = vector.broadcast %max3A : f32 to vector<2000x32xf32>
    %max3A_26 = arith.maximumf %add3A_24, %max3A_25 : vector<2000x32xf32>
    %get3A_27 = arith.constant 1 : index
    %get3A_28 = arith.constant 0 : index
    %get3A_29 = arith.constant 0 : index
    %get3A_30 = vector.load %arg1[%get3A_27, %get3A_28, %get3A_29] : memref<2x2000x32xf32, #tpu.memory_space<vmem>>, vector<1x2000x32xf32>
    %get3A_31 = vector.shape_cast %get3A_30 : vector<1x2000x32xf32> to vector<2000x32xf32>
    %get3A_32 = arith.constant 1 : index
    %get3A_33 = arith.constant 0 : index
    %get3A_34 = arith.constant 0 : index
    %get3A_35 = vector.load %arg2[%get3A_32, %get3A_33, %get3A_34] : memref<2x2000x32xf32, #tpu.memory_space<vmem>>, vector<1x2000x32xf32>
    %get3A_36 = vector.shape_cast %get3A_35 : vector<1x2000x32xf32> to vector<2000x32xf32>
    %add3A_37 = arith.addf %get3A_31, %get3A_36 : vector<2000x32xf32>
    %mul3A_38 = vector.broadcast %rsqrt3A : vector<2000x1xf32> to vector<2000x32xf32>
    %mul3A_39 = arith.mulf %mul3A_38, %add3A_37 : vector<2000x32xf32>
    %get3A_40 = arith.constant 0 : index
    %get3A_41 = arith.constant 32 : index
    %get3A_42 = vector.load %arg5[%get3A_40, %get3A_41] : memref<1x64xf32, #tpu.memory_space<vmem>>, vector<1x32xf32>
    %add3A_43 = vector.broadcast %get3A_42 : vector<1x32xf32> to vector<2000x32xf32>
    %add3A_44 = arith.addf %mul3A_39, %add3A_43 : vector<2000x32xf32>
    %max3A_45 = arith.constant 0.000000e+00 : f32
    %max3A_46 = vector.broadcast %max3A_45 : f32 to vector<2000x32xf32>
    %max3A_47 = arith.maximumf %add3A_44, %max3A_46 : vector<2000x32xf32>
    %get3A_48 = arith.constant 0 : index
    %get3A_49 = arith.constant 0 : index
    %get3A_50 = vector.load %arg4[%get3A_48, %get3A_49] : memref<64x64xf32, #tpu.memory_space<vmem>>, vector<32x64xf32>
    %dot_general3A = arith.constant dense<0.000000e+00> : vector<2000x64xf32>
    %dot_general3A_51 = tpu.matmul %max3A_26, %get3A_50, %dot_general3A {dimension_numbers = #tpu.dot_dimension_numbers<[1], [0], [0], [1], [0, 0, 1, 1], [], []>, transpose_lhs_hint = false} : vector<2000x32xf32>, vector<32x64xf32>, vector<2000x64xf32> -> vector<2000x64xf32>
    %get3A_52 = arith.constant 32 : index
    %get3A_53 = arith.constant 0 : index
    %get3A_54 = vector.load %arg4[%get3A_52, %get3A_53] : memref<64x64xf32, #tpu.memory_space<vmem>>, vector<32x64xf32>
    %dot_general3A_55 = arith.constant dense<0.000000e+00> : vector<2000x64xf32>
    %dot_general3A_56 = tpu.matmul %max3A_47, %get3A_54, %dot_general3A_55 {dimension_numbers = #tpu.dot_dimension_numbers<[1], [0], [0], [1], [0, 0, 1, 1], [], []>, transpose_lhs_hint = false} : vector<2000x32xf32>, vector<32x64xf32>, vector<2000x64xf32> -> vector<2000x64xf32>
    %add3A_57 = arith.addf %dot_general3A_51, %dot_general3A_56 : vector<2000x64xf32>
    %mul3A_58 = vector.broadcast %rsqrt3A : vector<2000x1xf32> to vector<2000x64xf32>
    %mul3A_59 = arith.mulf %add3A_57, %mul3A_58 : vector<2000x64xf32>
    %slice3A = vector.extract_strided_slice %mul3A_59 {offsets = [0, 0], sizes = [2000, 32], strides = [1, 1]} : vector<2000x64xf32> to vector<2000x32xf32>
    %swap3A = arith.constant 0 : index
    %swap3A_60 = arith.constant 0 : index
    %swap3A_61 = arith.constant 0 : index
    %swap3A_62 = vector.load %arg6[%swap3A, %swap3A_60, %swap3A_61] : memref<2x2000x32xf32, #tpu.memory_space<vmem>>, vector<1x2000x32xf32>
    %swap3A_63 = vector.shape_cast %swap3A_62 : vector<1x2000x32xf32> to vector<2000x32xf32>
    %swap3A_64 = vector.shape_cast %slice3A : vector<2000x32xf32> to vector<1x2000x32xf32>
    tpu.vector_store %arg6[%swap3A, %swap3A_60, %swap3A_61], %swap3A_64 {strides = array<i32>} : memref<2x2000x32xf32, #tpu.memory_space<vmem>>, vector<1x2000x32xf32>,
    %slice3A_65 = vector.extract_strided_slice %mul3A_59 {offsets = [0, 32], sizes = [2000, 32], strides = [1, 1]} : vector<2000x64xf32> to vector<2000x32xf32>
    %swap3A_66 = arith.constant 1 : index
    %swap3A_67 = arith.constant 0 : index
    %swap3A_68 = arith.constant 0 : index
    %swap3A_69 = vector.load %arg6[%swap3A_66, %swap3A_67, %swap3A_68] : memref<2x2000x32xf32, #tpu.memory_space<vmem>>, vector<1x2000x32xf32>
    %swap3A_70 = vector.shape_cast %swap3A_69 : vector<1x2000x32xf32> to vector<2000x32xf32>
    %swap3A_71 = vector.shape_cast %slice3A_65 : vector<2000x32xf32> to vector<1x2000x32xf32>
    tpu.vector_store %arg6[%swap3A_66, %swap3A_67, %swap3A_68], %swap3A_71 {strides = array<i32>} : memref<2x2000x32xf32, #tpu.memory_space<vmem>>, vector<1x2000x32xf32>,
    return
  }
  func.func @transform_0(%arg0: i32) -> (i32, i32, i32) {
    %c0_i32 = arith.constant 0 : i32
    %c0_i32_0 = arith.constant 0 : i32
    %c0_i32_1 = arith.constant 0 : i32
    return %c0_i32, %arg0, %c0_i32_0 : i32, i32, i32
  }
  func.func @transform_1(%arg0: i32) -> (i32, i32, i32) {
    %c0_i32 = arith.constant 0 : i32
    %c0_i32_0 = arith.constant 0 : i32
    %c0_i32_1 = arith.constant 0 : i32
    return %c0_i32, %arg0, %c0_i32_0 : i32, i32, i32
  }
  func.func @transform_2(%arg0: i32) -> (i32, i32) {
    %c0_i32 = arith.constant 0 : i32
    %c0_i32_0 = arith.constant 0 : i32
    return %arg0, %c0_i32 : i32, i32
  }
  func.func @transform_3(%arg0: i32) -> (i32, i32) {
    %c0_i32 = arith.constant 0 : i32
    %c0_i32_0 = arith.constant 0 : i32
    %c0_i32_1 = arith.constant 0 : i32
    return %c0_i32, %c0_i32_0 : i32, i32
  }
  func.func @transform_4(%arg0: i32) -> (i32, i32) {
    %c0_i32 = arith.constant 0 : i32
    %c0_i32_0 = arith.constant 0 : i32
    %c0_i32_1 = arith.constant 0 : i32
    return %c0_i32, %c0_i32_0 : i32, i32
  }
  func.func @transform_5(%arg0: i32) -> (i32, i32, i32) {
    %c0_i32 = arith.constant 0 : i32
    %c0_i32_0 = arith.constant 0 : i32
    %c0_i32_1 = arith.constant 0 : i32
    return %c0_i32, %arg0, %c0_i32_0 : i32, i32, i32
  }
}

module attributes {stable_mosaic.version = 14 : i64} {
  func.func @_fin_body(%arg0: i32, %arg1: memref<2000x64xf32, #tpu.memory_space<vmem>>, %arg2: memref<2x2000x32xf32, #tpu.memory_space<vmem>>, %arg3: memref<2x2000x32xf32, #tpu.memory_space<vmem>>, %arg4: memref<2000x2xf32, #tpu.memory_space<vmem>>, %arg5: memref<128x9xf32, #tpu.memory_space<vmem>>, %arg6: memref<1x64xf32, #tpu.memory_space<vmem>>, %arg7: memref<1x9xf32, #tpu.memory_space<vmem>>, %arg8: memref<2000x9xf32, #tpu.memory_space<vmem>>) attributes {dimension_semantics = [#tpu.dimension_semantics<arbitrary>], iteration_bounds = array<i64: 25>, scalar_prefetch = 0 : i64, scratch_operands = 0 : i64, tpu.core_type = #tpu.core_type<tc>, window_params = [{transform_indices = @transform_0, window_bounds = array<i64: 2000, 64>}, {transform_indices = @transform_1, window_bounds = array<i64: 2, 2000, 32>}, {transform_indices = @transform_2, window_bounds = array<i64: 2, 2000, 32>}, {transform_indices = @transform_3, window_bounds = array<i64: 2000, 2>}, {pipeline_mode = #tpu.pipeline_mode<synchronous>, transform_indices = @transform_4, window_bounds = array<i64: 128, 9>}, {pipeline_mode = #tpu.pipeline_mode<synchronous>, transform_indices = @transform_5, window_bounds = array<i64: 1, 64>}, {pipeline_mode = #tpu.pipeline_mode<synchronous>, transform_indices = @transform_6, window_bounds = array<i64: 1, 9>}, {transform_indices = @transform_7, window_bounds = array<i64: 2000, 9>}]} {
    %get3A = arith.constant 0 : index
    %get3A_0 = arith.constant 0 : index
    %get3A_1 = vector.load %arg4[%get3A, %get3A_0] : memref<2000x2xf32, #tpu.memory_space<vmem>>, vector<2000x1xf32>
    %get3A_2 = arith.constant 0 : index
    %get3A_3 = arith.constant 1 : index
    %get3A_4 = vector.load %arg4[%get3A_2, %get3A_3] : memref<2000x2xf32, #tpu.memory_space<vmem>>, vector<2000x1xf32>
    %add3A = arith.addf %get3A_1, %get3A_4 : vector<2000x1xf32>
    %add3A_5 = arith.constant 1.000000e+00 : f32
    %add3A_6 = vector.broadcast %add3A_5 : f32 to vector<2000x1xf32>
    %add3A_7 = arith.addf %add3A, %add3A_6 : vector<2000x1xf32>
    %rsqrt3A = math.rsqrt %add3A_7 : vector<2000x1xf32>
    %get3A_8 = arith.constant 0 : index
    %get3A_9 = arith.constant 0 : index
    %get3A_10 = arith.constant 0 : index
    %get3A_11 = vector.load %arg2[%get3A_8, %get3A_9, %get3A_10] : memref<2x2000x32xf32, #tpu.memory_space<vmem>>, vector<1x2000x32xf32>
    %get3A_12 = vector.shape_cast %get3A_11 : vector<1x2000x32xf32> to vector<2000x32xf32>
    %get3A_13 = arith.constant 0 : index
    %get3A_14 = arith.constant 0 : index
    %get3A_15 = arith.constant 0 : index
    %get3A_16 = vector.load %arg3[%get3A_13, %get3A_14, %get3A_15] : memref<2x2000x32xf32, #tpu.memory_space<vmem>>, vector<1x2000x32xf32>
    %get3A_17 = vector.shape_cast %get3A_16 : vector<1x2000x32xf32> to vector<2000x32xf32>
    %add3A_18 = arith.addf %get3A_12, %get3A_17 : vector<2000x32xf32>
    %mul3A = vector.broadcast %rsqrt3A : vector<2000x1xf32> to vector<2000x32xf32>
    %mul3A_19 = arith.mulf %mul3A, %add3A_18 : vector<2000x32xf32>
    %get3A_20 = arith.constant 0 : index
    %get3A_21 = arith.constant 0 : index
    %get3A_22 = vector.load %arg6[%get3A_20, %get3A_21] : memref<1x64xf32, #tpu.memory_space<vmem>>, vector<1x32xf32>
    %add3A_23 = vector.broadcast %get3A_22 : vector<1x32xf32> to vector<2000x32xf32>
    %add3A_24 = arith.addf %mul3A_19, %add3A_23 : vector<2000x32xf32>
    %get3A_25 = arith.constant 1 : index
    %get3A_26 = arith.constant 0 : index
    %get3A_27 = arith.constant 0 : index
    %get3A_28 = vector.load %arg2[%get3A_25, %get3A_26, %get3A_27] : memref<2x2000x32xf32, #tpu.memory_space<vmem>>, vector<1x2000x32xf32>
    %get3A_29 = vector.shape_cast %get3A_28 : vector<1x2000x32xf32> to vector<2000x32xf32>
    %get3A_30 = arith.constant 1 : index
    %get3A_31 = arith.constant 0 : index
    %get3A_32 = arith.constant 0 : index
    %get3A_33 = vector.load %arg3[%get3A_30, %get3A_31, %get3A_32] : memref<2x2000x32xf32, #tpu.memory_space<vmem>>, vector<1x2000x32xf32>
    %get3A_34 = vector.shape_cast %get3A_33 : vector<1x2000x32xf32> to vector<2000x32xf32>
    %add3A_35 = arith.addf %get3A_29, %get3A_34 : vector<2000x32xf32>
    %mul3A_36 = vector.broadcast %rsqrt3A : vector<2000x1xf32> to vector<2000x32xf32>
    %mul3A_37 = arith.mulf %mul3A_36, %add3A_35 : vector<2000x32xf32>
    %get3A_38 = arith.constant 0 : index
    %get3A_39 = arith.constant 32 : index
    %get3A_40 = vector.load %arg6[%get3A_38, %get3A_39] : memref<1x64xf32, #tpu.memory_space<vmem>>, vector<1x32xf32>
    %add3A_41 = vector.broadcast %get3A_40 : vector<1x32xf32> to vector<2000x32xf32>
    %add3A_42 = arith.addf %mul3A_37, %add3A_41 : vector<2000x32xf32>
    %get3A_43 = arith.constant 0 : index
    %get3A_44 = arith.constant 0 : index
    %get3A_45 = vector.load %arg1[%get3A_43, %get3A_44] : memref<2000x64xf32, #tpu.memory_space<vmem>>, vector<2000x64xf32>
    %get3A_46 = arith.constant 0 : index
    %get3A_47 = arith.constant 0 : index
    %get3A_48 = vector.load %arg5[%get3A_46, %get3A_47] : memref<128x9xf32, #tpu.memory_space<vmem>>, vector<64x9xf32>
    %dot_general3A = arith.constant dense<0.000000e+00> : vector<2000x9xf32>
    %dot_general3A_49 = tpu.matmul %get3A_45, %get3A_48, %dot_general3A {dimension_numbers = #tpu.dot_dimension_numbers<[1], [0], [0], [1], [0, 0, 1, 1], [], []>, transpose_lhs_hint = false} : vector<2000x64xf32>, vector<64x9xf32>, vector<2000x9xf32> -> vector<2000x9xf32>
    %get3A_50 = arith.constant 64 : index
    %get3A_51 = arith.constant 0 : index
    %get3A_52 = vector.load %arg5[%get3A_50, %get3A_51] : memref<128x9xf32, #tpu.memory_space<vmem>>, vector<32x9xf32>
    %dot_general3A_53 = arith.constant dense<0.000000e+00> : vector<2000x9xf32>
    %dot_general3A_54 = tpu.matmul %add3A_24, %get3A_52, %dot_general3A_53 {dimension_numbers = #tpu.dot_dimension_numbers<[1], [0], [0], [1], [0, 0, 1, 1], [], []>, transpose_lhs_hint = false} : vector<2000x32xf32>, vector<32x9xf32>, vector<2000x9xf32> -> vector<2000x9xf32>
    %add3A_55 = arith.addf %dot_general3A_49, %dot_general3A_54 : vector<2000x9xf32>
    %get3A_56 = arith.constant 96 : index
    %get3A_57 = arith.constant 0 : index
    %get3A_58 = vector.load %arg5[%get3A_56, %get3A_57] : memref<128x9xf32, #tpu.memory_space<vmem>>, vector<32x9xf32>
    %dot_general3A_59 = arith.constant dense<0.000000e+00> : vector<2000x9xf32>
    %dot_general3A_60 = tpu.matmul %add3A_42, %get3A_58, %dot_general3A_59 {dimension_numbers = #tpu.dot_dimension_numbers<[1], [0], [0], [1], [0, 0, 1, 1], [], []>, transpose_lhs_hint = false} : vector<2000x32xf32>, vector<32x9xf32>, vector<2000x9xf32> -> vector<2000x9xf32>
    %add3A_61 = arith.addf %add3A_55, %dot_general3A_60 : vector<2000x9xf32>
    %get3A_62 = arith.constant 0 : index
    %get3A_63 = arith.constant 0 : index
    %get3A_64 = vector.load %arg7[%get3A_62, %get3A_63] : memref<1x9xf32, #tpu.memory_space<vmem>>, vector<1x9xf32>
    %add3A_65 = vector.broadcast %get3A_64 : vector<1x9xf32> to vector<2000x9xf32>
    %add3A_66 = arith.addf %add3A_61, %add3A_65 : vector<2000x9xf32>
    %swap3A = arith.constant 0 : index
    %swap3A_67 = arith.constant 0 : index
    %swap3A_68 = vector.load %arg8[%swap3A, %swap3A_67] : memref<2000x9xf32, #tpu.memory_space<vmem>>, vector<2000x9xf32>
    tpu.vector_store %arg8[%swap3A, %swap3A_67], %add3A_66 {strides = array<i32>} : memref<2000x9xf32, #tpu.memory_space<vmem>>, vector<2000x9xf32>,
    return
  }
  func.func @transform_0(%arg0: i32) -> (i32, i32) {
    %c0_i32 = arith.constant 0 : i32
    %c0_i32_0 = arith.constant 0 : i32
    return %arg0, %c0_i32 : i32, i32
  }
  func.func @transform_1(%arg0: i32) -> (i32, i32, i32) {
    %c0_i32 = arith.constant 0 : i32
    %c0_i32_0 = arith.constant 0 : i32
    %c0_i32_1 = arith.constant 0 : i32
    return %c0_i32, %arg0, %c0_i32_0 : i32, i32, i32
  }
  func.func @transform_2(%arg0: i32) -> (i32, i32, i32) {
    %c0_i32 = arith.constant 0 : i32
    %c0_i32_0 = arith.constant 0 : i32
    %c0_i32_1 = arith.constant 0 : i32
    return %c0_i32, %arg0, %c0_i32_0 : i32, i32, i32
  }
  func.func @transform_3(%arg0: i32) -> (i32, i32) {
    %c0_i32 = arith.constant 0 : i32
    %c0_i32_0 = arith.constant 0 : i32
    return %arg0, %c0_i32 : i32, i32
  }
  func.func @transform_4(%arg0: i32) -> (i32, i32) {
    %c0_i32 = arith.constant 0 : i32
    %c0_i32_0 = arith.constant 0 : i32
    %c0_i32_1 = arith.constant 0 : i32
    return %c0_i32, %c0_i32_0 : i32, i32
  }
  func.func @transform_5(%arg0: i32) -> (i32, i32) {
    %c0_i32 = arith.constant 0 : i32
    %c0_i32_0 = arith.constant 0 : i32
    %c0_i32_1 = arith.constant 0 : i32
    return %c0_i32, %c0_i32_0 : i32, i32
  }
  func.func @transform_6(%arg0: i32) -> (i32, i32) {
    %c0_i32 = arith.constant 0 : i32
    %c0_i32_0 = arith.constant 0 : i32
    %c0_i32_1 = arith.constant 0 : i32
    return %c0_i32, %c0_i32_0 : i32, i32
  }
  func.func @transform_7(%arg0: i32) -> (i32, i32) {
    %c0_i32 = arith.constant 0 : i32
    %c0_i32_0 = arith.constant 0 : i32
    return %arg0, %c0_i32 : i32, i32
  }
}

</mosaic_0001>

<sc_bundles>
// kernel: kernel.10.cloned.1.call-start
scs
__scs_entry_jumppad:
0x0: {  	(pc) =	sbr.rel $0x88, $3  }
0x1: {  	(tag) =	ssettag $0x0;
	lr =	simm.s32 $0x1  }
0x2: {  	[smem:$0x3F90] =	sst lr;
	_ =	strace $0xD0000000  }
0x3: {  	_ = 	snop  }
0x4: {  	_ = 	snop  }
0x5: {  	_ = 	snop  }
0x6: {  	_ = 	snop  }
0x7: {  	_ = 	snop  }
__scs_overlays_trampoline_lowered:
0x8: {  	[smem:$0x3F9F] =	sst s0  }
0x9: {  	[smem:$0x3FA0] =	sst s1  }
0xa: {  	[smem:$0x3FA1] =	sst s2  }
0xb: {  	[smem:$0x3FA2] =	sst s3  }
0xc: {  	[smem:$0x3FA3] =	sst s4  }
0xd: {  	[smem:$0x3FA4] =	sst s5  }
0xe: {  	[smem:$0x3FA5] =	sst s6  }
0xf: {  	[smem:$0x3FA6] =	sst s7  }
0x10: {  	[smem:$0x3FA7] =	sst s8  }
0x11: {  	[smem:$0x3FA8] =	sst s9;
	s0 =	simm.s32 @!p0 $0x0  }
0x12: {  	s1 =	sld [smem:$0x3F8E];
	s0 =	simm.s32 @p0 $0x1  }
0x13: {  	[smem:$0x3FA9] =	sst s0;
	s0 =	simm.s32 @!p1 $0x0  }
0x14: {  	s2 =	sld [smem:$0x3F8D];
	s0 =	simm.s32 @p1 $0x1  }
0x15: {  	[smem:$0x3FAA] =	sst s0;
	s0 =	simm.s32 @!p2 $0x0  }
0x16: {  	s3 =	sld [smem:$0x3FDB];
	s0 =	simm.s32 @p2 $0x1  }
0x17: {  	s4 =	simm.s32 $0x1BF5;
	[smem:$0x3FAC] =	sst s0  }
0x18: {  	s0 =	sld [smem:$0x3F8F];
	_ =	swait.ge [sflag:s4], $0x0  }
0x19: {  	s7 =	sld [smem:$0x3F90]  }
0x1a: {  	s8 =	sadd.s32 $0xFFFFE003, lr  }
0x1b: {  	s9 =	sadd.s32 $0xFFFFFEF7, lr;
	s5 =	simm.s32 $0xFFFFFFFF;
	p2 =	slt.u32 s8, $0xFFFFF086  }
0x1c: {  	p1 =	slt.u32 s9, $0xF7A;
	s5 =	simm.s32 @!p2 $0x0  }
0x1d: {  	s5 =	simm.s32 @p1 $0x1;
	p0 =	seq.s32 s7, s2  }
0x1e: {  	s7 =	smul.u32 @!p0 $0xF7A, s2;
	p2 =	seq.s32 @!p0 s5, $0x0  }
0x1f: {  	s9 =	smul.u32 $0xF7A, s1;
	s8 =	simm.s32 @!p0 $0x1BF5;
	p2 =	por !p2, p0  }
0x20: {  	[sflag:s8] =	ssyncset.s32 @!p0 $0xFFFFF086;
	s6 =	sadd.s32 @!p0 s3, s7;
	s7 =	simm.s32 @!p0 $0x108  }
0x21: {  	s3 =	sadd.s32 s3, s9;
	s6 =	sadd.s32 @!p0 $0x88, s6;
	s7 =	simm.s32 @p2 $0x1082  }
0x22: {  	[simem:s7], [sflag:s8] =	dma.local @!p0 [hbm:s6], $0xF7A  }
0x23: {  	s9 =	sor.u32 $0xD0000000, s2;
	s6 =	simm.s32 $0x108;
	_ =	swait.ge @!p0 [sflag:s8], $0x0  }
0x24: {  	s3 =	sadd.s32 $0x88, s3;
	s6 =	simm.s32 @!p1 $0x1082;
	[sflag:s4] =	ssyncset.s32 $0xFFFFF086  }
0x25: {  	[simem:s6], [sflag:s4] =	dma.local [hbm:s3], $0xF7A  }
0x26: {  	[smem:$0x3F90] =	sst s1;
	(tag) =	ssettag s2;
	_ =	strace s9  }
0x27: {  	s1 =	sld [smem:$0x3FA0]  }
0x28: {  	s2 =	sld [smem:$0x3FA1]  }
0x29: {  	s4 =	sld [smem:$0x3FA3]  }
0x2a: {  	p0 =	seq.s32 s5, $0x0;
	s5 =	sld [smem:$0x3FA4]  }
0x2b: {  	s6 =	sld [smem:$0x3FA5]  }
0x2c: {  	s7 =	sld [smem:$0x3FA6]  }
0x2d: {  	s3 =	simm.s32 $0x108;
	s8 =	sld [smem:$0x3FA7]  }
0x2e: {  	s3 =	simm.s32 @!p0 $0x1082;
	s9 =	sld [smem:$0x3FA8]  }
0x2f: {  	lr =	sadd.s32 s0, s3;
	s0 =	sld [smem:$0x3F9F]  }
0x30: {  	s3 =	sld [smem:$0x3FA2]  }
0x31: {  	[smem:$0x3FAB] =	sst s10  }
0x32: {  	s10 =	sld [smem:$0x3FA9];
	_ =	sdelay $0x3  }
0x33: {  	p0 =	seq.s32 s10, $0x1;
	s10 =	sld [smem:$0x3FAB];
	_ =	sdelay $0x3  }
0x34: {  	[smem:$0x3FAB] =	sst s10  }
0x35: {  	s10 =	sld [smem:$0x3FAA];
	_ =	sdelay $0x3  }
0x36: {  	p1 =	seq.s32 s10, $0x1;
	s10 =	sld [smem:$0x3FAB];
	_ =	sdelay $0x3  }
0x37: {  	[smem:$0x3FAB] =	sst s10  }
0x38: {  	s10 =	sld [smem:$0x3FAC]  }
0x39: {  	_ = 	snop;
	(pc) =	sbr.ind lr, $3  }
0x3a: {  	_ = 	snop  }
0x3b: {  	_ = 	snop  }
0x3c: {  	p2 =	seq.s32 s10, $0x1;
	s10 =	sld [smem:$0x3FAB]  }
0x3d: {  	_ =	shalt  }
0x3e: {  	_ =	shalt  }
0x3f: {  	_ =	shalt  }
0x40: {  	_ =	shalt  }
0x41: {  	_ =	shalt  }
0x42: {  	_ =	shalt  }
0x43: {  	_ =	shalt  }
0x44: {  	_ =	shalt  }
0x45: {  	_ =	shalt  }
0x46: {  	_ =	shalt  }
0x47: {  	_ =	shalt  }
0x48: {  	_ =	shalt  }
0x49: {  	_ =	shalt  }
0x4a: {  	_ =	shalt  }
0x4b: {  	_ =	shalt  }
0x4c: {  	_ =	shalt  }
0x4d: {  	_ =	shalt  }
0x4e: {  	_ =	shalt  }
0x4f: {  	_ =	shalt  }
0x50: {  	_ =	shalt  }
0x51: {  	_ =	shalt  }
0x52: {  	_ =	shalt  }
0x53: {  	_ =	shalt  }
0x54: {  	_ =	shalt  }
0x55: {  	_ =	shalt  }
0x56: {  	_ =	shalt  }
0x57: {  	_ =	shalt  }
0x58: {  	_ =	shalt  }
0x59: {  	_ =	shalt  }
0x5a: {  	_ =	shalt  }
0x5b: {  	_ =	shalt  }
0x5c: {  	_ =	shalt  }
0x5d: {  	_ =	shalt  }
0x5e: {  	_ =	shalt  }
0x5f: {  	_ =	shalt  }
0x60: {  	_ =	shalt  }
0x61: {  	_ =	shalt  }
0x62: {  	_ =	shalt  }
0x63: {  	_ =	shalt  }
0x64: {  	_ =	shalt  }
0x65: {  	_ =	shalt  }
0x66: {  	_ =	shalt  }
0x67: {  	_ =	shalt  }
0x68: {  	_ =	shalt  }
0x69: {  	_ =	shalt  }
0x6a: {  	_ =	shalt  }
0x6b: {  	_ =	shalt  }
0x6c: {  	_ =	shalt  }
0x6d: {  	_ =	shalt  }
0x6e: {  	_ =	shalt  }
0x6f: {  	_ =	shalt  }
0x70: {  	_ =	shalt  }
0x71: {  	_ =	shalt  }
0x72: {  	_ =	shalt  }
0x73: {  	_ =	shalt  }
0x74: {  	_ =	shalt  }
0x75: {  	_ =	shalt  }
0x76: {  	_ =	shalt  }
0x77: {  	_ =	shalt  }
0x78: {  	_ =	shalt  }
0x79: {  	_ =	shalt  }
0x7a: {  	_ =	shalt  }
0x7b: {  	_ =	shalt  }
0x7c: {  	_ =	shalt  }
0x7d: {  	_ =	shalt  }
0x7e: {  	_ =	shalt  }
0x7f: {  	_ =	shalt  }
0x80: {  	_ =	shalt  }
0x81: {  	_ =	shalt  }
0x82: {  	_ =	shalt  }
0x83: {  	_ =	shalt  }
0x84: {  	_ =	shalt  }
0x85: {  	_ =	shalt  }
0x86: {  	_ =	shalt  }
0x87: {  	_ =	shalt  }
.Lfunc_end0:
.L_simem_size_0:
called_computation_lowered:
.L_overlay_start_0:
0x88: {  	s2 =	sld [smem:$0x3FD9]  }
0x89: {  	s3 =	sld [smem:$0x3FFE];
	_ =	sdelay $0x1  }
0x8a: {  	s1 =	srdreg.scid  }
0x8b: {  	s0 =	sand.u32 $0x1, s1  }
0x8c: {  	s17 =	sshll.u32 s0, $0xA;
	s2 =	sadd.s32 s3, s2  }
0x8d: {  	s2 =	sadd.s32 s2, s17  }
0x8e: {  	[smem:$0x3FB7] =	sst s2  }
0x8f: {  	_ = 	snop  }
0x90: {  	s2 =	sld [smem:$0x3FD0];
	(tm) =	ssettm $0x1  }
0x91: {  	s18 =	sld [smem:$0x3FFB];
	_ =	sdelay $0x3  }
0x92: {  	_ =	strace s18  }
0x93: {  	s3 =	sld [smem:$0x3FFC];
	_ =	sdelay $0x3  }
0x94: {  	_ =	strace s3  }
0x95: {  	s3 =	sld [smem:$0x3FFD];
	_ =	sdelay $0x3  }
0x96: {  	_ =	strace s3  }
0x97: {  	_ =	strace $0x8FFFFFFF  }
0x98: {  	s19 =	sld [smem:$0x3FDB];
	_ =	sdelay $0x1  }
0x99: {  	s4 =	simm.s32 $_scs_section_size  }
0x9a: {  	s5 =	simm.s32 $_size__tile_overlayer_lowered;
	s6 =	simm.s32 $_tile_overlayer_lowered  }
0x9b: {  	s22 =	simm.s32 $0x1BFF;
	s21 =	sshll.u32 s6, $0x1;
	s3 =	sadd.s32 s4, s19  }
0x9c: {  	s7 =	simm.s32 $0x0;
	s20 =	sshll.u32 s5, $0x1;
	s5 =	sadd.s32 s21, s3  }
0x9d: {  	[timem:s7], [sflag:s22] =	dma.local [hbm:s5], s20  }
0x9e: {  	_ =	swait.ge [sflag:s22], s20  }
0x9f: {  	s4 =	ssub.s32 $0x0, s20;
	[sflag:s22] =	ssyncset.done $0x0  }
0xa0: {  	[sflag:s22] =	ssyncadd.s32 s4;
	_ =	sdelay $0x1  }
0xa1: {  	s23 =	simm.s32 $0x1B8B  }
0xa2: {  	_ =	swait.ge [sflag:s23], $0x1  }
0xa3: {  	[sflag:s23] =	ssyncset.done $0x0  }
0xa4: {  	s25 =	simm.s32 $0x1B8E;
	s24 =	sld [smem:$0x3FFE];
	[sflag:s23] =	ssyncadd.s32 $0xFFFFFFFF  }
0xa5: {  	s26 =	simm.s32 $execute0_lowered;
	[smem:$0x3FD2] =	sst s25  }
0xa6: {  	s5 =	sshll.u32 s26, $0x1;
	_ =	strace $0x80000046;
	[dreg:$0x1] =	wrdreg $0xFFFFFFFF  }
0xa7: {  	s28 =	simm.s32 $_size_execute0_lowered;
	s3 =	sadd.s32 s3, s5;
	[dreg:$0x0] =	wrdreg $0x0  }
0xa8: {  	s5 =	sshll.u32 s28, $0x1;
	[dreg:$0x2] =	wrdreg s3  }
0xa9: {  	[dreg:$0x3] =	wrdreg s5  }
0xaa: {  	[dreg:$0x4] =	wrdreg $0xC0  }
0xab: {  	_ =	task [dreg:s7], $0x5FFFF  }
0xac: {  	[dreg:$0x1] =	wrdreg $0xFFFFFFFF  }
0xad: {  	[dreg:$0x0] =	wrdreg $0x60  }
0xae: {  	[dreg:$0x2] =	wrdreg s24  }
0xaf: {  	[dreg:$0x3] =	wrdreg s2  }
0xb0: {  	[dreg:$0x4] =	wrdreg $0x9  }
0xb1: {  	_ =	task.clear_ibuf [dreg:s7], $0x5FFFF;
	_ =	strace $0x90000046  }
0xb2: {  	s29 =	simm.s32 $0x9;
	_ =	strace $0x80000048  }
0xb3: {  	_ =	swait.ge [sflag:s29], $0x1  }
0xb4: {  	[sflag:s29] =	ssyncadd.s32 $0xFFFFFFFF  }
0xb5: {  	_ =	strace $0x90000048  }
0xb6: {  	_ =	sfence  }
0xb7: {  	s30 =	sld [smem:$0x0];
	_ =	sdelay $0x2  }
0xb8: {  	s31 =	sshll.u32 s1, $0xD;
	s1 =	sshrl.u32 s1, $0x2  }
0xb9: {  	s3 =	sand.u32 $0x4000, s31;
	s1 =	sadd.s32 s1, s30  }
0xba: {  	s0 =	sor.u32 s3, s0;
	s1 =	sshll.u32 s1, $0x11  }
0xbb: {  	s0 =	sor.u32 s1, s0  }
0xbc: {  	s0 =	sadd.s32 $0x8F2B, s0  }
0xbd: {  	[sflag:s0] =	ssyncadd.remote.s32 $0x1  }
0xbe: {  	_ =	sfence.sel $0xFFFF  }
0xbf: {  	[dreg:$0x0] =	wrdreg $0xFFFFFFFF;
	(pc) =	sbr.abs _section_cstart, $3  }
0xc0: {  	[dreg:$0x1] =	wrdreg $0xFFFFFFFF  }
0xc1: {  	_ =	task.clear_ibuf [dreg:s7], $0x2FFFF;
	_ =	strace $0x9FFFFFFF  }
0xc2: {  	(tm) =	ssettm $0x7FFFFFFF  }
0xc3: {  	_ =	shalt  }
tec
execute0_lowered:
.L_overlay_start_1:
0x0: {  	(tag) =	ssettag $0x1  }
0x1: {  	s0 =	rddreg [dreg:$0x0]  }
0x2: {  	s1 =	srdreg.scid;
	s2 =	stileid.u32  }
0x3: {  	s3 =	rddreg [dreg:$0x1];
	s22 =	simm.s32 $0x3;
	s23 =	simm.s32 $0x80  }
0x4: {  	s28 =	simm.s32 $0x200;
	s1 =	sand.u32 $0x1, s1;
	s4 =	sshll.u32 s2, $0x1  }
0x5: {  	s29 =	simm.s32 $0x280;
	s30 =	simm.s32 $0x300;
	s4 =	sor.u32 s1, s4  }
0x6: {  	s2 =	simm.s32 $0x0;
	s7 =	sadd.s32 $0x3200, s0;
	s5 =	smul.u32 $0x1F400, s4  }
0x7: {  	[smem:$0x7FF] =	sst s2;
	s6 =	sshll.u32 s4, $0x8;
	s4 =	smul.u32 $0x3E80, s4  }
0x8: {  	_ =	strace $0x80000047;
	s3 =	sadd.s32 s3, s6;
	s5 =	sshrl.u32 s5, $0x3  }
0x9: {  	[dreg:$0x3] =	wrdreg s3;
	s24 =	sadd.s32 s7, s4;
	s25 =	sadd.s32 s7, s5  }
0xa: {  	s31 =	simm.s32 $0x380;
	[dreg:$0x4] =	wrdreg s24;
	s26 =	sadd.s32 $0x3E8, s25  }
0xb: {  	s21 =	simm.s32 $0x480;
	s5 =	sadd.s32 $0x7D0, s25;
	[dreg:$0x5] =	wrdreg s26  }
0xc: {  	p0 =	por $0x0, $0x0;
	s6 =	sadd.s32 $0xBB8, s25;
	[dreg:$0x6] =	wrdreg s5  }
0xd: {  	s1 =	ssub.s32 $0x2, s1;
	s7 =	sadd.s32 $0xFA0, s25;
	[dreg:$0x7] =	wrdreg s6  }
0xe: {  	s17 =	sshrl.u32 s1, $0x1;
	s8 =	sadd.s32 $0x1388, s25;
	[dreg:$0x8] =	wrdreg s7  }
0xf: {  	s1 =	ssub.s32 s1, s17;
	s9 =	sadd.s32 $0x1770, s25;
	[dreg:$0x9] =	wrdreg s8  }
0x10: {  	s17 =	simm.s32 $0x680;
	s10 =	sadd.s32 $0x1B58, s25;
	[dreg:$0xa] =	wrdreg s9  }
0x11: {  	s20 =	smax.u32 s1, $0x1;
	s11 =	sadd.s32 $0x1F40, s25;
	[dreg:$0xb] =	wrdreg s10  }
0x12: {  	s4 =	simm.s32 $0xE2C0;
	s12 =	sadd.s32 $0x2328, s25;
	[dreg:$0xc] =	wrdreg s11  }
0x13: {  	s3 =	simm.s32 $0x2;
	s13 =	sadd.s32 $0x2710, s25;
	[dreg:$0xd] =	wrdreg s12  }
0x14: {  	s24 =	simm.s32 $0x100;
	s14 =	sadd.s32 $0x2AF8, s25;
	[dreg:$0xe] =	wrdreg s13  }
0x15: {  	p1 =	sne.s32 s20, $0x1;
	s15 =	sadd.s32 $0x2EE0, s25;
	[dreg:$0xf] =	wrdreg s14  }
0x16: {  	s1 =	sadd.s32 $0xFFFFFFFF, s20;
	s16 =	sadd.s32 $0x32C8, s25;
	[dreg:$0x10] =	wrdreg s15  }
0x17: {  	s20 =	simm.s32 $0x500;
	s18 =	sadd.s32 $0x36B0, s25;
	[dreg:$0x11] =	wrdreg s16  }
0x18: {  	s19 =	sadd.s32 $0x3A98, s25;
	s25 =	simm.s32 $0x400;
	[dreg:$0x12] =	wrdreg s18  }
0x19: {  	s9 =	sadd.s32 $0x189C00, s0;
	[dreg:$0x13] =	wrdreg s19;
	s14 =	simm.s32 $0x7D  }
.Ltmp0:
0x1a: {  	s13 =	simm.s32 $0x800;
	s12 =	simm.s32 $0x2740;
	(pc) =	sbr.rel @!p1 .LBB2_3-.Ltmp0, $4  }
0x1b: {  	s11 =	simm.s32 $0x4680;
	s26 =	simm.s32 $0x180;
	s10 =	simm.s32 $0x65C0  }
0x1c: {  	s8 =	simm.s32 $0x8500;
	s7 =	simm.s32 $0xA440;
	s6 =	simm.s32 $0xC380  }
0x1d: {  	s5 =	simm.s32 $0x1;
	s19 =	simm.s32 $0x580;
	s18 =	simm.s32 $0x600  }
0x1e: {  	s16 =	simm.s32 $0x700;
	s15 =	simm.s32 $0x780;
	s0 =	rddreg [dreg:$0x3]  }
0x1f: {  	[tilespmem:s2], [sflag:$0x3] =	stream.linear.gather [hbm4b:s0+s2], $0x800, $0x38;
	[tilespmem:$0x10200] =	vst v63  }
0x20: {  	_ =	swait.ge [sflag:s22], $0x800  }
0x21: {  	[sflag:s22] =	ssyncset.done $0x0  }
0x22: {  	[sflag:s22] =	ssyncadd.s32 $0xFFFFF800  }
0x23: {  	[tilespmem:s13], [sflag:$0x1] =	stream.indirect.gather [hbm4b:s9+s14], $0x40, s2, s14, $0xb8;
	[tilespmem:$0x10200] =	vst v63  }
0x24: {  	_ = 	snop  }
0x25: {  	[tilespmem:s12], [sflag:$0x1] =	stream.indirect.gather [hbm4b:s9+s14], $0x40, s23, s14, $0xb8;
	[tilespmem:$0x10200] =	vst v63  }
0x26: {  	_ = 	snop  }
0x27: {  	[tilespmem:s11], [sflag:$0x1] =	stream.indirect.gather [hbm4b:s9+s14], $0x40, s24, s14, $0xb8;
	[tilespmem:$0x10200] =	vst v63  }
0x28: {  	_ = 	snop  }
0x29: {  	[tilespmem:s10], [sflag:$0x1] =	stream.indirect.gather [hbm4b:s9+s14], $0x40, s26, s14, $0xb8;
	[tilespmem:$0x10200] =	vst v63  }
0x2a: {  	_ = 	snop  }
0x2b: {  	[tilespmem:s8], [sflag:$0x1] =	stream.indirect.gather [hbm4b:s9+s14], $0x40, s28, s14, $0xb8;
	[tilespmem:$0x10200] =	vst v63  }
0x2c: {  	_ = 	snop  }
0x2d: {  	[tilespmem:s7], [sflag:$0x1] =	stream.indirect.gather [hbm4b:s9+s14], $0x40, s29, s14, $0xb8;
	[tilespmem:$0x10200] =	vst v63  }
0x2e: {  	_ = 	snop  }
0x2f: {  	[tilespmem:s6], [sflag:$0x1] =	stream.indirect.gather [hbm4b:s9+s14], $0x40, s30, s14, $0xb8;
	[tilespmem:$0x10200] =	vst v63  }
0x30: {  	_ = 	snop  }
0x31: {  	[tilespmem:s4], [sflag:$0x1] =	stream.indirect.gather [hbm4b:s9+s14], $0x40, s31, s14, $0xb8;
	[tilespmem:$0x10200] =	vst v63  }
0x32: {  	_ =	swait.ge [sflag:s5], $0x1F40  }
0x33: {  	[sflag:s5] =	ssyncset.done $0x0  }
0x34: {  	s0 =	rddreg [dreg:$0x4];
	[sflag:s5] =	ssyncadd.s32 $0xFFFFE0C0  }
0x35: {  	[hbm4b:s0+s2] =	stream.linear.scatter [tilespmem:s13], [sflag:$0x2], $0x1F40, $0x38;
	[tilespmem:$0x10200] =	vst v63  }
0x36: {  	_ =	swait.ge [sflag:s3], $0x1F40  }
0x37: {  	[sflag:s3] =	ssyncset.done $0x0  }
0x38: {  	[sflag:s3] =	ssyncadd.s32 $0xFFFFE0C0  }
0x39: {  	[tilespmem:s13], [sflag:$0x1] =	stream.indirect.gather [hbm4b:s9+s14], $0x40, s25, s14, $0xb8;
	[tilespmem:$0x10200] =	vst v63  }
0x3a: {  	_ =	swait.ge [sflag:s5], $0x1F40  }
0x3b: {  	[sflag:s5] =	ssyncset.done $0x0  }
0x3c: {  	s0 =	rddreg [dreg:$0x5];
	[sflag:s5] =	ssyncadd.s32 $0xFFFFE0C0  }
0x3d: {  	[hbm4b:s0+s2] =	stream.linear.scatter [tilespmem:s12], [sflag:$0x2], $0x1F40, $0x38;
	[tilespmem:$0x10200] =	vst v63  }
0x3e: {  	_ =	swait.ge [sflag:s3], $0x1F40  }
0x3f: {  	[sflag:s3] =	ssyncset.done $0x0  }
0x40: {  	[sflag:s3] =	ssyncadd.s32 $0xFFFFE0C0  }
0x41: {  	[tilespmem:s12], [sflag:$0x1] =	stream.indirect.gather [hbm4b:s9+s14], $0x40, s21, s14, $0xb8;
	[tilespmem:$0x10200] =	vst v63  }
0x42: {  	_ =	swait.ge [sflag:s5], $0x1F40  }
0x43: {  	[sflag:s5] =	ssyncset.done $0x0  }
0x44: {  	s0 =	rddreg [dreg:$0x6];
	[sflag:s5] =	ssyncadd.s32 $0xFFFFE0C0  }
0x45: {  	[hbm4b:s0+s2] =	stream.linear.scatter [tilespmem:s11], [sflag:$0x2], $0x1F40, $0x38;
	[tilespmem:$0x10200] =	vst v63  }
0x46: {  	_ =	swait.ge [sflag:s3], $0x1F40  }
0x47: {  	[sflag:s3] =	ssyncset.done $0x0  }
0x48: {  	[sflag:s3] =	ssyncadd.s32 $0xFFFFE0C0  }
0x49: {  	[tilespmem:s11], [sflag:$0x1] =	stream.indirect.gather [hbm4b:s9+s14], $0x40, s20, s14, $0xb8;
	[tilespmem:$0x10200] =	vst v63  }
0x4a: {  	_ =	swait.ge [sflag:s5], $0x1F40  }
0x4b: {  	[sflag:s5] =	ssyncset.done $0x0  }
0x4c: {  	s0 =	rddreg [dreg:$0x7];
	[sflag:s5] =	ssyncadd.s32 $0xFFFFE0C0  }
0x4d: {  	[hbm4b:s0+s2] =	stream.linear.scatter [tilespmem:s10], [sflag:$0x2], $0x1F40, $0x38;
	[tilespmem:$0x10200] =	vst v63  }
0x4e: {  	_ =	swait.ge [sflag:s3], $0x1F40  }
0x4f: {  	[sflag:s3] =	ssyncset.done $0x0  }
0x50: {  	[sflag:s3] =	ssyncadd.s32 $0xFFFFE0C0  }
0x51: {  	[tilespmem:s10], [sflag:$0x1] =	stream.indirect.gather [hbm4b:s9+s14], $0x40, s19, s14, $0xb8;
	[tilespmem:$0x10200] =	vst v63  }
0x52: {  	_ =	swait.ge [sflag:s5], $0x1F40  }
0x53: {  	[sflag:s5] =	ssyncset.done $0x0  }
0x54: {  	s0 =	rddreg [dreg:$0x8];
	[sflag:s5] =	ssyncadd.s32 $0xFFFFE0C0  }
0x55: {  	[hbm4b:s0+s2] =	stream.linear.scatter [tilespmem:s8], [sflag:$0x2], $0x1F40, $0x38;
	[tilespmem:$0x10200] =	vst v63  }
0x56: {  	_ =	swait.ge [sflag:s3], $0x1F40  }
0x57: {  	[sflag:s3] =	ssyncset.done $0x0  }
0x58: {  	[sflag:s3] =	ssyncadd.s32 $0xFFFFE0C0  }
0x59: {  	[tilespmem:s8], [sflag:$0x1] =	stream.indirect.gather [hbm4b:s9+s14], $0x40, s18, s14, $0xb8;
	[tilespmem:$0x10200] =	vst v63  }
0x5a: {  	_ =	swait.ge [sflag:s5], $0x1F40  }
0x5b: {  	[sflag:s5] =	ssyncset.done $0x0  }
0x5c: {  	s0 =	rddreg [dreg:$0x9];
	[sflag:s5] =	ssyncadd.s32 $0xFFFFE0C0  }
0x5d: {  	[hbm4b:s0+s2] =	stream.linear.scatter [tilespmem:s7], [sflag:$0x2], $0x1F40, $0x38;
	[tilespmem:$0x10200] =	vst v63  }
0x5e: {  	_ =	swait.ge [sflag:s3], $0x1F40  }
0x5f: {  	[sflag:s3] =	ssyncset.done $0x0  }
0x60: {  	[sflag:s3] =	ssyncadd.s32 $0xFFFFE0C0  }
0x61: {  	[tilespmem:s7], [sflag:$0x1] =	stream.indirect.gather [hbm4b:s9+s14], $0x40, s17, s14, $0xb8;
	[tilespmem:$0x10200] =	vst v63  }
0x62: {  	_ =	swait.ge [sflag:s5], $0x1F40  }
0x63: {  	[sflag:s5] =	ssyncset.done $0x0  }
0x64: {  	s0 =	rddreg [dreg:$0xa];
	[sflag:s5] =	ssyncadd.s32 $0xFFFFE0C0  }
0x65: {  	[hbm4b:s0+s2] =	stream.linear.scatter [tilespmem:s6], [sflag:$0x2], $0x1F40, $0x38;
	[tilespmem:$0x10200] =	vst v63  }
0x66: {  	_ =	swait.ge [sflag:s3], $0x1F40  }
0x67: {  	[sflag:s3] =	ssyncset.done $0x0  }
0x68: {  	[sflag:s3] =	ssyncadd.s32 $0xFFFFE0C0  }
0x69: {  	[tilespmem:s6], [sflag:$0x1] =	stream.indirect.gather [hbm4b:s9+s14], $0x40, s16, s14, $0xb8;
	[tilespmem:$0x10200] =	vst v63  }
0x6a: {  	_ =	swait.ge [sflag:s5], $0x1F40  }
0x6b: {  	[sflag:s5] =	ssyncset.done $0x0  }
0x6c: {  	s0 =	rddreg [dreg:$0xb];
	[sflag:s5] =	ssyncadd.s32 $0xFFFFE0C0  }
0x6d: {  	[hbm4b:s0+s2] =	stream.linear.scatter [tilespmem:s4], [sflag:$0x2], $0x1F40, $0x38;
	[tilespmem:$0x10200] =	vst v63  }
0x6e: {  	_ =	swait.ge [sflag:s3], $0x1F40  }
0x6f: {  	[sflag:s3] =	ssyncset.done $0x0  }
0x70: {  	[sflag:s3] =	ssyncadd.s32 $0xFFFFE0C0  }
0x71: {  	[tilespmem:s4], [sflag:$0x1] =	stream.indirect.gather [hbm4b:s9+s14], $0x40, s15, s14, $0xb8;
	[tilespmem:$0x10200] =	vst v63  }
0x72: {  	_ =	swait.ge [sflag:s5], $0x1F40  }
0x73: {  	[sflag:s5] =	ssyncset.done $0x0  }
0x74: {  	s0 =	rddreg [dreg:$0xc];
	[sflag:s5] =	ssyncadd.s32 $0xFFFFE0C0  }
0x75: {  	[hbm4b:s0+s2] =	stream.linear.scatter [tilespmem:s13], [sflag:$0x2], $0x1F40, $0x38;
	[tilespmem:$0x10200] =	vst v63  }
0x76: {  	_ =	swait.ge [sflag:s5], $0x1F40  }
0x77: {  	[sflag:s5] =	ssyncset.done $0x0  }
0x78: {  	s0 =	rddreg [dreg:$0xd];
	[sflag:s5] =	ssyncadd.s32 $0xFFFFE0C0  }
0x79: {  	[hbm4b:s0+s2] =	stream.linear.scatter [tilespmem:s12], [sflag:$0x2], $0x1F40, $0x38;
	[tilespmem:$0x10200] =	vst v63  }
0x7a: {  	_ =	swait.ge [sflag:s5], $0x1F40  }
0x7b: {  	[sflag:s5] =	ssyncset.done $0x0  }
0x7c: {  	s0 =	rddreg [dreg:$0xe];
	[sflag:s5] =	ssyncadd.s32 $0xFFFFE0C0  }
0x7d: {  	[hbm4b:s0+s2] =	stream.linear.scatter [tilespmem:s11], [sflag:$0x2], $0x1F40, $0x38;
	[tilespmem:$0x10200] =	vst v63  }
0x7e: {  	_ =	swait.ge [sflag:s5], $0x1F40  }
0x7f: {  	[sflag:s5] =	ssyncset.done $0x0  }
0x80: {  	s0 =	rddreg [dreg:$0xf];
	[sflag:s5] =	ssyncadd.s32 $0xFFFFE0C0  }
0x81: {  	[hbm4b:s0+s2] =	stream.linear.scatter [tilespmem:s10], [sflag:$0x2], $0x1F40, $0x38;
	[tilespmem:$0x10200] =	vst v63  }
0x82: {  	_ =	swait.ge [sflag:s5], $0x1F40  }
0x83: {  	[sflag:s5] =	ssyncset.done $0x0  }
0x84: {  	s0 =	rddreg [dreg:$0x10];
	[sflag:s5] =	ssyncadd.s32 $0xFFFFE0C0  }
0x85: {  	[hbm4b:s0+s2] =	stream.linear.scatter [tilespmem:s8], [sflag:$0x2], $0x1F40, $0x38;
	[tilespmem:$0x10200] =	vst v63  }
0x86: {  	_ =	swait.ge [sflag:s5], $0x1F40  }
0x87: {  	[sflag:s5] =	ssyncset.done $0x0  }
0x88: {  	s0 =	rddreg [dreg:$0x11];
	[sflag:s5] =	ssyncadd.s32 $0xFFFFE0C0  }
0x89: {  	[hbm4b:s0+s2] =	stream.linear.scatter [tilespmem:s7], [sflag:$0x2], $0x1F40, $0x38;
	[tilespmem:$0x10200] =	vst v63  }
0x8a: {  	_ =	swait.ge [sflag:s5], $0x1F40  }
0x8b: {  	[sflag:s5] =	ssyncset.done $0x0  }
0x8c: {  	s0 =	rddreg [dreg:$0x12];
	[sflag:s5] =	ssyncadd.s32 $0xFFFFE0C0  }
0x8d: {  	[hbm4b:s0+s2] =	stream.linear.scatter [tilespmem:s6], [sflag:$0x2], $0x1F40, $0x38;
	[tilespmem:$0x10200] =	vst v63  }
0x8e: {  	_ =	swait.ge [sflag:s5], $0x1F40  }
0x8f: {  	[sflag:s5] =	ssyncset.done $0x0  }
0x90: {  	s0 =	rddreg [dreg:$0x13];
	[sflag:s5] =	ssyncadd.s32 $0xFFFFE0C0  }
0x91: {  	[hbm4b:s0+s2] =	stream.linear.scatter [tilespmem:s4], [sflag:$0x2], $0x1F40, $0x38;
	[tilespmem:$0x10200] =	vst v63  }
0x92: {  	_ =	swait.ge [sflag:s3], $0x1F40  }
0x93: {  	[sflag:s3] =	ssyncset.done $0x0  }
0x94: {  	[sflag:s3] =	ssyncadd.s32 $0xFFFFE0C0  }
0x95: {  	_ =	swait.ge [sflag:s3], $0x1F40  }
0x96: {  	[sflag:s3] =	ssyncset.done $0x0  }
0x97: {  	[sflag:s3] =	ssyncadd.s32 $0xFFFFE0C0  }
0x98: {  	_ =	swait.ge [sflag:s3], $0x1F40  }
0x99: {  	[sflag:s3] =	ssyncset.done $0x0  }
0x9a: {  	[sflag:s3] =	ssyncadd.s32 $0xFFFFE0C0  }
0x9b: {  	_ =	swait.ge [sflag:s3], $0x1F40  }
0x9c: {  	[sflag:s3] =	ssyncset.done $0x0  }
0x9d: {  	[sflag:s3] =	ssyncadd.s32 $0xFFFFE0C0  }
0x9e: {  	_ =	swait.ge [sflag:s3], $0x1F40  }
0x9f: {  	[sflag:s3] =	ssyncset.done $0x0  }
0xa0: {  	[sflag:s3] =	ssyncadd.s32 $0xFFFFE0C0  }
0xa1: {  	_ =	swait.ge [sflag:s3], $0x1F40  }
0xa2: {  	[sflag:s3] =	ssyncset.done $0x0  }
0xa3: {  	p1 =	sne.s32 s1, $0x1;
	[sflag:s3] =	ssyncadd.s32 $0xFFFFE0C0  }
.Ltmp1:
0xa4: {  	_ =	swait.ge [sflag:s3], $0x1F40;
	(pc) =	sbr.rel @!p1 .LBB2_3-.Ltmp1, $4  }
0xa5: {  	[sflag:s3] =	ssyncset.done $0x0  }
0xa6: {  	[sflag:s3] =	ssyncadd.s32 $0xFFFFE0C0  }
0xa7: {  	s1 =	sadd.s32 $0xFFFFFFFF, s1;
	_ =	swait.ge [sflag:s3], $0x1F40  }
0xa8: {  	p0 =	por $0x1, $0x1;
	s0 =	rddreg [dreg:$0x3];
	[sflag:s3] =	ssyncset.done $0x0  }
.LBB2_2:
0xa9: {  	[sflag:s3] =	ssyncadd.s32 $0xFFFFE0C0  }
0xaa: {  	[tilespmem:s2], [sflag:$0x3] =	stream.linear.gather [hbm4b:s0+s2], $0x800, $0x38;
	[tilespmem:$0x10200] =	vst v63  }
0xab: {  	_ =	swait.ge [sflag:s22], $0x800  }
0xac: {  	[sflag:s22] =	ssyncset.done $0x0  }
0xad: {  	[sflag:s22] =	ssyncadd.s32 $0xFFFFF800  }
0xae: {  	[tilespmem:s13], [sflag:$0x1] =	stream.indirect.gather [hbm4b:s9+s14], $0x40, s2, s14, $0xb8;
	[tilespmem:$0x10200] =	vst v63  }
0xaf: {  	_ = 	snop  }
0xb0: {  	[tilespmem:s12], [sflag:$0x1] =	stream.indirect.gather [hbm4b:s9+s14], $0x40, s23, s14, $0xb8;
	[tilespmem:$0x10200] =	vst v63  }
0xb1: {  	_ = 	snop  }
0xb2: {  	[tilespmem:s11], [sflag:$0x1] =	stream.indirect.gather [hbm4b:s9+s14], $0x40, s24, s14, $0xb8;
	[tilespmem:$0x10200] =	vst v63  }
0xb3: {  	_ = 	snop  }
0xb4: {  	[tilespmem:s10], [sflag:$0x1] =	stream.indirect.gather [hbm4b:s9+s14], $0x40, s26, s14, $0xb8;
	[tilespmem:$0x10200] =	vst v63  }
0xb5: {  	_ = 	snop  }
0xb6: {  	[tilespmem:s8], [sflag:$0x1] =	stream.indirect.gather [hbm4b:s9+s14], $0x40, s28, s14, $0xb8;
	[tilespmem:$0x10200] =	vst v63  }
0xb7: {  	_ = 	snop  }
0xb8: {  	[tilespmem:s7], [sflag:$0x1] =	stream.indirect.gather [hbm4b:s9+s14], $0x40, s29, s14, $0xb8;
	[tilespmem:$0x10200] =	vst v63  }
0xb9: {  	_ = 	snop  }
0xba: {  	[tilespmem:s6], [sflag:$0x1] =	stream.indirect.gather [hbm4b:s9+s14], $0x40, s30, s14, $0xb8;
	[tilespmem:$0x10200] =	vst v63  }
0xbb: {  	_ = 	snop  }
0xbc: {  	[tilespmem:s4], [sflag:$0x1] =	stream.indirect.gather [hbm4b:s9+s14], $0x40, s31, s14, $0xb8;
	[tilespmem:$0x10200] =	vst v63  }
0xbd: {  	_ =	swait.ge [sflag:s5], $0x1F40  }
0xbe: {  	[sflag:s5] =	ssyncset.done $0x0  }
0xbf: {  	s0 =	rddreg [dreg:$0x4];
	[sflag:s5] =	ssyncadd.s32 $0xFFFFE0C0  }
0xc0: {  	[hbm4b:s0+s2] =	stream.linear.scatter [tilespmem:s13], [sflag:$0x2], $0x1F40, $0x38;
	[tilespmem:$0x10200] =	vst v63  }
0xc1: {  	_ =	swait.ge [sflag:s3], $0x1F40  }
0xc2: {  	[sflag:s3] =	ssyncset.done $0x0  }
0xc3: {  	[sflag:s3] =	ssyncadd.s32 $0xFFFFE0C0  }
0xc4: {  	[tilespmem:s13], [sflag:$0x1] =	stream.indirect.gather [hbm4b:s9+s14], $0x40, s25, s14, $0xb8;
	[tilespmem:$0x10200] =	vst v63  }
0xc5: {  	_ =	swait.ge [sflag:s5], $0x1F40  }
0xc6: {  	[sflag:s5] =	ssyncset.done $0x0  }
0xc7: {  	s0 =	rddreg [dreg:$0x5];
	[sflag:s5] =	ssyncadd.s32 $0xFFFFE0C0  }
0xc8: {  	[hbm4b:s0+s2] =	stream.linear.scatter [tilespmem:s12], [sflag:$0x2], $0x1F40, $0x38;
	[tilespmem:$0x10200] =	vst v63  }
0xc9: {  	_ =	swait.ge [sflag:s3], $0x1F40  }
0xca: {  	[sflag:s3] =	ssyncset.done $0x0  }
0xcb: {  	[sflag:s3] =	ssyncadd.s32 $0xFFFFE0C0  }
0xcc: {  	[tilespmem:s12], [sflag:$0x1] =	stream.indirect.gather [hbm4b:s9+s14], $0x40, s21, s14, $0xb8;
	[tilespmem:$0x10200] =	vst v63  }
0xcd: {  	_ =	swait.ge [sflag:s5], $0x1F40  }
0xce: {  	[sflag:s5] =	ssyncset.done $0x0  }
0xcf: {  	s0 =	rddreg [dreg:$0x6];
	[sflag:s5] =	ssyncadd.s32 $0xFFFFE0C0  }
0xd0: {  	[hbm4b:s0+s2] =	stream.linear.scatter [tilespmem:s11], [sflag:$0x2], $0x1F40, $0x38;
	[tilespmem:$0x10200] =	vst v63  }
0xd1: {  	_ =	swait.ge [sflag:s3], $0x1F40  }
0xd2: {  	[sflag:s3] =	ssyncset.done $0x0  }
0xd3: {  	[sflag:s3] =	ssyncadd.s32 $0xFFFFE0C0  }
0xd4: {  	[tilespmem:s11], [sflag:$0x1] =	stream.indirect.gather [hbm4b:s9+s14], $0x40, s20, s14, $0xb8;
	[tilespmem:$0x10200] =	vst v63  }
0xd5: {  	_ =	swait.ge [sflag:s5], $0x1F40  }
0xd6: {  	[sflag:s5] =	ssyncset.done $0x0  }
0xd7: {  	s0 =	rddreg [dreg:$0x7];
	[sflag:s5] =	ssyncadd.s32 $0xFFFFE0C0  }
0xd8: {  	[hbm4b:s0+s2] =	stream.linear.scatter [tilespmem:s10], [sflag:$0x2], $0x1F40, $0x38;
	[tilespmem:$0x10200] =	vst v63  }
0xd9: {  	_ =	swait.ge [sflag:s3], $0x1F40  }
0xda: {  	[sflag:s3] =	ssyncset.done $0x0  }
0xdb: {  	[sflag:s3] =	ssyncadd.s32 $0xFFFFE0C0  }
0xdc: {  	[tilespmem:s10], [sflag:$0x1] =	stream.indirect.gather [hbm4b:s9+s14], $0x40, s19, s14, $0xb8;
	[tilespmem:$0x10200] =	vst v63  }
0xdd: {  	_ =	swait.ge [sflag:s5], $0x1F40  }
0xde: {  	[sflag:s5] =	ssyncset.done $0x0  }
0xdf: {  	s0 =	rddreg [dreg:$0x8];
	[sflag:s5] =	ssyncadd.s32 $0xFFFFE0C0  }
0xe0: {  	[hbm4b:s0+s2] =	stream.linear.scatter [tilespmem:s8], [sflag:$0x2], $0x1F40, $0x38;
	[tilespmem:$0x10200] =	vst v63  }
0xe1: {  	_ =	swait.ge [sflag:s3], $0x1F40  }
0xe2: {  	[sflag:s3] =	ssyncset.done $0x0  }
0xe3: {  	[sflag:s3] =	ssyncadd.s32 $0xFFFFE0C0  }
0xe4: {  	[tilespmem:s8], [sflag:$0x1] =	stream.indirect.gather [hbm4b:s9+s14], $0x40, s18, s14, $0xb8;
	[tilespmem:$0x10200] =	vst v63  }
0xe5: {  	_ =	swait.ge [sflag:s5], $0x1F40  }
0xe6: {  	[sflag:s5] =	ssyncset.done $0x0  }
0xe7: {  	s0 =	rddreg [dreg:$0x9];
	[sflag:s5] =	ssyncadd.s32 $0xFFFFE0C0  }
0xe8: {  	[hbm4b:s0+s2] =	stream.linear.scatter [tilespmem:s7], [sflag:$0x2], $0x1F40, $0x38;
	[tilespmem:$0x10200] =	vst v63  }
0xe9: {  	_ =	swait.ge [sflag:s3], $0x1F40  }
0xea: {  	[sflag:s3] =	ssyncset.done $0x0  }
0xeb: {  	[sflag:s3] =	ssyncadd.s32 $0xFFFFE0C0  }
0xec: {  	[tilespmem:s7], [sflag:$0x1] =	stream.indirect.gather [hbm4b:s9+s14], $0x40, s17, s14, $0xb8;
	[tilespmem:$0x10200] =	vst v63  }
0xed: {  	_ =	swait.ge [sflag:s5], $0x1F40  }
0xee: {  	[sflag:s5] =	ssyncset.done $0x0  }
0xef: {  	s0 =	rddreg [dreg:$0xa];
	[sflag:s5] =	ssyncadd.s32 $0xFFFFE0C0  }
0xf0: {  	[hbm4b:s0+s2] =	stream.linear.scatter [tilespmem:s6], [sflag:$0x2], $0x1F40, $0x38;
	[tilespmem:$0x10200] =	vst v63  }
0xf1: {  	_ =	swait.ge [sflag:s3], $0x1F40  }
0xf2: {  	[sflag:s3] =	ssyncset.done $0x0  }
0xf3: {  	[sflag:s3] =	ssyncadd.s32 $0xFFFFE0C0  }
0xf4: {  	[tilespmem:s6], [sflag:$0x1] =	stream.indirect.gather [hbm4b:s9+s14], $0x40, s16, s14, $0xb8;
	[tilespmem:$0x10200] =	vst v63  }
0xf5: {  	_ =	swait.ge [sflag:s5], $0x1F40  }
0xf6: {  	[sflag:s5] =	ssyncset.done $0x0  }
0xf7: {  	s0 =	rddreg [dreg:$0xb];
	[sflag:s5] =	ssyncadd.s32 $0xFFFFE0C0  }
0xf8: {  	[hbm4b:s0+s2] =	stream.linear.scatter [tilespmem:s4], [sflag:$0x2], $0x1F40, $0x38;
	[tilespmem:$0x10200] =	vst v63  }
0xf9: {  	_ =	swait.ge [sflag:s3], $0x1F40  }
0xfa: {  	[sflag:s3] =	ssyncset.done $0x0  }
0xfb: {  	[sflag:s3] =	ssyncadd.s32 $0xFFFFE0C0  }
0xfc: {  	[tilespmem:s4], [sflag:$0x1] =	stream.indirect.gather [hbm4b:s9+s14], $0x40, s15, s14, $0xb8;
	[tilespmem:$0x10200] =	vst v63  }
0xfd: {  	_ =	swait.ge [sflag:s5], $0x1F40  }
0xfe: {  	[sflag:s5] =	ssyncset.done $0x0  }
0xff: {  	s0 =	rddreg [dreg:$0xc];
	[sflag:s5] =	ssyncadd.s32 $0xFFFFE0C0  }
0x100: {  	[hbm4b:s0+s2] =	stream.linear.scatter [tilespmem:s13], [sflag:$0x2], $0x1F40, $0x38;
	[tilespmem:$0x10200] =	vst v63  }
0x101: {  	_ =	swait.ge [sflag:s5], $0x1F40  }
0x102: {  	[sflag:s5] =	ssyncset.done $0x0  }
0x103: {  	s0 =	rddreg [dreg:$0xd];
	[sflag:s5] =	ssyncadd.s32 $0xFFFFE0C0  }
0x104: {  	[hbm4b:s0+s2] =	stream.linear.scatter [tilespmem:s12], [sflag:$0x2], $0x1F40, $0x38;
	[tilespmem:$0x10200] =	vst v63  }
0x105: {  	_ =	swait.ge [sflag:s5], $0x1F40  }
0x106: {  	[sflag:s5] =	ssyncset.done $0x0  }
0x107: {  	s0 =	rddreg [dreg:$0xe];
	[sflag:s5] =	ssyncadd.s32 $0xFFFFE0C0  }
0x108: {  	[hbm4b:s0+s2] =	stream.linear.scatter [tilespmem:s11], [sflag:$0x2], $0x1F40, $0x38;
	[tilespmem:$0x10200] =	vst v63  }
0x109: {  	_ =	swait.ge [sflag:s5], $0x1F40  }
0x10a: {  	[sflag:s5] =	ssyncset.done $0x0  }
0x10b: {  	s0 =	rddreg [dreg:$0xf];
	[sflag:s5] =	ssyncadd.s32 $0xFFFFE0C0  }
0x10c: {  	[hbm4b:s0+s2] =	stream.linear.scatter [tilespmem:s10], [sflag:$0x2], $0x1F40, $0x38;
	[tilespmem:$0x10200] =	vst v63  }
0x10d: {  	_ =	swait.ge [sflag:s5], $0x1F40  }
0x10e: {  	[sflag:s5] =	ssyncset.done $0x0  }
0x10f: {  	s0 =	rddreg [dreg:$0x10];
	[sflag:s5] =	ssyncadd.s32 $0xFFFFE0C0  }
0x110: {  	[hbm4b:s0+s2] =	stream.linear.scatter [tilespmem:s8], [sflag:$0x2], $0x1F40, $0x38;
	[tilespmem:$0x10200] =	vst v63  }
0x111: {  	_ =	swait.ge [sflag:s5], $0x1F40  }
0x112: {  	[sflag:s5] =	ssyncset.done $0x0  }
0x113: {  	s0 =	rddreg [dreg:$0x11];
	[sflag:s5] =	ssyncadd.s32 $0xFFFFE0C0  }
0x114: {  	[hbm4b:s0+s2] =	stream.linear.scatter [tilespmem:s7], [sflag:$0x2], $0x1F40, $0x38;
	[tilespmem:$0x10200] =	vst v63  }
0x115: {  	_ =	swait.ge [sflag:s5], $0x1F40  }
0x116: {  	[sflag:s5] =	ssyncset.done $0x0  }
0x117: {  	s0 =	rddreg [dreg:$0x12];
	[sflag:s5] =	ssyncadd.s32 $0xFFFFE0C0  }
0x118: {  	[hbm4b:s0+s2] =	stream.linear.scatter [tilespmem:s6], [sflag:$0x2], $0x1F40, $0x38;
	[tilespmem:$0x10200] =	vst v63  }
0x119: {  	_ =	swait.ge [sflag:s5], $0x1F40  }
0x11a: {  	[sflag:s5] =	ssyncset.done $0x0  }
0x11b: {  	s0 =	rddreg [dreg:$0x13];
	[sflag:s5] =	ssyncadd.s32 $0xFFFFE0C0  }
0x11c: {  	[hbm4b:s0+s2] =	stream.linear.scatter [tilespmem:s4], [sflag:$0x2], $0x1F40, $0x38;
	[tilespmem:$0x10200] =	vst v63  }
0x11d: {  	_ =	swait.ge [sflag:s3], $0x1F40  }
0x11e: {  	[sflag:s3] =	ssyncset.done $0x0  }
0x11f: {  	[sflag:s3] =	ssyncadd.s32 $0xFFFFE0C0  }
0x120: {  	_ =	swait.ge [sflag:s3], $0x1F40  }
0x121: {  	[sflag:s3] =	ssyncset.done $0x0  }
0x122: {  	[sflag:s3] =	ssyncadd.s32 $0xFFFFE0C0  }
0x123: {  	_ =	swait.ge [sflag:s3], $0x1F40  }
0x124: {  	[sflag:s3] =	ssyncset.done $0x0  }
0x125: {  	[sflag:s3] =	ssyncadd.s32 $0xFFFFE0C0  }
0x126: {  	_ =	swait.ge [sflag:s3], $0x1F40  }
0x127: {  	[sflag:s3] =	ssyncset.done $0x0  }
0x128: {  	[sflag:s3] =	ssyncadd.s32 $0xFFFFE0C0  }
0x129: {  	_ =	swait.ge [sflag:s3], $0x1F40  }
0x12a: {  	[sflag:s3] =	ssyncset.done $0x0  }
0x12b: {  	[sflag:s3] =	ssyncadd.s32 $0xFFFFE0C0  }
0x12c: {  	_ =	swait.ge [sflag:s3], $0x1F40  }
0x12d: {  	[sflag:s3] =	ssyncset.done $0x0  }
0x12e: {  	p1 =	sne.s32 s1, $0x1;
	[sflag:s3] =	ssyncadd.s32 $0xFFFFE0C0  }
.Ltmp2:
0x12f: {  	_ =	swait.ge [sflag:s3], $0x1F40;
	(pc) =	sbr.rel @p1 .LBB2_2-.Ltmp2, $4  }
0x130: {  	[sflag:s3] =	ssyncset.done $0x0  }
0x131: {  	[sflag:s3] =	ssyncadd.s32 $0xFFFFE0C0  }
0x132: {  	_ =	swait.ge [sflag:s3], $0x1F40  }
0x133: {  	s1 =	sadd.s32 $0xFFFFFFFF, s1;
	s0 =	rddreg [dreg:$0x3];
	[sflag:s3] =	ssyncset.done $0x0  }
.LBB2_3:
0x134: {  	[sflag:s3] =	ssyncadd.s32 @p0 $0xFFFFE0C0  }
0x135: {  	[tilespmem:s2], [sflag:$0x3] =	stream.linear.gather [hbm4b:s0+s2], $0x800, $0x38;
	[tilespmem:$0x10200] =	vst v63  }
0x136: {  	_ =	swait.ge [sflag:s22], $0x800  }
0x137: {  	[sflag:s22] =	ssyncset.done $0x0  }
0x138: {  	[sflag:s22] =	ssyncadd.s32 $0xFFFFF800  }
0x139: {  	[tilespmem:s13], [sflag:$0x1] =	stream.indirect.gather [hbm4b:s9+s14], $0x40, s2, s14, $0xb8;
	[tilespmem:$0x10200] =	vst v63  }
0x13a: {  	_ = 	snop  }
0x13b: {  	[tilespmem:s12], [sflag:$0x1] =	stream.indirect.gather [hbm4b:s9+s14], $0x40, s23, s14, $0xb8;
	[tilespmem:$0x10200] =	vst v63  }
0x13c: {  	_ = 	snop  }
0x13d: {  	[tilespmem:s11], [sflag:$0x1] =	stream.indirect.gather [hbm4b:s9+s14], $0x40, s24, s14, $0xb8;
	[tilespmem:$0x10200] =	vst v63  }
0x13e: {  	_ = 	snop  }
0x13f: {  	[tilespmem:s10], [sflag:$0x1] =	stream.indirect.gather [hbm4b:s9+s14], $0x40, s26, s14, $0xb8;
	[tilespmem:$0x10200] =	vst v63  }
0x140: {  	_ = 	snop  }
0x141: {  	[tilespmem:s8], [sflag:$0x1] =	stream.indirect.gather [hbm4b:s9+s14], $0x40, s28, s14, $0xb8;
	[tilespmem:$0x10200] =	vst v63  }
0x142: {  	_ = 	snop  }
0x143: {  	[tilespmem:s7], [sflag:$0x1] =	stream.indirect.gather [hbm4b:s9+s14], $0x40, s29, s14, $0xb8;
	[tilespmem:$0x10200] =	vst v63  }
0x144: {  	_ = 	snop  }
0x145: {  	[tilespmem:s6], [sflag:$0x1] =	stream.indirect.gather [hbm4b:s9+s14], $0x40, s30, s14, $0xb8;
	[tilespmem:$0x10200] =	vst v63  }
0x146: {  	_ = 	snop  }
0x147: {  	[tilespmem:s4], [sflag:$0x1] =	stream.indirect.gather [hbm4b:s9+s14], $0x40, s31, s14, $0xb8;
	[tilespmem:$0x10200] =	vst v63  }
0x148: {  	_ =	swait.ge [sflag:s5], $0x1F40  }
0x149: {  	[sflag:s5] =	ssyncset.done $0x0  }
0x14a: {  	s28 =	rddreg [dreg:$0x4];
	[sflag:s5] =	ssyncadd.s32 $0xFFFFE0C0  }
0x14b: {  	[hbm4b:s28+s2] =	stream.linear.scatter [tilespmem:s13], [sflag:$0x2], $0x1F40, $0x38;
	[tilespmem:$0x10200] =	vst v63  }
0x14c: {  	_ =	swait.ge [sflag:s3], $0x1F40  }
0x14d: {  	[sflag:s3] =	ssyncset.done $0x0  }
0x14e: {  	[sflag:s3] =	ssyncadd.s32 $0xFFFFE0C0  }
0x14f: {  	[tilespmem:s13], [sflag:$0x1] =	stream.indirect.gather [hbm4b:s9+s14], $0x40, s25, s14, $0xb8;
	[tilespmem:$0x10200] =	vst v63  }
0x150: {  	_ =	swait.ge [sflag:s5], $0x1F40  }
0x151: {  	[sflag:s5] =	ssyncset.done $0x0  }
0x152: {  	s29 =	rddreg [dreg:$0x5];
	[sflag:s5] =	ssyncadd.s32 $0xFFFFE0C0  }
0x153: {  	[hbm4b:s29+s2] =	stream.linear.scatter [tilespmem:s12], [sflag:$0x2], $0x1F40, $0x38;
	[tilespmem:$0x10200] =	vst v63  }
0x154: {  	_ =	swait.ge [sflag:s3], $0x1F40  }
0x155: {  	[sflag:s3] =	ssyncset.done $0x0  }
0x156: {  	[sflag:s3] =	ssyncadd.s32 $0xFFFFE0C0  }
0x157: {  	[tilespmem:s12], [sflag:$0x1] =	stream.indirect.gather [hbm4b:s9+s14], $0x40, s21, s14, $0xb8;
	[tilespmem:$0x10200] =	vst v63  }
0x158: {  	_ =	swait.ge [sflag:s5], $0x1F40  }
0x159: {  	[sflag:s5] =	ssyncset.done $0x0  }
0x15a: {  	s30 =	rddreg [dreg:$0x6];
	[sflag:s5] =	ssyncadd.s32 $0xFFFFE0C0  }
0x15b: {  	[hbm4b:s30+s2] =	stream.linear.scatter [tilespmem:s11], [sflag:$0x2], $0x1F40, $0x38;
	[tilespmem:$0x10200] =	vst v63  }
0x15c: {  	_ =	swait.ge [sflag:s3], $0x1F40  }
0x15d: {  	[sflag:s3] =	ssyncset.done $0x0  }
0x15e: {  	[sflag:s3] =	ssyncadd.s32 $0xFFFFE0C0  }
0x15f: {  	[tilespmem:s11], [sflag:$0x1] =	stream.indirect.gather [hbm4b:s9+s14], $0x40, s20, s14, $0xb8;
	[tilespmem:$0x10200] =	vst v63  }
0x160: {  	_ =	swait.ge [sflag:s5], $0x1F40  }
0x161: {  	[sflag:s5] =	ssyncset.done $0x0  }
0x162: {  	s31 =	rddreg [dreg:$0x7];
	[sflag:s5] =	ssyncadd.s32 $0xFFFFE0C0  }
0x163: {  	[hbm4b:s31+s2] =	stream.linear.scatter [tilespmem:s10], [sflag:$0x2], $0x1F40, $0x38;
	[tilespmem:$0x10200] =	vst v63  }
0x164: {  	_ =	swait.ge [sflag:s3], $0x1F40  }
0x165: {  	[sflag:s3] =	ssyncset.done $0x0  }
0x166: {  	[sflag:s3] =	ssyncadd.s32 $0xFFFFE0C0  }
0x167: {  	[tilespmem:s10], [sflag:$0x1] =	stream.indirect.gather [hbm4b:s9+s14], $0x40, s19, s14, $0xb8;
	[tilespmem:$0x10200] =	vst v63  }
0x168: {  	_ =	swait.ge [sflag:s5], $0x1F40  }
0x169: {  	[sflag:s5] =	ssyncset.done $0x0  }
0x16a: {  	s1 =	rddreg [dreg:$0x8];
	[sflag:s5] =	ssyncadd.s32 $0xFFFFE0C0  }
0x16b: {  	[hbm4b:s1+s2] =	stream.linear.scatter [tilespmem:s8], [sflag:$0x2], $0x1F40, $0x38;
	[tilespmem:$0x10200] =	vst v63  }
0x16c: {  	_ =	swait.ge [sflag:s3], $0x1F40  }
0x16d: {  	[sflag:s3] =	ssyncset.done $0x0  }
0x16e: {  	[sflag:s3] =	ssyncadd.s32 $0xFFFFE0C0  }
0x16f: {  	[tilespmem:s8], [sflag:$0x1] =	stream.indirect.gather [hbm4b:s9+s14], $0x40, s18, s14, $0xb8;
	[tilespmem:$0x10200] =	vst v63  }
0x170: {  	_ =	swait.ge [sflag:s5], $0x1F40  }
0x171: {  	[sflag:s5] =	ssyncset.done $0x0  }
0x172: {  	s19 =	rddreg [dreg:$0x9];
	[sflag:s5] =	ssyncadd.s32 $0xFFFFE0C0  }
0x173: {  	[hbm4b:s19+s2] =	stream.linear.scatter [tilespmem:s7], [sflag:$0x2], $0x1F40, $0x38;
	[tilespmem:$0x10200] =	vst v63  }
0x174: {  	_ =	swait.ge [sflag:s3], $0x1F40  }
0x175: {  	[sflag:s3] =	ssyncset.done $0x0  }
0x176: {  	[sflag:s3] =	ssyncadd.s32 $0xFFFFE0C0  }
0x177: {  	[tilespmem:s7], [sflag:$0x1] =	stream.indirect.gather [hbm4b:s9+s14], $0x40, s17, s14, $0xb8;
	[tilespmem:$0x10200] =	vst v63  }
0x178: {  	_ =	swait.ge [sflag:s5], $0x1F40  }
0x179: {  	[sflag:s5] =	ssyncset.done $0x0  }
0x17a: {  	s20 =	rddreg [dreg:$0xa];
	[sflag:s5] =	ssyncadd.s32 $0xFFFFE0C0  }
0x17b: {  	[hbm4b:s20+s2] =	stream.linear.scatter [tilespmem:s6], [sflag:$0x2], $0x1F40, $0x38;
	[tilespmem:$0x10200] =	vst v63  }
0x17c: {  	_ =	swait.ge [sflag:s3], $0x1F40  }
0x17d: {  	[sflag:s3] =	ssyncset.done $0x0  }
0x17e: {  	[sflag:s3] =	ssyncadd.s32 $0xFFFFE0C0  }
0x17f: {  	[tilespmem:s6], [sflag:$0x1] =	stream.indirect.gather [hbm4b:s9+s14], $0x40, s16, s14, $0xb8;
	[tilespmem:$0x10200] =	vst v63  }
0x180: {  	_ =	swait.ge [sflag:s5], $0x1F40  }
0x181: {  	[sflag:s5] =	ssyncset.done $0x0  }
0x182: {  	s21 =	rddreg [dreg:$0xb];
	[sflag:s5] =	ssyncadd.s32 $0xFFFFE0C0  }
0x183: {  	[hbm4b:s21+s2] =	stream.linear.scatter [tilespmem:s4], [sflag:$0x2], $0x1F40, $0x38;
	[tilespmem:$0x10200] =	vst v63  }
0x184: {  	_ =	swait.ge [sflag:s3], $0x1F40  }
0x185: {  	[sflag:s3] =	ssyncset.done $0x0  }
0x186: {  	[sflag:s3] =	ssyncadd.s32 $0xFFFFE0C0  }
0x187: {  	[tilespmem:s4], [sflag:$0x1] =	stream.indirect.gather [hbm4b:s9+s14], $0x40, s15, s14, $0xb8;
	[tilespmem:$0x10200] =	vst v63  }
0x188: {  	_ =	swait.ge [sflag:s5], $0x1F40  }
0x189: {  	[sflag:s5] =	ssyncset.done $0x0  }
0x18a: {  	s22 =	rddreg [dreg:$0xc];
	[sflag:s5] =	ssyncadd.s32 $0xFFFFE0C0  }
0x18b: {  	[hbm4b:s22+s2] =	stream.linear.scatter [tilespmem:s13], [sflag:$0x2], $0x1F40, $0x38;
	[tilespmem:$0x10200] =	vst v63  }
0x18c: {  	_ =	swait.ge [sflag:s5], $0x1F40  }
0x18d: {  	[sflag:s5] =	ssyncset.done $0x0  }
0x18e: {  	s23 =	rddreg [dreg:$0xd];
	[sflag:s5] =	ssyncadd.s32 $0xFFFFE0C0  }
0x18f: {  	[hbm4b:s23+s2] =	stream.linear.scatter [tilespmem:s12], [sflag:$0x2], $0x1F40, $0x38;
	[tilespmem:$0x10200] =	vst v63  }
0x190: {  	_ =	swait.ge [sflag:s5], $0x1F40  }
0x191: {  	[sflag:s5] =	ssyncset.done $0x0  }
0x192: {  	s24 =	rddreg [dreg:$0xe];
	[sflag:s5] =	ssyncadd.s32 $0xFFFFE0C0  }
0x193: {  	[hbm4b:s24+s2] =	stream.linear.scatter [tilespmem:s11], [sflag:$0x2], $0x1F40, $0x38;
	[tilespmem:$0x10200] =	vst v63  }
0x194: {  	_ =	swait.ge [sflag:s5], $0x1F40  }
0x195: {  	[sflag:s5] =	ssyncset.done $0x0  }
0x196: {  	s25 =	rddreg [dreg:$0xf];
	[sflag:s5] =	ssyncadd.s32 $0xFFFFE0C0  }
0x197: {  	[hbm4b:s25+s2] =	stream.linear.scatter [tilespmem:s10], [sflag:$0x2], $0x1F40, $0x38;
	[tilespmem:$0x10200] =	vst v63  }
0x198: {  	_ =	swait.ge [sflag:s5], $0x1F40  }
0x199: {  	[sflag:s5] =	ssyncset.done $0x0  }
0x19a: {  	s26 =	rddreg [dreg:$0x10];
	[sflag:s5] =	ssyncadd.s32 $0xFFFFE0C0  }
0x19b: {  	[hbm4b:s26+s2] =	stream.linear.scatter [tilespmem:s8], [sflag:$0x2], $0x1F40, $0x38;
	[tilespmem:$0x10200] =	vst v63  }
0x19c: {  	_ =	swait.ge [sflag:s5], $0x1F40  }
0x19d: {  	[sflag:s5] =	ssyncset.done $0x0  }
0x19e: {  	s28 =	rddreg [dreg:$0x11];
	[sflag:s5] =	ssyncadd.s32 $0xFFFFE0C0  }
0x19f: {  	[hbm4b:s28+s2] =	stream.linear.scatter [tilespmem:s7], [sflag:$0x2], $0x1F40, $0x38;
	[tilespmem:$0x10200] =	vst v63  }
0x1a0: {  	_ =	swait.ge [sflag:s5], $0x1F40  }
0x1a1: {  	[sflag:s5] =	ssyncset.done $0x0  }
0x1a2: {  	s29 =	rddreg [dreg:$0x12];
	[sflag:s5] =	ssyncadd.s32 $0xFFFFE0C0  }
0x1a3: {  	[hbm4b:s29+s2] =	stream.linear.scatter [tilespmem:s6], [sflag:$0x2], $0x1F40, $0x38;
	[tilespmem:$0x10200] =	vst v63  }
0x1a4: {  	_ =	swait.ge [sflag:s5], $0x1F40  }
0x1a5: {  	[sflag:s5] =	ssyncset.done $0x0  }
0x1a6: {  	s30 =	rddreg [dreg:$0x13];
	[sflag:s5] =	ssyncadd.s32 $0xFFFFE0C0  }
0x1a7: {  	[hbm4b:s30+s2] =	stream.linear.scatter [tilespmem:s4], [sflag:$0x2], $0x1F40, $0x38;
	[tilespmem:$0x10200] =	vst v63  }
0x1a8: {  	_ =	swait.ge [sflag:s3], $0x1F40  }
0x1a9: {  	[sflag:s3] =	ssyncset.done $0x0  }
0x1aa: {  	[sflag:s3] =	ssyncadd.s32 $0xFFFFE0C0  }
0x1ab: {  	_ =	swait.ge [sflag:s3], $0x1F40  }
0x1ac: {  	[sflag:s3] =	ssyncset.done $0x0  }
0x1ad: {  	[sflag:s3] =	ssyncadd.s32 $0xFFFFE0C0  }
0x1ae: {  	_ =	swait.ge [sflag:s3], $0x1F40  }
0x1af: {  	[sflag:s3] =	ssyncset.done $0x0  }
0x1b0: {  	[sflag:s3] =	ssyncadd.s32 $0xFFFFE0C0  }
0x1b1: {  	_ =	swait.ge [sflag:s3], $0x1F40  }
0x1b2: {  	[sflag:s3] =	ssyncset.done $0x0  }
0x1b3: {  	[sflag:s3] =	ssyncadd.s32 $0xFFFFE0C0  }
0x1b4: {  	_ =	swait.ge [sflag:s3], $0x1F40  }
0x1b5: {  	[sflag:s3] =	ssyncset.done $0x0  }
0x1b6: {  	[sflag:s3] =	ssyncadd.s32 $0xFFFFE0C0  }
0x1b7: {  	_ =	swait.ge [sflag:s3], $0x1F40  }
0x1b8: {  	[sflag:s3] =	ssyncset.done $0x0  }
0x1b9: {  	[sflag:s3] =	ssyncadd.s32 $0xFFFFE0C0  }
0x1ba: {  	_ =	swait.ge [sflag:s3], $0x1F40  }
0x1bb: {  	[sflag:s3] =	ssyncset.done $0x0  }
0x1bc: {  	[sflag:s3] =	ssyncadd.s32 $0xFFFFE0C0  }
0x1bd: {  	_ =	swait.ge [sflag:s3], $0x1F40  }
0x1be: {  	[sflag:s3] =	ssyncset.done $0x0  }
0x1bf: {  	[sflag:s3] =	ssyncadd.s32 $0xFFFFE0C0  }
0x1c0: {  	_ =	sfence.sel $0x180000  }
0x1c1: {  	[bflag:$0x0] =	sbarrier.arrive $0xFFFF  }
0x1c2: {  	_ =	strace $0x90000047  }
0x1c3: {  	s31 =	stileid.u32;
	[bflag:$0x2] =	sbarrier.arrive $0xFFFF  }
0x1c4: {  	p0 =	sne.s32 s31, $0x0;
	s0 =	rddreg [dreg:$0x2]  }
0x1c5: {  	s0 =	sadd.s32 @!p0 $0x100000, s0  }
0x1c6: {  	[sflag:s0] =	ssyncadd.tile.s32 @!p0 $0x1;
	_ =	shalt  }
.Lfunc_end2:
_tile_overlayer_lowered:
.L_overlay_start_2:
0x1c7: {  	(tag) =	ssettag $0x2  }
0x1c8: {  	s0 =	rddreg [dreg:$0x0];
	s2 =	stileid.u32  }
0x1c9: {  	s1 =	rddreg [dreg:$0x1];
	p0 =	sne.s32 s2, $0x0  }
0x1ca: {  	s3 =	rddreg [dreg:$0x2];
	[bflag:$0x3] =	sbarrier.arrive $0xFFFF;
	s2 =	simm.s32 @!p0 $0x1C03  }
0x1cb: {  	[timem:s3], [sflag:s2] =	dma.local @!p0 [hbm:s0], s1  }
0x1cc: {  	s0 =	simm.s32 @!p0 $0x3  }
0x1cd: {  	_ =	swait.ge @!p0 [sflag:s0], s1  }
0x1ce: {  	s1 =	ssub.s32 @!p0 $0x0, s1;
	[sflag:s0] =	ssyncset.done @!p0 $0x0  }
0x1cf: {  	[sflag:s0] =	ssyncadd.s32 @!p0 s1  }
0x1d0: {  	[bflag:$0x3] =	sbarrier.arrive $0xFFFF  }
0x1d1: {  	_ =	shalt  }

// kernel: kernel.13.cloned.1.call-start
scs
__scs_entry_jumppad:
0x0: {  	(pc) =	sbr.rel $0x88, $3  }
0x1: {  	(tag) =	ssettag $0x0;
	lr =	simm.s32 $0x1  }
0x2: {  	[smem:$0x3F90] =	sst lr;
	_ =	strace $0xD0000000  }
0x3: {  	_ = 	snop  }
0x4: {  	_ = 	snop  }
0x5: {  	_ = 	snop  }
0x6: {  	_ = 	snop  }
0x7: {  	_ = 	snop  }
__scs_overlays_trampoline_lowered:
0x8: {  	[smem:$0x3F9F] =	sst s0  }
0x9: {  	[smem:$0x3FA0] =	sst s1  }
0xa: {  	[smem:$0x3FA1] =	sst s2  }
0xb: {  	[smem:$0x3FA2] =	sst s3  }
0xc: {  	[smem:$0x3FA3] =	sst s4  }
0xd: {  	[smem:$0x3FA4] =	sst s5  }
0xe: {  	[smem:$0x3FA5] =	sst s6  }
0xf: {  	[smem:$0x3FA6] =	sst s7  }
0x10: {  	[smem:$0x3FA7] =	sst s8  }
0x11: {  	[smem:$0x3FA8] =	sst s9;
	s0 =	simm.s32 @!p0 $0x0  }
0x12: {  	s1 =	sld [smem:$0x3F8E];
	s0 =	simm.s32 @p0 $0x1  }
0x13: {  	[smem:$0x3FA9] =	sst s0;
	s0 =	simm.s32 @!p1 $0x0  }
0x14: {  	s2 =	sld [smem:$0x3F8D];
	s0 =	simm.s32 @p1 $0x1  }
0x15: {  	[smem:$0x3FAA] =	sst s0;
	s0 =	simm.s32 @!p2 $0x0  }
0x16: {  	s3 =	sld [smem:$0x3FDB];
	s0 =	simm.s32 @p2 $0x1  }
0x17: {  	s4 =	simm.s32 $0x1BF5;
	[smem:$0x3FAC] =	sst s0  }
0x18: {  	s0 =	sld [smem:$0x3F8F];
	_ =	swait.ge [sflag:s4], $0x0  }
0x19: {  	s7 =	sld [smem:$0x3F90]  }
0x1a: {  	s8 =	sadd.s32 $0xFFFFE003, lr  }
0x1b: {  	s9 =	sadd.s32 $0xFFFFFEF7, lr;
	s5 =	simm.s32 $0xFFFFFFFF;
	p2 =	slt.u32 s8, $0xFFFFF086  }
0x1c: {  	p1 =	slt.u32 s9, $0xF7A;
	s5 =	simm.s32 @!p2 $0x0  }
0x1d: {  	s5 =	simm.s32 @p1 $0x1;
	p0 =	seq.s32 s7, s2  }
0x1e: {  	s7 =	smul.u32 @!p0 $0xF7A, s2;
	p2 =	seq.s32 @!p0 s5, $0x0  }
0x1f: {  	s9 =	smul.u32 $0xF7A, s1;
	s8 =	simm.s32 @!p0 $0x1BF5;
	p2 =	por !p2, p0  }
0x20: {  	[sflag:s8] =	ssyncset.s32 @!p0 $0xFFFFF086;
	s6 =	sadd.s32 @!p0 s3, s7;
	s7 =	simm.s32 @!p0 $0x108  }
0x21: {  	s3 =	sadd.s32 s3, s9;
	s6 =	sadd.s32 @!p0 $0x88, s6;
	s7 =	simm.s32 @p2 $0x1082  }
0x22: {  	[simem:s7], [sflag:s8] =	dma.local @!p0 [hbm:s6], $0xF7A  }
0x23: {  	s9 =	sor.u32 $0xD0000000, s2;
	s6 =	simm.s32 $0x108;
	_ =	swait.ge @!p0 [sflag:s8], $0x0  }
0x24: {  	s3 =	sadd.s32 $0x88, s3;
	s6 =	simm.s32 @!p1 $0x1082;
	[sflag:s4] =	ssyncset.s32 $0xFFFFF086  }
0x25: {  	[simem:s6], [sflag:s4] =	dma.local [hbm:s3], $0xF7A  }
0x26: {  	[smem:$0x3F90] =	sst s1;
	(tag) =	ssettag s2;
	_ =	strace s9  }
0x27: {  	s1 =	sld [smem:$0x3FA0]  }
0x28: {  	s2 =	sld [smem:$0x3FA1]  }
0x29: {  	s4 =	sld [smem:$0x3FA3]  }
0x2a: {  	p0 =	seq.s32 s5, $0x0;
	s5 =	sld [smem:$0x3FA4]  }
0x2b: {  	s6 =	sld [smem:$0x3FA5]  }
0x2c: {  	s7 =	sld [smem:$0x3FA6]  }
0x2d: {  	s3 =	simm.s32 $0x108;
	s8 =	sld [smem:$0x3FA7]  }
0x2e: {  	s3 =	simm.s32 @!p0 $0x1082;
	s9 =	sld [smem:$0x3FA8]  }
0x2f: {  	lr =	sadd.s32 s0, s3;
	s0 =	sld [smem:$0x3F9F]  }
0x30: {  	s3 =	sld [smem:$0x3FA2]  }
0x31: {  	[smem:$0x3FAB] =	sst s10  }
0x32: {  	s10 =	sld [smem:$0x3FA9];
	_ =	sdelay $0x3  }
0x33: {  	p0 =	seq.s32 s10, $0x1;
	s10 =	sld [smem:$0x3FAB];
	_ =	sdelay $0x3  }
0x34: {  	[smem:$0x3FAB] =	sst s10  }
0x35: {  	s10 =	sld [smem:$0x3FAA];
	_ =	sdelay $0x3  }
0x36: {  	p1 =	seq.s32 s10, $0x1;
	s10 =	sld [smem:$0x3FAB];
	_ =	sdelay $0x3  }
0x37: {  	[smem:$0x3FAB] =	sst s10  }
0x38: {  	s10 =	sld [smem:$0x3FAC]  }
0x39: {  	_ = 	snop;
	(pc) =	sbr.ind lr, $3  }
0x3a: {  	_ = 	snop  }
0x3b: {  	_ = 	snop  }
0x3c: {  	p2 =	seq.s32 s10, $0x1;
	s10 =	sld [smem:$0x3FAB]  }
0x3d: {  	_ =	shalt  }
0x3e: {  	_ =	shalt  }
0x3f: {  	_ =	shalt  }
0x40: {  	_ =	shalt  }
0x41: {  	_ =	shalt  }
0x42: {  	_ =	shalt  }
0x43: {  	_ =	shalt  }
0x44: {  	_ =	shalt  }
0x45: {  	_ =	shalt  }
0x46: {  	_ =	shalt  }
0x47: {  	_ =	shalt  }
0x48: {  	_ =	shalt  }
0x49: {  	_ =	shalt  }
0x4a: {  	_ =	shalt  }
0x4b: {  	_ =	shalt  }
0x4c: {  	_ =	shalt  }
0x4d: {  	_ =	shalt  }
0x4e: {  	_ =	shalt  }
0x4f: {  	_ =	shalt  }
0x50: {  	_ =	shalt  }
0x51: {  	_ =	shalt  }
0x52: {  	_ =	shalt  }
0x53: {  	_ =	shalt  }
0x54: {  	_ =	shalt  }
0x55: {  	_ =	shalt  }
0x56: {  	_ =	shalt  }
0x57: {  	_ =	shalt  }
0x58: {  	_ =	shalt  }
0x59: {  	_ =	shalt  }
0x5a: {  	_ =	shalt  }
0x5b: {  	_ =	shalt  }
0x5c: {  	_ =	shalt  }
0x5d: {  	_ =	shalt  }
0x5e: {  	_ =	shalt  }
0x5f: {  	_ =	shalt  }
0x60: {  	_ =	shalt  }
0x61: {  	_ =	shalt  }
0x62: {  	_ =	shalt  }
0x63: {  	_ =	shalt  }
0x64: {  	_ =	shalt  }
0x65: {  	_ =	shalt  }
0x66: {  	_ =	shalt  }
0x67: {  	_ =	shalt  }
0x68: {  	_ =	shalt  }
0x69: {  	_ =	shalt  }
0x6a: {  	_ =	shalt  }
0x6b: {  	_ =	shalt  }
0x6c: {  	_ =	shalt  }
0x6d: {  	_ =	shalt  }
0x6e: {  	_ =	shalt  }
0x6f: {  	_ =	shalt  }
0x70: {  	_ =	shalt  }
0x71: {  	_ =	shalt  }
0x72: {  	_ =	shalt  }
0x73: {  	_ =	shalt  }
0x74: {  	_ =	shalt  }
0x75: {  	_ =	shalt  }
0x76: {  	_ =	shalt  }
0x77: {  	_ =	shalt  }
0x78: {  	_ =	shalt  }
0x79: {  	_ =	shalt  }
0x7a: {  	_ =	shalt  }
0x7b: {  	_ =	shalt  }
0x7c: {  	_ =	shalt  }
0x7d: {  	_ =	shalt  }
0x7e: {  	_ =	shalt  }
0x7f: {  	_ =	shalt  }
0x80: {  	_ =	shalt  }
0x81: {  	_ =	shalt  }
0x82: {  	_ =	shalt  }
0x83: {  	_ =	shalt  }
0x84: {  	_ =	shalt  }
0x85: {  	_ =	shalt  }
0x86: {  	_ =	shalt  }
0x87: {  	_ =	shalt  }
.Lfunc_end0:
.L_simem_size_0:
called_computation.1_lowered:
.L_overlay_start_0:
0x88: {  	s2 =	sld [smem:$0x3FD9]  }
0x89: {  	s3 =	sld [smem:$0x3FFE];
	_ =	sdelay $0x1  }
0x8a: {  	s1 =	srdreg.scid  }
0x8b: {  	s0 =	sand.u32 $0x1, s1  }
0x8c: {  	s17 =	sshll.u32 s0, $0xA;
	s2 =	sadd.s32 s3, s2  }
0x8d: {  	s2 =	sadd.s32 s2, s17  }
0x8e: {  	[smem:$0x3FB7] =	sst s2  }
0x8f: {  	_ = 	snop  }
0x90: {  	(tm) =	ssettm $0x1  }
0x91: {  	s18 =	sld [smem:$0x3FFB];
	_ =	sdelay $0x3  }
0x92: {  	_ =	strace s18  }
0x93: {  	s2 =	sld [smem:$0x3FFC];
	_ =	sdelay $0x3  }
0x94: {  	_ =	strace s2  }
0x95: {  	s2 =	sld [smem:$0x3FFD];
	_ =	sdelay $0x3  }
0x96: {  	_ =	strace s2  }
0x97: {  	_ =	strace $0x8FFFFFFF  }
0x98: {  	s19 =	sld [smem:$0x3FDB];
	_ =	sdelay $0x1  }
0x99: {  	s20 =	simm.s32 $_scs_section_size  }
0x9a: {  	s4 =	simm.s32 $_size__tile_overlayer_lowered;
	s5 =	simm.s32 $_tile_overlayer_lowered  }
0x9b: {  	s6 =	simm.s32 $0x1BFF;
	s21 =	sshll.u32 s5, $0x1;
	s3 =	sadd.s32 s20, s19  }
0x9c: {  	s22 =	simm.s32 $0x0;
	s4 =	sshll.u32 s4, $0x1;
	s5 =	sadd.s32 s21, s3  }
0x9d: {  	[timem:s22], [sflag:s6] =	dma.local [hbm:s5], s4  }
0x9e: {  	_ =	swait.ge [sflag:s6], s4  }
0x9f: {  	s4 =	ssub.s32 $0x0, s4;
	[sflag:s6] =	ssyncset.done $0x0  }
0xa0: {  	[sflag:s6] =	ssyncadd.s32 s4;
	_ =	sdelay $0x1  }
0xa1: {  	s23 =	simm.s32 $0x1B8B  }
0xa2: {  	_ =	swait.ge [sflag:s23], $0x1  }
0xa3: {  	[sflag:s23] =	ssyncset.done $0x0  }
0xa4: {  	[sflag:s23] =	ssyncadd.s32 $0xFFFFFFFF  }
0xa5: {  	s4 =	sld [smem:$0x0]  }
0xa6: {  	s5 =	sand.u32 $0xFFFFFFFE, s1  }
0xa7: {  	p0 =	sne.s32 s1, s5  }
0xa8: {  	s5 =	sshll.u32 @p0 s5, $0xE  }
0xa9: {  	s5 =	sadd.s32 @p0 $0x11B8D, s5;
	s6 =	sshll.u32 @p0 s4, $0x11  }
0xaa: {  	s5 =	sor.u32 @p0 s6, s5  }
0xab: {  	[sflag:s5] =	ssyncadd.remote.s32 @p0 $0x1;
	_ =	sdelay $0x1  }
0xac: {  	s5 =	simm.s32 @p0 $0x1B8D  }
0xad: {  	_ =	swait.eq @p0 [sflag:s5], $0x1  }
0xae: {  	[sflag:s5] =	ssyncadd.s32 @p0 $0xFFFFFFFF  }
0xaf: {  	s6 =	sshll.u32 @!p0 s1, $0xE  }
0xb0: {  	s6 =	sor.u32 @!p0 $0x4000, s6;
	s5 =	simm.s32 @!p0 $0x1B8D  }
0xb1: {  	s4 =	sshll.u32 @!p0 s4, $0x11;
	s6 =	sadd.s32 @!p0 $0x11B8D, s6;
	_ =	swait.eq @!p0 [sflag:s5], $0x1  }
0xb2: {  	s4 =	sor.u32 @!p0 s4, s6;
	[sflag:s5] =	ssyncadd.s32 @!p0 $0xFFFFFFFF  }
0xb3: {  	s25 =	simm.s32 $0x1B8E;
	s24 =	sld [smem:$0x3FFE];
	[sflag:s4] =	ssyncadd.remote.s32 @!p0 $0x1  }
0xb4: {  	s26 =	simm.s32 $execute0_lowered;
	[smem:$0x3FD2] =	sst s25  }
0xb5: {  	s5 =	sshll.u32 s26, $0x1;
	_ =	strace $0x80000049;
	[dreg:$0x1] =	wrdreg $0xFFFFFFFF  }
0xb6: {  	s28 =	simm.s32 $_size_execute0_lowered;
	s3 =	sadd.s32 s3, s5;
	[dreg:$0x0] =	wrdreg $0x0  }
0xb7: {  	s5 =	sshll.u32 s28, $0x1;
	[dreg:$0x2] =	wrdreg s3  }
0xb8: {  	[dreg:$0x3] =	wrdreg s5  }
0xb9: {  	[dreg:$0x4] =	wrdreg $0xC0  }
0xba: {  	_ =	task [dreg:s22], $0x5FFFF  }
0xbb: {  	[dreg:$0x1] =	wrdreg $0xFFFFFFFF  }
0xbc: {  	[dreg:$0x0] =	wrdreg $0x60  }
0xbd: {  	[dreg:$0x2] =	wrdreg s24  }
0xbe: {  	[dreg:$0x3] =	wrdreg $0x0  }
0xbf: {  	[dreg:$0x4] =	wrdreg $0xA  }
0xc0: {  	_ =	task.clear_ibuf [dreg:s22], $0x5FFFF;
	_ =	strace $0x90000049  }
0xc1: {  	s29 =	simm.s32 $0xA;
	_ =	strace $0x8000004B  }
0xc2: {  	_ =	swait.ge [sflag:s29], $0x1  }
0xc3: {  	[sflag:s29] =	ssyncadd.s32 $0xFFFFFFFF  }
0xc4: {  	_ =	strace $0x9000004B  }
0xc5: {  	_ =	sfence  }
0xc6: {  	s30 =	sld [smem:$0x0];
	_ =	sdelay $0x2  }
0xc7: {  	s31 =	sshll.u32 s1, $0xD;
	s1 =	sshrl.u32 s1, $0x2  }
0xc8: {  	s4 =	sand.u32 $0x4000, s31;
	s1 =	sadd.s32 s1, s30  }
0xc9: {  	s0 =	sor.u32 s4, s0;
	s1 =	sshll.u32 s1, $0x11  }
0xca: {  	s0 =	sor.u32 s1, s0  }
0xcb: {  	s0 =	sadd.s32 $0x8F2B, s0  }
0xcc: {  	[sflag:s0] =	ssyncadd.remote.s32 $0x1  }
0xcd: {  	_ =	sfence.sel $0xFFFF  }
0xce: {  	[dreg:$0x0] =	wrdreg $0xFFFFFFFF;
	(pc) =	sbr.abs _section_cstart, $3  }
0xcf: {  	[dreg:$0x1] =	wrdreg $0xFFFFFFFF  }
0xd0: {  	_ =	task.clear_ibuf [dreg:s22], $0x2FFFF;
	_ =	strace $0x9FFFFFFF  }
0xd1: {  	(tm) =	ssettm $0x7FFFFFFF  }
tec
execute0_lowered:
.L_overlay_start_1:
0x0: {  	(tag) =	ssettag $0x1  }
0x1: {  	s5 =	rddreg [dreg:$0x0]  }
0x2: {  	s2 =	rddreg [dreg:$0x1]  }
0x3: {  	s3 =	simm.s32 $0x0;
	s0 =	stileid.u32;
	s4 =	srdreg.scid  }
0x4: {  	s17 =	simm.s32 $0x7D;
	s18 =	simm.s32 $0xC3D0;
	s19 =	simm.s32 $0xC450  }
0x5: {  	s20 =	simm.s32 $0xC4D0;
	s21 =	simm.s32 $0x2;
	s22 =	simm.s32 $0xC550  }
0x6: {  	s28 =	simm.s32 $0x0;
	[smem:$0x7FF] =	sst s3;
	s6 =	smul.u32 $0xC350, s0  }
0x7: {  	s7 =	sand.u32 $0x1, s4;
	s11 =	sadd.s32 $0x80200, s5;
	s4 =	sadd.s32 $0xB1A00, s5  }
0x8: {  	s16 =	smul.u32 $0x6400, s0;
	s24 =	sshll.u32 s0, $0x6;
	_ =	strace $0x8000004A  }
0x9: {  	s8 =	smul.u32 $0xC3500, s7;
	s10 =	sshll.u32 s7, $0x4;
	s12 =	ssub.s32 $0x2, s7  }
0xa: {  	s14 =	smul.u32 $0x64000, s7;
	s9 =	sshrl.u32 s6, $0x3;
	s10 =	sor.u32 s0, s10  }
0xb: {  	s23 =	sshrl.u32 s12, $0x1;
	s15 =	sadd.s32 s6, s2;
	s9 =	sadd.s32 s9, s5  }
0xc: {  	s8 =	sadd.s32 s6, s8;
	s13 =	smul.u32 $0xC80, s10;
	s12 =	ssub.s32 s12, s23  }
0xd: {  	s25 =	smul.u32 $0x6400, s10;
	s6 =	sor.u32 $0x1C03, s24;
	s26 =	sadd.s32 s16, s14  }
0xe: {  	s14 =	simm.s32 $0xCB50;
	s16 =	simm.s32 $0x1;
	s23 =	simm.s32 $0xC750  }
0xf: {  	s24 =	simm.s32 $0xC5D0;
	s8 =	sshrl.u32 s8, $0x3;
	s10 =	sadd.s32 $0x800, s26  }
0x10: {  	s26 =	simm.s32 $0xC6D0;
	s8 =	sadd.s32 s8, s5;
	s5 =	sadd.s32 $0x99200, s9  }
0x11: {  	s7 =	sadd.s32 s11, s13;
	s29 =	sshrl.u32 s25, $0x3;
	s9 =	smax.u32 s12, $0x1  }
0x12: {  	s31 =	sshrl.u32 s10, $0x3;
	s12 =	sshrl.u32 s15, $0x3;
	s13 =	simm.s32 $0x3  }
0x13: {  	s15 =	simm.s32 $0xC350;
	s25 =	simm.s32 $0xC650;
	s30 =	sadd.s32 s11, s29  }
0x14: {  	s8 =	sadd.s32 $0xB1C00, s8;
	s11 =	sadd.s32 s31, s11;
	s10 =	sadd.s32 $0x80, s30  }
.LBB2_1:
0x15: {  	[spmem:s12], [sflag:s6] =	dma.local [hbm:s5], $0x186A  }
0x16: {  	_ =	swait.ge [sflag:s13], $0x186A  }
0x17: {  	[sflag:s13] =	ssyncset.done $0x0  }
0x18: {  	[sflag:s13] =	ssyncadd.s32 $0xFFFFE796  }
0x19: {  	[tilespmem:s14], [sflag:$0x3] =	stream.linear.gather [hbm4b:s4+s3], $0x7D0, $0x38;
	[tilespmem:$0xD320] =	vst v63  }
0x1a: {  	_ =	swait.ge [sflag:s13], $0x7D0  }
0x1b: {  	[sflag:s13] =	ssyncset.done $0x0  }
0x1c: {  	[sflag:s13] =	ssyncadd.s32 $0xFFFFF830  }
0x1d: {  	[bflag:$0x0] =	sbarrier.arrive $0xFFFF  }
0x1e: {  	[tilespmem:s15], [sflag:$0x1] =	stream.linear.gather [hbm4b:s7+s3], $0x400, $0x38;
	[tilespmem:$0xD320] =	vst v63  }
0x1f: {  	_ =	swait.ge [sflag:s16], $0x400  }
0x20: {  	[sflag:s16] =	ssyncset.done $0x0  }
0x21: {  	[sflag:s16] =	ssyncadd.s32 $0xFFFFFC00  }
0x22: {  	[spmem:s2] =	stream.indirect.scatter.add.f32 [tilespmem:s14], [sflag:$0x2], $0x10, s15, s17, $0xb8;
	[tilespmem:$0xD320] =	vst v63  }
0x23: {  	_ = 	snop  }
0x24: {  	[spmem:s2] =	stream.indirect.scatter.add.f32 [tilespmem:s14], [sflag:$0x2], $0x10, s18, s17, $0xb8;
	[tilespmem:$0xD320] =	vst v63  }
0x25: {  	_ = 	snop  }
0x26: {  	[spmem:s2] =	stream.indirect.scatter.add.f32 [tilespmem:s14], [sflag:$0x2], $0x10, s19, s17, $0xb8;
	[tilespmem:$0xD320] =	vst v63  }
0x27: {  	_ = 	snop  }
0x28: {  	[spmem:s2] =	stream.indirect.scatter.add.f32 [tilespmem:s14], [sflag:$0x2], $0x10, s20, s17, $0xb8;
	[tilespmem:$0xD320] =	vst v63  }
0x29: {  	_ =	swait.ge [sflag:s21], $0x7D0  }
0x2a: {  	[sflag:s21] =	ssyncset.done $0x0  }
0x2b: {  	[sflag:s21] =	ssyncadd.s32 $0xFFFFF830  }
0x2c: {  	[spmem:s2] =	stream.indirect.scatter.add.f32 [tilespmem:s14], [sflag:$0x2], $0x10, s22, s17, $0xb8;
	[tilespmem:$0xD320] =	vst v63  }
0x2d: {  	_ = 	snop  }
0x2e: {  	[tilespmem:s23], [sflag:$0x1] =	stream.linear.gather [hbm4b:s10+s3], $0x400, $0x38;
	[tilespmem:$0xD320] =	vst v63  }
0x2f: {  	_ =	swait.ge [sflag:s21], $0x7D0  }
0x30: {  	[sflag:s21] =	ssyncset.done $0x0  }
0x31: {  	[sflag:s21] =	ssyncadd.s32 $0xFFFFF830  }
0x32: {  	[spmem:s2] =	stream.indirect.scatter.add.f32 [tilespmem:s14], [sflag:$0x2], $0x10, s24, s17, $0xb8;
	[tilespmem:$0xD320] =	vst v63  }
0x33: {  	_ =	swait.ge [sflag:s21], $0x7D0  }
0x34: {  	[sflag:s21] =	ssyncset.done $0x0  }
0x35: {  	[sflag:s21] =	ssyncadd.s32 $0xFFFFF830  }
0x36: {  	[spmem:s2] =	stream.indirect.scatter.add.f32 [tilespmem:s14], [sflag:$0x2], $0x10, s25, s17, $0xb8;
	[tilespmem:$0xD320] =	vst v63  }
0x37: {  	_ =	swait.ge [sflag:s21], $0x7D0  }
0x38: {  	[sflag:s21] =	ssyncset.done $0x0  }
0x39: {  	[sflag:s21] =	ssyncadd.s32 $0xFFFFF830  }
0x3a: {  	[spmem:s2] =	stream.indirect.scatter.add.f32 [tilespmem:s14], [sflag:$0x2], $0x10, s26, s17, $0xb8;
	[tilespmem:$0xD320] =	vst v63  }
0x3b: {  	_ =	swait.ge [sflag:s16], $0x400  }
0x3c: {  	[sflag:s16] =	ssyncset.done $0x0  }
0x3d: {  	[sflag:s16] =	ssyncadd.s32 $0xFFFFFC00  }
0x3e: {  	s29 =	simm.s32 $0x400;
	_ =	swait.ge [sflag:s21], $0x7D0  }
0x3f: {  	s30 =	sand.u32 $0x400, s29;
	[sflag:s21] =	ssyncset.done $0x0  }
0x40: {  	s29 =	sor.u32 $0xC350, s30;
	[sflag:s21] =	ssyncadd.s32 $0xFFFFF830  }
0x41: {  	[spmem:s2] =	stream.indirect.scatter.add.f32 [tilespmem:s14], [sflag:$0x2], $0x10, s29, s17, $0xb8;
	[tilespmem:$0xD320] =	vst v63  }
0x42: {  	_ =	swait.ge [sflag:s21], $0x7D0  }
0x43: {  	[sflag:s21] =	ssyncset.done $0x0  }
0x44: {  	s29 =	sor.u32 $0xC3D0, s30;
	[sflag:s21] =	ssyncadd.s32 $0xFFFFF830  }
0x45: {  	[spmem:s2] =	stream.indirect.scatter.add.f32 [tilespmem:s14], [sflag:$0x2], $0x10, s29, s17, $0xb8;
	[tilespmem:$0xD320] =	vst v63  }
0x46: {  	_ =	swait.ge [sflag:s21], $0x7D0  }
0x47: {  	[sflag:s21] =	ssyncset.done $0x0  }
0x48: {  	s29 =	sadd.s32 $0xC450, s30;
	[sflag:s21] =	ssyncadd.s32 $0xFFFFF830  }
0x49: {  	[spmem:s2] =	stream.indirect.scatter.add.f32 [tilespmem:s14], [sflag:$0x2], $0x10, s29, s17, $0xb8;
	[tilespmem:$0xD320] =	vst v63  }
0x4a: {  	_ =	swait.ge [sflag:s21], $0x7D0  }
0x4b: {  	[sflag:s21] =	ssyncset.done $0x0  }
0x4c: {  	s29 =	sadd.s32 $0xC4D0, s30;
	[sflag:s21] =	ssyncadd.s32 $0xFFFFF830  }
0x4d: {  	[spmem:s2] =	stream.indirect.scatter.add.f32 [tilespmem:s14], [sflag:$0x2], $0x10, s29, s17, $0xb8;
	[tilespmem:$0xD320] =	vst v63  }
0x4e: {  	_ =	swait.ge [sflag:s21], $0x7D0  }
0x4f: {  	[sflag:s21] =	ssyncset.done $0x0  }
0x50: {  	s31 =	sadd.s32 $0xC550, s30;
	s29 =	sxor.u32 $0x400, s30;
	[sflag:s21] =	ssyncadd.s32 $0xFFFFF830  }
0x51: {  	[spmem:s2] =	stream.indirect.scatter.add.f32 [tilespmem:s14], [sflag:$0x2], $0x10, s31, s17, $0xb8;
	[tilespmem:$0xD320] =	vst v63  }
0x52: {  	s29 =	sor.u32 $0xC350, s29  }
0x53: {  	[tilespmem:s29], [sflag:$0x1] =	stream.linear.gather [hbm4b:s11+s3], $0x400, $0x38;
	[tilespmem:$0xD320] =	vst v63  }
0x54: {  	_ =	swait.ge [sflag:s21], $0x7D0  }
0x55: {  	[sflag:s21] =	ssyncset.done $0x0  }
0x56: {  	s29 =	sadd.s32 $0xC5D0, s30;
	[sflag:s21] =	ssyncadd.s32 $0xFFFFF830  }
0x57: {  	[spmem:s2] =	stream.indirect.scatter.add.f32 [tilespmem:s14], [sflag:$0x2], $0x10, s29, s17, $0xb8;
	[tilespmem:$0xD320] =	vst v63  }
0x58: {  	_ =	swait.ge [sflag:s21], $0x7D0  }
0x59: {  	[sflag:s21] =	ssyncset.done $0x0  }
0x5a: {  	s29 =	sadd.s32 $0xC650, s30;
	[sflag:s21] =	ssyncadd.s32 $0xFFFFF830  }
0x5b: {  	[spmem:s2] =	stream.indirect.scatter.add.f32 [tilespmem:s14], [sflag:$0x2], $0x10, s29, s17, $0xb8;
	[tilespmem:$0xD320] =	vst v63  }
0x5c: {  	_ =	swait.ge [sflag:s21], $0x7D0  }
0x5d: {  	s31 =	sadd.s32 $0xC6D0, s30;
	[sflag:s21] =	ssyncset.done $0x0  }
0x5e: {  	s30 =	sadd.s32 $0x80, s11;
	s29 =	simm.s32 $0x800;
	[sflag:s21] =	ssyncadd.s32 $0xFFFFF830  }
.LBB2_2:
0x5f: {  	[spmem:s2] =	stream.indirect.scatter.add.f32 [tilespmem:s14], [sflag:$0x2], $0x10, s31, s17, $0xb8;
	[tilespmem:$0xD320] =	vst v63  }
0x60: {  	s31 =	smov.u32 s29  }
0x61: {  	p0 =	sne.s32 s29, $0x5C00;
	s29 =	sadd.s32 $0x400, s29;
	_ =	swait.ge [sflag:s16], $0x400  }
0x62: {  	[sflag:s16] =	ssyncset.done $0x0  }
0x63: {  	[sflag:s16] =	ssyncadd.s32 $0xFFFFFC00  }
0x64: {  	_ =	swait.ge [sflag:s21], $0x7D0  }
0x65: {  	s31 =	sand.u32 $0x400, s31;
	[sflag:s21] =	ssyncset.done $0x0  }
0x66: {  	s0 =	sor.u32 $0xC350, s31;
	s1 =	sxor.u32 $0x400, s31;
	[sflag:s21] =	ssyncadd.s32 $0xFFFFF830  }
0x67: {  	[spmem:s2] =	stream.indirect.scatter.add.f32 [tilespmem:s14], [sflag:$0x2], $0x10, s0, s17, $0xb8;
	[tilespmem:$0xD320] =	vst v63  }
0x68: {  	_ =	swait.ge [sflag:s21], $0x7D0  }
0x69: {  	[sflag:s21] =	ssyncset.done $0x0  }
0x6a: {  	s0 =	sor.u32 $0xC3D0, s31;
	[sflag:s21] =	ssyncadd.s32 $0xFFFFF830  }
0x6b: {  	[spmem:s2] =	stream.indirect.scatter.add.f32 [tilespmem:s14], [sflag:$0x2], $0x10, s0, s17, $0xb8;
	[tilespmem:$0xD320] =	vst v63  }
0x6c: {  	_ =	swait.ge [sflag:s21], $0x7D0  }
0x6d: {  	[sflag:s21] =	ssyncset.done $0x0  }
0x6e: {  	s0 =	sadd.s32 $0xC450, s31;
	[sflag:s21] =	ssyncadd.s32 $0xFFFFF830  }
0x6f: {  	[spmem:s2] =	stream.indirect.scatter.add.f32 [tilespmem:s14], [sflag:$0x2], $0x10, s0, s17, $0xb8;
	[tilespmem:$0xD320] =	vst v63  }
0x70: {  	_ =	swait.ge [sflag:s21], $0x7D0  }
0x71: {  	[sflag:s21] =	ssyncset.done $0x0  }
0x72: {  	s0 =	sadd.s32 $0xC4D0, s31;
	[sflag:s21] =	ssyncadd.s32 $0xFFFFF830  }
0x73: {  	[spmem:s2] =	stream.indirect.scatter.add.f32 [tilespmem:s14], [sflag:$0x2], $0x10, s0, s17, $0xb8;
	[tilespmem:$0xD320] =	vst v63  }
0x74: {  	_ =	swait.ge [sflag:s21], $0x7D0  }
0x75: {  	[sflag:s21] =	ssyncset.done $0x0  }
0x76: {  	s0 =	sadd.s32 $0xC550, s31;
	[sflag:s21] =	ssyncadd.s32 $0xFFFFF830  }
0x77: {  	[spmem:s2] =	stream.indirect.scatter.add.f32 [tilespmem:s14], [sflag:$0x2], $0x10, s0, s17, $0xb8;
	[tilespmem:$0xD320] =	vst v63  }
0x78: {  	s0 =	sor.u32 $0xC350, s1  }
0x79: {  	[tilespmem:s0], [sflag:$0x1] =	stream.linear.gather [hbm4b:s30+s3], $0x400, $0x38;
	[tilespmem:$0xD320] =	vst v63  }
0x7a: {  	_ =	swait.ge [sflag:s21], $0x7D0  }
0x7b: {  	[sflag:s21] =	ssyncset.done $0x0  }
0x7c: {  	s0 =	sadd.s32 $0xC5D0, s31;
	[sflag:s21] =	ssyncadd.s32 $0xFFFFF830  }
0x7d: {  	[spmem:s2] =	stream.indirect.scatter.add.f32 [tilespmem:s14], [sflag:$0x2], $0x10, s0, s17, $0xb8;
	[tilespmem:$0xD320] =	vst v63  }
0x7e: {  	_ =	swait.ge [sflag:s21], $0x7D0  }
0x7f: {  	[sflag:s21] =	ssyncset.done $0x0  }
.Ltmp0:
0x80: {  	s0 =	sadd.s32 $0xC650, s31;
	[sflag:s21] =	ssyncadd.s32 $0xFFFFF830;
	(pc) =	sbr.rel @p0 .LBB2_2-.Ltmp0, $4  }
0x81: {  	[spmem:s2] =	stream.indirect.scatter.add.f32 [tilespmem:s14], [sflag:$0x2], $0x10, s0, s17, $0xb8;
	[tilespmem:$0xD320] =	vst v63  }
0x82: {  	_ =	swait.ge [sflag:s21], $0x7D0  }
0x83: {  	[sflag:s21] =	ssyncset.done $0x0  }
0x84: {  	s30 =	sadd.s32 $0x80, s30;
	s31 =	sadd.s32 $0xC6D0, s31;
	[sflag:s21] =	ssyncadd.s32 $0xFFFFF830  }
0x85: {  	[spmem:s2] =	stream.indirect.scatter.add.f32 [tilespmem:s14], [sflag:$0x2], $0x10, s31, s17, $0xb8;
	[tilespmem:$0xD320] =	vst v63  }
0x86: {  	_ =	swait.ge [sflag:s16], $0x400  }
0x87: {  	[sflag:s16] =	ssyncset.done $0x0  }
0x88: {  	[sflag:s16] =	ssyncadd.s32 $0xFFFFFC00  }
0x89: {  	_ =	swait.ge [sflag:s21], $0x7D0  }
0x8a: {  	[sflag:s21] =	ssyncset.done $0x0  }
0x8b: {  	[sflag:s21] =	ssyncadd.s32 $0xFFFFF830  }
0x8c: {  	[spmem:s2] =	stream.indirect.scatter.add.f32 [tilespmem:s14], [sflag:$0x2], $0x10, s15, s17, $0xb8;
	[tilespmem:$0xD320] =	vst v63  }
0x8d: {  	_ =	swait.ge [sflag:s21], $0x7D0  }
0x8e: {  	[sflag:s21] =	ssyncset.done $0x0  }
0x8f: {  	[sflag:s21] =	ssyncadd.s32 $0xFFFFF830  }
0x90: {  	[spmem:s2] =	stream.indirect.scatter.add.f32 [tilespmem:s14], [sflag:$0x2], $0x10, s18, s17, $0xb8;
	[tilespmem:$0xD320] =	vst v63  }
0x91: {  	_ =	swait.ge [sflag:s21], $0x7D0  }
0x92: {  	[sflag:s21] =	ssyncset.done $0x0  }
0x93: {  	[sflag:s21] =	ssyncadd.s32 $0xFFFFF830  }
0x94: {  	[spmem:s2] =	stream.indirect.scatter.add.f32 [tilespmem:s14], [sflag:$0x2], $0x10, s19, s17, $0xb8;
	[tilespmem:$0xD320] =	vst v63  }
0x95: {  	_ =	swait.ge [sflag:s21], $0x7D0  }
0x96: {  	[sflag:s21] =	ssyncset.done $0x0  }
0x97: {  	[sflag:s21] =	ssyncadd.s32 $0xFFFFF830  }
0x98: {  	[spmem:s2] =	stream.indirect.scatter.add.f32 [tilespmem:s14], [sflag:$0x2], $0x10, s20, s17, $0xb8;
	[tilespmem:$0xD320] =	vst v63  }
0x99: {  	_ =	swait.ge [sflag:s21], $0x7D0  }
0x9a: {  	[sflag:s21] =	ssyncset.done $0x0  }
0x9b: {  	[sflag:s21] =	ssyncadd.s32 $0xFFFFF830  }
0x9c: {  	[spmem:s2] =	stream.indirect.scatter.add.f32 [tilespmem:s14], [sflag:$0x2], $0x10, s22, s17, $0xb8;
	[tilespmem:$0xD320] =	vst v63  }
0x9d: {  	_ =	swait.ge [sflag:s21], $0x7D0  }
0x9e: {  	[sflag:s21] =	ssyncset.done $0x0  }
0x9f: {  	[sflag:s21] =	ssyncadd.s32 $0xFFFFF830  }
0xa0: {  	[spmem:s2] =	stream.indirect.scatter.add.f32 [tilespmem:s14], [sflag:$0x2], $0x10, s24, s17, $0xb8;
	[tilespmem:$0xD320] =	vst v63  }
0xa1: {  	_ =	swait.ge [sflag:s21], $0x7D0  }
0xa2: {  	[sflag:s21] =	ssyncset.done $0x0  }
0xa3: {  	[sflag:s21] =	ssyncadd.s32 $0xFFFFF830  }
0xa4: {  	[spmem:s2] =	stream.indirect.scatter.add.f32 [tilespmem:s14], [sflag:$0x2], $0x10, s25, s17, $0xb8;
	[tilespmem:$0xD320] =	vst v63  }
0xa5: {  	_ =	swait.ge [sflag:s21], $0x7D0  }
0xa6: {  	[sflag:s21] =	ssyncset.done $0x0  }
0xa7: {  	[sflag:s21] =	ssyncadd.s32 $0xFFFFF830  }
0xa8: {  	[spmem:s2] =	stream.indirect.scatter.add.f32 [tilespmem:s14], [sflag:$0x2], $0x10, s26, s17, $0xb8;
	[tilespmem:$0xD320] =	vst v63  }
0xa9: {  	_ =	swait.ge [sflag:s21], $0x7D0  }
0xaa: {  	[sflag:s21] =	ssyncset.done $0x0  }
0xab: {  	[sflag:s21] =	ssyncadd.s32 $0xFFFFF830  }
0xac: {  	_ =	swait.ge [sflag:s21], $0x7D0  }
0xad: {  	[sflag:s21] =	ssyncset.done $0x0  }
0xae: {  	[sflag:s21] =	ssyncadd.s32 $0xFFFFF830  }
0xaf: {  	_ =	swait.ge [sflag:s21], $0x7D0  }
0xb0: {  	[sflag:s21] =	ssyncset.done $0x0  }
0xb1: {  	[sflag:s21] =	ssyncadd.s32 $0xFFFFF830  }
0xb2: {  	_ =	swait.ge [sflag:s21], $0x7D0  }
0xb3: {  	s28 =	sadd.s32 $0x1, s28;
	[sflag:s21] =	ssyncset.done $0x0  }
0xb4: {  	p0 =	sne.s32 s28, s9;
	[sflag:s21] =	ssyncadd.s32 $0xFFFFF830  }
.Ltmp1:
0xb5: {  	[bflag:$0x0] =	sbarrier.arrive $0xFFFF;
	(pc) =	sbr.rel @p0 .LBB2_1-.Ltmp1, $4  }
0xb6: {  	[hbm:s8], [sflag:s6] =	dma.local [spmem:s12], $0x186A  }
0xb7: {  	_ =	swait.ge [sflag:s13], $0x186A  }
0xb8: {  	[sflag:s13] =	ssyncset.done $0x0  }
0xb9: {  	[sflag:s13] =	ssyncadd.s32 $0xFFFFE796  }
0xba: {  	_ =	sfence.sel $0x180000  }
0xbb: {  	[bflag:$0x0] =	sbarrier.arrive $0xFFFF  }
0xbc: {  	_ =	strace $0x9000004A  }
0xbd: {  	s0 =	stileid.u32;
	[bflag:$0x2] =	sbarrier.arrive $0xFFFF  }
0xbe: {  	p0 =	sne.s32 s0, $0x0;
	s0 =	rddreg [dreg:$0x2]  }
0xbf: {  	s0 =	sadd.s32 @!p0 $0x100000, s0  }
0xc0: {  	[sflag:s0] =	ssyncadd.tile.s32 @!p0 $0x1;
	_ =	shalt  }
.Lfunc_end2:
_tile_overlayer_lowered:
.L_overlay_start_2:
0xc1: {  	(tag) =	ssettag $0x2  }
0xc2: {  	s0 =	rddreg [dreg:$0x0];
	s2 =	stileid.u32  }
0xc3: {  	s1 =	rddreg [dreg:$0x1];
	p0 =	sne.s32 s2, $0x0  }
0xc4: {  	s3 =	rddreg [dreg:$0x2];
	[bflag:$0x3] =	sbarrier.arrive $0xFFFF;
	s2 =	simm.s32 @!p0 $0x1C03  }
0xc5: {  	[timem:s3], [sflag:s2] =	dma.local @!p0 [hbm:s0], s1  }
0xc6: {  	s0 =	simm.s32 @!p0 $0x3  }
0xc7: {  	_ =	swait.ge @!p0 [sflag:s0], s1  }
0xc8: {  	s1 =	ssub.s32 @!p0 $0x0, s1;
	[sflag:s0] =	ssyncset.done @!p0 $0x0  }
0xc9: {  	[sflag:s0] =	ssyncadd.s32 @!p0 s1  }
0xca: {  	[bflag:$0x3] =	sbarrier.arrive $0xFFFF  }
0xcb: {  	_ =	shalt  }

// kernel: kernel.16.cloned.1.call-start
scs
__scs_entry_jumppad:
0x0: {  	(pc) =	sbr.rel $0x88, $3  }
0x1: {  	(tag) =	ssettag $0x0;
	lr =	simm.s32 $0x1  }
0x2: {  	[smem:$0x3F90] =	sst lr;
	_ =	strace $0xD0000000  }
0x3: {  	_ = 	snop  }
0x4: {  	_ = 	snop  }
0x5: {  	_ = 	snop  }
0x6: {  	_ = 	snop  }
0x7: {  	_ = 	snop  }
__scs_overlays_trampoline_lowered:
0x8: {  	[smem:$0x3F9F] =	sst s0  }
0x9: {  	[smem:$0x3FA0] =	sst s1  }
0xa: {  	[smem:$0x3FA1] =	sst s2  }
0xb: {  	[smem:$0x3FA2] =	sst s3  }
0xc: {  	[smem:$0x3FA3] =	sst s4  }
0xd: {  	[smem:$0x3FA4] =	sst s5  }
0xe: {  	[smem:$0x3FA5] =	sst s6  }
0xf: {  	[smem:$0x3FA6] =	sst s7  }
0x10: {  	[smem:$0x3FA7] =	sst s8  }
0x11: {  	[smem:$0x3FA8] =	sst s9;
	s0 =	simm.s32 @!p0 $0x0  }
0x12: {  	s1 =	sld [smem:$0x3F8E];
	s0 =	simm.s32 @p0 $0x1  }
0x13: {  	[smem:$0x3FA9] =	sst s0;
	s0 =	simm.s32 @!p1 $0x0  }
0x14: {  	s2 =	sld [smem:$0x3F8D];
	s0 =	simm.s32 @p1 $0x1  }
0x15: {  	[smem:$0x3FAA] =	sst s0;
	s0 =	simm.s32 @!p2 $0x0  }
0x16: {  	s3 =	sld [smem:$0x3FDB];
	s0 =	simm.s32 @p2 $0x1  }
0x17: {  	s4 =	simm.s32 $0x1BF5;
	[smem:$0x3FAC] =	sst s0  }
0x18: {  	s0 =	sld [smem:$0x3F8F];
	_ =	swait.ge [sflag:s4], $0x0  }
0x19: {  	s7 =	sld [smem:$0x3F90]  }
0x1a: {  	s8 =	sadd.s32 $0xFFFFE003, lr  }
0x1b: {  	s9 =	sadd.s32 $0xFFFFFEF7, lr;
	s5 =	simm.s32 $0xFFFFFFFF;
	p2 =	slt.u32 s8, $0xFFFFF086  }
0x1c: {  	p1 =	slt.u32 s9, $0xF7A;
	s5 =	simm.s32 @!p2 $0x0  }
0x1d: {  	s5 =	simm.s32 @p1 $0x1;
	p0 =	seq.s32 s7, s2  }
0x1e: {  	s7 =	smul.u32 @!p0 $0xF7A, s2;
	p2 =	seq.s32 @!p0 s5, $0x0  }
0x1f: {  	s9 =	smul.u32 $0xF7A, s1;
	s8 =	simm.s32 @!p0 $0x1BF5;
	p2 =	por !p2, p0  }
0x20: {  	[sflag:s8] =	ssyncset.s32 @!p0 $0xFFFFF086;
	s6 =	sadd.s32 @!p0 s3, s7;
	s7 =	simm.s32 @!p0 $0x108  }
0x21: {  	s3 =	sadd.s32 s3, s9;
	s6 =	sadd.s32 @!p0 $0x88, s6;
	s7 =	simm.s32 @p2 $0x1082  }
0x22: {  	[simem:s7], [sflag:s8] =	dma.local @!p0 [hbm:s6], $0xF7A  }
0x23: {  	s9 =	sor.u32 $0xD0000000, s2;
	s6 =	simm.s32 $0x108;
	_ =	swait.ge @!p0 [sflag:s8], $0x0  }
0x24: {  	s3 =	sadd.s32 $0x88, s3;
	s6 =	simm.s32 @!p1 $0x1082;
	[sflag:s4] =	ssyncset.s32 $0xFFFFF086  }
0x25: {  	[simem:s6], [sflag:s4] =	dma.local [hbm:s3], $0xF7A  }
0x26: {  	[smem:$0x3F90] =	sst s1;
	(tag) =	ssettag s2;
	_ =	strace s9  }
0x27: {  	s1 =	sld [smem:$0x3FA0]  }
0x28: {  	s2 =	sld [smem:$0x3FA1]  }
0x29: {  	s4 =	sld [smem:$0x3FA3]  }
0x2a: {  	p0 =	seq.s32 s5, $0x0;
	s5 =	sld [smem:$0x3FA4]  }
0x2b: {  	s6 =	sld [smem:$0x3FA5]  }
0x2c: {  	s7 =	sld [smem:$0x3FA6]  }
0x2d: {  	s3 =	simm.s32 $0x108;
	s8 =	sld [smem:$0x3FA7]  }
0x2e: {  	s3 =	simm.s32 @!p0 $0x1082;
	s9 =	sld [smem:$0x3FA8]  }
0x2f: {  	lr =	sadd.s32 s0, s3;
	s0 =	sld [smem:$0x3F9F]  }
0x30: {  	s3 =	sld [smem:$0x3FA2]  }
0x31: {  	[smem:$0x3FAB] =	sst s10  }
0x32: {  	s10 =	sld [smem:$0x3FA9];
	_ =	sdelay $0x3  }
0x33: {  	p0 =	seq.s32 s10, $0x1;
	s10 =	sld [smem:$0x3FAB];
	_ =	sdelay $0x3  }
0x34: {  	[smem:$0x3FAB] =	sst s10  }
0x35: {  	s10 =	sld [smem:$0x3FAA];
	_ =	sdelay $0x3  }
0x36: {  	p1 =	seq.s32 s10, $0x1;
	s10 =	sld [smem:$0x3FAB];
	_ =	sdelay $0x3  }
0x37: {  	[smem:$0x3FAB] =	sst s10  }
0x38: {  	s10 =	sld [smem:$0x3FAC]  }
0x39: {  	_ = 	snop;
	(pc) =	sbr.ind lr, $3  }
0x3a: {  	_ = 	snop  }
0x3b: {  	_ = 	snop  }
0x3c: {  	p2 =	seq.s32 s10, $0x1;
	s10 =	sld [smem:$0x3FAB]  }
0x3d: {  	_ =	shalt  }
0x3e: {  	_ =	shalt  }
0x3f: {  	_ =	shalt  }
0x40: {  	_ =	shalt  }
0x41: {  	_ =	shalt  }
0x42: {  	_ =	shalt  }
0x43: {  	_ =	shalt  }
0x44: {  	_ =	shalt  }
0x45: {  	_ =	shalt  }
0x46: {  	_ =	shalt  }
0x47: {  	_ =	shalt  }
0x48: {  	_ =	shalt  }
0x49: {  	_ =	shalt  }
0x4a: {  	_ =	shalt  }
0x4b: {  	_ =	shalt  }
0x4c: {  	_ =	shalt  }
0x4d: {  	_ =	shalt  }
0x4e: {  	_ =	shalt  }
0x4f: {  	_ =	shalt  }
0x50: {  	_ =	shalt  }
0x51: {  	_ =	shalt  }
0x52: {  	_ =	shalt  }
0x53: {  	_ =	shalt  }
0x54: {  	_ =	shalt  }
0x55: {  	_ =	shalt  }
0x56: {  	_ =	shalt  }
0x57: {  	_ =	shalt  }
0x58: {  	_ =	shalt  }
0x59: {  	_ =	shalt  }
0x5a: {  	_ =	shalt  }
0x5b: {  	_ =	shalt  }
0x5c: {  	_ =	shalt  }
0x5d: {  	_ =	shalt  }
0x5e: {  	_ =	shalt  }
0x5f: {  	_ =	shalt  }
0x60: {  	_ =	shalt  }
0x61: {  	_ =	shalt  }
0x62: {  	_ =	shalt  }
0x63: {  	_ =	shalt  }
0x64: {  	_ =	shalt  }
0x65: {  	_ =	shalt  }
0x66: {  	_ =	shalt  }
0x67: {  	_ =	shalt  }
0x68: {  	_ =	shalt  }
0x69: {  	_ =	shalt  }
0x6a: {  	_ =	shalt  }
0x6b: {  	_ =	shalt  }
0x6c: {  	_ =	shalt  }
0x6d: {  	_ =	shalt  }
0x6e: {  	_ =	shalt  }
0x6f: {  	_ =	shalt  }
0x70: {  	_ =	shalt  }
0x71: {  	_ =	shalt  }
0x72: {  	_ =	shalt  }
0x73: {  	_ =	shalt  }
0x74: {  	_ =	shalt  }
0x75: {  	_ =	shalt  }
0x76: {  	_ =	shalt  }
0x77: {  	_ =	shalt  }
0x78: {  	_ =	shalt  }
0x79: {  	_ =	shalt  }
0x7a: {  	_ =	shalt  }
0x7b: {  	_ =	shalt  }
0x7c: {  	_ =	shalt  }
0x7d: {  	_ =	shalt  }
0x7e: {  	_ =	shalt  }
0x7f: {  	_ =	shalt  }
0x80: {  	_ =	shalt  }
0x81: {  	_ =	shalt  }
0x82: {  	_ =	shalt  }
0x83: {  	_ =	shalt  }
0x84: {  	_ =	shalt  }
0x85: {  	_ =	shalt  }
0x86: {  	_ =	shalt  }
0x87: {  	_ =	shalt  }
.Lfunc_end0:
.L_simem_size_0:
called_computation.2_lowered:
.L_overlay_start_0:
0x88: {  	s2 =	sld [smem:$0x3FD9]  }
0x89: {  	s3 =	sld [smem:$0x3FFE];
	_ =	sdelay $0x1  }
0x8a: {  	s1 =	srdreg.scid  }
0x8b: {  	s0 =	sand.u32 $0x1, s1  }
0x8c: {  	s16 =	sshll.u32 s0, $0xA;
	s2 =	sadd.s32 s3, s2  }
0x8d: {  	s2 =	sadd.s32 s2, s16  }
0x8e: {  	[smem:$0x3FB7] =	sst s2  }
0x8f: {  	_ = 	snop  }
0x90: {  	(tm) =	ssettm $0x1  }
0x91: {  	s17 =	sld [smem:$0x3FFB];
	_ =	sdelay $0x3  }
0x92: {  	_ =	strace s17  }
0x93: {  	s2 =	sld [smem:$0x3FFC];
	_ =	sdelay $0x3  }
0x94: {  	_ =	strace s2  }
0x95: {  	s2 =	sld [smem:$0x3FFD];
	_ =	sdelay $0x3  }
0x96: {  	_ =	strace s2  }
0x97: {  	_ =	strace $0x8FFFFFFF  }
0x98: {  	s18 =	sld [smem:$0x3FDB];
	_ =	sdelay $0x1  }
0x99: {  	s19 =	simm.s32 $_scs_section_size  }
0x9a: {  	s4 =	simm.s32 $_size__tile_overlayer_lowered;
	s5 =	simm.s32 $_tile_overlayer_lowered  }
0x9b: {  	s22 =	simm.s32 $0x1BFF;
	s21 =	sshll.u32 s5, $0x1;
	s2 =	sadd.s32 s19, s18  }
0x9c: {  	s6 =	simm.s32 $0x0;
	s20 =	sshll.u32 s4, $0x1;
	s4 =	sadd.s32 s21, s2  }
0x9d: {  	[timem:s6], [sflag:s22] =	dma.local [hbm:s4], s20  }
0x9e: {  	_ =	swait.ge [sflag:s22], s20  }
0x9f: {  	s3 =	ssub.s32 $0x0, s20;
	[sflag:s22] =	ssyncset.done $0x0  }
0xa0: {  	[sflag:s22] =	ssyncadd.s32 s3;
	_ =	sdelay $0x1  }
0xa1: {  	s23 =	simm.s32 $0x1B8B  }
0xa2: {  	_ =	swait.ge [sflag:s23], $0x1  }
0xa3: {  	[sflag:s23] =	ssyncset.done $0x0  }
0xa4: {  	s25 =	simm.s32 $0x1B8E;
	s24 =	sld [smem:$0x3FFE];
	[sflag:s23] =	ssyncadd.s32 $0xFFFFFFFF  }
0xa5: {  	s26 =	simm.s32 $execute0_lowered;
	[smem:$0x3FD2] =	sst s25  }
0xa6: {  	s4 =	sshll.u32 s26, $0x1;
	_ =	strace $0x8000004C;
	[dreg:$0x1] =	wrdreg $0xFFFFFFFF  }
0xa7: {  	s28 =	simm.s32 $_size_execute0_lowered;
	s2 =	sadd.s32 s2, s4;
	[dreg:$0x0] =	wrdreg $0x0  }
0xa8: {  	s4 =	sshll.u32 s28, $0x1;
	[dreg:$0x2] =	wrdreg s2  }
0xa9: {  	[dreg:$0x3] =	wrdreg s4  }
0xaa: {  	[dreg:$0x4] =	wrdreg $0xC0  }
0xab: {  	_ =	task [dreg:s6], $0x5FFFF  }
0xac: {  	[dreg:$0x1] =	wrdreg $0xFFFFFFFF  }
0xad: {  	[dreg:$0x0] =	wrdreg $0x60  }
0xae: {  	[dreg:$0x2] =	wrdreg s24  }
0xaf: {  	[dreg:$0x3] =	wrdreg $0x0  }
0xb0: {  	[dreg:$0x4] =	wrdreg $0x9  }
0xb1: {  	_ =	task.clear_ibuf [dreg:s6], $0x5FFFF;
	_ =	strace $0x9000004C  }
0xb2: {  	s29 =	simm.s32 $0x9;
	_ =	strace $0x8000004E  }
0xb3: {  	_ =	swait.ge [sflag:s29], $0x1  }
0xb4: {  	[sflag:s29] =	ssyncadd.s32 $0xFFFFFFFF  }
0xb5: {  	_ =	strace $0x9000004E  }
0xb6: {  	_ =	sfence  }
0xb7: {  	s30 =	sld [smem:$0x0];
	_ =	sdelay $0x2  }
0xb8: {  	s31 =	sshll.u32 s1, $0xD;
	s1 =	sshrl.u32 s1, $0x2  }
0xb9: {  	s3 =	sand.u32 $0x4000, s31;
	s1 =	sadd.s32 s1, s30  }
0xba: {  	s0 =	sor.u32 s3, s0;
	s1 =	sshll.u32 s1, $0x11  }
0xbb: {  	s0 =	sor.u32 s1, s0  }
0xbc: {  	s0 =	sadd.s32 $0x8F2B, s0  }
0xbd: {  	[sflag:s0] =	ssyncadd.remote.s32 $0x1  }
0xbe: {  	_ =	sfence.sel $0xFFFF  }
0xbf: {  	[dreg:$0x0] =	wrdreg $0xFFFFFFFF;
	(pc) =	sbr.abs _section_cstart, $3  }
0xc0: {  	[dreg:$0x1] =	wrdreg $0xFFFFFFFF  }
0xc1: {  	_ =	task.clear_ibuf [dreg:s6], $0x2FFFF;
	_ =	strace $0x9FFFFFFF  }
0xc2: {  	(tm) =	ssettm $0x7FFFFFFF  }
0xc3: {  	_ =	shalt  }
tec
execute0_lowered:
.L_overlay_start_1:
0x0: {  	(tag) =	ssettag $0x1  }
0x1: {  	s0 =	rddreg [dreg:$0x0]  }
0x2: {  	s2 =	rddreg [dreg:$0x1];
	s3 =	simm.s32 $0x0  }
0x3: {  	s14 =	stileid.u32;
	s1 =	srdreg.scid;
	s15 =	simm.s32 $0x1  }
0x4: {  	s16 =	simm.s32 $0x7D;
	s17 =	simm.s32 $0x1A640;
	s18 =	simm.s32 $0x2  }
0x5: {  	s19 =	simm.s32 $0x196A0;
	s20 =	simm.s32 $0x1B5E0;
	s21 =	simm.s32 $0x1C580  }
0x6: {  	[smem:$0x7FF] =	sst s3;
	s5 =	smul.u32 $0x186A0, s14;
	s1 =	sand.u32 $0x1, s1  }
0x7: {  	s4 =	sadd.s32 $0x3200, s0;
	s11 =	sadd.s32 $0xE2A00, s0;
	s12 =	smul.u32 $0xC800, s14  }
0x8: {  	s9 =	sadd.s32 $0x80200, s0;
	s23 =	sshll.u32 s14, $0x6;
	s14 =	smul.u32 $0x1900, s14  }
0x9: {  	_ =	strace $0x8000004D;
	s6 =	smul.u32 $0x186A00, s1;
	s8 =	ssub.s32 $0x2, s1  }
0xa: {  	s1 =	smul.u32 $0xC8000, s1;
	s7 =	sshrl.u32 s5, $0x3;
	s10 =	sshrl.u32 s8, $0x1  }
0xb: {  	s13 =	sadd.s32 s5, s2;
	s26 =	sshrl.u32 s12, $0x3;
	s29 =	sadd.s32 s14, s9  }
0xc: {  	s6 =	sadd.s32 s5, s6;
	s7 =	sadd.s32 s7, s0;
	s10 =	ssub.s32 s8, s10  }
0xd: {  	s1 =	sadd.s32 s12, s1;
	s28 =	sadd.s32 s9, s26;
	s30 =	sadd.s32 $0x80, s29  }
0xe: {  	s12 =	simm.s32 $0x4;
	s6 =	sshrl.u32 s6, $0x3;
	s22 =	sadd.s32 $0x99200, s7  }
0xf: {  	s24 =	sshrl.u32 s1, $0x3;
	[dreg:$0x7] =	wrdreg s28;
	s1 =	sor.u32 $0x400, s1  }
0x10: {  	s10 =	smax.u32 s10, $0x1;
	[dreg:$0x4] =	wrdreg s30;
	s0 =	sadd.s32 s6, s0  }
0x11: {  	[dreg:$0x5] =	wrdreg s22;
	s6 =	sor.u32 $0x1C04, s23;
	s25 =	sadd.s32 s11, s24  }
0x12: {  	s1 =	sshrl.u32 s1, $0x3;
	[dreg:$0x6] =	wrdreg s25;
	s0 =	sadd.s32 $0x422000, s0  }
0x13: {  	s22 =	simm.s32 $0x3;
	s31 =	sadd.s32 s1, s11;
	[dreg:$0x8] =	wrdreg s0  }
0x14: {  	s24 =	simm.s32 $0x0;
	s11 =	sshrl.u32 s13, $0x3;
	[dreg:$0x3] =	wrdreg s31  }
.LBB2_1:
0x15: {  	s0 =	rddreg [dreg:$0x5]  }
0x16: {  	[spmem:s11], [sflag:s6] =	dma.local [hbm:s0], $0x30D4  }
0x17: {  	_ =	swait.ge [sflag:s12], $0x30D4  }
0x18: {  	[sflag:s12] =	ssyncset.done $0x0  }
0x19: {  	[sflag:s12] =	ssyncadd.s32 $0xFFFFCF2C  }
0x1a: {  	[bflag:$0x0] =	sbarrier.arrive $0xFFFF  }
0x1b: {  	s1 =	simm.s32 $0x186A0;
	s25 =	rddreg [dreg:$0x6]  }
0x1c: {  	[tilespmem:s1], [sflag:$0x1] =	stream.linear.gather [hbm4b:s25+s3], $0x400, $0x38;
	[tilespmem:$0x1D520] =	vst v63  }
0x1d: {  	s28 =	simm.s32 $0x18EA0;
	s26 =	rddreg [dreg:$0x7]  }
0x1e: {  	[tilespmem:s28], [sflag:$0x1] =	stream.linear.gather [hbm4b:s26+s3], $0x400, $0x38;
	[tilespmem:$0x1D520] =	vst v63  }
0x1f: {  	_ =	swait.ge [sflag:s15], $0x400  }
0x20: {  	[sflag:s15] =	ssyncset.done $0x0  }
0x21: {  	[sflag:s15] =	ssyncadd.s32 $0xFFFFFC00  }
0x22: {  	_ =	swait.ge [sflag:s15], $0x400  }
0x23: {  	p0 =	por $0x0, $0x0;
	[sflag:s15] =	ssyncset.done $0x0  }
0x24: {  	s13 =	simm.s32 @p0 $0x3;
	[sflag:s15] =	ssyncadd.s32 $0xFFFFFC00  }
0x25: {  	s0 =	sand.u32 @p0 $0x400, s3;
	_ =	swait.ge @p0 [sflag:s13], $0xFA0  }
0x26: {  	s14 =	simm.s32 @p0 $0x2;
	s1 =	sadd.s32 @p0 $0x186A0, s0;
	[sflag:s13] =	ssyncset.done @p0 $0x0  }
0x27: {  	s25 =	simm.s32 @p0 $0x7D;
	s26 =	simm.s32 @p0 $0x196A0;
	[sflag:s13] =	ssyncadd.s32 @p0 $0xFFFFF060  }
0x28: {  	[tilespmem:s26], [sflag:$0x2] =	stream.indirect.gather @p0 [hbm4b:s4+s25], $0x20, s1, s25, $0xb8;
	[tilespmem:$0x1D520] =	vst v63  }
0x29: {  	_ =	swait.ge @p0 [sflag:s14], $0xFA0  }
0x2a: {  	[sflag:s14] =	ssyncset.done @p0 $0x0  }
0x2b: {  	s28 =	simm.s32 @p0 $0x1C580;
	s26 =	sxor.u32 @p0 $0x19620, s0;
	[sflag:s14] =	ssyncadd.s32 @p0 $0xFFFFF060  }
0x2c: {  	[spmem:s2] =	stream.indirect.scatter.add.f32 @p0 [tilespmem:s28], [sflag:$0x3], $0x20, s26, s25, $0xb8;
	[tilespmem:$0x1D520] =	vst v63  }
0x2d: {  	_ =	swait.ge @p0 [sflag:s13], $0xFA0  }
0x2e: {  	s0 =	simm.s32 @!p0 $0x0;
	s14 =	simm.s32 @!p0 $0x196A0;
	[sflag:s13] =	ssyncset.done @p0 $0x0  }
0x2f: {  	s25 =	simm.s32 @!p0 $0x7D;
	s26 =	simm.s32 @!p0 $0x186A0;
	[sflag:s13] =	ssyncadd.s32 @p0 $0xFFFFF060  }
0x30: {  	[tilespmem:s14], [sflag:$0x2] =	stream.indirect.gather @!p0 [hbm4b:s4+s25], $0x20, s26, s25, $0xb8;
	[tilespmem:$0x1D520] =	vst v63  }
0x31: {  	s29 =	sadd.s32 $0x18720, s0  }
0x32: {  	[tilespmem:s17], [sflag:$0x2] =	stream.indirect.gather [hbm4b:s4+s16], $0x20, s29, s16, $0xb8;
	[tilespmem:$0x1D520] =	vst v63  }
0x33: {  	_ =	swait.ge [sflag:s18], $0xFA0  }
0x34: {  	p1 =	por $0x1, $0x1;
	[sflag:s18] =	ssyncset.done $0x0  }
0x35: {  	s31 =	sadd.s32 $0x18EA0, s0;
	s14 =	simm.s32 @!p1 $0x3;
	[sflag:s18] =	ssyncadd.s32 $0xFFFFF060  }
0x36: {  	[spmem:s2] =	stream.indirect.scatter.add.f32 [tilespmem:s19], [sflag:$0x3], $0x20, s31, s16, $0xb8;
	[tilespmem:$0x1D520] =	vst v63  }
0x37: {  	_ =	swait.ge @!p1 [sflag:s14], $0xFA0  }
0x38: {  	[sflag:s14] =	ssyncset.done @!p1 $0x0  }
0x39: {  	s5 =	sadd.s32 $0x187A0, s0;
	[sflag:s14] =	ssyncadd.s32 @!p1 $0xFFFFF060  }
0x3a: {  	[tilespmem:s20], [sflag:$0x2] =	stream.indirect.gather [hbm4b:s4+s16], $0x20, s5, s16, $0xb8;
	[tilespmem:$0x1D520] =	vst v63  }
0x3b: {  	_ =	swait.ge [sflag:s18], $0xFA0  }
0x3c: {  	s7 =	sor.u32 $0x80, s0;
	[sflag:s18] =	ssyncset.done $0x0  }
0x3d: {  	s13 =	sadd.s32 $0x18EA0, s7;
	[sflag:s18] =	ssyncadd.s32 $0xFFFFF060  }
0x3e: {  	[spmem:s2] =	stream.indirect.scatter.add.f32 [tilespmem:s17], [sflag:$0x3], $0x20, s13, s16, $0xb8;
	[tilespmem:$0x1D520] =	vst v63  }
0x3f: {  	_ =	swait.ge @!p1 [sflag:s14], $0xFA0  }
0x40: {  	[sflag:s14] =	ssyncset.done @!p1 $0x0  }
0x41: {  	s8 =	sadd.s32 $0x18820, s0;
	[sflag:s14] =	ssyncadd.s32 @!p1 $0xFFFFF060  }
0x42: {  	[tilespmem:s21], [sflag:$0x2] =	stream.indirect.gather [hbm4b:s4+s16], $0x20, s8, s16, $0xb8;
	[tilespmem:$0x1D520] =	vst v63  }
0x43: {  	_ =	swait.ge [sflag:s18], $0xFA0  }
0x44: {  	s9 =	sor.u32 $0x100, s0;
	[sflag:s18] =	ssyncset.done $0x0  }
0x45: {  	s13 =	sadd.s32 $0x18EA0, s9;
	[sflag:s18] =	ssyncadd.s32 $0xFFFFF060  }
0x46: {  	[spmem:s2] =	stream.indirect.scatter.add.f32 [tilespmem:s20], [sflag:$0x3], $0x20, s13, s16, $0xb8;
	[tilespmem:$0x1D520] =	vst v63  }
0x47: {  	_ =	swait.ge [sflag:s22], $0xFA0  }
0x48: {  	[sflag:s22] =	ssyncset.done $0x0  }
0x49: {  	s14 =	sadd.s32 $0x188A0, s0;
	[sflag:s22] =	ssyncadd.s32 $0xFFFFF060  }
0x4a: {  	[tilespmem:s19], [sflag:$0x2] =	stream.indirect.gather [hbm4b:s4+s16], $0x20, s14, s16, $0xb8;
	[tilespmem:$0x1D520] =	vst v63  }
0x4b: {  	p1 =	por $0x0, $0x0;
	_ =	swait.ge [sflag:s18], $0xFA0  }
0x4c: {  	s23 =	sadd.s32 $0x19020, s0;
	s28 =	simm.s32 @!p1 $0x0;
	[sflag:s18] =	ssyncset.done $0x0  }
0x4d: {  	s13 =	sxor.u32 @!p1 $0x400, s0;
	s14 =	rddreg [dreg:$0x3];
	[sflag:s18] =	ssyncadd.s32 $0xFFFFF060  }
0x4e: {  	[spmem:s2] =	stream.indirect.scatter.add.f32 [tilespmem:s21], [sflag:$0x3], $0x20, s23, s16, $0xb8;
	[tilespmem:$0x1D520] =	vst v63  }
0x4f: {  	s25 =	sadd.s32 @!p1 $0x186A0, s13;
	s26 =	rddreg [dreg:$0x4];
	s14 =	sadd.s32 @!p1 $0x0, s14  }
0x50: {  	[tilespmem:s25], [sflag:$0x1] =	stream.linear.gather @!p1 [hbm4b:s14+s28], $0x400, $0x38;
	[tilespmem:$0x1D520] =	vst v63  }
0x51: {  	s13 =	sadd.s32 @!p1 $0x18EA0, s13;
	s14 =	sadd.s32 @!p1 $0x0, s26  }
0x52: {  	[tilespmem:s13], [sflag:$0x1] =	stream.linear.gather @!p1 [hbm4b:s14+s28], $0x400, $0x38;
	[tilespmem:$0x1D520] =	vst v63  }
0x53: {  	_ =	swait.ge [sflag:s22], $0xFA0  }
0x54: {  	[sflag:s22] =	ssyncset.done $0x0  }
0x55: {  	s26 =	sadd.s32 $0x18920, s0;
	[sflag:s22] =	ssyncadd.s32 $0xFFFFF060  }
0x56: {  	[tilespmem:s17], [sflag:$0x2] =	stream.indirect.gather [hbm4b:s4+s16], $0x20, s26, s16, $0xb8;
	[tilespmem:$0x1D520] =	vst v63  }
0x57: {  	_ =	swait.ge [sflag:s18], $0xFA0  }
0x58: {  	s28 =	sor.u32 $0x200, s0;
	[sflag:s18] =	ssyncset.done $0x0  }
0x59: {  	s13 =	sadd.s32 $0x18EA0, s28;
	[sflag:s18] =	ssyncadd.s32 $0xFFFFF060  }
0x5a: {  	[spmem:s2] =	stream.indirect.scatter.add.f32 [tilespmem:s19], [sflag:$0x3], $0x20, s13, s16, $0xb8;
	[tilespmem:$0x1D520] =	vst v63  }
0x5b: {  	_ =	swait.ge [sflag:s22], $0xFA0  }
0x5c: {  	[sflag:s22] =	ssyncset.done $0x0  }
0x5d: {  	s29 =	sadd.s32 $0x189A0, s0;
	[sflag:s22] =	ssyncadd.s32 $0xFFFFF060  }
0x5e: {  	[tilespmem:s20], [sflag:$0x2] =	stream.indirect.gather [hbm4b:s4+s16], $0x20, s29, s16, $0xb8;
	[tilespmem:$0x1D520] =	vst v63  }
0x5f: {  	_ =	swait.ge [sflag:s18], $0xFA0  }
0x60: {  	[sflag:s18] =	ssyncset.done $0x0  }
0x61: {  	s31 =	sadd.s32 $0x19120, s0;
	[sflag:s18] =	ssyncadd.s32 $0xFFFFF060  }
0x62: {  	[spmem:s2] =	stream.indirect.scatter.add.f32 [tilespmem:s17], [sflag:$0x3], $0x20, s31, s16, $0xb8;
	[tilespmem:$0x1D520] =	vst v63  }
0x63: {  	_ =	swait.ge [sflag:s22], $0xFA0  }
0x64: {  	s1 =	simm.s32 @!p0 $0x186A0;
	[sflag:s22] =	ssyncset.done $0x0  }
0x65: {  	s1 =	sadd.s32 $0x380, s1;
	[sflag:s22] =	ssyncadd.s32 $0xFFFFF060  }
0x66: {  	[tilespmem:s21], [sflag:$0x2] =	stream.indirect.gather [hbm4b:s4+s16], $0x20, s1, s16, $0xb8;
	[tilespmem:$0x1D520] =	vst v63  }
0x67: {  	s30 =	sadd.s32 $0x191A0, s0;
	_ =	swait.ge [sflag:s18], $0xFA0  }
0x68: {  	s25 =	simm.s32 $0x80;
	s26 =	simm.s32 $0x0;
	[sflag:s18] =	ssyncset.done $0x0  }
.LBB2_2:
0x69: {  	[sflag:s18] =	ssyncadd.s32 $0xFFFFF060  }
0x6a: {  	[spmem:s2] =	stream.indirect.scatter.add.f32 [tilespmem:s20], [sflag:$0x3], $0x20, s30, s16, $0xb8;
	[tilespmem:$0x1D520] =	vst v63  }
0x6b: {  	_ =	swait.ge [sflag:s15], $0x400  }
0x6c: {  	[sflag:s15] =	ssyncset.done $0x0  }
0x6d: {  	[sflag:s15] =	ssyncadd.s32 $0xFFFFFC00  }
0x6e: {  	s31 =	smov.u32 s25;
	_ =	swait.ge [sflag:s15], $0x400  }
0x6f: {  	p2 =	sne.s32 s31, $0x0;
	[sflag:s15] =	ssyncset.done $0x0  }
0x70: {  	s26 =	sadd.s32 $0x400, s26;
	s23 =	simm.s32 @p2 $0x3;
	[sflag:s15] =	ssyncadd.s32 $0xFFFFFC00  }
0x71: {  	s29 =	sand.u32 @p2 $0x400, s26;
	_ =	swait.ge @p2 [sflag:s23], $0xFA0  }
0x72: {  	s30 =	simm.s32 @p2 $0x2;
	s7 =	simm.s32 @p2 $0x7D;
	[sflag:s23] =	ssyncset.done @p2 $0x0  }
0x73: {  	s0 =	simm.s32 @p2 $0x196A0;
	s28 =	sadd.s32 @p2 $0x186A0, s29;
	[sflag:s23] =	ssyncadd.s32 @p2 $0xFFFFF060  }
0x74: {  	[tilespmem:s0], [sflag:$0x2] =	stream.indirect.gather @p2 [hbm4b:s4+s7], $0x20, s28, s7, $0xb8;
	[tilespmem:$0x1D520] =	vst v63  }
0x75: {  	_ =	swait.ge @p2 [sflag:s30], $0xFA0  }
0x76: {  	[sflag:s30] =	ssyncset.done @p2 $0x0  }
0x77: {  	s9 =	simm.s32 @p2 $0x1C580;
	s5 =	sxor.u32 @p2 $0x19620, s29;
	[sflag:s30] =	ssyncadd.s32 @p2 $0xFFFFF060  }
0x78: {  	[spmem:s2] =	stream.indirect.scatter.add.f32 @p2 [tilespmem:s9], [sflag:$0x3], $0x20, s5, s7, $0xb8;
	[tilespmem:$0x1D520] =	vst v63  }
0x79: {  	_ =	swait.ge @p2 [sflag:s23], $0xFA0  }
0x7a: {  	s29 =	simm.s32 @!p2 $0x0;
	s5 =	simm.s32 @!p2 $0x196A0;
	[sflag:s23] =	ssyncset.done @p2 $0x0  }
0x7b: {  	s7 =	simm.s32 @!p2 $0x7D;
	s9 =	simm.s32 @!p2 $0x186A0;
	[sflag:s23] =	ssyncadd.s32 @p2 $0xFFFFF060  }
0x7c: {  	[tilespmem:s5], [sflag:$0x2] =	stream.indirect.gather @!p2 [hbm4b:s4+s7], $0x20, s9, s7, $0xb8;
	[tilespmem:$0x1D520] =	vst v63  }
0x7d: {  	s7 =	sadd.s32 $0x18720, s29  }
0x7e: {  	[tilespmem:s17], [sflag:$0x2] =	stream.indirect.gather [hbm4b:s4+s16], $0x20, s7, s16, $0xb8;
	[tilespmem:$0x1D520] =	vst v63  }
0x7f: {  	_ =	swait.ge [sflag:s18], $0xFA0  }
0x80: {  	s28 =	simm.s32 @!p2 $0x186A0;
	p2 =	seq.s32 s31, $0x0;
	[sflag:s18] =	ssyncset.done $0x0  }
0x81: {  	s9 =	sadd.s32 $0x18EA0, s29;
	s7 =	simm.s32 @!p2 $0x3;
	[sflag:s18] =	ssyncadd.s32 $0xFFFFF060  }
0x82: {  	[spmem:s2] =	stream.indirect.scatter.add.f32 [tilespmem:s19], [sflag:$0x3], $0x20, s9, s16, $0xb8;
	[tilespmem:$0x1D520] =	vst v63  }
0x83: {  	_ =	swait.ge @!p2 [sflag:s7], $0xFA0  }
0x84: {  	[sflag:s7] =	ssyncset.done @!p2 $0x0  }
0x85: {  	s23 =	sadd.s32 $0x187A0, s29;
	[sflag:s7] =	ssyncadd.s32 @!p2 $0xFFFFF060  }
0x86: {  	[tilespmem:s20], [sflag:$0x2] =	stream.indirect.gather [hbm4b:s4+s16], $0x20, s23, s16, $0xb8;
	[tilespmem:$0x1D520] =	vst v63  }
0x87: {  	_ =	swait.ge [sflag:s18], $0xFA0  }
0x88: {  	s8 =	sor.u32 $0x80, s29;
	[sflag:s18] =	ssyncset.done $0x0  }
0x89: {  	s9 =	sadd.s32 $0x18EA0, s8;
	[sflag:s18] =	ssyncadd.s32 $0xFFFFF060  }
0x8a: {  	[spmem:s2] =	stream.indirect.scatter.add.f32 [tilespmem:s17], [sflag:$0x3], $0x20, s9, s16, $0xb8;
	[tilespmem:$0x1D520] =	vst v63  }
0x8b: {  	_ =	swait.ge @!p2 [sflag:s7], $0xFA0  }
0x8c: {  	[sflag:s7] =	ssyncset.done @!p2 $0x0  }
0x8d: {  	s23 =	sadd.s32 $0x18820, s29;
	[sflag:s7] =	ssyncadd.s32 @!p2 $0xFFFFF060  }
0x8e: {  	[tilespmem:s21], [sflag:$0x2] =	stream.indirect.gather [hbm4b:s4+s16], $0x20, s23, s16, $0xb8;
	[tilespmem:$0x1D520] =	vst v63  }
0x8f: {  	_ =	swait.ge [sflag:s18], $0xFA0  }
0x90: {  	s14 =	sor.u32 $0x100, s29;
	[sflag:s18] =	ssyncset.done $0x0  }
0x91: {  	s7 =	sadd.s32 $0x18EA0, s14;
	[sflag:s18] =	ssyncadd.s32 $0xFFFFF060  }
0x92: {  	[spmem:s2] =	stream.indirect.scatter.add.f32 [tilespmem:s20], [sflag:$0x3], $0x20, s7, s16, $0xb8;
	[tilespmem:$0x1D520] =	vst v63  }
0x93: {  	_ =	swait.ge [sflag:s22], $0xFA0  }
0x94: {  	[sflag:s22] =	ssyncset.done $0x0  }
0x95: {  	s8 =	sadd.s32 $0x188A0, s29;
	[sflag:s22] =	ssyncadd.s32 $0xFFFFF060  }
0x96: {  	[tilespmem:s19], [sflag:$0x2] =	stream.indirect.gather [hbm4b:s4+s16], $0x20, s8, s16, $0xb8;
	[tilespmem:$0x1D520] =	vst v63  }
0x97: {  	p1 =	seq.s32 s31, $0x1880;
	_ =	swait.ge [sflag:s18], $0xFA0  }
0x98: {  	s13 =	sxor.u32 @!p1 $0x400, s29;
	s9 =	sadd.s32 $0x19020, s29;
	[sflag:s18] =	ssyncset.done $0x0  }
0x99: {  	s7 =	sadd.s32 @!p1 $0x186A0, s13;
	s5 =	rddreg [dreg:$0x3];
	[sflag:s18] =	ssyncadd.s32 $0xFFFFF060  }
0x9a: {  	[spmem:s2] =	stream.indirect.scatter.add.f32 [tilespmem:s21], [sflag:$0x3], $0x20, s9, s16, $0xb8;
	[tilespmem:$0x1D520] =	vst v63  }
0x9b: {  	s8 =	rddreg [dreg:$0x4];
	s5 =	sadd.s32 @!p1 s31, s5;
	s9 =	simm.s32 @!p1 $0x0  }
0x9c: {  	[tilespmem:s7], [sflag:$0x1] =	stream.linear.gather @!p1 [hbm4b:s5+s9], $0x400, $0x38;
	[tilespmem:$0x1D520] =	vst v63  }
0x9d: {  	s1 =	sadd.s32 @!p1 $0x18EA0, s13;
	s5 =	sadd.s32 @!p1 s31, s8  }
0x9e: {  	[tilespmem:s1], [sflag:$0x1] =	stream.linear.gather @!p1 [hbm4b:s5+s9], $0x400, $0x38;
	[tilespmem:$0x1D520] =	vst v63  }
0x9f: {  	_ =	swait.ge [sflag:s22], $0xFA0  }
0xa0: {  	[sflag:s22] =	ssyncset.done $0x0  }
0xa1: {  	s14 =	sadd.s32 $0x18920, s29;
	[sflag:s22] =	ssyncadd.s32 $0xFFFFF060  }
0xa2: {  	[tilespmem:s17], [sflag:$0x2] =	stream.indirect.gather [hbm4b:s4+s16], $0x20, s14, s16, $0xb8;
	[tilespmem:$0x1D520] =	vst v63  }
0xa3: {  	_ =	swait.ge [sflag:s18], $0xFA0  }
0xa4: {  	s0 =	sor.u32 $0x200, s29;
	[sflag:s18] =	ssyncset.done $0x0  }
0xa5: {  	s0 =	sadd.s32 $0x18EA0, s0;
	[sflag:s18] =	ssyncadd.s32 $0xFFFFF060  }
0xa6: {  	[spmem:s2] =	stream.indirect.scatter.add.f32 [tilespmem:s19], [sflag:$0x3], $0x20, s0, s16, $0xb8;
	[tilespmem:$0x1D520] =	vst v63  }
0xa7: {  	_ =	swait.ge [sflag:s22], $0xFA0  }
0xa8: {  	[sflag:s22] =	ssyncset.done $0x0  }
0xa9: {  	s23 =	sadd.s32 $0x189A0, s29;
	[sflag:s22] =	ssyncadd.s32 $0xFFFFF060  }
0xaa: {  	[tilespmem:s20], [sflag:$0x2] =	stream.indirect.gather [hbm4b:s4+s16], $0x20, s23, s16, $0xb8;
	[tilespmem:$0x1D520] =	vst v63  }
0xab: {  	_ =	swait.ge [sflag:s18], $0xFA0  }
0xac: {  	s25 =	sadd.s32 $0x80, s25;
	[sflag:s18] =	ssyncset.done $0x0  }
0xad: {  	s30 =	sadd.s32 $0x191A0, s29;
	s29 =	sadd.s32 $0x19120, s29;
	[sflag:s18] =	ssyncadd.s32 $0xFFFFF060  }
0xae: {  	[spmem:s2] =	stream.indirect.scatter.add.f32 [tilespmem:s17], [sflag:$0x3], $0x20, s29, s16, $0xb8;
	[tilespmem:$0x1D520] =	vst v63  }
0xaf: {  	p0 =	sne.s32 s25, $0x1900;
	_ =	swait.ge [sflag:s22], $0xFA0  }
.Ltmp0:
0xb0: {  	[sflag:s22] =	ssyncset.done $0x0;
	(pc) =	sbr.rel @p0 .LBB2_2-.Ltmp0, $4  }
0xb1: {  	s31 =	sadd.s32 $0x380, s28;
	[sflag:s22] =	ssyncadd.s32 $0xFFFFF060  }
0xb2: {  	[tilespmem:s21], [sflag:$0x2] =	stream.indirect.gather [hbm4b:s4+s16], $0x20, s31, s16, $0xb8;
	[tilespmem:$0x1D520] =	vst v63  }
0xb3: {  	_ =	swait.ge [sflag:s18], $0xFA0  }
0xb4: {  	[sflag:s18] =	ssyncset.done $0x0  }
0xb5: {  	[sflag:s18] =	ssyncadd.s32 $0xFFFFF060  }
0xb6: {  	[spmem:s2] =	stream.indirect.scatter.add.f32 [tilespmem:s20], [sflag:$0x3], $0x20, s30, s16, $0xb8;
	[tilespmem:$0x1D520] =	vst v63  }
0xb7: {  	_ =	swait.ge [sflag:s18], $0xFA0  }
0xb8: {  	[sflag:s18] =	ssyncset.done $0x0  }
0xb9: {  	s0 =	simm.s32 $0x19620;
	[sflag:s18] =	ssyncadd.s32 $0xFFFFF060  }
0xba: {  	[spmem:s2] =	stream.indirect.scatter.add.f32 [tilespmem:s21], [sflag:$0x3], $0x20, s0, s16, $0xb8;
	[tilespmem:$0x1D520] =	vst v63  }
0xbb: {  	_ =	swait.ge [sflag:s22], $0xFA0  }
0xbc: {  	[sflag:s22] =	ssyncset.done $0x0  }
0xbd: {  	[sflag:s22] =	ssyncadd.s32 $0xFFFFF060  }
0xbe: {  	_ =	swait.ge [sflag:s22], $0xFA0  }
0xbf: {  	[sflag:s22] =	ssyncset.done $0x0  }
0xc0: {  	[sflag:s22] =	ssyncadd.s32 $0xFFFFF060  }
0xc1: {  	_ =	swait.ge [sflag:s22], $0xFA0  }
0xc2: {  	[sflag:s22] =	ssyncset.done $0x0  }
0xc3: {  	[sflag:s22] =	ssyncadd.s32 $0xFFFFF060  }
0xc4: {  	_ =	swait.ge [sflag:s22], $0xFA0  }
0xc5: {  	[sflag:s22] =	ssyncset.done $0x0  }
0xc6: {  	s24 =	sadd.s32 $0x1, s24;
	[sflag:s22] =	ssyncadd.s32 $0xFFFFF060  }
0xc7: {  	p0 =	sne.s32 s24, s10;
	[bflag:$0x0] =	sbarrier.arrive $0xFFFF  }
.Ltmp1:
0xc8: {  	s31 =	rddreg [dreg:$0x8];
	(pc) =	sbr.rel @p0 .LBB2_1-.Ltmp1, $4  }
0xc9: {  	[hbm:s31], [sflag:s6] =	dma.local [spmem:s11], $0x30D4  }
0xca: {  	_ =	swait.ge [sflag:s12], $0x30D4  }
0xcb: {  	[sflag:s12] =	ssyncset.done $0x0  }
0xcc: {  	[sflag:s12] =	ssyncadd.s32 $0xFFFFCF2C  }
0xcd: {  	_ =	sfence.sel $0x180000  }
0xce: {  	[bflag:$0x0] =	sbarrier.arrive $0xFFFF  }
0xcf: {  	_ =	strace $0x9000004D  }
0xd0: {  	s0 =	stileid.u32;
	[bflag:$0x2] =	sbarrier.arrive $0xFFFF  }
0xd1: {  	p0 =	sne.s32 s0, $0x0;
	s0 =	rddreg [dreg:$0x2]  }
0xd2: {  	s0 =	sadd.s32 @!p0 $0x100000, s0  }
0xd3: {  	[sflag:s0] =	ssyncadd.tile.s32 @!p0 $0x1;
	_ =	shalt  }
.Lfunc_end2:
_tile_overlayer_lowered:
.L_overlay_start_2:
0xd4: {  	(tag) =	ssettag $0x2  }
0xd5: {  	s0 =	rddreg [dreg:$0x0];
	s2 =	stileid.u32  }
0xd6: {  	s1 =	rddreg [dreg:$0x1];
	p0 =	sne.s32 s2, $0x0  }
0xd7: {  	s3 =	rddreg [dreg:$0x2];
	[bflag:$0x3] =	sbarrier.arrive $0xFFFF;
	s2 =	simm.s32 @!p0 $0x1C04  }
0xd8: {  	[timem:s3], [sflag:s2] =	dma.local @!p0 [hbm:s0], s1  }
0xd9: {  	s0 =	simm.s32 @!p0 $0x4  }
0xda: {  	_ =	swait.ge @!p0 [sflag:s0], s1  }
0xdb: {  	s1 =	ssub.s32 @!p0 $0x0, s1;
	[sflag:s0] =	ssyncset.done @!p0 $0x0  }
0xdc: {  	[sflag:s0] =	ssyncadd.s32 @!p0 s1  }
0xdd: {  	[bflag:$0x3] =	sbarrier.arrive $0xFFFF  }
0xde: {  	_ =	shalt  }

// kernel: kernel.19.cloned.1.call-start
scs
__scs_entry_jumppad:
0x0: {  	(pc) =	sbr.rel $0x88, $3  }
0x1: {  	(tag) =	ssettag $0x0;
	lr =	simm.s32 $0x1  }
0x2: {  	[smem:$0x3F90] =	sst lr;
	_ =	strace $0xD0000000  }
0x3: {  	_ = 	snop  }
0x4: {  	_ = 	snop  }
0x5: {  	_ = 	snop  }
0x6: {  	_ = 	snop  }
0x7: {  	_ = 	snop  }
__scs_overlays_trampoline_lowered:
0x8: {  	[smem:$0x3F9F] =	sst s0  }
0x9: {  	[smem:$0x3FA0] =	sst s1  }
0xa: {  	[smem:$0x3FA1] =	sst s2  }
0xb: {  	[smem:$0x3FA2] =	sst s3  }
0xc: {  	[smem:$0x3FA3] =	sst s4  }
0xd: {  	[smem:$0x3FA4] =	sst s5  }
0xe: {  	[smem:$0x3FA5] =	sst s6  }
0xf: {  	[smem:$0x3FA6] =	sst s7  }
0x10: {  	[smem:$0x3FA7] =	sst s8  }
0x11: {  	[smem:$0x3FA8] =	sst s9;
	s0 =	simm.s32 @!p0 $0x0  }
0x12: {  	s1 =	sld [smem:$0x3F8E];
	s0 =	simm.s32 @p0 $0x1  }
0x13: {  	[smem:$0x3FA9] =	sst s0;
	s0 =	simm.s32 @!p1 $0x0  }
0x14: {  	s2 =	sld [smem:$0x3F8D];
	s0 =	simm.s32 @p1 $0x1  }
0x15: {  	[smem:$0x3FAA] =	sst s0;
	s0 =	simm.s32 @!p2 $0x0  }
0x16: {  	s3 =	sld [smem:$0x3FDB];
	s0 =	simm.s32 @p2 $0x1  }
0x17: {  	s4 =	simm.s32 $0x1BF5;
	[smem:$0x3FAC] =	sst s0  }
0x18: {  	s0 =	sld [smem:$0x3F8F];
	_ =	swait.ge [sflag:s4], $0x0  }
0x19: {  	s7 =	sld [smem:$0x3F90]  }
0x1a: {  	s8 =	sadd.s32 $0xFFFFE003, lr  }
0x1b: {  	s9 =	sadd.s32 $0xFFFFFEF7, lr;
	s5 =	simm.s32 $0xFFFFFFFF;
	p2 =	slt.u32 s8, $0xFFFFF086  }
0x1c: {  	p1 =	slt.u32 s9, $0xF7A;
	s5 =	simm.s32 @!p2 $0x0  }
0x1d: {  	s5 =	simm.s32 @p1 $0x1;
	p0 =	seq.s32 s7, s2  }
0x1e: {  	s7 =	smul.u32 @!p0 $0xF7A, s2;
	p2 =	seq.s32 @!p0 s5, $0x0  }
0x1f: {  	s9 =	smul.u32 $0xF7A, s1;
	s8 =	simm.s32 @!p0 $0x1BF5;
	p2 =	por !p2, p0  }
0x20: {  	[sflag:s8] =	ssyncset.s32 @!p0 $0xFFFFF086;
	s6 =	sadd.s32 @!p0 s3, s7;
	s7 =	simm.s32 @!p0 $0x108  }
0x21: {  	s3 =	sadd.s32 s3, s9;
	s6 =	sadd.s32 @!p0 $0x88, s6;
	s7 =	simm.s32 @p2 $0x1082  }
0x22: {  	[simem:s7], [sflag:s8] =	dma.local @!p0 [hbm:s6], $0xF7A  }
0x23: {  	s9 =	sor.u32 $0xD0000000, s2;
	s6 =	simm.s32 $0x108;
	_ =	swait.ge @!p0 [sflag:s8], $0x0  }
0x24: {  	s3 =	sadd.s32 $0x88, s3;
	s6 =	simm.s32 @!p1 $0x1082;
	[sflag:s4] =	ssyncset.s32 $0xFFFFF086  }
0x25: {  	[simem:s6], [sflag:s4] =	dma.local [hbm:s3], $0xF7A  }
0x26: {  	[smem:$0x3F90] =	sst s1;
	(tag) =	ssettag s2;
	_ =	strace s9  }
0x27: {  	s1 =	sld [smem:$0x3FA0]  }
0x28: {  	s2 =	sld [smem:$0x3FA1]  }
0x29: {  	s4 =	sld [smem:$0x3FA3]  }
0x2a: {  	p0 =	seq.s32 s5, $0x0;
	s5 =	sld [smem:$0x3FA4]  }
0x2b: {  	s6 =	sld [smem:$0x3FA5]  }
0x2c: {  	s7 =	sld [smem:$0x3FA6]  }
0x2d: {  	s3 =	simm.s32 $0x108;
	s8 =	sld [smem:$0x3FA7]  }
0x2e: {  	s3 =	simm.s32 @!p0 $0x1082;
	s9 =	sld [smem:$0x3FA8]  }
0x2f: {  	lr =	sadd.s32 s0, s3;
	s0 =	sld [smem:$0x3F9F]  }
0x30: {  	s3 =	sld [smem:$0x3FA2]  }
0x31: {  	[smem:$0x3FAB] =	sst s10  }
0x32: {  	s10 =	sld [smem:$0x3FA9];
	_ =	sdelay $0x3  }
0x33: {  	p0 =	seq.s32 s10, $0x1;
	s10 =	sld [smem:$0x3FAB];
	_ =	sdelay $0x3  }
0x34: {  	[smem:$0x3FAB] =	sst s10  }
0x35: {  	s10 =	sld [smem:$0x3FAA];
	_ =	sdelay $0x3  }
0x36: {  	p1 =	seq.s32 s10, $0x1;
	s10 =	sld [smem:$0x3FAB];
	_ =	sdelay $0x3  }
0x37: {  	[smem:$0x3FAB] =	sst s10  }
0x38: {  	s10 =	sld [smem:$0x3FAC]  }
0x39: {  	_ = 	snop;
	(pc) =	sbr.ind lr, $3  }
0x3a: {  	_ = 	snop  }
0x3b: {  	_ = 	snop  }
0x3c: {  	p2 =	seq.s32 s10, $0x1;
	s10 =	sld [smem:$0x3FAB]  }
0x3d: {  	_ =	shalt  }
0x3e: {  	_ =	shalt  }
0x3f: {  	_ =	shalt  }
0x40: {  	_ =	shalt  }
0x41: {  	_ =	shalt  }
0x42: {  	_ =	shalt  }
0x43: {  	_ =	shalt  }
0x44: {  	_ =	shalt  }
0x45: {  	_ =	shalt  }
0x46: {  	_ =	shalt  }
0x47: {  	_ =	shalt  }
0x48: {  	_ =	shalt  }
0x49: {  	_ =	shalt  }
0x4a: {  	_ =	shalt  }
0x4b: {  	_ =	shalt  }
0x4c: {  	_ =	shalt  }
0x4d: {  	_ =	shalt  }
0x4e: {  	_ =	shalt  }
0x4f: {  	_ =	shalt  }
0x50: {  	_ =	shalt  }
0x51: {  	_ =	shalt  }
0x52: {  	_ =	shalt  }
0x53: {  	_ =	shalt  }
0x54: {  	_ =	shalt  }
0x55: {  	_ =	shalt  }
0x56: {  	_ =	shalt  }
0x57: {  	_ =	shalt  }
0x58: {  	_ =	shalt  }
0x59: {  	_ =	shalt  }
0x5a: {  	_ =	shalt  }
0x5b: {  	_ =	shalt  }
0x5c: {  	_ =	shalt  }
0x5d: {  	_ =	shalt  }
0x5e: {  	_ =	shalt  }
0x5f: {  	_ =	shalt  }
0x60: {  	_ =	shalt  }
0x61: {  	_ =	shalt  }
0x62: {  	_ =	shalt  }
0x63: {  	_ =	shalt  }
0x64: {  	_ =	shalt  }
0x65: {  	_ =	shalt  }
0x66: {  	_ =	shalt  }
0x67: {  	_ =	shalt  }
0x68: {  	_ =	shalt  }
0x69: {  	_ =	shalt  }
0x6a: {  	_ =	shalt  }
0x6b: {  	_ =	shalt  }
0x6c: {  	_ =	shalt  }
0x6d: {  	_ =	shalt  }
0x6e: {  	_ =	shalt  }
0x6f: {  	_ =	shalt  }
0x70: {  	_ =	shalt  }
0x71: {  	_ =	shalt  }
0x72: {  	_ =	shalt  }
0x73: {  	_ =	shalt  }
0x74: {  	_ =	shalt  }
0x75: {  	_ =	shalt  }
0x76: {  	_ =	shalt  }
0x77: {  	_ =	shalt  }
0x78: {  	_ =	shalt  }
0x79: {  	_ =	shalt  }
0x7a: {  	_ =	shalt  }
0x7b: {  	_ =	shalt  }
0x7c: {  	_ =	shalt  }
0x7d: {  	_ =	shalt  }
0x7e: {  	_ =	shalt  }
0x7f: {  	_ =	shalt  }
0x80: {  	_ =	shalt  }
0x81: {  	_ =	shalt  }
0x82: {  	_ =	shalt  }
0x83: {  	_ =	shalt  }
0x84: {  	_ =	shalt  }
0x85: {  	_ =	shalt  }
0x86: {  	_ =	shalt  }
0x87: {  	_ =	shalt  }
.Lfunc_end0:
.L_simem_size_0:
called_computation.3_lowered:
.L_overlay_start_0:
0x88: {  	s2 =	sld [smem:$0x3FD9]  }
0x89: {  	s3 =	sld [smem:$0x3FFE];
	_ =	sdelay $0x1  }
0x8a: {  	s1 =	srdreg.scid  }
0x8b: {  	s0 =	sand.u32 $0x1, s1  }
0x8c: {  	s16 =	sshll.u32 s0, $0xA;
	s2 =	sadd.s32 s3, s2  }
0x8d: {  	s2 =	sadd.s32 s2, s16  }
0x8e: {  	[smem:$0x3FB7] =	sst s2  }
0x8f: {  	_ = 	snop  }
0x90: {  	(tm) =	ssettm $0x1  }
0x91: {  	s17 =	sld [smem:$0x3FFB];
	_ =	sdelay $0x3  }
0x92: {  	_ =	strace s17  }
0x93: {  	s2 =	sld [smem:$0x3FFC];
	_ =	sdelay $0x3  }
0x94: {  	_ =	strace s2  }
0x95: {  	s2 =	sld [smem:$0x3FFD];
	_ =	sdelay $0x3  }
0x96: {  	_ =	strace s2  }
0x97: {  	_ =	strace $0x8FFFFFFF  }
0x98: {  	s18 =	sld [smem:$0x3FDB];
	_ =	sdelay $0x1  }
0x99: {  	s19 =	simm.s32 $_scs_section_size  }
0x9a: {  	s4 =	simm.s32 $_size__tile_overlayer_lowered;
	s5 =	simm.s32 $_tile_overlayer_lowered  }
0x9b: {  	s22 =	simm.s32 $0x1BFF;
	s21 =	sshll.u32 s5, $0x1;
	s2 =	sadd.s32 s19, s18  }
0x9c: {  	s6 =	simm.s32 $0x0;
	s20 =	sshll.u32 s4, $0x1;
	s4 =	sadd.s32 s21, s2  }
0x9d: {  	[timem:s6], [sflag:s22] =	dma.local [hbm:s4], s20  }
0x9e: {  	_ =	swait.ge [sflag:s22], s20  }
0x9f: {  	s3 =	ssub.s32 $0x0, s20;
	[sflag:s22] =	ssyncset.done $0x0  }
0xa0: {  	[sflag:s22] =	ssyncadd.s32 s3;
	_ =	sdelay $0x1  }
0xa1: {  	s23 =	simm.s32 $0x1B8B  }
0xa2: {  	_ =	swait.ge [sflag:s23], $0x1  }
0xa3: {  	[sflag:s23] =	ssyncset.done $0x0  }
0xa4: {  	s25 =	simm.s32 $0x1B8E;
	s24 =	sld [smem:$0x3FFE];
	[sflag:s23] =	ssyncadd.s32 $0xFFFFFFFF  }
0xa5: {  	s26 =	simm.s32 $execute0_lowered;
	[smem:$0x3FD2] =	sst s25  }
0xa6: {  	s4 =	sshll.u32 s26, $0x1;
	_ =	strace $0x8000004F;
	[dreg:$0x1] =	wrdreg $0xFFFFFFFF  }
0xa7: {  	s28 =	simm.s32 $_size_execute0_lowered;
	s2 =	sadd.s32 s2, s4;
	[dreg:$0x0] =	wrdreg $0x0  }
0xa8: {  	s4 =	sshll.u32 s28, $0x1;
	[dreg:$0x2] =	wrdreg s2  }
0xa9: {  	[dreg:$0x3] =	wrdreg s4  }
0xaa: {  	[dreg:$0x4] =	wrdreg $0xC0  }
0xab: {  	_ =	task [dreg:s6], $0x5FFFF  }
0xac: {  	[dreg:$0x1] =	wrdreg $0xFFFFFFFF  }
0xad: {  	[dreg:$0x0] =	wrdreg $0x60  }
0xae: {  	[dreg:$0x2] =	wrdreg s24  }
0xaf: {  	[dreg:$0x3] =	wrdreg $0x0  }
0xb0: {  	[dreg:$0x4] =	wrdreg $0x9  }
0xb1: {  	_ =	task.clear_ibuf [dreg:s6], $0x5FFFF;
	_ =	strace $0x9000004F  }
0xb2: {  	s29 =	simm.s32 $0x9;
	_ =	strace $0x80000051  }
0xb3: {  	_ =	swait.ge [sflag:s29], $0x1  }
0xb4: {  	[sflag:s29] =	ssyncadd.s32 $0xFFFFFFFF  }
0xb5: {  	_ =	strace $0x90000051  }
0xb6: {  	_ =	sfence  }
0xb7: {  	s30 =	sld [smem:$0x0];
	_ =	sdelay $0x2  }
0xb8: {  	s31 =	sshll.u32 s1, $0xD;
	s1 =	sshrl.u32 s1, $0x2  }
0xb9: {  	s3 =	sand.u32 $0x4000, s31;
	s1 =	sadd.s32 s1, s30  }
0xba: {  	s0 =	sor.u32 s3, s0;
	s1 =	sshll.u32 s1, $0x11  }
0xbb: {  	s0 =	sor.u32 s1, s0  }
0xbc: {  	s0 =	sadd.s32 $0x8F2B, s0  }
0xbd: {  	[sflag:s0] =	ssyncadd.remote.s32 $0x1  }
0xbe: {  	_ =	sfence.sel $0xFFFF  }
0xbf: {  	[dreg:$0x0] =	wrdreg $0xFFFFFFFF;
	(pc) =	sbr.abs _section_cstart, $3  }
0xc0: {  	[dreg:$0x1] =	wrdreg $0xFFFFFFFF  }
0xc1: {  	_ =	task.clear_ibuf [dreg:s6], $0x2FFFF;
	_ =	strace $0x9FFFFFFF  }
0xc2: {  	(tm) =	ssettm $0x7FFFFFFF  }
0xc3: {  	_ =	shalt  }
tec
execute0_lowered:
.L_overlay_start_1:
0x0: {  	(tag) =	ssettag $0x1  }
0x1: {  	s0 =	rddreg [dreg:$0x0]  }
0x2: {  	s2 =	rddreg [dreg:$0x1];
	s3 =	simm.s32 $0x0  }
0x3: {  	s14 =	stileid.u32;
	s1 =	srdreg.scid;
	s15 =	simm.s32 $0x1  }
0x4: {  	s16 =	simm.s32 $0x7D;
	s17 =	simm.s32 $0x1A640;
	s18 =	simm.s32 $0x2  }
0x5: {  	s19 =	simm.s32 $0x196A0;
	s20 =	simm.s32 $0x1B5E0;
	s21 =	simm.s32 $0x1C580  }
0x6: {  	[smem:$0x7FF] =	sst s3;
	s5 =	smul.u32 $0x186A0, s14;
	s1 =	sand.u32 $0x1, s1  }
0x7: {  	s4 =	sadd.s32 $0x3200, s0;
	s11 =	sadd.s32 $0xE2A00, s0;
	s12 =	smul.u32 $0xC800, s14  }
0x8: {  	s9 =	sadd.s32 $0x80200, s0;
	s23 =	sshll.u32 s14, $0x6;
	s14 =	smul.u32 $0x1900, s14  }
0x9: {  	_ =	strace $0x80000050;
	s6 =	smul.u32 $0x186A00, s1;
	s8 =	ssub.s32 $0x2, s1  }
0xa: {  	s1 =	smul.u32 $0xC8000, s1;
	s7 =	sshrl.u32 s5, $0x3;
	s10 =	sshrl.u32 s8, $0x1  }
0xb: {  	s13 =	sadd.s32 s5, s2;
	s26 =	sshrl.u32 s12, $0x3;
	s29 =	sadd.s32 s14, s9  }
0xc: {  	s6 =	sadd.s32 s5, s6;
	s7 =	sadd.s32 s7, s0;
	s10 =	ssub.s32 s8, s10  }
0xd: {  	s1 =	sadd.s32 s12, s1;
	s28 =	sadd.s32 s9, s26;
	s30 =	sadd.s32 $0x80, s29  }
0xe: {  	s12 =	simm.s32 $0x4;
	s6 =	sshrl.u32 s6, $0x3;
	s22 =	sadd.s32 $0x99200, s7  }
0xf: {  	s24 =	sshrl.u32 s1, $0x3;
	[dreg:$0x7] =	wrdreg s28;
	s1 =	sor.u32 $0x400, s1  }
0x10: {  	s10 =	smax.u32 s10, $0x1;
	[dreg:$0x4] =	wrdreg s30;
	s0 =	sadd.s32 s6, s0  }
0x11: {  	[dreg:$0x5] =	wrdreg s22;
	s6 =	sor.u32 $0x1C04, s23;
	s25 =	sadd.s32 s11, s24  }
0x12: {  	s1 =	sshrl.u32 s1, $0x3;
	[dreg:$0x6] =	wrdreg s25;
	s0 =	sadd.s32 $0x1D8000, s0  }
0x13: {  	s22 =	simm.s32 $0x3;
	s31 =	sadd.s32 s1, s11;
	[dreg:$0x8] =	wrdreg s0  }
0x14: {  	s24 =	simm.s32 $0x0;
	s11 =	sshrl.u32 s13, $0x3;
	[dreg:$0x3] =	wrdreg s31  }
.LBB2_1:
0x15: {  	s0 =	rddreg [dreg:$0x5]  }
0x16: {  	[spmem:s11], [sflag:s6] =	dma.local [hbm:s0], $0x30D4  }
0x17: {  	_ =	swait.ge [sflag:s12], $0x30D4  }
0x18: {  	[sflag:s12] =	ssyncset.done $0x0  }
0x19: {  	[sflag:s12] =	ssyncadd.s32 $0xFFFFCF2C  }
0x1a: {  	[bflag:$0x0] =	sbarrier.arrive $0xFFFF  }
0x1b: {  	s1 =	simm.s32 $0x186A0;
	s25 =	rddreg [dreg:$0x6]  }
0x1c: {  	[tilespmem:s1], [sflag:$0x1] =	stream.linear.gather [hbm4b:s25+s3], $0x400, $0x38;
	[tilespmem:$0x1D520] =	vst v63  }
0x1d: {  	s28 =	simm.s32 $0x18EA0;
	s26 =	rddreg [dreg:$0x7]  }
0x1e: {  	[tilespmem:s28], [sflag:$0x1] =	stream.linear.gather [hbm4b:s26+s3], $0x400, $0x38;
	[tilespmem:$0x1D520] =	vst v63  }
0x1f: {  	_ =	swait.ge [sflag:s15], $0x400  }
0x20: {  	[sflag:s15] =	ssyncset.done $0x0  }
0x21: {  	[sflag:s15] =	ssyncadd.s32 $0xFFFFFC00  }
0x22: {  	_ =	swait.ge [sflag:s15], $0x400  }
0x23: {  	p0 =	por $0x0, $0x0;
	[sflag:s15] =	ssyncset.done $0x0  }
0x24: {  	s13 =	simm.s32 @p0 $0x3;
	[sflag:s15] =	ssyncadd.s32 $0xFFFFFC00  }
0x25: {  	s0 =	sand.u32 @p0 $0x400, s3;
	_ =	swait.ge @p0 [sflag:s13], $0xFA0  }
0x26: {  	s14 =	simm.s32 @p0 $0x2;
	s1 =	sadd.s32 @p0 $0x186A0, s0;
	[sflag:s13] =	ssyncset.done @p0 $0x0  }
0x27: {  	s25 =	simm.s32 @p0 $0x7D;
	s26 =	simm.s32 @p0 $0x196A0;
	[sflag:s13] =	ssyncadd.s32 @p0 $0xFFFFF060  }
0x28: {  	[tilespmem:s26], [sflag:$0x2] =	stream.indirect.gather @p0 [hbm4b:s4+s25], $0x20, s1, s25, $0xb8;
	[tilespmem:$0x1D520] =	vst v63  }
0x29: {  	_ =	swait.ge @p0 [sflag:s14], $0xFA0  }
0x2a: {  	[sflag:s14] =	ssyncset.done @p0 $0x0  }
0x2b: {  	s28 =	simm.s32 @p0 $0x1C580;
	s26 =	sxor.u32 @p0 $0x19620, s0;
	[sflag:s14] =	ssyncadd.s32 @p0 $0xFFFFF060  }
0x2c: {  	[spmem:s2] =	stream.indirect.scatter.add.f32 @p0 [tilespmem:s28], [sflag:$0x3], $0x20, s26, s25, $0xb8;
	[tilespmem:$0x1D520] =	vst v63  }
0x2d: {  	_ =	swait.ge @p0 [sflag:s13], $0xFA0  }
0x2e: {  	s0 =	simm.s32 @!p0 $0x0;
	s14 =	simm.s32 @!p0 $0x196A0;
	[sflag:s13] =	ssyncset.done @p0 $0x0  }
0x2f: {  	s25 =	simm.s32 @!p0 $0x7D;
	s26 =	simm.s32 @!p0 $0x186A0;
	[sflag:s13] =	ssyncadd.s32 @p0 $0xFFFFF060  }
0x30: {  	[tilespmem:s14], [sflag:$0x2] =	stream.indirect.gather @!p0 [hbm4b:s4+s25], $0x20, s26, s25, $0xb8;
	[tilespmem:$0x1D520] =	vst v63  }
0x31: {  	s29 =	sadd.s32 $0x18720, s0  }
0x32: {  	[tilespmem:s17], [sflag:$0x2] =	stream.indirect.gather [hbm4b:s4+s16], $0x20, s29, s16, $0xb8;
	[tilespmem:$0x1D520] =	vst v63  }
0x33: {  	_ =	swait.ge [sflag:s18], $0xFA0  }
0x34: {  	p1 =	por $0x1, $0x1;
	[sflag:s18] =	ssyncset.done $0x0  }
0x35: {  	s31 =	sadd.s32 $0x18EA0, s0;
	s14 =	simm.s32 @!p1 $0x3;
	[sflag:s18] =	ssyncadd.s32 $0xFFFFF060  }
0x36: {  	[spmem:s2] =	stream.indirect.scatter.add.f32 [tilespmem:s19], [sflag:$0x3], $0x20, s31, s16, $0xb8;
	[tilespmem:$0x1D520] =	vst v63  }
0x37: {  	_ =	swait.ge @!p1 [sflag:s14], $0xFA0  }
0x38: {  	[sflag:s14] =	ssyncset.done @!p1 $0x0  }
0x39: {  	s5 =	sadd.s32 $0x187A0, s0;
	[sflag:s14] =	ssyncadd.s32 @!p1 $0xFFFFF060  }
0x3a: {  	[tilespmem:s20], [sflag:$0x2] =	stream.indirect.gather [hbm4b:s4+s16], $0x20, s5, s16, $0xb8;
	[tilespmem:$0x1D520] =	vst v63  }
0x3b: {  	_ =	swait.ge [sflag:s18], $0xFA0  }
0x3c: {  	s7 =	sor.u32 $0x80, s0;
	[sflag:s18] =	ssyncset.done $0x0  }
0x3d: {  	s13 =	sadd.s32 $0x18EA0, s7;
	[sflag:s18] =	ssyncadd.s32 $0xFFFFF060  }
0x3e: {  	[spmem:s2] =	stream.indirect.scatter.add.f32 [tilespmem:s17], [sflag:$0x3], $0x20, s13, s16, $0xb8;
	[tilespmem:$0x1D520] =	vst v63  }
0x3f: {  	_ =	swait.ge @!p1 [sflag:s14], $0xFA0  }
0x40: {  	[sflag:s14] =	ssyncset.done @!p1 $0x0  }
0x41: {  	s8 =	sadd.s32 $0x18820, s0;
	[sflag:s14] =	ssyncadd.s32 @!p1 $0xFFFFF060  }
0x42: {  	[tilespmem:s21], [sflag:$0x2] =	stream.indirect.gather [hbm4b:s4+s16], $0x20, s8, s16, $0xb8;
	[tilespmem:$0x1D520] =	vst v63  }
0x43: {  	_ =	swait.ge [sflag:s18], $0xFA0  }
0x44: {  	s9 =	sor.u32 $0x100, s0;
	[sflag:s18] =	ssyncset.done $0x0  }
0x45: {  	s13 =	sadd.s32 $0x18EA0, s9;
	[sflag:s18] =	ssyncadd.s32 $0xFFFFF060  }
0x46: {  	[spmem:s2] =	stream.indirect.scatter.add.f32 [tilespmem:s20], [sflag:$0x3], $0x20, s13, s16, $0xb8;
	[tilespmem:$0x1D520] =	vst v63  }
0x47: {  	_ =	swait.ge [sflag:s22], $0xFA0  }
0x48: {  	[sflag:s22] =	ssyncset.done $0x0  }
0x49: {  	s14 =	sadd.s32 $0x188A0, s0;
	[sflag:s22] =	ssyncadd.s32 $0xFFFFF060  }
0x4a: {  	[tilespmem:s19], [sflag:$0x2] =	stream.indirect.gather [hbm4b:s4+s16], $0x20, s14, s16, $0xb8;
	[tilespmem:$0x1D520] =	vst v63  }
0x4b: {  	p1 =	por $0x0, $0x0;
	_ =	swait.ge [sflag:s18], $0xFA0  }
0x4c: {  	s23 =	sadd.s32 $0x19020, s0;
	s28 =	simm.s32 @!p1 $0x0;
	[sflag:s18] =	ssyncset.done $0x0  }
0x4d: {  	s13 =	sxor.u32 @!p1 $0x400, s0;
	s14 =	rddreg [dreg:$0x3];
	[sflag:s18] =	ssyncadd.s32 $0xFFFFF060  }
0x4e: {  	[spmem:s2] =	stream.indirect.scatter.add.f32 [tilespmem:s21], [sflag:$0x3], $0x20, s23, s16, $0xb8;
	[tilespmem:$0x1D520] =	vst v63  }
0x4f: {  	s25 =	sadd.s32 @!p1 $0x186A0, s13;
	s26 =	rddreg [dreg:$0x4];
	s14 =	sadd.s32 @!p1 $0x0, s14  }
0x50: {  	[tilespmem:s25], [sflag:$0x1] =	stream.linear.gather @!p1 [hbm4b:s14+s28], $0x400, $0x38;
	[tilespmem:$0x1D520] =	vst v63  }
0x51: {  	s13 =	sadd.s32 @!p1 $0x18EA0, s13;
	s14 =	sadd.s32 @!p1 $0x0, s26  }
0x52: {  	[tilespmem:s13], [sflag:$0x1] =	stream.linear.gather @!p1 [hbm4b:s14+s28], $0x400, $0x38;
	[tilespmem:$0x1D520] =	vst v63  }
0x53: {  	_ =	swait.ge [sflag:s22], $0xFA0  }
0x54: {  	[sflag:s22] =	ssyncset.done $0x0  }
0x55: {  	s26 =	sadd.s32 $0x18920, s0;
	[sflag:s22] =	ssyncadd.s32 $0xFFFFF060  }
0x56: {  	[tilespmem:s17], [sflag:$0x2] =	stream.indirect.gather [hbm4b:s4+s16], $0x20, s26, s16, $0xb8;
	[tilespmem:$0x1D520] =	vst v63  }
0x57: {  	_ =	swait.ge [sflag:s18], $0xFA0  }
0x58: {  	s28 =	sor.u32 $0x200, s0;
	[sflag:s18] =	ssyncset.done $0x0  }
0x59: {  	s13 =	sadd.s32 $0x18EA0, s28;
	[sflag:s18] =	ssyncadd.s32 $0xFFFFF060  }
0x5a: {  	[spmem:s2] =	stream.indirect.scatter.add.f32 [tilespmem:s19], [sflag:$0x3], $0x20, s13, s16, $0xb8;
	[tilespmem:$0x1D520] =	vst v63  }
0x5b: {  	_ =	swait.ge [sflag:s22], $0xFA0  }
0x5c: {  	[sflag:s22] =	ssyncset.done $0x0  }
0x5d: {  	s29 =	sadd.s32 $0x189A0, s0;
	[sflag:s22] =	ssyncadd.s32 $0xFFFFF060  }
0x5e: {  	[tilespmem:s20], [sflag:$0x2] =	stream.indirect.gather [hbm4b:s4+s16], $0x20, s29, s16, $0xb8;
	[tilespmem:$0x1D520] =	vst v63  }
0x5f: {  	_ =	swait.ge [sflag:s18], $0xFA0  }
0x60: {  	[sflag:s18] =	ssyncset.done $0x0  }
0x61: {  	s31 =	sadd.s32 $0x19120, s0;
	[sflag:s18] =	ssyncadd.s32 $0xFFFFF060  }
0x62: {  	[spmem:s2] =	stream.indirect.scatter.add.f32 [tilespmem:s17], [sflag:$0x3], $0x20, s31, s16, $0xb8;
	[tilespmem:$0x1D520] =	vst v63  }
0x63: {  	_ =	swait.ge [sflag:s22], $0xFA0  }
0x64: {  	s1 =	simm.s32 @!p0 $0x186A0;
	[sflag:s22] =	ssyncset.done $0x0  }
0x65: {  	s1 =	sadd.s32 $0x380, s1;
	[sflag:s22] =	ssyncadd.s32 $0xFFFFF060  }
0x66: {  	[tilespmem:s21], [sflag:$0x2] =	stream.indirect.gather [hbm4b:s4+s16], $0x20, s1, s16, $0xb8;
	[tilespmem:$0x1D520] =	vst v63  }
0x67: {  	s30 =	sadd.s32 $0x191A0, s0;
	_ =	swait.ge [sflag:s18], $0xFA0  }
0x68: {  	s25 =	simm.s32 $0x80;
	s26 =	simm.s32 $0x0;
	[sflag:s18] =	ssyncset.done $0x0  }
.LBB2_2:
0x69: {  	[sflag:s18] =	ssyncadd.s32 $0xFFFFF060  }
0x6a: {  	[spmem:s2] =	stream.indirect.scatter.add.f32 [tilespmem:s20], [sflag:$0x3], $0x20, s30, s16, $0xb8;
	[tilespmem:$0x1D520] =	vst v63  }
0x6b: {  	_ =	swait.ge [sflag:s15], $0x400  }
0x6c: {  	[sflag:s15] =	ssyncset.done $0x0  }
0x6d: {  	[sflag:s15] =	ssyncadd.s32 $0xFFFFFC00  }
0x6e: {  	s31 =	smov.u32 s25;
	_ =	swait.ge [sflag:s15], $0x400  }
0x6f: {  	p2 =	sne.s32 s31, $0x0;
	[sflag:s15] =	ssyncset.done $0x0  }
0x70: {  	s26 =	sadd.s32 $0x400, s26;
	s23 =	simm.s32 @p2 $0x3;
	[sflag:s15] =	ssyncadd.s32 $0xFFFFFC00  }
0x71: {  	s29 =	sand.u32 @p2 $0x400, s26;
	_ =	swait.ge @p2 [sflag:s23], $0xFA0  }
0x72: {  	s30 =	simm.s32 @p2 $0x2;
	s7 =	simm.s32 @p2 $0x7D;
	[sflag:s23] =	ssyncset.done @p2 $0x0  }
0x73: {  	s0 =	simm.s32 @p2 $0x196A0;
	s28 =	sadd.s32 @p2 $0x186A0, s29;
	[sflag:s23] =	ssyncadd.s32 @p2 $0xFFFFF060  }
0x74: {  	[tilespmem:s0], [sflag:$0x2] =	stream.indirect.gather @p2 [hbm4b:s4+s7], $0x20, s28, s7, $0xb8;
	[tilespmem:$0x1D520] =	vst v63  }
0x75: {  	_ =	swait.ge @p2 [sflag:s30], $0xFA0  }
0x76: {  	[sflag:s30] =	ssyncset.done @p2 $0x0  }
0x77: {  	s9 =	simm.s32 @p2 $0x1C580;
	s5 =	sxor.u32 @p2 $0x19620, s29;
	[sflag:s30] =	ssyncadd.s32 @p2 $0xFFFFF060  }
0x78: {  	[spmem:s2] =	stream.indirect.scatter.add.f32 @p2 [tilespmem:s9], [sflag:$0x3], $0x20, s5, s7, $0xb8;
	[tilespmem:$0x1D520] =	vst v63  }
0x79: {  	_ =	swait.ge @p2 [sflag:s23], $0xFA0  }
0x7a: {  	s29 =	simm.s32 @!p2 $0x0;
	s5 =	simm.s32 @!p2 $0x196A0;
	[sflag:s23] =	ssyncset.done @p2 $0x0  }
0x7b: {  	s7 =	simm.s32 @!p2 $0x7D;
	s9 =	simm.s32 @!p2 $0x186A0;
	[sflag:s23] =	ssyncadd.s32 @p2 $0xFFFFF060  }
0x7c: {  	[tilespmem:s5], [sflag:$0x2] =	stream.indirect.gather @!p2 [hbm4b:s4+s7], $0x20, s9, s7, $0xb8;
	[tilespmem:$0x1D520] =	vst v63  }
0x7d: {  	s7 =	sadd.s32 $0x18720, s29  }
0x7e: {  	[tilespmem:s17], [sflag:$0x2] =	stream.indirect.gather [hbm4b:s4+s16], $0x20, s7, s16, $0xb8;
	[tilespmem:$0x1D520] =	vst v63  }
0x7f: {  	_ =	swait.ge [sflag:s18], $0xFA0  }
0x80: {  	s28 =	simm.s32 @!p2 $0x186A0;
	p2 =	seq.s32 s31, $0x0;
	[sflag:s18] =	ssyncset.done $0x0  }
0x81: {  	s9 =	sadd.s32 $0x18EA0, s29;
	s7 =	simm.s32 @!p2 $0x3;
	[sflag:s18] =	ssyncadd.s32 $0xFFFFF060  }
0x82: {  	[spmem:s2] =	stream.indirect.scatter.add.f32 [tilespmem:s19], [sflag:$0x3], $0x20, s9, s16, $0xb8;
	[tilespmem:$0x1D520] =	vst v63  }
0x83: {  	_ =	swait.ge @!p2 [sflag:s7], $0xFA0  }
0x84: {  	[sflag:s7] =	ssyncset.done @!p2 $0x0  }
0x85: {  	s23 =	sadd.s32 $0x187A0, s29;
	[sflag:s7] =	ssyncadd.s32 @!p2 $0xFFFFF060  }
0x86: {  	[tilespmem:s20], [sflag:$0x2] =	stream.indirect.gather [hbm4b:s4+s16], $0x20, s23, s16, $0xb8;
	[tilespmem:$0x1D520] =	vst v63  }
0x87: {  	_ =	swait.ge [sflag:s18], $0xFA0  }
0x88: {  	s8 =	sor.u32 $0x80, s29;
	[sflag:s18] =	ssyncset.done $0x0  }
0x89: {  	s9 =	sadd.s32 $0x18EA0, s8;
	[sflag:s18] =	ssyncadd.s32 $0xFFFFF060  }
0x8a: {  	[spmem:s2] =	stream.indirect.scatter.add.f32 [tilespmem:s17], [sflag:$0x3], $0x20, s9, s16, $0xb8;
	[tilespmem:$0x1D520] =	vst v63  }
0x8b: {  	_ =	swait.ge @!p2 [sflag:s7], $0xFA0  }
0x8c: {  	[sflag:s7] =	ssyncset.done @!p2 $0x0  }
0x8d: {  	s23 =	sadd.s32 $0x18820, s29;
	[sflag:s7] =	ssyncadd.s32 @!p2 $0xFFFFF060  }
0x8e: {  	[tilespmem:s21], [sflag:$0x2] =	stream.indirect.gather [hbm4b:s4+s16], $0x20, s23, s16, $0xb8;
	[tilespmem:$0x1D520] =	vst v63  }
0x8f: {  	_ =	swait.ge [sflag:s18], $0xFA0  }
0x90: {  	s14 =	sor.u32 $0x100, s29;
	[sflag:s18] =	ssyncset.done $0x0  }
0x91: {  	s7 =	sadd.s32 $0x18EA0, s14;
	[sflag:s18] =	ssyncadd.s32 $0xFFFFF060  }
0x92: {  	[spmem:s2] =	stream.indirect.scatter.add.f32 [tilespmem:s20], [sflag:$0x3], $0x20, s7, s16, $0xb8;
	[tilespmem:$0x1D520] =	vst v63  }
0x93: {  	_ =	swait.ge [sflag:s22], $0xFA0  }
0x94: {  	[sflag:s22] =	ssyncset.done $0x0  }
0x95: {  	s8 =	sadd.s32 $0x188A0, s29;
	[sflag:s22] =	ssyncadd.s32 $0xFFFFF060  }
0x96: {  	[tilespmem:s19], [sflag:$0x2] =	stream.indirect.gather [hbm4b:s4+s16], $0x20, s8, s16, $0xb8;
	[tilespmem:$0x1D520] =	vst v63  }
0x97: {  	p1 =	seq.s32 s31, $0x1880;
	_ =	swait.ge [sflag:s18], $0xFA0  }
0x98: {  	s13 =	sxor.u32 @!p1 $0x400, s29;
	s9 =	sadd.s32 $0x19020, s29;
	[sflag:s18] =	ssyncset.done $0x0  }
0x99: {  	s7 =	sadd.s32 @!p1 $0x186A0, s13;
	s5 =	rddreg [dreg:$0x3];
	[sflag:s18] =	ssyncadd.s32 $0xFFFFF060  }
0x9a: {  	[spmem:s2] =	stream.indirect.scatter.add.f32 [tilespmem:s21], [sflag:$0x3], $0x20, s9, s16, $0xb8;
	[tilespmem:$0x1D520] =	vst v63  }
0x9b: {  	s8 =	rddreg [dreg:$0x4];
	s5 =	sadd.s32 @!p1 s31, s5;
	s9 =	simm.s32 @!p1 $0x0  }
0x9c: {  	[tilespmem:s7], [sflag:$0x1] =	stream.linear.gather @!p1 [hbm4b:s5+s9], $0x400, $0x38;
	[tilespmem:$0x1D520] =	vst v63  }
0x9d: {  	s1 =	sadd.s32 @!p1 $0x18EA0, s13;
	s5 =	sadd.s32 @!p1 s31, s8  }
0x9e: {  	[tilespmem:s1], [sflag:$0x1] =	stream.linear.gather @!p1 [hbm4b:s5+s9], $0x400, $0x38;
	[tilespmem:$0x1D520] =	vst v63  }
0x9f: {  	_ =	swait.ge [sflag:s22], $0xFA0  }
0xa0: {  	[sflag:s22] =	ssyncset.done $0x0  }
0xa1: {  	s14 =	sadd.s32 $0x18920, s29;
	[sflag:s22] =	ssyncadd.s32 $0xFFFFF060  }
0xa2: {  	[tilespmem:s17], [sflag:$0x2] =	stream.indirect.gather [hbm4b:s4+s16], $0x20, s14, s16, $0xb8;
	[tilespmem:$0x1D520] =	vst v63  }
0xa3: {  	_ =	swait.ge [sflag:s18], $0xFA0  }
0xa4: {  	s0 =	sor.u32 $0x200, s29;
	[sflag:s18] =	ssyncset.done $0x0  }
0xa5: {  	s0 =	sadd.s32 $0x18EA0, s0;
	[sflag:s18] =	ssyncadd.s32 $0xFFFFF060  }
0xa6: {  	[spmem:s2] =	stream.indirect.scatter.add.f32 [tilespmem:s19], [sflag:$0x3], $0x20, s0, s16, $0xb8;
	[tilespmem:$0x1D520] =	vst v63  }
0xa7: {  	_ =	swait.ge [sflag:s22], $0xFA0  }
0xa8: {  	[sflag:s22] =	ssyncset.done $0x0  }
0xa9: {  	s23 =	sadd.s32 $0x189A0, s29;
	[sflag:s22] =	ssyncadd.s32 $0xFFFFF060  }
0xaa: {  	[tilespmem:s20], [sflag:$0x2] =	stream.indirect.gather [hbm4b:s4+s16], $0x20, s23, s16, $0xb8;
	[tilespmem:$0x1D520] =	vst v63  }
0xab: {  	_ =	swait.ge [sflag:s18], $0xFA0  }
0xac: {  	s25 =	sadd.s32 $0x80, s25;
	[sflag:s18] =	ssyncset.done $0x0  }
0xad: {  	s30 =	sadd.s32 $0x191A0, s29;
	s29 =	sadd.s32 $0x19120, s29;
	[sflag:s18] =	ssyncadd.s32 $0xFFFFF060  }
0xae: {  	[spmem:s2] =	stream.indirect.scatter.add.f32 [tilespmem:s17], [sflag:$0x3], $0x20, s29, s16, $0xb8;
	[tilespmem:$0x1D520] =	vst v63  }
0xaf: {  	p0 =	sne.s32 s25, $0x1900;
	_ =	swait.ge [sflag:s22], $0xFA0  }
.Ltmp0:
0xb0: {  	[sflag:s22] =	ssyncset.done $0x0;
	(pc) =	sbr.rel @p0 .LBB2_2-.Ltmp0, $4  }
0xb1: {  	s31 =	sadd.s32 $0x380, s28;
	[sflag:s22] =	ssyncadd.s32 $0xFFFFF060  }
0xb2: {  	[tilespmem:s21], [sflag:$0x2] =	stream.indirect.gather [hbm4b:s4+s16], $0x20, s31, s16, $0xb8;
	[tilespmem:$0x1D520] =	vst v63  }
0xb3: {  	_ =	swait.ge [sflag:s18], $0xFA0  }
0xb4: {  	[sflag:s18] =	ssyncset.done $0x0  }
0xb5: {  	[sflag:s18] =	ssyncadd.s32 $0xFFFFF060  }
0xb6: {  	[spmem:s2] =	stream.indirect.scatter.add.f32 [tilespmem:s20], [sflag:$0x3], $0x20, s30, s16, $0xb8;
	[tilespmem:$0x1D520] =	vst v63  }
0xb7: {  	_ =	swait.ge [sflag:s18], $0xFA0  }
0xb8: {  	[sflag:s18] =	ssyncset.done $0x0  }
0xb9: {  	s0 =	simm.s32 $0x19620;
	[sflag:s18] =	ssyncadd.s32 $0xFFFFF060  }
0xba: {  	[spmem:s2] =	stream.indirect.scatter.add.f32 [tilespmem:s21], [sflag:$0x3], $0x20, s0, s16, $0xb8;
	[tilespmem:$0x1D520] =	vst v63  }
0xbb: {  	_ =	swait.ge [sflag:s22], $0xFA0  }
0xbc: {  	[sflag:s22] =	ssyncset.done $0x0  }
0xbd: {  	[sflag:s22] =	ssyncadd.s32 $0xFFFFF060  }
0xbe: {  	_ =	swait.ge [sflag:s22], $0xFA0  }
0xbf: {  	[sflag:s22] =	ssyncset.done $0x0  }
0xc0: {  	[sflag:s22] =	ssyncadd.s32 $0xFFFFF060  }
0xc1: {  	_ =	swait.ge [sflag:s22], $0xFA0  }
0xc2: {  	[sflag:s22] =	ssyncset.done $0x0  }
0xc3: {  	[sflag:s22] =	ssyncadd.s32 $0xFFFFF060  }
0xc4: {  	_ =	swait.ge [sflag:s22], $0xFA0  }
0xc5: {  	[sflag:s22] =	ssyncset.done $0x0  }
0xc6: {  	s24 =	sadd.s32 $0x1, s24;
	[sflag:s22] =	ssyncadd.s32 $0xFFFFF060  }
0xc7: {  	p0 =	sne.s32 s24, s10;
	[bflag:$0x0] =	sbarrier.arrive $0xFFFF  }
.Ltmp1:
0xc8: {  	s31 =	rddreg [dreg:$0x8];
	(pc) =	sbr.rel @p0 .LBB2_1-.Ltmp1, $4  }
0xc9: {  	[hbm:s31], [sflag:s6] =	dma.local [spmem:s11], $0x30D4  }
0xca: {  	_ =	swait.ge [sflag:s12], $0x30D4  }
0xcb: {  	[sflag:s12] =	ssyncset.done $0x0  }
0xcc: {  	[sflag:s12] =	ssyncadd.s32 $0xFFFFCF2C  }
0xcd: {  	_ =	sfence.sel $0x180000  }
0xce: {  	[bflag:$0x0] =	sbarrier.arrive $0xFFFF  }
0xcf: {  	_ =	strace $0x90000050  }
0xd0: {  	s0 =	stileid.u32;
	[bflag:$0x2] =	sbarrier.arrive $0xFFFF  }
0xd1: {  	p0 =	sne.s32 s0, $0x0;
	s0 =	rddreg [dreg:$0x2]  }
0xd2: {  	s0 =	sadd.s32 @!p0 $0x100000, s0  }
0xd3: {  	[sflag:s0] =	ssyncadd.tile.s32 @!p0 $0x1;
	_ =	shalt  }
.Lfunc_end2:
_tile_overlayer_lowered:
.L_overlay_start_2:
0xd4: {  	(tag) =	ssettag $0x2  }
0xd5: {  	s0 =	rddreg [dreg:$0x0];
	s2 =	stileid.u32  }
0xd6: {  	s1 =	rddreg [dreg:$0x1];
	p0 =	sne.s32 s2, $0x0  }
0xd7: {  	s3 =	rddreg [dreg:$0x2];
	[bflag:$0x3] =	sbarrier.arrive $0xFFFF;
	s2 =	simm.s32 @!p0 $0x1C04  }
0xd8: {  	[timem:s3], [sflag:s2] =	dma.local @!p0 [hbm:s0], s1  }
0xd9: {  	s0 =	simm.s32 @!p0 $0x4  }
0xda: {  	_ =	swait.ge @!p0 [sflag:s0], s1  }
0xdb: {  	s1 =	ssub.s32 @!p0 $0x0, s1;
	[sflag:s0] =	ssyncset.done @!p0 $0x0  }
0xdc: {  	[sflag:s0] =	ssyncadd.s32 @!p0 s1  }
0xdd: {  	[bflag:$0x3] =	sbarrier.arrive $0xFFFF  }
0xde: {  	_ =	shalt  }

</sc_bundles>
